<compile_context>
chip_gen: v7x
topology: tpu7x:2x2x1
jax: 0.10.2.dev20260603
libtpu: 0.0.44.dev20260713+nightly
codegen_flags: <defaults>
</compile_context>

<pallas_src>
import functools

import jax
import jax.numpy as jnp
from jax import lax
from jax.experimental import pallas as pl
from jax.experimental.pallas import tpu as pltpu
from jax.experimental.pallas import tpu_sc as plsc

_N = 65536
_D = 64
_K = 512
_R = 512
_G = _N // _R
_ITERS = 3

_CHUNKS = ([2240] * 7 + [1920] * 8 + [1728]) * 2
_CSTART = [sum(_CHUNKS[:i]) for i in range(32)]
_CMAX = 2240


def _rownorm(x):
    sq = x * x
    acc = sq[:, 0:8]
    for k in range(1, 8):
        acc = acc + sq[:, 8 * k:8 * k + 8]
    acc = acc[:, 0:4] + acc[:, 4:8]
    acc = acc[:, 0:2] + acc[:, 2:4]
    return acc[:, 0:1] + acc[:, 1:2]


def _assign_body(x_ref, c_ref, a_ref, counts_ref, grank_ref, xn_ref,
                 cnt_scr):
    g = pl.program_id(0)
    x = x_ref[...]
    c = c_ref[...]
    xn = _rownorm(x)
    xn_ref[...] = xn
    cn = _rownorm(c).reshape(1, _K)
    mm = jax.lax.dot_general(x, c, (((1,), (1,)), ((), ())),
                             preferred_element_type=jnp.float32)
    d2 = xn + cn - 2.0 * mm
    mv = jnp.min(d2, axis=1, keepdims=True)
    iota_k = jax.lax.broadcasted_iota(jnp.int32, (_R, _K), 1)
    a = jnp.min(jnp.where(d2 == mv, iota_k, _K), axis=1)
    a_ref[0, 0, :] = a
    oh = (iota_k == a[:, None]).astype(jnp.float32)
    hist = jnp.sum(oh, axis=0)

    @pl.when(g == 0)
    def _():
        cnt_scr[...] = jnp.zeros_like(cnt_scr)

    base_sel = jnp.sum(oh * cnt_scr[...][None, :], axis=1)
    ri = jax.lax.broadcasted_iota(jnp.int32, (_R, _R), 0)
    ci = jax.lax.broadcasted_iota(jnp.int32, (_R, _R), 1)
    ltri = (ci < ri).astype(jnp.float32)
    prevcnt = jax.lax.dot_general(ltri, oh, (((1,), (0,)), ((), ())),
                                  preferred_element_type=jnp.float32)
    rank_in = jnp.sum(prevcnt * oh, axis=1)
    grank_ref[0, 0, :] = (base_sel + rank_in).astype(jnp.int32)
    cnt_scr[...] += hist

    @pl.when(g == _G - 1)
    def _():
        counts_ref[...] = cnt_scr[...]


def _assign(data, c):
    return pl.pallas_call(
        _assign_body,
        grid=(_G,),
        in_specs=[
            pl.BlockSpec((_R, _D), lambda g: (g, 0)),
            pl.BlockSpec((_K, _D), lambda g: (0, 0)),
        ],
        out_specs=[
            pl.BlockSpec((1, 1, _R), lambda g: (g, 0, 0)),
            pl.BlockSpec((_K,), lambda g: (0,)),
            pl.BlockSpec((1, 1, _R), lambda g: (g, 0, 0)),
            pl.BlockSpec((_R, 1), lambda g: (g, 0)),
        ],
        out_shape=[
            jax.ShapeDtypeStruct((_G, 1, _R), jnp.int32),
            jax.ShapeDtypeStruct((_K,), jnp.float32),
            jax.ShapeDtypeStruct((_G, 1, _R), jnp.int32),
            jax.ShapeDtypeStruct((_N, 1), jnp.float32),
        ],
        scratch_shapes=[
            pltpu.VMEM((_K,), jnp.float32),
        ],
    )(data, c)



_STAGE = 4096
_PIECE = 512


def _segsum_sc_body(data_hbm, a_hbm, grank_hbm, counts_hbm, pieces_hbm,
                    counts_v, starts_v, stage_a, stage_g, comp_id, comp_j,
                    rows_v, pieces_v, sem):
    wid = lax.axis_index("s") * 2 + lax.axis_index("c")
    m16 = wid % 16
    ws = (wid // 16) * 32768 + jnp.minimum(m16, 7) * 2240 \
        + jnp.maximum(jnp.minimum(m16, 15) - 7, 0) * 1920
    wlen = jnp.where(m16 < 7, 2240, jnp.where(m16 < 15, 1920, 1728))
    we = ws + wlen
    iota = lax.iota(jnp.int32, 16)

    pltpu.sync_copy(counts_hbm, counts_v)

    def _starts(i, carry):
        cv = counts_v[pl.ds(16 * i, 16)].astype(jnp.int32)
        incl = plsc.cumsum(cv)
        starts_v[pl.ds(16 * i, 16)] = incl - cv + carry
        return carry + jnp.max(incl)
    lax.fori_loop(0, 32, _starts, jnp.int32(0))

    def _zp(j, _):
        for k in range(4):
            pieces_v[j, pl.ds(16 * k, 16)] = jnp.zeros((16,), jnp.float32)
        return 0
    lax.fori_loop(0, _K, _zp, 0)

    def _zi(i, _):
        comp_id[pl.ds(16 * i, 16)] = jnp.zeros((16,), jnp.int32)
        return 0
    lax.fori_loop(0, _CMAX // 16, _zi, 0)

    def _outer(sb, wp):
        pltpu.sync_copy(a_hbm.at[pl.ds(sb * _STAGE, _STAGE)], stage_a)
        pltpu.sync_copy(grank_hbm.at[pl.ds(sb * _STAGE, _STAGE)], stage_g)

        def _inner(gi, wp):
            av = stage_a[pl.ds(16 * gi, 16)]
            gv = stage_g[pl.ds(16 * gi, 16)]
            sv = plsc.load_gather(starts_v, [av])
            pos = sv + gv
            m = (pos >= ws) & (pos < we)
            mi = m.astype(jnp.int32)
            pc = plsc.cumsum(mi)
            dst = pc - 1 + wp
            ids = sb * _STAGE + 16 * gi + iota
            plsc.store_scatter(comp_id, [dst], ids, mask=m)
            plsc.store_scatter(comp_j, [dst], av, mask=m)
            return wp + jnp.max(pc)
        return lax.fori_loop(0, _STAGE // 16, _inner, wp)

    nrows = lax.fori_loop(0, _N // _STAGE, _outer, jnp.int32(0))

    def _piece(p, _):
        pltpu.async_copy(data_hbm.at[comp_id.at[pl.ds(p * _PIECE, _PIECE)]],
                         rows_v, sem).wait()

        def _row(r, _):
            zs = jnp.zeros((16,), jnp.int32)
            jv = plsc.load_gather(comp_j, [zs + p * _PIECE + r])
            for k in range(4):
                rv = plsc.load_gather(rows_v, [zs + r, iota + 16 * k])
                plsc.addupdate_scatter(pieces_v, [jv, iota + 16 * k], rv)
            return 0
        nr = jnp.minimum(nrows - p * _PIECE, _PIECE)
        lax.fori_loop(0, nr, _row, 0)
        return 0
    lax.fori_loop(0, (nrows + _PIECE - 1) // _PIECE, _piece, 0)

    pltpu.sync_copy(pieces_v, pieces_hbm.at[wid])


def _segsum_sc(data, a, grank, counts):
    mesh = plsc.VectorSubcoreMesh(core_axis_name="c", subcore_axis_name="s")
    fn = pl.kernel(
        _segsum_sc_body,
        out_type=jax.ShapeDtypeStruct((32, _K, _D), jnp.float32),
        mesh=mesh,
        compiler_params=pltpu.CompilerParams(use_tc_tiling_on_sc=False, needs_layout_passes=False),
        scratch_types=[
            pltpu.VMEM((_K,), jnp.float32),
            pltpu.VMEM((_K,), jnp.int32),
            pltpu.VMEM((_STAGE,), jnp.int32),
            pltpu.VMEM((_STAGE,), jnp.int32),
            pltpu.VMEM((_CMAX,), jnp.int32),
            pltpu.VMEM((_CMAX,), jnp.int32),
            pltpu.VMEM((_PIECE, _D), jnp.float32),
            pltpu.VMEM((_K, _D), jnp.float32),
            pltpu.SemaphoreType.DMA,
        ],
    )
    return fn(data, a, grank, counts)



def _gather_sc_body(bpw, data_hbm, idx_hbm, out_hbm, idx_v, rows_v, sem):
    wid = lax.axis_index("s") * 2 + lax.axis_index("c")
    base = wid * bpw
    pltpu.sync_copy(idx_hbm.at[pl.ds(base, bpw)], idx_v)
    pltpu.async_copy(data_hbm.at[idx_v], rows_v, sem).wait()
    pltpu.sync_copy(rows_v, out_hbm.at[pl.ds(base, bpw)])


def _gather_sc(data, idx, nrows):
    bpw = nrows // 32
    mesh = plsc.VectorSubcoreMesh(core_axis_name="c", subcore_axis_name="s")
    fn = pl.kernel(
        functools.partial(_gather_sc_body, bpw),
        out_type=jax.ShapeDtypeStruct((nrows, _D), jnp.float32),
        mesh=mesh,
        compiler_params=pltpu.CompilerParams(use_tc_tiling_on_sc=False, needs_layout_passes=False),
        scratch_types=[
            pltpu.VMEM((bpw,), jnp.int32),
            pltpu.VMEM((bpw, _D), jnp.float32),
            pltpu.SemaphoreType.DMA,
        ],
    )
    return fn(data, idx)



def _update_body(pieces_ref, counts_ref, reseed_ref, c_ref, tot_scr):
    g = pl.program_id(0)
    piece = pieces_ref[0]

    @pl.when(g == 0)
    def _():
        tot_scr[...] = piece

    @pl.when(g > 0)
    def _():
        tot_scr[...] = tot_scr[...] + piece

    @pl.when(g == 31)
    def _():
        cnt = counts_ref[...].reshape(_K, 1)
        mean = tot_scr[...] / cnt
        c_ref[...] = jnp.where(cnt == 0.0, reseed_ref[...], mean)


def _update(pieces, counts, reseed):
    return pl.pallas_call(
        _update_body,
        grid=(32,),
        in_specs=[
            pl.BlockSpec((1, _K, _D), lambda g: (g, 0, 0)),
            pl.BlockSpec((_K, 1), lambda g: (0, 0)),
            pl.BlockSpec((_K, _D), lambda g: (0, 0)),
        ],
        out_specs=pl.BlockSpec((_K, _D), lambda g: (0, 0)),
        out_shape=jax.ShapeDtypeStruct((_K, _D), jnp.float32),
        scratch_shapes=[
            pltpu.VMEM((_K, _D), jnp.float32),
        ],
    )(pieces, counts.reshape(_K, 1), reseed)



def _final_body(x_ref, c_ref, xn_ref, idx_ref, minv_scr, mini_scr):
    g = pl.program_id(0)
    x = x_ref[...]
    c = c_ref[...]
    xn = xn_ref[...].reshape(1, _R)
    cn = _rownorm(c)
    mm = jax.lax.dot_general(c, x, (((1,), (1,)), ((), ())),
                             preferred_element_type=jnp.float32)
    d2 = xn + cn - 2.0 * mm
    rowmin = jnp.min(d2, axis=1, keepdims=True)
    cols = jax.lax.broadcasted_iota(jnp.int32, (_K, _R), 1) + g * _R
    ridx = jnp.min(jnp.where(d2 == rowmin, cols, _N), axis=1, keepdims=True)

    @pl.when(g == 0)
    def _():
        minv_scr[...] = rowmin
        mini_scr[...] = ridx

    @pl.when(g > 0)
    def _():
        upd = rowmin < minv_scr[...]
        mini_scr[...] = jnp.where(upd, ridx, mini_scr[...])
        minv_scr[...] = jnp.where(upd, rowmin, minv_scr[...])

    @pl.when(g == _G - 1)
    def _():
        idx_ref[...] = mini_scr[...]


def _final(data, c, xn_t):
    return pl.pallas_call(
        _final_body,
        grid=(_G,),
        in_specs=[
            pl.BlockSpec((_R, _D), lambda g: (g, 0)),
            pl.BlockSpec((_K, _D), lambda g: (0, 0)),
            pl.BlockSpec((1, _R), lambda g: (0, g)),
        ],
        out_specs=pl.BlockSpec((_K, 1), lambda g: (0, 0)),
        out_shape=jax.ShapeDtypeStruct((_K, 1), jnp.int32),
        scratch_shapes=[
            pltpu.VMEM((_K, 1), jnp.float32),
            pltpu.VMEM((_K, 1), jnp.int32),
        ],
    )(data, c, xn_t)


def kernel(data):
    key = jax.random.key(1)
    k0 = jax.random.fold_in(key, 0)
    perm = jax.random.permutation(k0, _N)
    ridx = [jax.random.permutation(jax.random.fold_in(key, 1000 + i), _N)[:_K]
            for i in range(_ITERS)]
    allidx = jnp.concatenate([perm[:_K]] + ridx).astype(jnp.int32)
    seeds = _gather_sc(data, allidx, 4 * _K)
    c = seeds[:_K]
    a = None
    xn_t = None
    for i in range(_ITERS):
        a3, counts, grank3, xn = _assign(data, c)
        a = a3.reshape(_N)
        xn_t = xn.reshape(1, _N)
        pieces = _segsum_sc(data, a, grank3.reshape(_N), counts)
        c = _update(pieces, counts, seeds[(i + 1) * _K:(i + 2) * _K])
    data_b, c_b = jax.lax.optimization_barrier((data, c))
    xn_f = jnp.sum(data_b * data_b, axis=1)[None, :]
    cn_f = jnp.sum(c_b * c_b, axis=1)[:, None]
    index = jnp.argmin(xn_f + cn_f - 2.0 * (c_b @ data_b.T), axis=1)
    center = _gather_sc(data, index.astype(jnp.int32), _K)
    return c, a, center, index

# --- scband reference (transcript-rebuilt; emitter-appended) ---
"""Pipeline reference for scband-kmeans-layer-15341623181312 (READ-ONLY COPY).

The authoritative reference and input builder live on the scoring server;
editing this copy changes nothing except your own understanding.
"""

import jax, jax.numpy as jnp
import numpy as np

CLUSTERS = 512
ITERATION = 3


def _sq_dist(data, c):
    # euclidean pairwise squared distances (save_memory expansion):
    # ||x||^2 + ||c||^2 - 2 x c^T  -> [N, K]
    xn = jnp.sum(data * data, axis=1, keepdims=True)
    cn = jnp.sum(c * c, axis=1)[None, :]
    return xn + cn - 2.0 * (data @ c.T)


def _kmeans(data, key):
    N, D = data.shape
    k0 = jax.random.fold_in(key, 0)
    perm = jax.random.permutation(k0, N)
    c = data[perm[:CLUSTERS]]
    a = None
    for i in range(ITERATION):
        d2 = _sq_dist(data, c)
        # mode=1: assign each sample to nearest center
        a = jnp.argmin(d2, axis=1)
        sums = jax.ops.segment_sum(data, a, num_segments=CLUSTERS)
        counts = jax.ops.segment_sum(jnp.ones((N,), dtype=data.dtype), a, num_segments=CLUSTERS)
        mean = sums / counts[:, None]
        # dead (empty) clusters -> re-seed with random data points (torch.randperm analogue)
        nanix = counts == 0
        ki = jax.random.fold_in(key, 1000 + i)
        ridx = jax.random.permutation(ki, N)[:CLUSTERS]
        c = jnp.where(nanix[:, None], data[ridx], mean)
    # mode=0: nearest data sample to each center
    d2 = _sq_dist(data, c)
    index = jnp.argmin(d2, axis=0)
    center = data[index]
    avg_center = c
    return avg_center, a, center, index


def setup_inputs(seed: int = 0) -> dict:
    key = jax.random.key(seed)
    data = jax.random.normal(key, (65536, 64), dtype=jnp.float32)
    return {"data": data}


def reference(data):
    return _kmeans(data, jax.random.key(1))

if __name__ == "__main__":
    import jax
    _d = setup_inputs()
    print(jax.jit(kernel)(*tuple(_d.values())))

</pallas_src>

<mosaic_0001>
#map = affine_map<(d0, d1) -> (0, 0)>
#map1 = affine_map<(d0, d1) -> (0)>
module attributes {stable_mosaic.version = 14 : i64} {
  func.func @_gather_sc_body(%arg0: i32, %arg1: i32, %arg2: memref<65536x64xf32, #tpu.memory_space<hbm>>, %arg3: memref<2048xi32, #tpu.memory_space<hbm>>, %arg4: memref<2048x64xf32, #tpu.memory_space<hbm>>, %arg5: memref<64xi32, #tpu.memory_space<vmem>>, %arg6: memref<64x64xf32, #tpu.memory_space<vmem>>, %arg7: memref<!tpu.dma_semaphore, #tpu.memory_space<semaphore_mem>>) attributes {dimension_semantics = [#tpu.dimension_semantics<core_parallel>, #tpu.dimension_semantics<subcore_parallel>], iteration_bounds = array<i64: 2, 16>, scalar_prefetch = 0 : i64, scratch_operands = 3 : i64, tpu.core_type = #tpu.core_type<sc_vector_subcore>, window_params = [{transform_indices = #map}, {transform_indices = #map1}, {transform_indices = #map}]} {
    %mul3A = arith.constant 2 : i32
    %mul3A_0 = arith.muli %arg1, %mul3A : i32
    %add3A = arith.addi %mul3A_0, %arg0 : i32
    %mul3A_1 = arith.constant 64 : i32
    %mul3A_2 = arith.muli %add3A, %mul3A_1 : i32
    "tpu.region"() ({
      %run_scoped3A = tpu.sem_alloc : memref<!tpu.dma_semaphore, #tpu.memory_space<semaphore_mem>>
      %dma_start3A_7 = tpu.memref_slice %arg3[%mul3A_2] : memref<2048xi32, #tpu.memory_space<hbm>> -> memref<64xi32, #tpu.memory_space<hbm>>
      %dma_start3A_8 = tpu.memref_slice %arg3[%mul3A_2] : memref<2048xi32, #tpu.memory_space<hbm>> -> memref<64xi32, #tpu.memory_space<hbm>>
      tpu.enqueue_dma source(%dma_start3A_8 : memref<64xi32, #tpu.memory_space<hbm>>) target(%arg5 : memref<64xi32, #tpu.memory_space<vmem>>) target_semaphore(%run_scoped3A : memref<!tpu.dma_semaphore, #tpu.memory_space<semaphore_mem>>)
      %dma_wait3A_9 = tpu.memref_slice %arg3[%mul3A_2] : memref<2048xi32, #tpu.memory_space<hbm>> -> memref<64xi32, #tpu.memory_space<hbm>>
      %dma_wait3A_10 = tpu.memref_slice %arg3[%mul3A_2] : memref<2048xi32, #tpu.memory_space<hbm>> -> memref<64xi32, #tpu.memory_space<hbm>>
      tpu.wait_dma2 semaphore(%run_scoped3A : memref<!tpu.dma_semaphore, #tpu.memory_space<semaphore_mem>>) src(%dma_wait3A_10 : memref<64xi32, #tpu.memory_space<hbm>>) dst(%arg5 : memref<64xi32, #tpu.memory_space<vmem>>)
      tpu.yield
    }) : () -> ()
    %dma_start3A = arith.constant 0 : i32
    %dma_start3A_3 = arith.constant 0 : i32
    %dma_start3A_4 = tpu.memref_slice %arg2[%dma_start3A, %dma_start3A_3] : memref<65536x64xf32, #tpu.memory_space<hbm>> -> memref<65536x64xf32, #tpu.memory_space<hbm>>
    tpu.enqueue_indirect_dma source(%dma_start3A_4 : memref<65536x64xf32, #tpu.memory_space<hbm>>) target(%arg6 : memref<64x64xf32, #tpu.memory_space<vmem>>) offsets(%arg5 : memref<64xi32, #tpu.memory_space<vmem>>) semaphore(%arg7 : memref<!tpu.dma_semaphore, #tpu.memory_space<semaphore_mem>>)
    %dma_wait3A = arith.constant 0 : i32
    %dma_wait3A_5 = arith.constant 0 : i32
    %dma_wait3A_6 = tpu.memref_slice %arg2[%dma_wait3A, %dma_wait3A_5] : memref<65536x64xf32, #tpu.memory_space<hbm>> -> memref<65536x64xf32, #tpu.memory_space<hbm>>
    tpu.wait_indirect_dma semaphore(%arg7 : memref<!tpu.dma_semaphore, #tpu.memory_space<semaphore_mem>>) src(%dma_wait3A_6 : memref<65536x64xf32, #tpu.memory_space<hbm>>) dst(%arg6 : memref<64x64xf32, #tpu.memory_space<vmem>>)
    "tpu.region"() ({
      %run_scoped3A = tpu.sem_alloc : memref<!tpu.dma_semaphore, #tpu.memory_space<semaphore_mem>>
      %dma_start3A_7 = arith.constant 0 : i32
      %dma_start3A_8 = tpu.memref_slice %arg4[%mul3A_2, %dma_start3A_7] : memref<2048x64xf32, #tpu.memory_space<hbm>> -> memref<64x64xf32, #tpu.memory_space<hbm>>
      %dma_start3A_9 = arith.constant 0 : i32
      %dma_start3A_10 = tpu.memref_slice %arg4[%mul3A_2, %dma_start3A_9] : memref<2048x64xf32, #tpu.memory_space<hbm>> -> memref<64x64xf32, #tpu.memory_space<hbm>>
      tpu.enqueue_dma source(%arg6 : memref<64x64xf32, #tpu.memory_space<vmem>>) target(%dma_start3A_10 : memref<64x64xf32, #tpu.memory_space<hbm>>) target_semaphore(%run_scoped3A : memref<!tpu.dma_semaphore, #tpu.memory_space<semaphore_mem>>)
      %dma_wait3A_11 = arith.constant 0 : i32
      %dma_wait3A_12 = tpu.memref_slice %arg4[%mul3A_2, %dma_wait3A_11] : memref<2048x64xf32, #tpu.memory_space<hbm>> -> memref<64x64xf32, #tpu.memory_space<hbm>>
      %dma_wait3A_13 = arith.constant 0 : i32
      %dma_wait3A_14 = tpu.memref_slice %arg4[%mul3A_2, %dma_wait3A_13] : memref<2048x64xf32, #tpu.memory_space<hbm>> -> memref<64x64xf32, #tpu.memory_space<hbm>>
      tpu.wait_dma2 semaphore(%run_scoped3A : memref<!tpu.dma_semaphore, #tpu.memory_space<semaphore_mem>>) src(%arg6 : memref<64x64xf32, #tpu.memory_space<vmem>>) dst(%dma_wait3A_14 : memref<64x64xf32, #tpu.memory_space<hbm>>)
      tpu.yield
    }) : () -> ()
    return
  }
}

#map = affine_map<(d0, d1) -> (0, 0)>
#map1 = affine_map<(d0, d1) -> (0)>
#map2 = affine_map<(d0, d1) -> (0, 0, 0)>
module attributes {stable_mosaic.version = 14 : i64} {
  func.func @_segsum_sc_body(%arg0: i32, %arg1: i32, %arg2: memref<65536x64xf32, #tpu.memory_space<hbm>>, %arg3: memref<65536xi32, #tpu.memory_space<hbm>>, %arg4: memref<65536xi32, #tpu.memory_space<hbm>>, %arg5: memref<512xf32, #tpu.memory_space<hbm>>, %arg6: memref<32x512x64xf32, #tpu.memory_space<hbm>>, %arg7: memref<512xf32, #tpu.memory_space<vmem>>, %arg8: memref<512xi32, #tpu.memory_space<vmem>>, %arg9: memref<4096xi32, #tpu.memory_space<vmem>>, %arg10: memref<4096xi32, #tpu.memory_space<vmem>>, %arg11: memref<2240xi32, #tpu.memory_space<vmem>>, %arg12: memref<2240xi32, #tpu.memory_space<vmem>>, %arg13: memref<512x64xf32, #tpu.memory_space<vmem>>, %arg14: memref<512x64xf32, #tpu.memory_space<vmem>>, %arg15: memref<!tpu.dma_semaphore, #tpu.memory_space<semaphore_mem>>) attributes {dimension_semantics = [#tpu.dimension_semantics<core_parallel>, #tpu.dimension_semantics<subcore_parallel>], iteration_bounds = array<i64: 2, 16>, scalar_prefetch = 0 : i64, scratch_operands = 9 : i64, tpu.core_type = #tpu.core_type<sc_vector_subcore>, window_params = [{transform_indices = #map}, {transform_indices = #map1}, {transform_indices = #map1}, {transform_indices = #map1}, {transform_indices = #map2}]} {
    %mul3A = arith.constant 2 : i32
    %mul3A_0 = arith.muli %arg1, %mul3A : i32
    %add3A = arith.addi %mul3A_0, %arg0 : i32
    %jit3A = arith.constant 16 : i32
    %eq3A = arith.constant 0 : i32
    %eq3A_1 = arith.cmpi eq, %jit3A, %eq3A : i32
    %jit3A_2 = arith.constant 1 : i32
    %select_n3A = arith.select %eq3A_1, %jit3A_2, %jit3A : i32
    %rem3A = arith.remsi %add3A, %select_n3A : i32
    %ne3A = arith.constant 0 : i32
    %ne3A_3 = arith.cmpi ne, %rem3A, %ne3A : i32
    %lt3A = arith.constant 0 : i32
    %lt3A_4 = arith.cmpi slt, %rem3A, %lt3A : i32
    %lt3A_5 = arith.constant 0 : i32
    %lt3A_6 = arith.cmpi slt, %select_n3A, %lt3A_5 : i32
    %ne3A_7 = arith.xori %lt3A_4, %lt3A_6 : i1
    %and3A = arith.andi %ne3A_7, %ne3A_3 : i1
    %add3A_8 = arith.addi %rem3A, %select_n3A : i32
    %select_n3A_9 = arith.select %and3A, %add3A_8, %rem3A : i32
    %jit3A_10 = arith.constant 16 : i32
    %div3A = arith.divsi %add3A, %jit3A_10 : i32
    %sign3A = arith.constant 0 : i32
    %sign3A_11 = arith.cmpi sgt, %add3A, %sign3A : i32
    %sign3A_12 = arith.extui %sign3A_11 : i1 to i32
    %sign3A_13 = arith.constant 0 : i32
    %sign3A_14 = arith.cmpi slt, %add3A, %sign3A_13 : i32
    %sign3A_15 = arith.extui %sign3A_14 : i1 to i32
    %sign3A_16 = arith.subi %sign3A_12, %sign3A_15 : i32
    %sign3A_17 = arith.constant 0 : i32
    %sign3A_18 = arith.cmpi sgt, %jit3A_10, %sign3A_17 : i32
    %sign3A_19 = arith.extui %sign3A_18 : i1 to i32
    %sign3A_20 = arith.constant 0 : i32
    %sign3A_21 = arith.cmpi slt, %jit3A_10, %sign3A_20 : i32
    %sign3A_22 = arith.extui %sign3A_21 : i1 to i32
    %sign3A_23 = arith.subi %sign3A_19, %sign3A_22 : i32
    %ne3A_24 = arith.cmpi ne, %sign3A_16, %sign3A_23 : i32
    %rem3A_25 = arith.remsi %add3A, %jit3A_10 : i32
    %ne3A_26 = arith.constant 0 : i32
    %ne3A_27 = arith.cmpi ne, %rem3A_25, %ne3A_26 : i32
    %and3A_28 = arith.andi %ne3A_24, %ne3A_27 : i1
    %sub3A = arith.constant 1 : i32
    %sub3A_29 = arith.subi %div3A, %sub3A : i32
    %select_n3A_30 = arith.select %and3A_28, %sub3A_29, %div3A : i32
    %mul3A_31 = arith.constant 32768 : i32
    %mul3A_32 = arith.muli %select_n3A_30, %mul3A_31 : i32
    %min3A = arith.constant 7 : i32
    %min3A_33 = arith.minsi %select_n3A_9, %min3A : i32
    %mul3A_34 = arith.constant 2240 : i32
    %mul3A_35 = arith.muli %min3A_33, %mul3A_34 : i32
    %add3A_36 = arith.addi %mul3A_32, %mul3A_35 : i32
    %min3A_37 = arith.constant 15 : i32
    %min3A_38 = arith.minsi %select_n3A_9, %min3A_37 : i32
    %sub3A_39 = arith.constant 7 : i32
    %sub3A_40 = arith.subi %min3A_38, %sub3A_39 : i32
    %max3A = arith.constant 0 : i32
    %max3A_41 = arith.maxsi %sub3A_40, %max3A : i32
    %mul3A_42 = arith.constant 1920 : i32
    %mul3A_43 = arith.muli %max3A_41, %mul3A_42 : i32
    %add3A_44 = arith.addi %add3A_36, %mul3A_43 : i32
    %lt3A_45 = arith.constant 7 : i32
    %lt3A_46 = arith.cmpi slt, %select_n3A_9, %lt3A_45 : i32
    %lt3A_47 = arith.constant 15 : i32
    %lt3A_48 = arith.cmpi slt, %select_n3A_9, %lt3A_47 : i32
    %jit3A_49 = arith.constant 1920 : i32
    %jit3A_50 = arith.constant 1728 : i32
    %select_n3A_51 = arith.select %lt3A_48, %jit3A_49, %jit3A_50 : i32
    %jit3A_52 = arith.constant 2240 : i32
    %select_n3A_53 = arith.select %lt3A_46, %jit3A_52, %select_n3A_51 : i32
    %add3A_54 = arith.addi %add3A_44, %select_n3A_53 : i32
    %iota3A = tpu.iota {dimensions = array<i32: 0>} : vector<16xi32>
    "tpu.region"() ({
      %run_scoped3A = tpu.sem_alloc : memref<!tpu.dma_semaphore, #tpu.memory_space<semaphore_mem>>
      tpu.enqueue_dma source(%arg5 : memref<512xf32, #tpu.memory_space<hbm>>) target(%arg7 : memref<512xf32, #tpu.memory_space<vmem>>) target_semaphore(%run_scoped3A : memref<!tpu.dma_semaphore, #tpu.memory_space<semaphore_mem>>)
      tpu.wait_dma2 semaphore(%run_scoped3A : memref<!tpu.dma_semaphore, #tpu.memory_space<semaphore_mem>>) src(%arg5 : memref<512xf32, #tpu.memory_space<hbm>>) dst(%arg7 : memref<512xf32, #tpu.memory_space<vmem>>)
      tpu.yield
    }) : () -> ()
    %scan3A = arith.constant 0 : i32
    %scan3A_55 = arith.constant 0 : i32
    %scan3A_56 = arith.constant 32 : i32
    %scan3A_57 = arith.addi %scan3A_55, %scan3A_56 : i32
    %scan3A_58 = arith.constant 1 : i32
    %scan3A_59 = scf.for %scan3A_121 = %scan3A_55 to %scan3A_57 step %scan3A_58 iter_args(%scan3A_122 = %scan3A) -> (i32)  : i32 {
      %mul3A_123 = arith.constant 16 : i32
      %mul3A_124 = arith.muli %mul3A_123, %scan3A_121 : i32
      %get3A = arith.index_cast %mul3A_124 : i32 to index
      %get3A_125 = tpu.vector_load %arg7[%get3A] {strides = array<i32>} : memref<512xf32, #tpu.memory_space<vmem>>, vector<16xf32>,
      %convert_element_type3A = arith.fptosi %get3A_125 : vector<16xf32> to vector<16xi32>
      %broadcast_in_dim3A = arith.constant true
      %broadcast_in_dim3A_126 = vector.broadcast %broadcast_in_dim3A : i1 to vector<16xi1>
      %masked_cumsum3A = tpu.scan <sum>, %convert_element_type3A masked %broadcast_in_dim3A_126 : vector<16xi32>, vector<16xi1> -> vector<16xi32>
      %sub3A_127 = arith.subi %masked_cumsum3A, %convert_element_type3A : vector<16xi32>
      %add3A_128 = vector.broadcast %scan3A_122 : i32 to vector<16xi32>
      %add3A_129 = arith.addi %sub3A_127, %add3A_128 : vector<16xi32>
      %mul3A_130 = arith.constant 16 : i32
      %mul3A_131 = arith.muli %mul3A_130, %scan3A_121 : i32
      %swap3A = arith.index_cast %mul3A_131 : i32 to index
      %swap3A_132 = tpu.vector_load %arg8[%swap3A] {strides = array<i32>} : memref<512xi32, #tpu.memory_space<vmem>>, vector<16xi32>,
      tpu.vector_store %arg8[%swap3A], %add3A_129 {strides = array<i32>} : memref<512xi32, #tpu.memory_space<vmem>>, vector<16xi32>,
      %reduce_max3A = arith.constant true
      %reduce_max3A_133 = vector.broadcast %reduce_max3A : i1 to vector<16xi1>
      %reduce_max3A_134 = arith.constant -2147483648 : i32
      %reduce_max3A_135 = vector.broadcast %reduce_max3A_134 : i32 to vector<16xi32>
      %reduce_max3A_136 = arith.xori %masked_cumsum3A, %reduce_max3A_135 : vector<16xi32>
      %reduce_max3A_137 = tpu.scan <max>, %reduce_max3A_136 masked %reduce_max3A_133 : vector<16xi32>, vector<16xi1> -> vector<16xi32>
      %reduce_max3A_138 = arith.xori %reduce_max3A_137, %reduce_max3A_135 : vector<16xi32>
      %reduce_max3A_139 = vector.extract %reduce_max3A_138[15] : i32 from vector<16xi32>
      %add3A_140 = arith.addi %scan3A_122, %reduce_max3A_139 : i32
      scf.yield %add3A_140 : i32
    }
    %scan3A_60 = arith.constant 32 : i32
    %scan3A_61 = arith.constant 0 : i32
    %scan3A_62 = arith.constant 0 : i32
    %scan3A_63 = arith.constant 512 : i32
    %scan3A_64 = arith.addi %scan3A_62, %scan3A_63 : i32
    %scan3A_65 = arith.constant 1 : i32
    %scan3A_66 = scf.for %scan3A_121 = %scan3A_62 to %scan3A_64 step %scan3A_65 iter_args(%scan3A_122 = %scan3A_61) -> (i32)  : i32 {
      %broadcast_in_dim3A = arith.constant 0.000000e+00 : f32
      %broadcast_in_dim3A_123 = vector.broadcast %broadcast_in_dim3A : f32 to vector<16xf32>
      %swap3A = arith.index_cast %scan3A_121 : i32 to index
      %swap3A_124 = arith.constant 0 : index
      %swap3A_125 = tpu.vector_load %arg14[%swap3A, %swap3A_124] {strides = array<i32>} : memref<512x64xf32, #tpu.memory_space<vmem>>, vector<16xf32>,
      tpu.vector_store %arg14[%swap3A, %swap3A_124], %broadcast_in_dim3A_123 {strides = array<i32>} : memref<512x64xf32, #tpu.memory_space<vmem>>, vector<16xf32>,
      %broadcast_in_dim3A_126 = arith.constant 0.000000e+00 : f32
      %broadcast_in_dim3A_127 = vector.broadcast %broadcast_in_dim3A_126 : f32 to vector<16xf32>
      %swap3A_128 = arith.index_cast %scan3A_121 : i32 to index
      %swap3A_129 = arith.constant 16 : index
      %swap3A_130 = tpu.vector_load %arg14[%swap3A_128, %swap3A_129] {strides = array<i32>} : memref<512x64xf32, #tpu.memory_space<vmem>>, vector<16xf32>,
      tpu.vector_store %arg14[%swap3A_128, %swap3A_129], %broadcast_in_dim3A_127 {strides = array<i32>} : memref<512x64xf32, #tpu.memory_space<vmem>>, vector<16xf32>,
      %broadcast_in_dim3A_131 = arith.constant 0.000000e+00 : f32
      %broadcast_in_dim3A_132 = vector.broadcast %broadcast_in_dim3A_131 : f32 to vector<16xf32>
      %swap3A_133 = arith.index_cast %scan3A_121 : i32 to index
      %swap3A_134 = arith.constant 32 : index
      %swap3A_135 = tpu.vector_load %arg14[%swap3A_133, %swap3A_134] {strides = array<i32>} : memref<512x64xf32, #tpu.memory_space<vmem>>, vector<16xf32>,
      tpu.vector_store %arg14[%swap3A_133, %swap3A_134], %broadcast_in_dim3A_132 {strides = array<i32>} : memref<512x64xf32, #tpu.memory_space<vmem>>, vector<16xf32>,
      %broadcast_in_dim3A_136 = arith.constant 0.000000e+00 : f32
      %broadcast_in_dim3A_137 = vector.broadcast %broadcast_in_dim3A_136 : f32 to vector<16xf32>
      %swap3A_138 = arith.index_cast %scan3A_121 : i32 to index
      %swap3A_139 = arith.constant 48 : index
      %swap3A_140 = tpu.vector_load %arg14[%swap3A_138, %swap3A_139] {strides = array<i32>} : memref<512x64xf32, #tpu.memory_space<vmem>>, vector<16xf32>,
      tpu.vector_store %arg14[%swap3A_138, %swap3A_139], %broadcast_in_dim3A_137 {strides = array<i32>} : memref<512x64xf32, #tpu.memory_space<vmem>>, vector<16xf32>,
      %scan3A_141 = arith.constant 0 : i32
      scf.yield %scan3A_141 : i32
    }
    %scan3A_67 = arith.constant 512 : i32
    %scan3A_68 = arith.constant 0 : i32
    %scan3A_69 = arith.constant 0 : i32
    %scan3A_70 = arith.constant 140 : i32
    %scan3A_71 = arith.addi %scan3A_69, %scan3A_70 : i32
    %scan3A_72 = arith.constant 1 : i32
    %scan3A_73 = scf.for %scan3A_121 = %scan3A_69 to %scan3A_71 step %scan3A_72 iter_args(%scan3A_122 = %scan3A_68) -> (i32)  : i32 {
      %broadcast_in_dim3A = arith.constant 0 : i32
      %broadcast_in_dim3A_123 = vector.broadcast %broadcast_in_dim3A : i32 to vector<16xi32>
      %mul3A_124 = arith.constant 16 : i32
      %mul3A_125 = arith.muli %mul3A_124, %scan3A_121 : i32
      %swap3A = arith.index_cast %mul3A_125 : i32 to index
      %swap3A_126 = tpu.vector_load %arg11[%swap3A] {strides = array<i32>} : memref<2240xi32, #tpu.memory_space<vmem>>, vector<16xi32>,
      tpu.vector_store %arg11[%swap3A], %broadcast_in_dim3A_123 {strides = array<i32>} : memref<2240xi32, #tpu.memory_space<vmem>>, vector<16xi32>,
      %scan3A_127 = arith.constant 0 : i32
      scf.yield %scan3A_127 : i32
    }
    %scan3A_74 = arith.constant 140 : i32
    %scan3A_75 = arith.constant 0 : i32
    %scan3A_76 = arith.constant 0 : i32
    %scan3A_77 = arith.constant 16 : i32
    %scan3A_78 = arith.addi %scan3A_76, %scan3A_77 : i32
    %scan3A_79 = arith.constant 1 : i32
    %scan3A_80 = scf.for %scan3A_121 = %scan3A_76 to %scan3A_78 step %scan3A_79 iter_args(%scan3A_122 = %scan3A_75) -> (i32)  : i32 {
      %mul3A_123 = arith.constant 4096 : i32
      %mul3A_124 = arith.muli %scan3A_121, %mul3A_123 : i32
      "tpu.region"() ({
        %run_scoped3A = tpu.sem_alloc : memref<!tpu.dma_semaphore, #tpu.memory_space<semaphore_mem>>
        %dma_start3A = tpu.memref_slice %arg3[%mul3A_124] : memref<65536xi32, #tpu.memory_space<hbm>> -> memref<4096xi32, #tpu.memory_space<hbm>>
        %dma_start3A_133 = tpu.memref_slice %arg3[%mul3A_124] : memref<65536xi32, #tpu.memory_space<hbm>> -> memref<4096xi32, #tpu.memory_space<hbm>>
        tpu.enqueue_dma source(%dma_start3A_133 : memref<4096xi32, #tpu.memory_space<hbm>>) target(%arg9 : memref<4096xi32, #tpu.memory_space<vmem>>) target_semaphore(%run_scoped3A : memref<!tpu.dma_semaphore, #tpu.memory_space<semaphore_mem>>)
        %dma_wait3A = tpu.memref_slice %arg3[%mul3A_124] : memref<65536xi32, #tpu.memory_space<hbm>> -> memref<4096xi32, #tpu.memory_space<hbm>>
        %dma_wait3A_134 = tpu.memref_slice %arg3[%mul3A_124] : memref<65536xi32, #tpu.memory_space<hbm>> -> memref<4096xi32, #tpu.memory_space<hbm>>
        tpu.wait_dma2 semaphore(%run_scoped3A : memref<!tpu.dma_semaphore, #tpu.memory_space<semaphore_mem>>) src(%dma_wait3A_134 : memref<4096xi32, #tpu.memory_space<hbm>>) dst(%arg9 : memref<4096xi32, #tpu.memory_space<vmem>>)
        tpu.yield
      }) : () -> ()
      %mul3A_125 = arith.constant 4096 : i32
      %mul3A_126 = arith.muli %scan3A_121, %mul3A_125 : i32
      "tpu.region"() ({
        %run_scoped3A = tpu.sem_alloc : memref<!tpu.dma_semaphore, #tpu.memory_space<semaphore_mem>>
        %dma_start3A = tpu.memref_slice %arg4[%mul3A_126] : memref<65536xi32, #tpu.memory_space<hbm>> -> memref<4096xi32, #tpu.memory_space<hbm>>
        %dma_start3A_133 = tpu.memref_slice %arg4[%mul3A_126] : memref<65536xi32, #tpu.memory_space<hbm>> -> memref<4096xi32, #tpu.memory_space<hbm>>
        tpu.enqueue_dma source(%dma_start3A_133 : memref<4096xi32, #tpu.memory_space<hbm>>) target(%arg10 : memref<4096xi32, #tpu.memory_space<vmem>>) target_semaphore(%run_scoped3A : memref<!tpu.dma_semaphore, #tpu.memory_space<semaphore_mem>>)
        %dma_wait3A = tpu.memref_slice %arg4[%mul3A_126] : memref<65536xi32, #tpu.memory_space<hbm>> -> memref<4096xi32, #tpu.memory_space<hbm>>
        %dma_wait3A_134 = tpu.memref_slice %arg4[%mul3A_126] : memref<65536xi32, #tpu.memory_space<hbm>> -> memref<4096xi32, #tpu.memory_space<hbm>>
        tpu.wait_dma2 semaphore(%run_scoped3A : memref<!tpu.dma_semaphore, #tpu.memory_space<semaphore_mem>>) src(%dma_wait3A_134 : memref<4096xi32, #tpu.memory_space<hbm>>) dst(%arg10 : memref<4096xi32, #tpu.memory_space<vmem>>)
        tpu.yield
      }) : () -> ()
      %scan3A_127 = arith.constant 0 : i32
      %scan3A_128 = arith.constant 256 : i32
      %scan3A_129 = arith.addi %scan3A_127, %scan3A_128 : i32
      %scan3A_130 = arith.constant 1 : i32
      %scan3A_131 = scf.for %scan3A_133 = %scan3A_127 to %scan3A_129 step %scan3A_130 iter_args(%scan3A_134 = %scan3A_122) -> (i32)  : i32 {
        %mul3A_135 = arith.constant 16 : i32
        %mul3A_136 = arith.muli %mul3A_135, %scan3A_133 : i32
        %get3A = arith.index_cast %mul3A_136 : i32 to index
        %get3A_137 = tpu.vector_load %arg9[%get3A] {strides = array<i32>} : memref<4096xi32, #tpu.memory_space<vmem>>, vector<16xi32>,
        %mul3A_138 = arith.constant 16 : i32
        %mul3A_139 = arith.muli %mul3A_138, %scan3A_133 : i32
        %get3A_140 = arith.index_cast %mul3A_139 : i32 to index
        %get3A_141 = tpu.vector_load %arg10[%get3A_140] {strides = array<i32>} : memref<4096xi32, #tpu.memory_space<vmem>>, vector<16xi32>,
        %gather3A = tpu.vector_load_idx %arg8[%get3A_137] : memref<512xi32, #tpu.memory_space<vmem>>[vector<16xi32>], vector<16xi32>,
        %add3A_142 = arith.addi %gather3A, %get3A_141 : vector<16xi32>
        %ge3A = vector.broadcast %add3A_44 : i32 to vector<16xi32>
        %ge3A_143 = arith.cmpi sge, %add3A_142, %ge3A : vector<16xi32>
        %lt3A_144 = vector.broadcast %add3A_54 : i32 to vector<16xi32>
        %lt3A_145 = arith.cmpi slt, %add3A_142, %lt3A_144 : vector<16xi32>
        %and3A_146 = arith.andi %ge3A_143, %lt3A_145 : vector<16xi1>
        %convert_element_type3A = arith.extui %and3A_146 : vector<16xi1> to vector<16xi32>
        %broadcast_in_dim3A = arith.constant true
        %broadcast_in_dim3A_147 = vector.broadcast %broadcast_in_dim3A : i1 to vector<16xi1>
        %masked_cumsum3A = tpu.scan <sum>, %convert_element_type3A masked %broadcast_in_dim3A_147 : vector<16xi32>, vector<16xi1> -> vector<16xi32>
        %sub3A_148 = arith.constant 1 : i32
        %sub3A_149 = vector.broadcast %sub3A_148 : i32 to vector<16xi32>
        %sub3A_150 = arith.subi %masked_cumsum3A, %sub3A_149 : vector<16xi32>
        %add3A_151 = vector.broadcast %scan3A_134 : i32 to vector<16xi32>
        %add3A_152 = arith.addi %sub3A_150, %add3A_151 : vector<16xi32>
        %mul3A_153 = arith.constant 4096 : i32
        %mul3A_154 = arith.muli %scan3A_121, %mul3A_153 : i32
        %mul3A_155 = arith.constant 16 : i32
        %mul3A_156 = arith.muli %mul3A_155, %scan3A_133 : i32
        %add3A_157 = arith.addi %mul3A_154, %mul3A_156 : i32
        %add3A_158 = vector.broadcast %add3A_157 : i32 to vector<16xi32>
        %add3A_159 = arith.addi %add3A_158, %iota3A : vector<16xi32>
        tpu.vector_store_idx %arg11[%add3A_152], %add3A_159 masked %and3A_146 : memref<2240xi32, #tpu.memory_space<vmem>>[vector<16xi32>], vector<16xi32>, vector<16xi1>
        tpu.vector_store_idx %arg12[%add3A_152], %get3A_137 masked %and3A_146 : memref<2240xi32, #tpu.memory_space<vmem>>[vector<16xi32>], vector<16xi32>, vector<16xi1>
        %reduce_max3A = arith.constant true
        %reduce_max3A_160 = vector.broadcast %reduce_max3A : i1 to vector<16xi1>
        %reduce_max3A_161 = arith.constant -2147483648 : i32
        %reduce_max3A_162 = vector.broadcast %reduce_max3A_161 : i32 to vector<16xi32>
        %reduce_max3A_163 = arith.xori %masked_cumsum3A, %reduce_max3A_162 : vector<16xi32>
        %reduce_max3A_164 = tpu.scan <max>, %reduce_max3A_163 masked %reduce_max3A_160 : vector<16xi32>, vector<16xi1> -> vector<16xi32>
        %reduce_max3A_165 = arith.xori %reduce_max3A_164, %reduce_max3A_162 : vector<16xi32>
        %reduce_max3A_166 = vector.extract %reduce_max3A_165[15] : i32 from vector<16xi32>
        %add3A_167 = arith.addi %scan3A_134, %reduce_max3A_166 : i32
        scf.yield %add3A_167 : i32
      }
      %scan3A_132 = arith.constant 256 : i32
      scf.yield %scan3A_131 : i32
    }
    %scan3A_81 = arith.constant 16 : i32
    %add3A_82 = arith.constant 512 : i32
    %add3A_83 = arith.addi %scan3A_80, %add3A_82 : i32
    %sub3A_84 = arith.constant 1 : i32
    %sub3A_85 = arith.subi %add3A_83, %sub3A_84 : i32
    %jit3A_86 = arith.constant 512 : i32
    %div3A_87 = arith.divsi %sub3A_85, %jit3A_86 : i32
    %sign3A_88 = arith.constant 0 : i32
    %sign3A_89 = arith.cmpi sgt, %sub3A_85, %sign3A_88 : i32
    %sign3A_90 = arith.extui %sign3A_89 : i1 to i32
    %sign3A_91 = arith.constant 0 : i32
    %sign3A_92 = arith.cmpi slt, %sub3A_85, %sign3A_91 : i32
    %sign3A_93 = arith.extui %sign3A_92 : i1 to i32
    %sign3A_94 = arith.subi %sign3A_90, %sign3A_93 : i32
    %sign3A_95 = arith.constant 0 : i32
    %sign3A_96 = arith.cmpi sgt, %jit3A_86, %sign3A_95 : i32
    %sign3A_97 = arith.extui %sign3A_96 : i1 to i32
    %sign3A_98 = arith.constant 0 : i32
    %sign3A_99 = arith.cmpi slt, %jit3A_86, %sign3A_98 : i32
    %sign3A_100 = arith.extui %sign3A_99 : i1 to i32
    %sign3A_101 = arith.subi %sign3A_97, %sign3A_100 : i32
    %ne3A_102 = arith.cmpi ne, %sign3A_94, %sign3A_101 : i32
    %rem3A_103 = arith.remsi %sub3A_85, %jit3A_86 : i32
    %ne3A_104 = arith.constant 0 : i32
    %ne3A_105 = arith.cmpi ne, %rem3A_103, %ne3A_104 : i32
    %and3A_106 = arith.andi %ne3A_102, %ne3A_105 : i1
    %sub3A_107 = arith.constant 1 : i32
    %sub3A_108 = arith.subi %div3A_87, %sub3A_107 : i32
    %select_n3A_109 = arith.select %and3A_106, %sub3A_108, %div3A_87 : i32
    %while3A = arith.constant 0 : i32
    %while3A_110 = arith.constant 0 : i32
    %while3A_111 = arith.subi %select_n3A_109, %while3A : i32
    %while3A_112 = arith.addi %while3A, %while3A_111 : i32
    %while3A_113 = arith.constant 1 : i32
    %while3A_114 = arith.divsi %while3A_111, %while3A_113 : i32
    %while3A_115 = arith.muli %while3A_114, %while3A_113 : i32
    %while3A_116 = arith.addi %while3A, %while3A_115 : i32
    %while3A_117 = arith.constant 1 : i32
    %while3A_118 = scf.for %while3A_121 = %while3A to %while3A_116 step %while3A_117 iter_args(%while3A_122 = %while3A_110) -> (i32)  : i32 {
      %mul3A_123 = arith.constant 512 : i32
      %mul3A_124 = arith.muli %while3A_121, %mul3A_123 : i32
      %dma_start3A = tpu.memref_slice %arg11[%mul3A_124] : memref<2240xi32, #tpu.memory_space<vmem>> -> memref<512xi32, #tpu.memory_space<vmem>>
      %dma_start3A_125 = arith.constant 0 : i32
      %dma_start3A_126 = arith.constant 0 : i32
      %dma_start3A_127 = tpu.memref_slice %arg2[%dma_start3A_125, %dma_start3A_126] : memref<65536x64xf32, #tpu.memory_space<hbm>> -> memref<65536x64xf32, #tpu.memory_space<hbm>>
      tpu.enqueue_indirect_dma source(%dma_start3A_127 : memref<65536x64xf32, #tpu.memory_space<hbm>>) target(%arg13 : memref<512x64xf32, #tpu.memory_space<vmem>>) offsets(%dma_start3A : memref<512xi32, #tpu.memory_space<vmem>>) semaphore(%arg15 : memref<!tpu.dma_semaphore, #tpu.memory_space<semaphore_mem>>)
      %dma_wait3A = tpu.memref_slice %arg11[%mul3A_124] : memref<2240xi32, #tpu.memory_space<vmem>> -> memref<512xi32, #tpu.memory_space<vmem>>
      %dma_wait3A_128 = arith.constant 0 : i32
      %dma_wait3A_129 = arith.constant 0 : i32
      %dma_wait3A_130 = tpu.memref_slice %arg2[%dma_wait3A_128, %dma_wait3A_129] : memref<65536x64xf32, #tpu.memory_space<hbm>> -> memref<65536x64xf32, #tpu.memory_space<hbm>>
      tpu.wait_indirect_dma semaphore(%arg15 : memref<!tpu.dma_semaphore, #tpu.memory_space<semaphore_mem>>) src(%dma_wait3A_130 : memref<65536x64xf32, #tpu.memory_space<hbm>>) dst(%arg13 : memref<512x64xf32, #tpu.memory_space<vmem>>)
      %mul3A_131 = arith.constant 512 : i32
      %mul3A_132 = arith.muli %while3A_121, %mul3A_131 : i32
      %sub3A_133 = arith.subi %scan3A_80, %mul3A_132 : i32
      %min3A_134 = arith.constant 512 : i32
      %min3A_135 = arith.minsi %sub3A_133, %min3A_134 : i32
      %while3A_136 = arith.constant 0 : i32
      %while3A_137 = arith.constant 0 : i32
      %while3A_138 = arith.subi %min3A_135, %while3A_136 : i32
      %while3A_139 = arith.addi %while3A_136, %while3A_138 : i32
      %while3A_140 = arith.constant 1 : i32
      %while3A_141 = arith.divsi %while3A_138, %while3A_140 : i32
      %while3A_142 = arith.muli %while3A_141, %while3A_140 : i32
      %while3A_143 = arith.addi %while3A_136, %while3A_142 : i32
      %while3A_144 = arith.constant 1 : i32
      %while3A_145 = scf.for %while3A_149 = %while3A_136 to %while3A_143 step %while3A_144 iter_args(%while3A_150 = %while3A_137) -> (i32)  : i32 {
        %broadcast_in_dim3A = arith.constant 0 : i32
        %broadcast_in_dim3A_151 = vector.broadcast %broadcast_in_dim3A : i32 to vector<16xi32>
        %mul3A_152 = arith.constant 512 : i32
        %mul3A_153 = arith.muli %while3A_121, %mul3A_152 : i32
        %add3A_154 = vector.broadcast %mul3A_153 : i32 to vector<16xi32>
        %add3A_155 = arith.addi %broadcast_in_dim3A_151, %add3A_154 : vector<16xi32>
        %add3A_156 = vector.broadcast %while3A_149 : i32 to vector<16xi32>
        %add3A_157 = arith.addi %add3A_155, %add3A_156 : vector<16xi32>
        %gather3A = tpu.vector_load_idx %arg12[%add3A_157] : memref<2240xi32, #tpu.memory_space<vmem>>[vector<16xi32>], vector<16xi32>,
        %add3A_158 = vector.broadcast %while3A_149 : i32 to vector<16xi32>
        %add3A_159 = arith.addi %broadcast_in_dim3A_151, %add3A_158 : vector<16xi32>
        %add3A_160 = arith.constant 0 : i32
        %add3A_161 = vector.broadcast %add3A_160 : i32 to vector<16xi32>
        %add3A_162 = arith.addi %iota3A, %add3A_161 : vector<16xi32>
        %gather3A_163 = tpu.vector_load_idx %arg13[%add3A_159, %add3A_162] : memref<512x64xf32, #tpu.memory_space<vmem>>[vector<16xi32>, vector<16xi32>], vector<16xf32>,
        %add3A_164 = arith.constant 0 : i32
        %add3A_165 = vector.broadcast %add3A_164 : i32 to vector<16xi32>
        %add3A_166 = arith.addi %iota3A, %add3A_165 : vector<16xi32>
        tpu.vector_store_idx %arg14[%gather3A, %add3A_166], %gather3A_163 {add = true} : memref<512x64xf32, #tpu.memory_space<vmem>>[vector<16xi32>, vector<16xi32>], vector<16xf32>,
        %add3A_167 = vector.broadcast %while3A_149 : i32 to vector<16xi32>
        %add3A_168 = arith.addi %broadcast_in_dim3A_151, %add3A_167 : vector<16xi32>
        %add3A_169 = arith.constant 16 : i32
        %add3A_170 = vector.broadcast %add3A_169 : i32 to vector<16xi32>
        %add3A_171 = arith.addi %iota3A, %add3A_170 : vector<16xi32>
        %gather3A_172 = tpu.vector_load_idx %arg13[%add3A_168, %add3A_171] : memref<512x64xf32, #tpu.memory_space<vmem>>[vector<16xi32>, vector<16xi32>], vector<16xf32>,
        %add3A_173 = arith.constant 16 : i32
        %add3A_174 = vector.broadcast %add3A_173 : i32 to vector<16xi32>
        %add3A_175 = arith.addi %iota3A, %add3A_174 : vector<16xi32>
        tpu.vector_store_idx %arg14[%gather3A, %add3A_175], %gather3A_172 {add = true} : memref<512x64xf32, #tpu.memory_space<vmem>>[vector<16xi32>, vector<16xi32>], vector<16xf32>,
        %add3A_176 = vector.broadcast %while3A_149 : i32 to vector<16xi32>
        %add3A_177 = arith.addi %broadcast_in_dim3A_151, %add3A_176 : vector<16xi32>
        %add3A_178 = arith.constant 32 : i32
        %add3A_179 = vector.broadcast %add3A_178 : i32 to vector<16xi32>
        %add3A_180 = arith.addi %iota3A, %add3A_179 : vector<16xi32>
        %gather3A_181 = tpu.vector_load_idx %arg13[%add3A_177, %add3A_180] : memref<512x64xf32, #tpu.memory_space<vmem>>[vector<16xi32>, vector<16xi32>], vector<16xf32>,
        %add3A_182 = arith.constant 32 : i32
        %add3A_183 = vector.broadcast %add3A_182 : i32 to vector<16xi32>
        %add3A_184 = arith.addi %iota3A, %add3A_183 : vector<16xi32>
        tpu.vector_store_idx %arg14[%gather3A, %add3A_184], %gather3A_181 {add = true} : memref<512x64xf32, #tpu.memory_space<vmem>>[vector<16xi32>, vector<16xi32>], vector<16xf32>,
        %add3A_185 = vector.broadcast %while3A_149 : i32 to vector<16xi32>
        %add3A_186 = arith.addi %broadcast_in_dim3A_151, %add3A_185 : vector<16xi32>
        %add3A_187 = arith.constant 48 : i32
        %add3A_188 = vector.broadcast %add3A_187 : i32 to vector<16xi32>
        %add3A_189 = arith.addi %iota3A, %add3A_188 : vector<16xi32>
        %gather3A_190 = tpu.vector_load_idx %arg13[%add3A_186, %add3A_189] : memref<512x64xf32, #tpu.memory_space<vmem>>[vector<16xi32>, vector<16xi32>], vector<16xf32>,
        %add3A_191 = arith.constant 48 : i32
        %add3A_192 = vector.broadcast %add3A_191 : i32 to vector<16xi32>
        %add3A_193 = arith.addi %iota3A, %add3A_192 : vector<16xi32>
        tpu.vector_store_idx %arg14[%gather3A, %add3A_193], %gather3A_190 {add = true} : memref<512x64xf32, #tpu.memory_space<vmem>>[vector<16xi32>, vector<16xi32>], vector<16xf32>,
        %while3A_194 = arith.constant 0 : i32
        scf.yield %while3A_194 : i32
      }
      %while3A_146 = arith.constant 1 : i32
      %while3A_147 = scf.for %while3A_149 = %while3A_143 to %while3A_139 step %while3A_146 iter_args(%while3A_150 = %while3A_145) -> (i32)  : i32 {
        %broadcast_in_dim3A = arith.constant 0 : i32
        %broadcast_in_dim3A_151 = vector.broadcast %broadcast_in_dim3A : i32 to vector<16xi32>
        %mul3A_152 = arith.constant 512 : i32
        %mul3A_153 = arith.muli %while3A_121, %mul3A_152 : i32
        %add3A_154 = vector.broadcast %mul3A_153 : i32 to vector<16xi32>
        %add3A_155 = arith.addi %broadcast_in_dim3A_151, %add3A_154 : vector<16xi32>
        %add3A_156 = vector.broadcast %while3A_149 : i32 to vector<16xi32>
        %add3A_157 = arith.addi %add3A_155, %add3A_156 : vector<16xi32>
        %gather3A = tpu.vector_load_idx %arg12[%add3A_157] : memref<2240xi32, #tpu.memory_space<vmem>>[vector<16xi32>], vector<16xi32>,
        %add3A_158 = vector.broadcast %while3A_149 : i32 to vector<16xi32>
        %add3A_159 = arith.addi %broadcast_in_dim3A_151, %add3A_158 : vector<16xi32>
        %add3A_160 = arith.constant 0 : i32
        %add3A_161 = vector.broadcast %add3A_160 : i32 to vector<16xi32>
        %add3A_162 = arith.addi %iota3A, %add3A_161 : vector<16xi32>
        %gather3A_163 = tpu.vector_load_idx %arg13[%add3A_159, %add3A_162] : memref<512x64xf32, #tpu.memory_space<vmem>>[vector<16xi32>, vector<16xi32>], vector<16xf32>,
        %add3A_164 = arith.constant 0 : i32
        %add3A_165 = vector.broadcast %add3A_164 : i32 to vector<16xi32>
        %add3A_166 = arith.addi %iota3A, %add3A_165 : vector<16xi32>
        tpu.vector_store_idx %arg14[%gather3A, %add3A_166], %gather3A_163 {add = true} : memref<512x64xf32, #tpu.memory_space<vmem>>[vector<16xi32>, vector<16xi32>], vector<16xf32>,
        %add3A_167 = vector.broadcast %while3A_149 : i32 to vector<16xi32>
        %add3A_168 = arith.addi %broadcast_in_dim3A_151, %add3A_167 : vector<16xi32>
        %add3A_169 = arith.constant 16 : i32
        %add3A_170 = vector.broadcast %add3A_169 : i32 to vector<16xi32>
        %add3A_171 = arith.addi %iota3A, %add3A_170 : vector<16xi32>
        %gather3A_172 = tpu.vector_load_idx %arg13[%add3A_168, %add3A_171] : memref<512x64xf32, #tpu.memory_space<vmem>>[vector<16xi32>, vector<16xi32>], vector<16xf32>,
        %add3A_173 = arith.constant 16 : i32
        %add3A_174 = vector.broadcast %add3A_173 : i32 to vector<16xi32>
        %add3A_175 = arith.addi %iota3A, %add3A_174 : vector<16xi32>
        tpu.vector_store_idx %arg14[%gather3A, %add3A_175], %gather3A_172 {add = true} : memref<512x64xf32, #tpu.memory_space<vmem>>[vector<16xi32>, vector<16xi32>], vector<16xf32>,
        %add3A_176 = vector.broadcast %while3A_149 : i32 to vector<16xi32>
        %add3A_177 = arith.addi %broadcast_in_dim3A_151, %add3A_176 : vector<16xi32>
        %add3A_178 = arith.constant 32 : i32
        %add3A_179 = vector.broadcast %add3A_178 : i32 to vector<16xi32>
        %add3A_180 = arith.addi %iota3A, %add3A_179 : vector<16xi32>
        %gather3A_181 = tpu.vector_load_idx %arg13[%add3A_177, %add3A_180] : memref<512x64xf32, #tpu.memory_space<vmem>>[vector<16xi32>, vector<16xi32>], vector<16xf32>,
        %add3A_182 = arith.constant 32 : i32
        %add3A_183 = vector.broadcast %add3A_182 : i32 to vector<16xi32>
        %add3A_184 = arith.addi %iota3A, %add3A_183 : vector<16xi32>
        tpu.vector_store_idx %arg14[%gather3A, %add3A_184], %gather3A_181 {add = true} : memref<512x64xf32, #tpu.memory_space<vmem>>[vector<16xi32>, vector<16xi32>], vector<16xf32>,
        %add3A_185 = vector.broadcast %while3A_149 : i32 to vector<16xi32>
        %add3A_186 = arith.addi %broadcast_in_dim3A_151, %add3A_185 : vector<16xi32>
        %add3A_187 = arith.constant 48 : i32
        %add3A_188 = vector.broadcast %add3A_187 : i32 to vector<16xi32>
        %add3A_189 = arith.addi %iota3A, %add3A_188 : vector<16xi32>
        %gather3A_190 = tpu.vector_load_idx %arg13[%add3A_186, %add3A_189] : memref<512x64xf32, #tpu.memory_space<vmem>>[vector<16xi32>, vector<16xi32>], vector<16xf32>,
        %add3A_191 = arith.constant 48 : i32
        %add3A_192 = vector.broadcast %add3A_191 : i32 to vector<16xi32>
        %add3A_193 = arith.addi %iota3A, %add3A_192 : vector<16xi32>
        tpu.vector_store_idx %arg14[%gather3A, %add3A_193], %gather3A_190 {add = true} : memref<512x64xf32, #tpu.memory_space<vmem>>[vector<16xi32>, vector<16xi32>], vector<16xf32>,
        %while3A_194 = arith.constant 0 : i32
        scf.yield %while3A_194 : i32
      }
      %while3A_148 = arith.constant 0 : i32
      scf.yield %while3A_148 : i32
    }
    %while3A_119 = arith.constant 1 : i32
    %while3A_120 = scf.for %while3A_121 = %while3A_116 to %while3A_112 step %while3A_119 iter_args(%while3A_122 = %while3A_118) -> (i32)  : i32 {
      %mul3A_123 = arith.constant 512 : i32
      %mul3A_124 = arith.muli %while3A_121, %mul3A_123 : i32
      %dma_start3A = tpu.memref_slice %arg11[%mul3A_124] : memref<2240xi32, #tpu.memory_space<vmem>> -> memref<512xi32, #tpu.memory_space<vmem>>
      %dma_start3A_125 = arith.constant 0 : i32
      %dma_start3A_126 = arith.constant 0 : i32
      %dma_start3A_127 = tpu.memref_slice %arg2[%dma_start3A_125, %dma_start3A_126] : memref<65536x64xf32, #tpu.memory_space<hbm>> -> memref<65536x64xf32, #tpu.memory_space<hbm>>
      tpu.enqueue_indirect_dma source(%dma_start3A_127 : memref<65536x64xf32, #tpu.memory_space<hbm>>) target(%arg13 : memref<512x64xf32, #tpu.memory_space<vmem>>) offsets(%dma_start3A : memref<512xi32, #tpu.memory_space<vmem>>) semaphore(%arg15 : memref<!tpu.dma_semaphore, #tpu.memory_space<semaphore_mem>>)
      %dma_wait3A = tpu.memref_slice %arg11[%mul3A_124] : memref<2240xi32, #tpu.memory_space<vmem>> -> memref<512xi32, #tpu.memory_space<vmem>>
      %dma_wait3A_128 = arith.constant 0 : i32
      %dma_wait3A_129 = arith.constant 0 : i32
      %dma_wait3A_130 = tpu.memref_slice %arg2[%dma_wait3A_128, %dma_wait3A_129] : memref<65536x64xf32, #tpu.memory_space<hbm>> -> memref<65536x64xf32, #tpu.memory_space<hbm>>
      tpu.wait_indirect_dma semaphore(%arg15 : memref<!tpu.dma_semaphore, #tpu.memory_space<semaphore_mem>>) src(%dma_wait3A_130 : memref<65536x64xf32, #tpu.memory_space<hbm>>) dst(%arg13 : memref<512x64xf32, #tpu.memory_space<vmem>>)
      %mul3A_131 = arith.constant 512 : i32
      %mul3A_132 = arith.muli %while3A_121, %mul3A_131 : i32
      %sub3A_133 = arith.subi %scan3A_80, %mul3A_132 : i32
      %min3A_134 = arith.constant 512 : i32
      %min3A_135 = arith.minsi %sub3A_133, %min3A_134 : i32
      %while3A_136 = arith.constant 0 : i32
      %while3A_137 = arith.constant 0 : i32
      %while3A_138 = arith.subi %min3A_135, %while3A_136 : i32
      %while3A_139 = arith.addi %while3A_136, %while3A_138 : i32
      %while3A_140 = arith.constant 1 : i32
      %while3A_141 = arith.divsi %while3A_138, %while3A_140 : i32
      %while3A_142 = arith.muli %while3A_141, %while3A_140 : i32
      %while3A_143 = arith.addi %while3A_136, %while3A_142 : i32
      %while3A_144 = arith.constant 1 : i32
      %while3A_145 = scf.for %while3A_149 = %while3A_136 to %while3A_143 step %while3A_144 iter_args(%while3A_150 = %while3A_137) -> (i32)  : i32 {
        %broadcast_in_dim3A = arith.constant 0 : i32
        %broadcast_in_dim3A_151 = vector.broadcast %broadcast_in_dim3A : i32 to vector<16xi32>
        %mul3A_152 = arith.constant 512 : i32
        %mul3A_153 = arith.muli %while3A_121, %mul3A_152 : i32
        %add3A_154 = vector.broadcast %mul3A_153 : i32 to vector<16xi32>
        %add3A_155 = arith.addi %broadcast_in_dim3A_151, %add3A_154 : vector<16xi32>
        %add3A_156 = vector.broadcast %while3A_149 : i32 to vector<16xi32>
        %add3A_157 = arith.addi %add3A_155, %add3A_156 : vector<16xi32>
        %gather3A = tpu.vector_load_idx %arg12[%add3A_157] : memref<2240xi32, #tpu.memory_space<vmem>>[vector<16xi32>], vector<16xi32>,
        %add3A_158 = vector.broadcast %while3A_149 : i32 to vector<16xi32>
        %add3A_159 = arith.addi %broadcast_in_dim3A_151, %add3A_158 : vector<16xi32>
        %add3A_160 = arith.constant 0 : i32
        %add3A_161 = vector.broadcast %add3A_160 : i32 to vector<16xi32>
        %add3A_162 = arith.addi %iota3A, %add3A_161 : vector<16xi32>
        %gather3A_163 = tpu.vector_load_idx %arg13[%add3A_159, %add3A_162] : memref<512x64xf32, #tpu.memory_space<vmem>>[vector<16xi32>, vector<16xi32>], vector<16xf32>,
        %add3A_164 = arith.constant 0 : i32
        %add3A_165 = vector.broadcast %add3A_164 : i32 to vector<16xi32>
        %add3A_166 = arith.addi %iota3A, %add3A_165 : vector<16xi32>
        tpu.vector_store_idx %arg14[%gather3A, %add3A_166], %gather3A_163 {add = true} : memref<512x64xf32, #tpu.memory_space<vmem>>[vector<16xi32>, vector<16xi32>], vector<16xf32>,
        %add3A_167 = vector.broadcast %while3A_149 : i32 to vector<16xi32>
        %add3A_168 = arith.addi %broadcast_in_dim3A_151, %add3A_167 : vector<16xi32>
        %add3A_169 = arith.constant 16 : i32
        %add3A_170 = vector.broadcast %add3A_169 : i32 to vector<16xi32>
        %add3A_171 = arith.addi %iota3A, %add3A_170 : vector<16xi32>
        %gather3A_172 = tpu.vector_load_idx %arg13[%add3A_168, %add3A_171] : memref<512x64xf32, #tpu.memory_space<vmem>>[vector<16xi32>, vector<16xi32>], vector<16xf32>,
        %add3A_173 = arith.constant 16 : i32
        %add3A_174 = vector.broadcast %add3A_173 : i32 to vector<16xi32>
        %add3A_175 = arith.addi %iota3A, %add3A_174 : vector<16xi32>
        tpu.vector_store_idx %arg14[%gather3A, %add3A_175], %gather3A_172 {add = true} : memref<512x64xf32, #tpu.memory_space<vmem>>[vector<16xi32>, vector<16xi32>], vector<16xf32>,
        %add3A_176 = vector.broadcast %while3A_149 : i32 to vector<16xi32>
        %add3A_177 = arith.addi %broadcast_in_dim3A_151, %add3A_176 : vector<16xi32>
        %add3A_178 = arith.constant 32 : i32
        %add3A_179 = vector.broadcast %add3A_178 : i32 to vector<16xi32>
        %add3A_180 = arith.addi %iota3A, %add3A_179 : vector<16xi32>
        %gather3A_181 = tpu.vector_load_idx %arg13[%add3A_177, %add3A_180] : memref<512x64xf32, #tpu.memory_space<vmem>>[vector<16xi32>, vector<16xi32>], vector<16xf32>,
        %add3A_182 = arith.constant 32 : i32
        %add3A_183 = vector.broadcast %add3A_182 : i32 to vector<16xi32>
        %add3A_184 = arith.addi %iota3A, %add3A_183 : vector<16xi32>
        tpu.vector_store_idx %arg14[%gather3A, %add3A_184], %gather3A_181 {add = true} : memref<512x64xf32, #tpu.memory_space<vmem>>[vector<16xi32>, vector<16xi32>], vector<16xf32>,
        %add3A_185 = vector.broadcast %while3A_149 : i32 to vector<16xi32>
        %add3A_186 = arith.addi %broadcast_in_dim3A_151, %add3A_185 : vector<16xi32>
        %add3A_187 = arith.constant 48 : i32
        %add3A_188 = vector.broadcast %add3A_187 : i32 to vector<16xi32>
        %add3A_189 = arith.addi %iota3A, %add3A_188 : vector<16xi32>
        %gather3A_190 = tpu.vector_load_idx %arg13[%add3A_186, %add3A_189] : memref<512x64xf32, #tpu.memory_space<vmem>>[vector<16xi32>, vector<16xi32>], vector<16xf32>,
        %add3A_191 = arith.constant 48 : i32
        %add3A_192 = vector.broadcast %add3A_191 : i32 to vector<16xi32>
        %add3A_193 = arith.addi %iota3A, %add3A_192 : vector<16xi32>
        tpu.vector_store_idx %arg14[%gather3A, %add3A_193], %gather3A_190 {add = true} : memref<512x64xf32, #tpu.memory_space<vmem>>[vector<16xi32>, vector<16xi32>], vector<16xf32>,
        %while3A_194 = arith.constant 0 : i32
        scf.yield %while3A_194 : i32
      }
      %while3A_146 = arith.constant 1 : i32
      %while3A_147 = scf.for %while3A_149 = %while3A_143 to %while3A_139 step %while3A_146 iter_args(%while3A_150 = %while3A_145) -> (i32)  : i32 {
        %broadcast_in_dim3A = arith.constant 0 : i32
        %broadcast_in_dim3A_151 = vector.broadcast %broadcast_in_dim3A : i32 to vector<16xi32>
        %mul3A_152 = arith.constant 512 : i32
        %mul3A_153 = arith.muli %while3A_121, %mul3A_152 : i32
        %add3A_154 = vector.broadcast %mul3A_153 : i32 to vector<16xi32>
        %add3A_155 = arith.addi %broadcast_in_dim3A_151, %add3A_154 : vector<16xi32>
        %add3A_156 = vector.broadcast %while3A_149 : i32 to vector<16xi32>
        %add3A_157 = arith.addi %add3A_155, %add3A_156 : vector<16xi32>
        %gather3A = tpu.vector_load_idx %arg12[%add3A_157] : memref<2240xi32, #tpu.memory_space<vmem>>[vector<16xi32>], vector<16xi32>,
        %add3A_158 = vector.broadcast %while3A_149 : i32 to vector<16xi32>
        %add3A_159 = arith.addi %broadcast_in_dim3A_151, %add3A_158 : vector<16xi32>
        %add3A_160 = arith.constant 0 : i32
        %add3A_161 = vector.broadcast %add3A_160 : i32 to vector<16xi32>
        %add3A_162 = arith.addi %iota3A, %add3A_161 : vector<16xi32>
        %gather3A_163 = tpu.vector_load_idx %arg13[%add3A_159, %add3A_162] : memref<512x64xf32, #tpu.memory_space<vmem>>[vector<16xi32>, vector<16xi32>], vector<16xf32>,
        %add3A_164 = arith.constant 0 : i32
        %add3A_165 = vector.broadcast %add3A_164 : i32 to vector<16xi32>
        %add3A_166 = arith.addi %iota3A, %add3A_165 : vector<16xi32>
        tpu.vector_store_idx %arg14[%gather3A, %add3A_166], %gather3A_163 {add = true} : memref<512x64xf32, #tpu.memory_space<vmem>>[vector<16xi32>, vector<16xi32>], vector<16xf32>,
        %add3A_167 = vector.broadcast %while3A_149 : i32 to vector<16xi32>
        %add3A_168 = arith.addi %broadcast_in_dim3A_151, %add3A_167 : vector<16xi32>
        %add3A_169 = arith.constant 16 : i32
        %add3A_170 = vector.broadcast %add3A_169 : i32 to vector<16xi32>
        %add3A_171 = arith.addi %iota3A, %add3A_170 : vector<16xi32>
        %gather3A_172 = tpu.vector_load_idx %arg13[%add3A_168, %add3A_171] : memref<512x64xf32, #tpu.memory_space<vmem>>[vector<16xi32>, vector<16xi32>], vector<16xf32>,
        %add3A_173 = arith.constant 16 : i32
        %add3A_174 = vector.broadcast %add3A_173 : i32 to vector<16xi32>
        %add3A_175 = arith.addi %iota3A, %add3A_174 : vector<16xi32>
        tpu.vector_store_idx %arg14[%gather3A, %add3A_175], %gather3A_172 {add = true} : memref<512x64xf32, #tpu.memory_space<vmem>>[vector<16xi32>, vector<16xi32>], vector<16xf32>,
        %add3A_176 = vector.broadcast %while3A_149 : i32 to vector<16xi32>
        %add3A_177 = arith.addi %broadcast_in_dim3A_151, %add3A_176 : vector<16xi32>
        %add3A_178 = arith.constant 32 : i32
        %add3A_179 = vector.broadcast %add3A_178 : i32 to vector<16xi32>
        %add3A_180 = arith.addi %iota3A, %add3A_179 : vector<16xi32>
        %gather3A_181 = tpu.vector_load_idx %arg13[%add3A_177, %add3A_180] : memref<512x64xf32, #tpu.memory_space<vmem>>[vector<16xi32>, vector<16xi32>], vector<16xf32>,
        %add3A_182 = arith.constant 32 : i32
        %add3A_183 = vector.broadcast %add3A_182 : i32 to vector<16xi32>
        %add3A_184 = arith.addi %iota3A, %add3A_183 : vector<16xi32>
        tpu.vector_store_idx %arg14[%gather3A, %add3A_184], %gather3A_181 {add = true} : memref<512x64xf32, #tpu.memory_space<vmem>>[vector<16xi32>, vector<16xi32>], vector<16xf32>,
        %add3A_185 = vector.broadcast %while3A_149 : i32 to vector<16xi32>
        %add3A_186 = arith.addi %broadcast_in_dim3A_151, %add3A_185 : vector<16xi32>
        %add3A_187 = arith.constant 48 : i32
        %add3A_188 = vector.broadcast %add3A_187 : i32 to vector<16xi32>
        %add3A_189 = arith.addi %iota3A, %add3A_188 : vector<16xi32>
        %gather3A_190 = tpu.vector_load_idx %arg13[%add3A_186, %add3A_189] : memref<512x64xf32, #tpu.memory_space<vmem>>[vector<16xi32>, vector<16xi32>], vector<16xf32>,
        %add3A_191 = arith.constant 48 : i32
        %add3A_192 = vector.broadcast %add3A_191 : i32 to vector<16xi32>
        %add3A_193 = arith.addi %iota3A, %add3A_192 : vector<16xi32>
        tpu.vector_store_idx %arg14[%gather3A, %add3A_193], %gather3A_190 {add = true} : memref<512x64xf32, #tpu.memory_space<vmem>>[vector<16xi32>, vector<16xi32>], vector<16xf32>,
        %while3A_194 = arith.constant 0 : i32
        scf.yield %while3A_194 : i32
      }
      %while3A_148 = arith.constant 0 : i32
      scf.yield %while3A_148 : i32
    }
    "tpu.region"() ({
      %run_scoped3A = tpu.sem_alloc : memref<!tpu.dma_semaphore, #tpu.memory_space<semaphore_mem>>
      %dma_start3A = arith.constant 0 : i32
      %dma_start3A_121 = arith.constant 0 : i32
      %dma_start3A_122 = tpu.memref_slice %arg6[%add3A, %dma_start3A, %dma_start3A_121] : memref<32x512x64xf32, #tpu.memory_space<hbm>> -> memref<1x512x64xf32, #tpu.memory_space<hbm>>
      %dma_start3A_123 = tpu.memref_squeeze %dma_start3A_122 : memref<1x512x64xf32, #tpu.memory_space<hbm>> -> memref<512x64xf32, #tpu.memory_space<hbm>>
      %dma_start3A_124 = arith.constant 0 : i32
      %dma_start3A_125 = arith.constant 0 : i32
      %dma_start3A_126 = tpu.memref_slice %arg6[%add3A, %dma_start3A_124, %dma_start3A_125] : memref<32x512x64xf32, #tpu.memory_space<hbm>> -> memref<1x512x64xf32, #tpu.memory_space<hbm>>
      %dma_start3A_127 = tpu.memref_squeeze %dma_start3A_126 : memref<1x512x64xf32, #tpu.memory_space<hbm>> -> memref<512x64xf32, #tpu.memory_space<hbm>>
      tpu.enqueue_dma source(%arg14 : memref<512x64xf32, #tpu.memory_space<vmem>>) target(%dma_start3A_127 : memref<512x64xf32, #tpu.memory_space<hbm>>) target_semaphore(%run_scoped3A : memref<!tpu.dma_semaphore, #tpu.memory_space<semaphore_mem>>)
      %dma_wait3A = arith.constant 0 : i32
      %dma_wait3A_128 = arith.constant 0 : i32
      %dma_wait3A_129 = tpu.memref_slice %arg6[%add3A, %dma_wait3A, %dma_wait3A_128] : memref<32x512x64xf32, #tpu.memory_space<hbm>> -> memref<1x512x64xf32, #tpu.memory_space<hbm>>
      %dma_wait3A_130 = tpu.memref_squeeze %dma_wait3A_129 : memref<1x512x64xf32, #tpu.memory_space<hbm>> -> memref<512x64xf32, #tpu.memory_space<hbm>>
      %dma_wait3A_131 = arith.constant 0 : i32
      %dma_wait3A_132 = arith.constant 0 : i32
      %dma_wait3A_133 = tpu.memref_slice %arg6[%add3A, %dma_wait3A_131, %dma_wait3A_132] : memref<32x512x64xf32, #tpu.memory_space<hbm>> -> memref<1x512x64xf32, #tpu.memory_space<hbm>>
      %dma_wait3A_134 = tpu.memref_squeeze %dma_wait3A_133 : memref<1x512x64xf32, #tpu.memory_space<hbm>> -> memref<512x64xf32, #tpu.memory_space<hbm>>
      tpu.wait_dma2 semaphore(%run_scoped3A : memref<!tpu.dma_semaphore, #tpu.memory_space<semaphore_mem>>) src(%arg14 : memref<512x64xf32, #tpu.memory_space<vmem>>) dst(%dma_wait3A_134 : memref<512x64xf32, #tpu.memory_space<hbm>>)
      tpu.yield
    }) : () -> ()
    return
  }
}

#map = affine_map<(d0, d1) -> (0, 0)>
#map1 = affine_map<(d0, d1) -> (0)>
#map2 = affine_map<(d0, d1) -> (0, 0, 0)>
module attributes {stable_mosaic.version = 14 : i64} {
  func.func @_segsum_sc_body(%arg0: i32, %arg1: i32, %arg2: memref<65536x64xf32, #tpu.memory_space<hbm>>, %arg3: memref<65536xi32, #tpu.memory_space<hbm>>, %arg4: memref<65536xi32, #tpu.memory_space<hbm>>, %arg5: memref<512xf32, #tpu.memory_space<hbm>>, %arg6: memref<32x512x64xf32, #tpu.memory_space<hbm>>, %arg7: memref<512xf32, #tpu.memory_space<vmem>>, %arg8: memref<512xi32, #tpu.memory_space<vmem>>, %arg9: memref<4096xi32, #tpu.memory_space<vmem>>, %arg10: memref<4096xi32, #tpu.memory_space<vmem>>, %arg11: memref<2240xi32, #tpu.memory_space<vmem>>, %arg12: memref<2240xi32, #tpu.memory_space<vmem>>, %arg13: memref<512x64xf32, #tpu.memory_space<vmem>>, %arg14: memref<512x64xf32, #tpu.memory_space<vmem>>, %arg15: memref<!tpu.dma_semaphore, #tpu.memory_space<semaphore_mem>>) attributes {dimension_semantics = [#tpu.dimension_semantics<core_parallel>, #tpu.dimension_semantics<subcore_parallel>], iteration_bounds = array<i64: 2, 16>, scalar_prefetch = 0 : i64, scratch_operands = 9 : i64, tpu.core_type = #tpu.core_type<sc_vector_subcore>, window_params = [{transform_indices = #map}, {transform_indices = #map1}, {transform_indices = #map1}, {transform_indices = #map1}, {transform_indices = #map2}]} {
    %mul3A = arith.constant 2 : i32
    %mul3A_0 = arith.muli %arg1, %mul3A : i32
    %add3A = arith.addi %mul3A_0, %arg0 : i32
    %jit3A = arith.constant 16 : i32
    %eq3A = arith.constant 0 : i32
    %eq3A_1 = arith.cmpi eq, %jit3A, %eq3A : i32
    %jit3A_2 = arith.constant 1 : i32
    %select_n3A = arith.select %eq3A_1, %jit3A_2, %jit3A : i32
    %rem3A = arith.remsi %add3A, %select_n3A : i32
    %ne3A = arith.constant 0 : i32
    %ne3A_3 = arith.cmpi ne, %rem3A, %ne3A : i32
    %lt3A = arith.constant 0 : i32
    %lt3A_4 = arith.cmpi slt, %rem3A, %lt3A : i32
    %lt3A_5 = arith.constant 0 : i32
    %lt3A_6 = arith.cmpi slt, %select_n3A, %lt3A_5 : i32
    %ne3A_7 = arith.xori %lt3A_4, %lt3A_6 : i1
    %and3A = arith.andi %ne3A_7, %ne3A_3 : i1
    %add3A_8 = arith.addi %rem3A, %select_n3A : i32
    %select_n3A_9 = arith.select %and3A, %add3A_8, %rem3A : i32
    %jit3A_10 = arith.constant 16 : i32
    %div3A = arith.divsi %add3A, %jit3A_10 : i32
    %sign3A = arith.constant 0 : i32
    %sign3A_11 = arith.cmpi sgt, %add3A, %sign3A : i32
    %sign3A_12 = arith.extui %sign3A_11 : i1 to i32
    %sign3A_13 = arith.constant 0 : i32
    %sign3A_14 = arith.cmpi slt, %add3A, %sign3A_13 : i32
    %sign3A_15 = arith.extui %sign3A_14 : i1 to i32
    %sign3A_16 = arith.subi %sign3A_12, %sign3A_15 : i32
    %sign3A_17 = arith.constant 0 : i32
    %sign3A_18 = arith.cmpi sgt, %jit3A_10, %sign3A_17 : i32
    %sign3A_19 = arith.extui %sign3A_18 : i1 to i32
    %sign3A_20 = arith.constant 0 : i32
    %sign3A_21 = arith.cmpi slt, %jit3A_10, %sign3A_20 : i32
    %sign3A_22 = arith.extui %sign3A_21 : i1 to i32
    %sign3A_23 = arith.subi %sign3A_19, %sign3A_22 : i32
    %ne3A_24 = arith.cmpi ne, %sign3A_16, %sign3A_23 : i32
    %rem3A_25 = arith.remsi %add3A, %jit3A_10 : i32
    %ne3A_26 = arith.constant 0 : i32
    %ne3A_27 = arith.cmpi ne, %rem3A_25, %ne3A_26 : i32
    %and3A_28 = arith.andi %ne3A_24, %ne3A_27 : i1
    %sub3A = arith.constant 1 : i32
    %sub3A_29 = arith.subi %div3A, %sub3A : i32
    %select_n3A_30 = arith.select %and3A_28, %sub3A_29, %div3A : i32
    %mul3A_31 = arith.constant 32768 : i32
    %mul3A_32 = arith.muli %select_n3A_30, %mul3A_31 : i32
    %min3A = arith.constant 7 : i32
    %min3A_33 = arith.minsi %select_n3A_9, %min3A : i32
    %mul3A_34 = arith.constant 2240 : i32
    %mul3A_35 = arith.muli %min3A_33, %mul3A_34 : i32
    %add3A_36 = arith.addi %mul3A_32, %mul3A_35 : i32
    %min3A_37 = arith.constant 15 : i32
    %min3A_38 = arith.minsi %select_n3A_9, %min3A_37 : i32
    %sub3A_39 = arith.constant 7 : i32
    %sub3A_40 = arith.subi %min3A_38, %sub3A_39 : i32
    %max3A = arith.constant 0 : i32
    %max3A_41 = arith.maxsi %sub3A_40, %max3A : i32
    %mul3A_42 = arith.constant 1920 : i32
    %mul3A_43 = arith.muli %max3A_41, %mul3A_42 : i32
    %add3A_44 = arith.addi %add3A_36, %mul3A_43 : i32
    %lt3A_45 = arith.constant 7 : i32
    %lt3A_46 = arith.cmpi slt, %select_n3A_9, %lt3A_45 : i32
    %lt3A_47 = arith.constant 15 : i32
    %lt3A_48 = arith.cmpi slt, %select_n3A_9, %lt3A_47 : i32
    %jit3A_49 = arith.constant 1920 : i32
    %jit3A_50 = arith.constant 1728 : i32
    %select_n3A_51 = arith.select %lt3A_48, %jit3A_49, %jit3A_50 : i32
    %jit3A_52 = arith.constant 2240 : i32
    %select_n3A_53 = arith.select %lt3A_46, %jit3A_52, %select_n3A_51 : i32
    %add3A_54 = arith.addi %add3A_44, %select_n3A_53 : i32
    %iota3A = tpu.iota {dimensions = array<i32: 0>} : vector<16xi32>
    "tpu.region"() ({
      %run_scoped3A = tpu.sem_alloc : memref<!tpu.dma_semaphore, #tpu.memory_space<semaphore_mem>>
      tpu.enqueue_dma source(%arg5 : memref<512xf32, #tpu.memory_space<hbm>>) target(%arg7 : memref<512xf32, #tpu.memory_space<vmem>>) target_semaphore(%run_scoped3A : memref<!tpu.dma_semaphore, #tpu.memory_space<semaphore_mem>>)
      tpu.wait_dma2 semaphore(%run_scoped3A : memref<!tpu.dma_semaphore, #tpu.memory_space<semaphore_mem>>) src(%arg5 : memref<512xf32, #tpu.memory_space<hbm>>) dst(%arg7 : memref<512xf32, #tpu.memory_space<vmem>>)
      tpu.yield
    }) : () -> ()
    %scan3A = arith.constant 0 : i32
    %scan3A_55 = arith.constant 0 : i32
    %scan3A_56 = arith.constant 32 : i32
    %scan3A_57 = arith.addi %scan3A_55, %scan3A_56 : i32
    %scan3A_58 = arith.constant 1 : i32
    %scan3A_59 = scf.for %scan3A_121 = %scan3A_55 to %scan3A_57 step %scan3A_58 iter_args(%scan3A_122 = %scan3A) -> (i32)  : i32 {
      %mul3A_123 = arith.constant 16 : i32
      %mul3A_124 = arith.muli %mul3A_123, %scan3A_121 : i32
      %get3A = arith.index_cast %mul3A_124 : i32 to index
      %get3A_125 = tpu.vector_load %arg7[%get3A] {strides = array<i32>} : memref<512xf32, #tpu.memory_space<vmem>>, vector<16xf32>,
      %convert_element_type3A = arith.fptosi %get3A_125 : vector<16xf32> to vector<16xi32>
      %broadcast_in_dim3A = arith.constant true
      %broadcast_in_dim3A_126 = vector.broadcast %broadcast_in_dim3A : i1 to vector<16xi1>
      %masked_cumsum3A = tpu.scan <sum>, %convert_element_type3A masked %broadcast_in_dim3A_126 : vector<16xi32>, vector<16xi1> -> vector<16xi32>
      %sub3A_127 = arith.subi %masked_cumsum3A, %convert_element_type3A : vector<16xi32>
      %add3A_128 = vector.broadcast %scan3A_122 : i32 to vector<16xi32>
      %add3A_129 = arith.addi %sub3A_127, %add3A_128 : vector<16xi32>
      %mul3A_130 = arith.constant 16 : i32
      %mul3A_131 = arith.muli %mul3A_130, %scan3A_121 : i32
      %swap3A = arith.index_cast %mul3A_131 : i32 to index
      %swap3A_132 = tpu.vector_load %arg8[%swap3A] {strides = array<i32>} : memref<512xi32, #tpu.memory_space<vmem>>, vector<16xi32>,
      tpu.vector_store %arg8[%swap3A], %add3A_129 {strides = array<i32>} : memref<512xi32, #tpu.memory_space<vmem>>, vector<16xi32>,
      %reduce_max3A = arith.constant true
      %reduce_max3A_133 = vector.broadcast %reduce_max3A : i1 to vector<16xi1>
      %reduce_max3A_134 = arith.constant -2147483648 : i32
      %reduce_max3A_135 = vector.broadcast %reduce_max3A_134 : i32 to vector<16xi32>
      %reduce_max3A_136 = arith.xori %masked_cumsum3A, %reduce_max3A_135 : vector<16xi32>
      %reduce_max3A_137 = tpu.scan <max>, %reduce_max3A_136 masked %reduce_max3A_133 : vector<16xi32>, vector<16xi1> -> vector<16xi32>
      %reduce_max3A_138 = arith.xori %reduce_max3A_137, %reduce_max3A_135 : vector<16xi32>
      %reduce_max3A_139 = vector.extract %reduce_max3A_138[15] : i32 from vector<16xi32>
      %add3A_140 = arith.addi %scan3A_122, %reduce_max3A_139 : i32
      scf.yield %add3A_140 : i32
    }
    %scan3A_60 = arith.constant 32 : i32
    %scan3A_61 = arith.constant 0 : i32
    %scan3A_62 = arith.constant 0 : i32
    %scan3A_63 = arith.constant 512 : i32
    %scan3A_64 = arith.addi %scan3A_62, %scan3A_63 : i32
    %scan3A_65 = arith.constant 1 : i32
    %scan3A_66 = scf.for %scan3A_121 = %scan3A_62 to %scan3A_64 step %scan3A_65 iter_args(%scan3A_122 = %scan3A_61) -> (i32)  : i32 {
      %broadcast_in_dim3A = arith.constant 0.000000e+00 : f32
      %broadcast_in_dim3A_123 = vector.broadcast %broadcast_in_dim3A : f32 to vector<16xf32>
      %swap3A = arith.index_cast %scan3A_121 : i32 to index
      %swap3A_124 = arith.constant 0 : index
      %swap3A_125 = tpu.vector_load %arg14[%swap3A, %swap3A_124] {strides = array<i32>} : memref<512x64xf32, #tpu.memory_space<vmem>>, vector<16xf32>,
      tpu.vector_store %arg14[%swap3A, %swap3A_124], %broadcast_in_dim3A_123 {strides = array<i32>} : memref<512x64xf32, #tpu.memory_space<vmem>>, vector<16xf32>,
      %broadcast_in_dim3A_126 = arith.constant 0.000000e+00 : f32
      %broadcast_in_dim3A_127 = vector.broadcast %broadcast_in_dim3A_126 : f32 to vector<16xf32>
      %swap3A_128 = arith.index_cast %scan3A_121 : i32 to index
      %swap3A_129 = arith.constant 16 : index
      %swap3A_130 = tpu.vector_load %arg14[%swap3A_128, %swap3A_129] {strides = array<i32>} : memref<512x64xf32, #tpu.memory_space<vmem>>, vector<16xf32>,
      tpu.vector_store %arg14[%swap3A_128, %swap3A_129], %broadcast_in_dim3A_127 {strides = array<i32>} : memref<512x64xf32, #tpu.memory_space<vmem>>, vector<16xf32>,
      %broadcast_in_dim3A_131 = arith.constant 0.000000e+00 : f32
      %broadcast_in_dim3A_132 = vector.broadcast %broadcast_in_dim3A_131 : f32 to vector<16xf32>
      %swap3A_133 = arith.index_cast %scan3A_121 : i32 to index
      %swap3A_134 = arith.constant 32 : index
      %swap3A_135 = tpu.vector_load %arg14[%swap3A_133, %swap3A_134] {strides = array<i32>} : memref<512x64xf32, #tpu.memory_space<vmem>>, vector<16xf32>,
      tpu.vector_store %arg14[%swap3A_133, %swap3A_134], %broadcast_in_dim3A_132 {strides = array<i32>} : memref<512x64xf32, #tpu.memory_space<vmem>>, vector<16xf32>,
      %broadcast_in_dim3A_136 = arith.constant 0.000000e+00 : f32
      %broadcast_in_dim3A_137 = vector.broadcast %broadcast_in_dim3A_136 : f32 to vector<16xf32>
      %swap3A_138 = arith.index_cast %scan3A_121 : i32 to index
      %swap3A_139 = arith.constant 48 : index
      %swap3A_140 = tpu.vector_load %arg14[%swap3A_138, %swap3A_139] {strides = array<i32>} : memref<512x64xf32, #tpu.memory_space<vmem>>, vector<16xf32>,
      tpu.vector_store %arg14[%swap3A_138, %swap3A_139], %broadcast_in_dim3A_137 {strides = array<i32>} : memref<512x64xf32, #tpu.memory_space<vmem>>, vector<16xf32>,
      %scan3A_141 = arith.constant 0 : i32
      scf.yield %scan3A_141 : i32
    }
    %scan3A_67 = arith.constant 512 : i32
    %scan3A_68 = arith.constant 0 : i32
    %scan3A_69 = arith.constant 0 : i32
    %scan3A_70 = arith.constant 140 : i32
    %scan3A_71 = arith.addi %scan3A_69, %scan3A_70 : i32
    %scan3A_72 = arith.constant 1 : i32
    %scan3A_73 = scf.for %scan3A_121 = %scan3A_69 to %scan3A_71 step %scan3A_72 iter_args(%scan3A_122 = %scan3A_68) -> (i32)  : i32 {
      %broadcast_in_dim3A = arith.constant 0 : i32
      %broadcast_in_dim3A_123 = vector.broadcast %broadcast_in_dim3A : i32 to vector<16xi32>
      %mul3A_124 = arith.constant 16 : i32
      %mul3A_125 = arith.muli %mul3A_124, %scan3A_121 : i32
      %swap3A = arith.index_cast %mul3A_125 : i32 to index
      %swap3A_126 = tpu.vector_load %arg11[%swap3A] {strides = array<i32>} : memref<2240xi32, #tpu.memory_space<vmem>>, vector<16xi32>,
      tpu.vector_store %arg11[%swap3A], %broadcast_in_dim3A_123 {strides = array<i32>} : memref<2240xi32, #tpu.memory_space<vmem>>, vector<16xi32>,
      %scan3A_127 = arith.constant 0 : i32
      scf.yield %scan3A_127 : i32
    }
    %scan3A_74 = arith.constant 140 : i32
    %scan3A_75 = arith.constant 0 : i32
    %scan3A_76 = arith.constant 0 : i32
    %scan3A_77 = arith.constant 16 : i32
    %scan3A_78 = arith.addi %scan3A_76, %scan3A_77 : i32
    %scan3A_79 = arith.constant 1 : i32
    %scan3A_80 = scf.for %scan3A_121 = %scan3A_76 to %scan3A_78 step %scan3A_79 iter_args(%scan3A_122 = %scan3A_75) -> (i32)  : i32 {
      %mul3A_123 = arith.constant 4096 : i32
      %mul3A_124 = arith.muli %scan3A_121, %mul3A_123 : i32
      "tpu.region"() ({
        %run_scoped3A = tpu.sem_alloc : memref<!tpu.dma_semaphore, #tpu.memory_space<semaphore_mem>>
        %dma_start3A = tpu.memref_slice %arg3[%mul3A_124] : memref<65536xi32, #tpu.memory_space<hbm>> -> memref<4096xi32, #tpu.memory_space<hbm>>
        %dma_start3A_133 = tpu.memref_slice %arg3[%mul3A_124] : memref<65536xi32, #tpu.memory_space<hbm>> -> memref<4096xi32, #tpu.memory_space<hbm>>
        tpu.enqueue_dma source(%dma_start3A_133 : memref<4096xi32, #tpu.memory_space<hbm>>) target(%arg9 : memref<4096xi32, #tpu.memory_space<vmem>>) target_semaphore(%run_scoped3A : memref<!tpu.dma_semaphore, #tpu.memory_space<semaphore_mem>>)
        %dma_wait3A = tpu.memref_slice %arg3[%mul3A_124] : memref<65536xi32, #tpu.memory_space<hbm>> -> memref<4096xi32, #tpu.memory_space<hbm>>
        %dma_wait3A_134 = tpu.memref_slice %arg3[%mul3A_124] : memref<65536xi32, #tpu.memory_space<hbm>> -> memref<4096xi32, #tpu.memory_space<hbm>>
        tpu.wait_dma2 semaphore(%run_scoped3A : memref<!tpu.dma_semaphore, #tpu.memory_space<semaphore_mem>>) src(%dma_wait3A_134 : memref<4096xi32, #tpu.memory_space<hbm>>) dst(%arg9 : memref<4096xi32, #tpu.memory_space<vmem>>)
        tpu.yield
      }) : () -> ()
      %mul3A_125 = arith.constant 4096 : i32
      %mul3A_126 = arith.muli %scan3A_121, %mul3A_125 : i32
      "tpu.region"() ({
        %run_scoped3A = tpu.sem_alloc : memref<!tpu.dma_semaphore, #tpu.memory_space<semaphore_mem>>
        %dma_start3A = tpu.memref_slice %arg4[%mul3A_126] : memref<65536xi32, #tpu.memory_space<hbm>> -> memref<4096xi32, #tpu.memory_space<hbm>>
        %dma_start3A_133 = tpu.memref_slice %arg4[%mul3A_126] : memref<65536xi32, #tpu.memory_space<hbm>> -> memref<4096xi32, #tpu.memory_space<hbm>>
        tpu.enqueue_dma source(%dma_start3A_133 : memref<4096xi32, #tpu.memory_space<hbm>>) target(%arg10 : memref<4096xi32, #tpu.memory_space<vmem>>) target_semaphore(%run_scoped3A : memref<!tpu.dma_semaphore, #tpu.memory_space<semaphore_mem>>)
        %dma_wait3A = tpu.memref_slice %arg4[%mul3A_126] : memref<65536xi32, #tpu.memory_space<hbm>> -> memref<4096xi32, #tpu.memory_space<hbm>>
        %dma_wait3A_134 = tpu.memref_slice %arg4[%mul3A_126] : memref<65536xi32, #tpu.memory_space<hbm>> -> memref<4096xi32, #tpu.memory_space<hbm>>
        tpu.wait_dma2 semaphore(%run_scoped3A : memref<!tpu.dma_semaphore, #tpu.memory_space<semaphore_mem>>) src(%dma_wait3A_134 : memref<4096xi32, #tpu.memory_space<hbm>>) dst(%arg10 : memref<4096xi32, #tpu.memory_space<vmem>>)
        tpu.yield
      }) : () -> ()
      %scan3A_127 = arith.constant 0 : i32
      %scan3A_128 = arith.constant 256 : i32
      %scan3A_129 = arith.addi %scan3A_127, %scan3A_128 : i32
      %scan3A_130 = arith.constant 1 : i32
      %scan3A_131 = scf.for %scan3A_133 = %scan3A_127 to %scan3A_129 step %scan3A_130 iter_args(%scan3A_134 = %scan3A_122) -> (i32)  : i32 {
        %mul3A_135 = arith.constant 16 : i32
        %mul3A_136 = arith.muli %mul3A_135, %scan3A_133 : i32
        %get3A = arith.index_cast %mul3A_136 : i32 to index
        %get3A_137 = tpu.vector_load %arg9[%get3A] {strides = array<i32>} : memref<4096xi32, #tpu.memory_space<vmem>>, vector<16xi32>,
        %mul3A_138 = arith.constant 16 : i32
        %mul3A_139 = arith.muli %mul3A_138, %scan3A_133 : i32
        %get3A_140 = arith.index_cast %mul3A_139 : i32 to index
        %get3A_141 = tpu.vector_load %arg10[%get3A_140] {strides = array<i32>} : memref<4096xi32, #tpu.memory_space<vmem>>, vector<16xi32>,
        %gather3A = tpu.vector_load_idx %arg8[%get3A_137] : memref<512xi32, #tpu.memory_space<vmem>>[vector<16xi32>], vector<16xi32>,
        %add3A_142 = arith.addi %gather3A, %get3A_141 : vector<16xi32>
        %ge3A = vector.broadcast %add3A_44 : i32 to vector<16xi32>
        %ge3A_143 = arith.cmpi sge, %add3A_142, %ge3A : vector<16xi32>
        %lt3A_144 = vector.broadcast %add3A_54 : i32 to vector<16xi32>
        %lt3A_145 = arith.cmpi slt, %add3A_142, %lt3A_144 : vector<16xi32>
        %and3A_146 = arith.andi %ge3A_143, %lt3A_145 : vector<16xi1>
        %convert_element_type3A = arith.extui %and3A_146 : vector<16xi1> to vector<16xi32>
        %broadcast_in_dim3A = arith.constant true
        %broadcast_in_dim3A_147 = vector.broadcast %broadcast_in_dim3A : i1 to vector<16xi1>
        %masked_cumsum3A = tpu.scan <sum>, %convert_element_type3A masked %broadcast_in_dim3A_147 : vector<16xi32>, vector<16xi1> -> vector<16xi32>
        %sub3A_148 = arith.constant 1 : i32
        %sub3A_149 = vector.broadcast %sub3A_148 : i32 to vector<16xi32>
        %sub3A_150 = arith.subi %masked_cumsum3A, %sub3A_149 : vector<16xi32>
        %add3A_151 = vector.broadcast %scan3A_134 : i32 to vector<16xi32>
        %add3A_152 = arith.addi %sub3A_150, %add3A_151 : vector<16xi32>
        %mul3A_153 = arith.constant 4096 : i32
        %mul3A_154 = arith.muli %scan3A_121, %mul3A_153 : i32
        %mul3A_155 = arith.constant 16 : i32
        %mul3A_156 = arith.muli %mul3A_155, %scan3A_133 : i32
        %add3A_157 = arith.addi %mul3A_154, %mul3A_156 : i32
        %add3A_158 = vector.broadcast %add3A_157 : i32 to vector<16xi32>
        %add3A_159 = arith.addi %add3A_158, %iota3A : vector<16xi32>
        tpu.vector_store_idx %arg11[%add3A_152], %add3A_159 masked %and3A_146 : memref<2240xi32, #tpu.memory_space<vmem>>[vector<16xi32>], vector<16xi32>, vector<16xi1>
        tpu.vector_store_idx %arg12[%add3A_152], %get3A_137 masked %and3A_146 : memref<2240xi32, #tpu.memory_space<vmem>>[vector<16xi32>], vector<16xi32>, vector<16xi1>
        %reduce_max3A = arith.constant true
        %reduce_max3A_160 = vector.broadcast %reduce_max3A : i1 to vector<16xi1>
        %reduce_max3A_161 = arith.constant -2147483648 : i32
        %reduce_max3A_162 = vector.broadcast %reduce_max3A_161 : i32 to vector<16xi32>
        %reduce_max3A_163 = arith.xori %masked_cumsum3A, %reduce_max3A_162 : vector<16xi32>
        %reduce_max3A_164 = tpu.scan <max>, %reduce_max3A_163 masked %reduce_max3A_160 : vector<16xi32>, vector<16xi1> -> vector<16xi32>
        %reduce_max3A_165 = arith.xori %reduce_max3A_164, %reduce_max3A_162 : vector<16xi32>
        %reduce_max3A_166 = vector.extract %reduce_max3A_165[15] : i32 from vector<16xi32>
        %add3A_167 = arith.addi %scan3A_134, %reduce_max3A_166 : i32
        scf.yield %add3A_167 : i32
      }
      %scan3A_132 = arith.constant 256 : i32
      scf.yield %scan3A_131 : i32
    }
    %scan3A_81 = arith.constant 16 : i32
    %add3A_82 = arith.constant 512 : i32
    %add3A_83 = arith.addi %scan3A_80, %add3A_82 : i32
    %sub3A_84 = arith.constant 1 : i32
    %sub3A_85 = arith.subi %add3A_83, %sub3A_84 : i32
    %jit3A_86 = arith.constant 512 : i32
    %div3A_87 = arith.divsi %sub3A_85, %jit3A_86 : i32
    %sign3A_88 = arith.constant 0 : i32
    %sign3A_89 = arith.cmpi sgt, %sub3A_85, %sign3A_88 : i32
    %sign3A_90 = arith.extui %sign3A_89 : i1 to i32
    %sign3A_91 = arith.constant 0 : i32
    %sign3A_92 = arith.cmpi slt, %sub3A_85, %sign3A_91 : i32
    %sign3A_93 = arith.extui %sign3A_92 : i1 to i32
    %sign3A_94 = arith.subi %sign3A_90, %sign3A_93 : i32
    %sign3A_95 = arith.constant 0 : i32
    %sign3A_96 = arith.cmpi sgt, %jit3A_86, %sign3A_95 : i32
    %sign3A_97 = arith.extui %sign3A_96 : i1 to i32
    %sign3A_98 = arith.constant 0 : i32
    %sign3A_99 = arith.cmpi slt, %jit3A_86, %sign3A_98 : i32
    %sign3A_100 = arith.extui %sign3A_99 : i1 to i32
    %sign3A_101 = arith.subi %sign3A_97, %sign3A_100 : i32
    %ne3A_102 = arith.cmpi ne, %sign3A_94, %sign3A_101 : i32
    %rem3A_103 = arith.remsi %sub3A_85, %jit3A_86 : i32
    %ne3A_104 = arith.constant 0 : i32
    %ne3A_105 = arith.cmpi ne, %rem3A_103, %ne3A_104 : i32
    %and3A_106 = arith.andi %ne3A_102, %ne3A_105 : i1
    %sub3A_107 = arith.constant 1 : i32
    %sub3A_108 = arith.subi %div3A_87, %sub3A_107 : i32
    %select_n3A_109 = arith.select %and3A_106, %sub3A_108, %div3A_87 : i32
    %while3A = arith.constant 0 : i32
    %while3A_110 = arith.constant 0 : i32
    %while3A_111 = arith.subi %select_n3A_109, %while3A : i32
    %while3A_112 = arith.addi %while3A, %while3A_111 : i32
    %while3A_113 = arith.constant 1 : i32
    %while3A_114 = arith.divsi %while3A_111, %while3A_113 : i32
    %while3A_115 = arith.muli %while3A_114, %while3A_113 : i32
    %while3A_116 = arith.addi %while3A, %while3A_115 : i32
    %while3A_117 = arith.constant 1 : i32
    %while3A_118 = scf.for %while3A_121 = %while3A to %while3A_116 step %while3A_117 iter_args(%while3A_122 = %while3A_110) -> (i32)  : i32 {
      %mul3A_123 = arith.constant 512 : i32
      %mul3A_124 = arith.muli %while3A_121, %mul3A_123 : i32
      %dma_start3A = tpu.memref_slice %arg11[%mul3A_124] : memref<2240xi32, #tpu.memory_space<vmem>> -> memref<512xi32, #tpu.memory_space<vmem>>
      %dma_start3A_125 = arith.constant 0 : i32
      %dma_start3A_126 = arith.constant 0 : i32
      %dma_start3A_127 = tpu.memref_slice %arg2[%dma_start3A_125, %dma_start3A_126] : memref<65536x64xf32, #tpu.memory_space<hbm>> -> memref<65536x64xf32, #tpu.memory_space<hbm>>
      tpu.enqueue_indirect_dma source(%dma_start3A_127 : memref<65536x64xf32, #tpu.memory_space<hbm>>) target(%arg13 : memref<512x64xf32, #tpu.memory_space<vmem>>) offsets(%dma_start3A : memref<512xi32, #tpu.memory_space<vmem>>) semaphore(%arg15 : memref<!tpu.dma_semaphore, #tpu.memory_space<semaphore_mem>>)
      %dma_wait3A = tpu.memref_slice %arg11[%mul3A_124] : memref<2240xi32, #tpu.memory_space<vmem>> -> memref<512xi32, #tpu.memory_space<vmem>>
      %dma_wait3A_128 = arith.constant 0 : i32
      %dma_wait3A_129 = arith.constant 0 : i32
      %dma_wait3A_130 = tpu.memref_slice %arg2[%dma_wait3A_128, %dma_wait3A_129] : memref<65536x64xf32, #tpu.memory_space<hbm>> -> memref<65536x64xf32, #tpu.memory_space<hbm>>
      tpu.wait_indirect_dma semaphore(%arg15 : memref<!tpu.dma_semaphore, #tpu.memory_space<semaphore_mem>>) src(%dma_wait3A_130 : memref<65536x64xf32, #tpu.memory_space<hbm>>) dst(%arg13 : memref<512x64xf32, #tpu.memory_space<vmem>>)
      %mul3A_131 = arith.constant 512 : i32
      %mul3A_132 = arith.muli %while3A_121, %mul3A_131 : i32
      %sub3A_133 = arith.subi %scan3A_80, %mul3A_132 : i32
      %min3A_134 = arith.constant 512 : i32
      %min3A_135 = arith.minsi %sub3A_133, %min3A_134 : i32
      %while3A_136 = arith.constant 0 : i32
      %while3A_137 = arith.constant 0 : i32
      %while3A_138 = arith.subi %min3A_135, %while3A_136 : i32
      %while3A_139 = arith.addi %while3A_136, %while3A_138 : i32
      %while3A_140 = arith.constant 1 : i32
      %while3A_141 = arith.divsi %while3A_138, %while3A_140 : i32
      %while3A_142 = arith.muli %while3A_141, %while3A_140 : i32
      %while3A_143 = arith.addi %while3A_136, %while3A_142 : i32
      %while3A_144 = arith.constant 1 : i32
      %while3A_145 = scf.for %while3A_149 = %while3A_136 to %while3A_143 step %while3A_144 iter_args(%while3A_150 = %while3A_137) -> (i32)  : i32 {
        %broadcast_in_dim3A = arith.constant 0 : i32
        %broadcast_in_dim3A_151 = vector.broadcast %broadcast_in_dim3A : i32 to vector<16xi32>
        %mul3A_152 = arith.constant 512 : i32
        %mul3A_153 = arith.muli %while3A_121, %mul3A_152 : i32
        %add3A_154 = vector.broadcast %mul3A_153 : i32 to vector<16xi32>
        %add3A_155 = arith.addi %broadcast_in_dim3A_151, %add3A_154 : vector<16xi32>
        %add3A_156 = vector.broadcast %while3A_149 : i32 to vector<16xi32>
        %add3A_157 = arith.addi %add3A_155, %add3A_156 : vector<16xi32>
        %gather3A = tpu.vector_load_idx %arg12[%add3A_157] : memref<2240xi32, #tpu.memory_space<vmem>>[vector<16xi32>], vector<16xi32>,
        %add3A_158 = vector.broadcast %while3A_149 : i32 to vector<16xi32>
        %add3A_159 = arith.addi %broadcast_in_dim3A_151, %add3A_158 : vector<16xi32>
        %add3A_160 = arith.constant 0 : i32
        %add3A_161 = vector.broadcast %add3A_160 : i32 to vector<16xi32>
        %add3A_162 = arith.addi %iota3A, %add3A_161 : vector<16xi32>
        %gather3A_163 = tpu.vector_load_idx %arg13[%add3A_159, %add3A_162] : memref<512x64xf32, #tpu.memory_space<vmem>>[vector<16xi32>, vector<16xi32>], vector<16xf32>,
        %add3A_164 = arith.constant 0 : i32
        %add3A_165 = vector.broadcast %add3A_164 : i32 to vector<16xi32>
        %add3A_166 = arith.addi %iota3A, %add3A_165 : vector<16xi32>
        tpu.vector_store_idx %arg14[%gather3A, %add3A_166], %gather3A_163 {add = true} : memref<512x64xf32, #tpu.memory_space<vmem>>[vector<16xi32>, vector<16xi32>], vector<16xf32>,
        %add3A_167 = vector.broadcast %while3A_149 : i32 to vector<16xi32>
        %add3A_168 = arith.addi %broadcast_in_dim3A_151, %add3A_167 : vector<16xi32>
        %add3A_169 = arith.constant 16 : i32
        %add3A_170 = vector.broadcast %add3A_169 : i32 to vector<16xi32>
        %add3A_171 = arith.addi %iota3A, %add3A_170 : vector<16xi32>
        %gather3A_172 = tpu.vector_load_idx %arg13[%add3A_168, %add3A_171] : memref<512x64xf32, #tpu.memory_space<vmem>>[vector<16xi32>, vector<16xi32>], vector<16xf32>,
        %add3A_173 = arith.constant 16 : i32
        %add3A_174 = vector.broadcast %add3A_173 : i32 to vector<16xi32>
        %add3A_175 = arith.addi %iota3A, %add3A_174 : vector<16xi32>
        tpu.vector_store_idx %arg14[%gather3A, %add3A_175], %gather3A_172 {add = true} : memref<512x64xf32, #tpu.memory_space<vmem>>[vector<16xi32>, vector<16xi32>], vector<16xf32>,
        %add3A_176 = vector.broadcast %while3A_149 : i32 to vector<16xi32>
        %add3A_177 = arith.addi %broadcast_in_dim3A_151, %add3A_176 : vector<16xi32>
        %add3A_178 = arith.constant 32 : i32
        %add3A_179 = vector.broadcast %add3A_178 : i32 to vector<16xi32>
        %add3A_180 = arith.addi %iota3A, %add3A_179 : vector<16xi32>
        %gather3A_181 = tpu.vector_load_idx %arg13[%add3A_177, %add3A_180] : memref<512x64xf32, #tpu.memory_space<vmem>>[vector<16xi32>, vector<16xi32>], vector<16xf32>,
        %add3A_182 = arith.constant 32 : i32
        %add3A_183 = vector.broadcast %add3A_182 : i32 to vector<16xi32>
        %add3A_184 = arith.addi %iota3A, %add3A_183 : vector<16xi32>
        tpu.vector_store_idx %arg14[%gather3A, %add3A_184], %gather3A_181 {add = true} : memref<512x64xf32, #tpu.memory_space<vmem>>[vector<16xi32>, vector<16xi32>], vector<16xf32>,
        %add3A_185 = vector.broadcast %while3A_149 : i32 to vector<16xi32>
        %add3A_186 = arith.addi %broadcast_in_dim3A_151, %add3A_185 : vector<16xi32>
        %add3A_187 = arith.constant 48 : i32
        %add3A_188 = vector.broadcast %add3A_187 : i32 to vector<16xi32>
        %add3A_189 = arith.addi %iota3A, %add3A_188 : vector<16xi32>
        %gather3A_190 = tpu.vector_load_idx %arg13[%add3A_186, %add3A_189] : memref<512x64xf32, #tpu.memory_space<vmem>>[vector<16xi32>, vector<16xi32>], vector<16xf32>,
        %add3A_191 = arith.constant 48 : i32
        %add3A_192 = vector.broadcast %add3A_191 : i32 to vector<16xi32>
        %add3A_193 = arith.addi %iota3A, %add3A_192 : vector<16xi32>
        tpu.vector_store_idx %arg14[%gather3A, %add3A_193], %gather3A_190 {add = true} : memref<512x64xf32, #tpu.memory_space<vmem>>[vector<16xi32>, vector<16xi32>], vector<16xf32>,
        %while3A_194 = arith.constant 0 : i32
        scf.yield %while3A_194 : i32
      }
      %while3A_146 = arith.constant 1 : i32
      %while3A_147 = scf.for %while3A_149 = %while3A_143 to %while3A_139 step %while3A_146 iter_args(%while3A_150 = %while3A_145) -> (i32)  : i32 {
        %broadcast_in_dim3A = arith.constant 0 : i32
        %broadcast_in_dim3A_151 = vector.broadcast %broadcast_in_dim3A : i32 to vector<16xi32>
        %mul3A_152 = arith.constant 512 : i32
        %mul3A_153 = arith.muli %while3A_121, %mul3A_152 : i32
        %add3A_154 = vector.broadcast %mul3A_153 : i32 to vector<16xi32>
        %add3A_155 = arith.addi %broadcast_in_dim3A_151, %add3A_154 : vector<16xi32>
        %add3A_156 = vector.broadcast %while3A_149 : i32 to vector<16xi32>
        %add3A_157 = arith.addi %add3A_155, %add3A_156 : vector<16xi32>
        %gather3A = tpu.vector_load_idx %arg12[%add3A_157] : memref<2240xi32, #tpu.memory_space<vmem>>[vector<16xi32>], vector<16xi32>,
        %add3A_158 = vector.broadcast %while3A_149 : i32 to vector<16xi32>
        %add3A_159 = arith.addi %broadcast_in_dim3A_151, %add3A_158 : vector<16xi32>
        %add3A_160 = arith.constant 0 : i32
        %add3A_161 = vector.broadcast %add3A_160 : i32 to vector<16xi32>
        %add3A_162 = arith.addi %iota3A, %add3A_161 : vector<16xi32>
        %gather3A_163 = tpu.vector_load_idx %arg13[%add3A_159, %add3A_162] : memref<512x64xf32, #tpu.memory_space<vmem>>[vector<16xi32>, vector<16xi32>], vector<16xf32>,
        %add3A_164 = arith.constant 0 : i32
        %add3A_165 = vector.broadcast %add3A_164 : i32 to vector<16xi32>
        %add3A_166 = arith.addi %iota3A, %add3A_165 : vector<16xi32>
        tpu.vector_store_idx %arg14[%gather3A, %add3A_166], %gather3A_163 {add = true} : memref<512x64xf32, #tpu.memory_space<vmem>>[vector<16xi32>, vector<16xi32>], vector<16xf32>,
        %add3A_167 = vector.broadcast %while3A_149 : i32 to vector<16xi32>
        %add3A_168 = arith.addi %broadcast_in_dim3A_151, %add3A_167 : vector<16xi32>
        %add3A_169 = arith.constant 16 : i32
        %add3A_170 = vector.broadcast %add3A_169 : i32 to vector<16xi32>
        %add3A_171 = arith.addi %iota3A, %add3A_170 : vector<16xi32>
        %gather3A_172 = tpu.vector_load_idx %arg13[%add3A_168, %add3A_171] : memref<512x64xf32, #tpu.memory_space<vmem>>[vector<16xi32>, vector<16xi32>], vector<16xf32>,
        %add3A_173 = arith.constant 16 : i32
        %add3A_174 = vector.broadcast %add3A_173 : i32 to vector<16xi32>
        %add3A_175 = arith.addi %iota3A, %add3A_174 : vector<16xi32>
        tpu.vector_store_idx %arg14[%gather3A, %add3A_175], %gather3A_172 {add = true} : memref<512x64xf32, #tpu.memory_space<vmem>>[vector<16xi32>, vector<16xi32>], vector<16xf32>,
        %add3A_176 = vector.broadcast %while3A_149 : i32 to vector<16xi32>
        %add3A_177 = arith.addi %broadcast_in_dim3A_151, %add3A_176 : vector<16xi32>
        %add3A_178 = arith.constant 32 : i32
        %add3A_179 = vector.broadcast %add3A_178 : i32 to vector<16xi32>
        %add3A_180 = arith.addi %iota3A, %add3A_179 : vector<16xi32>
        %gather3A_181 = tpu.vector_load_idx %arg13[%add3A_177, %add3A_180] : memref<512x64xf32, #tpu.memory_space<vmem>>[vector<16xi32>, vector<16xi32>], vector<16xf32>,
        %add3A_182 = arith.constant 32 : i32
        %add3A_183 = vector.broadcast %add3A_182 : i32 to vector<16xi32>
        %add3A_184 = arith.addi %iota3A, %add3A_183 : vector<16xi32>
        tpu.vector_store_idx %arg14[%gather3A, %add3A_184], %gather3A_181 {add = true} : memref<512x64xf32, #tpu.memory_space<vmem>>[vector<16xi32>, vector<16xi32>], vector<16xf32>,
        %add3A_185 = vector.broadcast %while3A_149 : i32 to vector<16xi32>
        %add3A_186 = arith.addi %broadcast_in_dim3A_151, %add3A_185 : vector<16xi32>
        %add3A_187 = arith.constant 48 : i32
        %add3A_188 = vector.broadcast %add3A_187 : i32 to vector<16xi32>
        %add3A_189 = arith.addi %iota3A, %add3A_188 : vector<16xi32>
        %gather3A_190 = tpu.vector_load_idx %arg13[%add3A_186, %add3A_189] : memref<512x64xf32, #tpu.memory_space<vmem>>[vector<16xi32>, vector<16xi32>], vector<16xf32>,
        %add3A_191 = arith.constant 48 : i32
        %add3A_192 = vector.broadcast %add3A_191 : i32 to vector<16xi32>
        %add3A_193 = arith.addi %iota3A, %add3A_192 : vector<16xi32>
        tpu.vector_store_idx %arg14[%gather3A, %add3A_193], %gather3A_190 {add = true} : memref<512x64xf32, #tpu.memory_space<vmem>>[vector<16xi32>, vector<16xi32>], vector<16xf32>,
        %while3A_194 = arith.constant 0 : i32
        scf.yield %while3A_194 : i32
      }
      %while3A_148 = arith.constant 0 : i32
      scf.yield %while3A_148 : i32
    }
    %while3A_119 = arith.constant 1 : i32
    %while3A_120 = scf.for %while3A_121 = %while3A_116 to %while3A_112 step %while3A_119 iter_args(%while3A_122 = %while3A_118) -> (i32)  : i32 {
      %mul3A_123 = arith.constant 512 : i32
      %mul3A_124 = arith.muli %while3A_121, %mul3A_123 : i32
      %dma_start3A = tpu.memref_slice %arg11[%mul3A_124] : memref<2240xi32, #tpu.memory_space<vmem>> -> memref<512xi32, #tpu.memory_space<vmem>>
      %dma_start3A_125 = arith.constant 0 : i32
      %dma_start3A_126 = arith.constant 0 : i32
      %dma_start3A_127 = tpu.memref_slice %arg2[%dma_start3A_125, %dma_start3A_126] : memref<65536x64xf32, #tpu.memory_space<hbm>> -> memref<65536x64xf32, #tpu.memory_space<hbm>>
      tpu.enqueue_indirect_dma source(%dma_start3A_127 : memref<65536x64xf32, #tpu.memory_space<hbm>>) target(%arg13 : memref<512x64xf32, #tpu.memory_space<vmem>>) offsets(%dma_start3A : memref<512xi32, #tpu.memory_space<vmem>>) semaphore(%arg15 : memref<!tpu.dma_semaphore, #tpu.memory_space<semaphore_mem>>)
      %dma_wait3A = tpu.memref_slice %arg11[%mul3A_124] : memref<2240xi32, #tpu.memory_space<vmem>> -> memref<512xi32, #tpu.memory_space<vmem>>
      %dma_wait3A_128 = arith.constant 0 : i32
      %dma_wait3A_129 = arith.constant 0 : i32
      %dma_wait3A_130 = tpu.memref_slice %arg2[%dma_wait3A_128, %dma_wait3A_129] : memref<65536x64xf32, #tpu.memory_space<hbm>> -> memref<65536x64xf32, #tpu.memory_space<hbm>>
      tpu.wait_indirect_dma semaphore(%arg15 : memref<!tpu.dma_semaphore, #tpu.memory_space<semaphore_mem>>) src(%dma_wait3A_130 : memref<65536x64xf32, #tpu.memory_space<hbm>>) dst(%arg13 : memref<512x64xf32, #tpu.memory_space<vmem>>)
      %mul3A_131 = arith.constant 512 : i32
      %mul3A_132 = arith.muli %while3A_121, %mul3A_131 : i32
      %sub3A_133 = arith.subi %scan3A_80, %mul3A_132 : i32
      %min3A_134 = arith.constant 512 : i32
      %min3A_135 = arith.minsi %sub3A_133, %min3A_134 : i32
      %while3A_136 = arith.constant 0 : i32
      %while3A_137 = arith.constant 0 : i32
      %while3A_138 = arith.subi %min3A_135, %while3A_136 : i32
      %while3A_139 = arith.addi %while3A_136, %while3A_138 : i32
      %while3A_140 = arith.constant 1 : i32
      %while3A_141 = arith.divsi %while3A_138, %while3A_140 : i32
      %while3A_142 = arith.muli %while3A_141, %while3A_140 : i32
      %while3A_143 = arith.addi %while3A_136, %while3A_142 : i32
      %while3A_144 = arith.constant 1 : i32
      %while3A_145 = scf.for %while3A_149 = %while3A_136 to %while3A_143 step %while3A_144 iter_args(%while3A_150 = %while3A_137) -> (i32)  : i32 {
        %broadcast_in_dim3A = arith.constant 0 : i32
        %broadcast_in_dim3A_151 = vector.broadcast %broadcast_in_dim3A : i32 to vector<16xi32>
        %mul3A_152 = arith.constant 512 : i32
        %mul3A_153 = arith.muli %while3A_121, %mul3A_152 : i32
        %add3A_154 = vector.broadcast %mul3A_153 : i32 to vector<16xi32>
        %add3A_155 = arith.addi %broadcast_in_dim3A_151, %add3A_154 : vector<16xi32>
        %add3A_156 = vector.broadcast %while3A_149 : i32 to vector<16xi32>
        %add3A_157 = arith.addi %add3A_155, %add3A_156 : vector<16xi32>
        %gather3A = tpu.vector_load_idx %arg12[%add3A_157] : memref<2240xi32, #tpu.memory_space<vmem>>[vector<16xi32>], vector<16xi32>,
        %add3A_158 = vector.broadcast %while3A_149 : i32 to vector<16xi32>
        %add3A_159 = arith.addi %broadcast_in_dim3A_151, %add3A_158 : vector<16xi32>
        %add3A_160 = arith.constant 0 : i32
        %add3A_161 = vector.broadcast %add3A_160 : i32 to vector<16xi32>
        %add3A_162 = arith.addi %iota3A, %add3A_161 : vector<16xi32>
        %gather3A_163 = tpu.vector_load_idx %arg13[%add3A_159, %add3A_162] : memref<512x64xf32, #tpu.memory_space<vmem>>[vector<16xi32>, vector<16xi32>], vector<16xf32>,
        %add3A_164 = arith.constant 0 : i32
        %add3A_165 = vector.broadcast %add3A_164 : i32 to vector<16xi32>
        %add3A_166 = arith.addi %iota3A, %add3A_165 : vector<16xi32>
        tpu.vector_store_idx %arg14[%gather3A, %add3A_166], %gather3A_163 {add = true} : memref<512x64xf32, #tpu.memory_space<vmem>>[vector<16xi32>, vector<16xi32>], vector<16xf32>,
        %add3A_167 = vector.broadcast %while3A_149 : i32 to vector<16xi32>
        %add3A_168 = arith.addi %broadcast_in_dim3A_151, %add3A_167 : vector<16xi32>
        %add3A_169 = arith.constant 16 : i32
        %add3A_170 = vector.broadcast %add3A_169 : i32 to vector<16xi32>
        %add3A_171 = arith.addi %iota3A, %add3A_170 : vector<16xi32>
        %gather3A_172 = tpu.vector_load_idx %arg13[%add3A_168, %add3A_171] : memref<512x64xf32, #tpu.memory_space<vmem>>[vector<16xi32>, vector<16xi32>], vector<16xf32>,
        %add3A_173 = arith.constant 16 : i32
        %add3A_174 = vector.broadcast %add3A_173 : i32 to vector<16xi32>
        %add3A_175 = arith.addi %iota3A, %add3A_174 : vector<16xi32>
        tpu.vector_store_idx %arg14[%gather3A, %add3A_175], %gather3A_172 {add = true} : memref<512x64xf32, #tpu.memory_space<vmem>>[vector<16xi32>, vector<16xi32>], vector<16xf32>,
        %add3A_176 = vector.broadcast %while3A_149 : i32 to vector<16xi32>
        %add3A_177 = arith.addi %broadcast_in_dim3A_151, %add3A_176 : vector<16xi32>
        %add3A_178 = arith.constant 32 : i32
        %add3A_179 = vector.broadcast %add3A_178 : i32 to vector<16xi32>
        %add3A_180 = arith.addi %iota3A, %add3A_179 : vector<16xi32>
        %gather3A_181 = tpu.vector_load_idx %arg13[%add3A_177, %add3A_180] : memref<512x64xf32, #tpu.memory_space<vmem>>[vector<16xi32>, vector<16xi32>], vector<16xf32>,
        %add3A_182 = arith.constant 32 : i32
        %add3A_183 = vector.broadcast %add3A_182 : i32 to vector<16xi32>
        %add3A_184 = arith.addi %iota3A, %add3A_183 : vector<16xi32>
        tpu.vector_store_idx %arg14[%gather3A, %add3A_184], %gather3A_181 {add = true} : memref<512x64xf32, #tpu.memory_space<vmem>>[vector<16xi32>, vector<16xi32>], vector<16xf32>,
        %add3A_185 = vector.broadcast %while3A_149 : i32 to vector<16xi32>
        %add3A_186 = arith.addi %broadcast_in_dim3A_151, %add3A_185 : vector<16xi32>
        %add3A_187 = arith.constant 48 : i32
        %add3A_188 = vector.broadcast %add3A_187 : i32 to vector<16xi32>
        %add3A_189 = arith.addi %iota3A, %add3A_188 : vector<16xi32>
        %gather3A_190 = tpu.vector_load_idx %arg13[%add3A_186, %add3A_189] : memref<512x64xf32, #tpu.memory_space<vmem>>[vector<16xi32>, vector<16xi32>], vector<16xf32>,
        %add3A_191 = arith.constant 48 : i32
        %add3A_192 = vector.broadcast %add3A_191 : i32 to vector<16xi32>
        %add3A_193 = arith.addi %iota3A, %add3A_192 : vector<16xi32>
        tpu.vector_store_idx %arg14[%gather3A, %add3A_193], %gather3A_190 {add = true} : memref<512x64xf32, #tpu.memory_space<vmem>>[vector<16xi32>, vector<16xi32>], vector<16xf32>,
        %while3A_194 = arith.constant 0 : i32
        scf.yield %while3A_194 : i32
      }
      %while3A_146 = arith.constant 1 : i32
      %while3A_147 = scf.for %while3A_149 = %while3A_143 to %while3A_139 step %while3A_146 iter_args(%while3A_150 = %while3A_145) -> (i32)  : i32 {
        %broadcast_in_dim3A = arith.constant 0 : i32
        %broadcast_in_dim3A_151 = vector.broadcast %broadcast_in_dim3A : i32 to vector<16xi32>
        %mul3A_152 = arith.constant 512 : i32
        %mul3A_153 = arith.muli %while3A_121, %mul3A_152 : i32
        %add3A_154 = vector.broadcast %mul3A_153 : i32 to vector<16xi32>
        %add3A_155 = arith.addi %broadcast_in_dim3A_151, %add3A_154 : vector<16xi32>
        %add3A_156 = vector.broadcast %while3A_149 : i32 to vector<16xi32>
        %add3A_157 = arith.addi %add3A_155, %add3A_156 : vector<16xi32>
        %gather3A = tpu.vector_load_idx %arg12[%add3A_157] : memref<2240xi32, #tpu.memory_space<vmem>>[vector<16xi32>], vector<16xi32>,
        %add3A_158 = vector.broadcast %while3A_149 : i32 to vector<16xi32>
        %add3A_159 = arith.addi %broadcast_in_dim3A_151, %add3A_158 : vector<16xi32>
        %add3A_160 = arith.constant 0 : i32
        %add3A_161 = vector.broadcast %add3A_160 : i32 to vector<16xi32>
        %add3A_162 = arith.addi %iota3A, %add3A_161 : vector<16xi32>
        %gather3A_163 = tpu.vector_load_idx %arg13[%add3A_159, %add3A_162] : memref<512x64xf32, #tpu.memory_space<vmem>>[vector<16xi32>, vector<16xi32>], vector<16xf32>,
        %add3A_164 = arith.constant 0 : i32
        %add3A_165 = vector.broadcast %add3A_164 : i32 to vector<16xi32>
        %add3A_166 = arith.addi %iota3A, %add3A_165 : vector<16xi32>
        tpu.vector_store_idx %arg14[%gather3A, %add3A_166], %gather3A_163 {add = true} : memref<512x64xf32, #tpu.memory_space<vmem>>[vector<16xi32>, vector<16xi32>], vector<16xf32>,
        %add3A_167 = vector.broadcast %while3A_149 : i32 to vector<16xi32>
        %add3A_168 = arith.addi %broadcast_in_dim3A_151, %add3A_167 : vector<16xi32>
        %add3A_169 = arith.constant 16 : i32
        %add3A_170 = vector.broadcast %add3A_169 : i32 to vector<16xi32>
        %add3A_171 = arith.addi %iota3A, %add3A_170 : vector<16xi32>
        %gather3A_172 = tpu.vector_load_idx %arg13[%add3A_168, %add3A_171] : memref<512x64xf32, #tpu.memory_space<vmem>>[vector<16xi32>, vector<16xi32>], vector<16xf32>,
        %add3A_173 = arith.constant 16 : i32
        %add3A_174 = vector.broadcast %add3A_173 : i32 to vector<16xi32>
        %add3A_175 = arith.addi %iota3A, %add3A_174 : vector<16xi32>
        tpu.vector_store_idx %arg14[%gather3A, %add3A_175], %gather3A_172 {add = true} : memref<512x64xf32, #tpu.memory_space<vmem>>[vector<16xi32>, vector<16xi32>], vector<16xf32>,
        %add3A_176 = vector.broadcast %while3A_149 : i32 to vector<16xi32>
        %add3A_177 = arith.addi %broadcast_in_dim3A_151, %add3A_176 : vector<16xi32>
        %add3A_178 = arith.constant 32 : i32
        %add3A_179 = vector.broadcast %add3A_178 : i32 to vector<16xi32>
        %add3A_180 = arith.addi %iota3A, %add3A_179 : vector<16xi32>
        %gather3A_181 = tpu.vector_load_idx %arg13[%add3A_177, %add3A_180] : memref<512x64xf32, #tpu.memory_space<vmem>>[vector<16xi32>, vector<16xi32>], vector<16xf32>,
        %add3A_182 = arith.constant 32 : i32
        %add3A_183 = vector.broadcast %add3A_182 : i32 to vector<16xi32>
        %add3A_184 = arith.addi %iota3A, %add3A_183 : vector<16xi32>
        tpu.vector_store_idx %arg14[%gather3A, %add3A_184], %gather3A_181 {add = true} : memref<512x64xf32, #tpu.memory_space<vmem>>[vector<16xi32>, vector<16xi32>], vector<16xf32>,
        %add3A_185 = vector.broadcast %while3A_149 : i32 to vector<16xi32>
        %add3A_186 = arith.addi %broadcast_in_dim3A_151, %add3A_185 : vector<16xi32>
        %add3A_187 = arith.constant 48 : i32
        %add3A_188 = vector.broadcast %add3A_187 : i32 to vector<16xi32>
        %add3A_189 = arith.addi %iota3A, %add3A_188 : vector<16xi32>
        %gather3A_190 = tpu.vector_load_idx %arg13[%add3A_186, %add3A_189] : memref<512x64xf32, #tpu.memory_space<vmem>>[vector<16xi32>, vector<16xi32>], vector<16xf32>,
        %add3A_191 = arith.constant 48 : i32
        %add3A_192 = vector.broadcast %add3A_191 : i32 to vector<16xi32>
        %add3A_193 = arith.addi %iota3A, %add3A_192 : vector<16xi32>
        tpu.vector_store_idx %arg14[%gather3A, %add3A_193], %gather3A_190 {add = true} : memref<512x64xf32, #tpu.memory_space<vmem>>[vector<16xi32>, vector<16xi32>], vector<16xf32>,
        %while3A_194 = arith.constant 0 : i32
        scf.yield %while3A_194 : i32
      }
      %while3A_148 = arith.constant 0 : i32
      scf.yield %while3A_148 : i32
    }
    "tpu.region"() ({
      %run_scoped3A = tpu.sem_alloc : memref<!tpu.dma_semaphore, #tpu.memory_space<semaphore_mem>>
      %dma_start3A = arith.constant 0 : i32
      %dma_start3A_121 = arith.constant 0 : i32
      %dma_start3A_122 = tpu.memref_slice %arg6[%add3A, %dma_start3A, %dma_start3A_121] : memref<32x512x64xf32, #tpu.memory_space<hbm>> -> memref<1x512x64xf32, #tpu.memory_space<hbm>>
      %dma_start3A_123 = tpu.memref_squeeze %dma_start3A_122 : memref<1x512x64xf32, #tpu.memory_space<hbm>> -> memref<512x64xf32, #tpu.memory_space<hbm>>
      %dma_start3A_124 = arith.constant 0 : i32
      %dma_start3A_125 = arith.constant 0 : i32
      %dma_start3A_126 = tpu.memref_slice %arg6[%add3A, %dma_start3A_124, %dma_start3A_125] : memref<32x512x64xf32, #tpu.memory_space<hbm>> -> memref<1x512x64xf32, #tpu.memory_space<hbm>>
      %dma_start3A_127 = tpu.memref_squeeze %dma_start3A_126 : memref<1x512x64xf32, #tpu.memory_space<hbm>> -> memref<512x64xf32, #tpu.memory_space<hbm>>
      tpu.enqueue_dma source(%arg14 : memref<512x64xf32, #tpu.memory_space<vmem>>) target(%dma_start3A_127 : memref<512x64xf32, #tpu.memory_space<hbm>>) target_semaphore(%run_scoped3A : memref<!tpu.dma_semaphore, #tpu.memory_space<semaphore_mem>>)
      %dma_wait3A = arith.constant 0 : i32
      %dma_wait3A_128 = arith.constant 0 : i32
      %dma_wait3A_129 = tpu.memref_slice %arg6[%add3A, %dma_wait3A, %dma_wait3A_128] : memref<32x512x64xf32, #tpu.memory_space<hbm>> -> memref<1x512x64xf32, #tpu.memory_space<hbm>>
      %dma_wait3A_130 = tpu.memref_squeeze %dma_wait3A_129 : memref<1x512x64xf32, #tpu.memory_space<hbm>> -> memref<512x64xf32, #tpu.memory_space<hbm>>
      %dma_wait3A_131 = arith.constant 0 : i32
      %dma_wait3A_132 = arith.constant 0 : i32
      %dma_wait3A_133 = tpu.memref_slice %arg6[%add3A, %dma_wait3A_131, %dma_wait3A_132] : memref<32x512x64xf32, #tpu.memory_space<hbm>> -> memref<1x512x64xf32, #tpu.memory_space<hbm>>
      %dma_wait3A_134 = tpu.memref_squeeze %dma_wait3A_133 : memref<1x512x64xf32, #tpu.memory_space<hbm>> -> memref<512x64xf32, #tpu.memory_space<hbm>>
      tpu.wait_dma2 semaphore(%run_scoped3A : memref<!tpu.dma_semaphore, #tpu.memory_space<semaphore_mem>>) src(%arg14 : memref<512x64xf32, #tpu.memory_space<vmem>>) dst(%dma_wait3A_134 : memref<512x64xf32, #tpu.memory_space<hbm>>)
      tpu.yield
    }) : () -> ()
    return
  }
}

#map = affine_map<(d0, d1) -> (0, 0)>
#map1 = affine_map<(d0, d1) -> (0)>
#map2 = affine_map<(d0, d1) -> (0, 0, 0)>
module attributes {stable_mosaic.version = 14 : i64} {
  func.func @_segsum_sc_body(%arg0: i32, %arg1: i32, %arg2: memref<65536x64xf32, #tpu.memory_space<hbm>>, %arg3: memref<65536xi32, #tpu.memory_space<hbm>>, %arg4: memref<65536xi32, #tpu.memory_space<hbm>>, %arg5: memref<512xf32, #tpu.memory_space<hbm>>, %arg6: memref<32x512x64xf32, #tpu.memory_space<hbm>>, %arg7: memref<512xf32, #tpu.memory_space<vmem>>, %arg8: memref<512xi32, #tpu.memory_space<vmem>>, %arg9: memref<4096xi32, #tpu.memory_space<vmem>>, %arg10: memref<4096xi32, #tpu.memory_space<vmem>>, %arg11: memref<2240xi32, #tpu.memory_space<vmem>>, %arg12: memref<2240xi32, #tpu.memory_space<vmem>>, %arg13: memref<512x64xf32, #tpu.memory_space<vmem>>, %arg14: memref<512x64xf32, #tpu.memory_space<vmem>>, %arg15: memref<!tpu.dma_semaphore, #tpu.memory_space<semaphore_mem>>) attributes {dimension_semantics = [#tpu.dimension_semantics<core_parallel>, #tpu.dimension_semantics<subcore_parallel>], iteration_bounds = array<i64: 2, 16>, scalar_prefetch = 0 : i64, scratch_operands = 9 : i64, tpu.core_type = #tpu.core_type<sc_vector_subcore>, window_params = [{transform_indices = #map}, {transform_indices = #map1}, {transform_indices = #map1}, {transform_indices = #map1}, {transform_indices = #map2}]} {
    %mul3A = arith.constant 2 : i32
    %mul3A_0 = arith.muli %arg1, %mul3A : i32
    %add3A = arith.addi %mul3A_0, %arg0 : i32
    %jit3A = arith.constant 16 : i32
    %eq3A = arith.constant 0 : i32
    %eq3A_1 = arith.cmpi eq, %jit3A, %eq3A : i32
    %jit3A_2 = arith.constant 1 : i32
    %select_n3A = arith.select %eq3A_1, %jit3A_2, %jit3A : i32
    %rem3A = arith.remsi %add3A, %select_n3A : i32
    %ne3A = arith.constant 0 : i32
    %ne3A_3 = arith.cmpi ne, %rem3A, %ne3A : i32
    %lt3A = arith.constant 0 : i32
    %lt3A_4 = arith.cmpi slt, %rem3A, %lt3A : i32
    %lt3A_5 = arith.constant 0 : i32
    %lt3A_6 = arith.cmpi slt, %select_n3A, %lt3A_5 : i32
    %ne3A_7 = arith.xori %lt3A_4, %lt3A_6 : i1
    %and3A = arith.andi %ne3A_7, %ne3A_3 : i1
    %add3A_8 = arith.addi %rem3A, %select_n3A : i32
    %select_n3A_9 = arith.select %and3A, %add3A_8, %rem3A : i32
    %jit3A_10 = arith.constant 16 : i32
    %div3A = arith.divsi %add3A, %jit3A_10 : i32
    %sign3A = arith.constant 0 : i32
    %sign3A_11 = arith.cmpi sgt, %add3A, %sign3A : i32
    %sign3A_12 = arith.extui %sign3A_11 : i1 to i32
    %sign3A_13 = arith.constant 0 : i32
    %sign3A_14 = arith.cmpi slt, %add3A, %sign3A_13 : i32
    %sign3A_15 = arith.extui %sign3A_14 : i1 to i32
    %sign3A_16 = arith.subi %sign3A_12, %sign3A_15 : i32
    %sign3A_17 = arith.constant 0 : i32
    %sign3A_18 = arith.cmpi sgt, %jit3A_10, %sign3A_17 : i32
    %sign3A_19 = arith.extui %sign3A_18 : i1 to i32
    %sign3A_20 = arith.constant 0 : i32
    %sign3A_21 = arith.cmpi slt, %jit3A_10, %sign3A_20 : i32
    %sign3A_22 = arith.extui %sign3A_21 : i1 to i32
    %sign3A_23 = arith.subi %sign3A_19, %sign3A_22 : i32
    %ne3A_24 = arith.cmpi ne, %sign3A_16, %sign3A_23 : i32
    %rem3A_25 = arith.remsi %add3A, %jit3A_10 : i32
    %ne3A_26 = arith.constant 0 : i32
    %ne3A_27 = arith.cmpi ne, %rem3A_25, %ne3A_26 : i32
    %and3A_28 = arith.andi %ne3A_24, %ne3A_27 : i1
    %sub3A = arith.constant 1 : i32
    %sub3A_29 = arith.subi %div3A, %sub3A : i32
    %select_n3A_30 = arith.select %and3A_28, %sub3A_29, %div3A : i32
    %mul3A_31 = arith.constant 32768 : i32
    %mul3A_32 = arith.muli %select_n3A_30, %mul3A_31 : i32
    %min3A = arith.constant 7 : i32
    %min3A_33 = arith.minsi %select_n3A_9, %min3A : i32
    %mul3A_34 = arith.constant 2240 : i32
    %mul3A_35 = arith.muli %min3A_33, %mul3A_34 : i32
    %add3A_36 = arith.addi %mul3A_32, %mul3A_35 : i32
    %min3A_37 = arith.constant 15 : i32
    %min3A_38 = arith.minsi %select_n3A_9, %min3A_37 : i32
    %sub3A_39 = arith.constant 7 : i32
    %sub3A_40 = arith.subi %min3A_38, %sub3A_39 : i32
    %max3A = arith.constant 0 : i32
    %max3A_41 = arith.maxsi %sub3A_40, %max3A : i32
    %mul3A_42 = arith.constant 1920 : i32
    %mul3A_43 = arith.muli %max3A_41, %mul3A_42 : i32
    %add3A_44 = arith.addi %add3A_36, %mul3A_43 : i32
    %lt3A_45 = arith.constant 7 : i32
    %lt3A_46 = arith.cmpi slt, %select_n3A_9, %lt3A_45 : i32
    %lt3A_47 = arith.constant 15 : i32
    %lt3A_48 = arith.cmpi slt, %select_n3A_9, %lt3A_47 : i32
    %jit3A_49 = arith.constant 1920 : i32
    %jit3A_50 = arith.constant 1728 : i32
    %select_n3A_51 = arith.select %lt3A_48, %jit3A_49, %jit3A_50 : i32
    %jit3A_52 = arith.constant 2240 : i32
    %select_n3A_53 = arith.select %lt3A_46, %jit3A_52, %select_n3A_51 : i32
    %add3A_54 = arith.addi %add3A_44, %select_n3A_53 : i32
    %iota3A = tpu.iota {dimensions = array<i32: 0>} : vector<16xi32>
    "tpu.region"() ({
      %run_scoped3A = tpu.sem_alloc : memref<!tpu.dma_semaphore, #tpu.memory_space<semaphore_mem>>
      tpu.enqueue_dma source(%arg5 : memref<512xf32, #tpu.memory_space<hbm>>) target(%arg7 : memref<512xf32, #tpu.memory_space<vmem>>) target_semaphore(%run_scoped3A : memref<!tpu.dma_semaphore, #tpu.memory_space<semaphore_mem>>)
      tpu.wait_dma2 semaphore(%run_scoped3A : memref<!tpu.dma_semaphore, #tpu.memory_space<semaphore_mem>>) src(%arg5 : memref<512xf32, #tpu.memory_space<hbm>>) dst(%arg7 : memref<512xf32, #tpu.memory_space<vmem>>)
      tpu.yield
    }) : () -> ()
    %scan3A = arith.constant 0 : i32
    %scan3A_55 = arith.constant 0 : i32
    %scan3A_56 = arith.constant 32 : i32
    %scan3A_57 = arith.addi %scan3A_55, %scan3A_56 : i32
    %scan3A_58 = arith.constant 1 : i32
    %scan3A_59 = scf.for %scan3A_121 = %scan3A_55 to %scan3A_57 step %scan3A_58 iter_args(%scan3A_122 = %scan3A) -> (i32)  : i32 {
      %mul3A_123 = arith.constant 16 : i32
      %mul3A_124 = arith.muli %mul3A_123, %scan3A_121 : i32
      %get3A = arith.index_cast %mul3A_124 : i32 to index
      %get3A_125 = tpu.vector_load %arg7[%get3A] {strides = array<i32>} : memref<512xf32, #tpu.memory_space<vmem>>, vector<16xf32>,
      %convert_element_type3A = arith.fptosi %get3A_125 : vector<16xf32> to vector<16xi32>
      %broadcast_in_dim3A = arith.constant true
      %broadcast_in_dim3A_126 = vector.broadcast %broadcast_in_dim3A : i1 to vector<16xi1>
      %masked_cumsum3A = tpu.scan <sum>, %convert_element_type3A masked %broadcast_in_dim3A_126 : vector<16xi32>, vector<16xi1> -> vector<16xi32>
      %sub3A_127 = arith.subi %masked_cumsum3A, %convert_element_type3A : vector<16xi32>
      %add3A_128 = vector.broadcast %scan3A_122 : i32 to vector<16xi32>
      %add3A_129 = arith.addi %sub3A_127, %add3A_128 : vector<16xi32>
      %mul3A_130 = arith.constant 16 : i32
      %mul3A_131 = arith.muli %mul3A_130, %scan3A_121 : i32
      %swap3A = arith.index_cast %mul3A_131 : i32 to index
      %swap3A_132 = tpu.vector_load %arg8[%swap3A] {strides = array<i32>} : memref<512xi32, #tpu.memory_space<vmem>>, vector<16xi32>,
      tpu.vector_store %arg8[%swap3A], %add3A_129 {strides = array<i32>} : memref<512xi32, #tpu.memory_space<vmem>>, vector<16xi32>,
      %reduce_max3A = arith.constant true
      %reduce_max3A_133 = vector.broadcast %reduce_max3A : i1 to vector<16xi1>
      %reduce_max3A_134 = arith.constant -2147483648 : i32
      %reduce_max3A_135 = vector.broadcast %reduce_max3A_134 : i32 to vector<16xi32>
      %reduce_max3A_136 = arith.xori %masked_cumsum3A, %reduce_max3A_135 : vector<16xi32>
      %reduce_max3A_137 = tpu.scan <max>, %reduce_max3A_136 masked %reduce_max3A_133 : vector<16xi32>, vector<16xi1> -> vector<16xi32>
      %reduce_max3A_138 = arith.xori %reduce_max3A_137, %reduce_max3A_135 : vector<16xi32>
      %reduce_max3A_139 = vector.extract %reduce_max3A_138[15] : i32 from vector<16xi32>
      %add3A_140 = arith.addi %scan3A_122, %reduce_max3A_139 : i32
      scf.yield %add3A_140 : i32
    }
    %scan3A_60 = arith.constant 32 : i32
    %scan3A_61 = arith.constant 0 : i32
    %scan3A_62 = arith.constant 0 : i32
    %scan3A_63 = arith.constant 512 : i32
    %scan3A_64 = arith.addi %scan3A_62, %scan3A_63 : i32
    %scan3A_65 = arith.constant 1 : i32
    %scan3A_66 = scf.for %scan3A_121 = %scan3A_62 to %scan3A_64 step %scan3A_65 iter_args(%scan3A_122 = %scan3A_61) -> (i32)  : i32 {
      %broadcast_in_dim3A = arith.constant 0.000000e+00 : f32
      %broadcast_in_dim3A_123 = vector.broadcast %broadcast_in_dim3A : f32 to vector<16xf32>
      %swap3A = arith.index_cast %scan3A_121 : i32 to index
      %swap3A_124 = arith.constant 0 : index
      %swap3A_125 = tpu.vector_load %arg14[%swap3A, %swap3A_124] {strides = array<i32>} : memref<512x64xf32, #tpu.memory_space<vmem>>, vector<16xf32>,
      tpu.vector_store %arg14[%swap3A, %swap3A_124], %broadcast_in_dim3A_123 {strides = array<i32>} : memref<512x64xf32, #tpu.memory_space<vmem>>, vector<16xf32>,
      %broadcast_in_dim3A_126 = arith.constant 0.000000e+00 : f32
      %broadcast_in_dim3A_127 = vector.broadcast %broadcast_in_dim3A_126 : f32 to vector<16xf32>
      %swap3A_128 = arith.index_cast %scan3A_121 : i32 to index
      %swap3A_129 = arith.constant 16 : index
      %swap3A_130 = tpu.vector_load %arg14[%swap3A_128, %swap3A_129] {strides = array<i32>} : memref<512x64xf32, #tpu.memory_space<vmem>>, vector<16xf32>,
      tpu.vector_store %arg14[%swap3A_128, %swap3A_129], %broadcast_in_dim3A_127 {strides = array<i32>} : memref<512x64xf32, #tpu.memory_space<vmem>>, vector<16xf32>,
      %broadcast_in_dim3A_131 = arith.constant 0.000000e+00 : f32
      %broadcast_in_dim3A_132 = vector.broadcast %broadcast_in_dim3A_131 : f32 to vector<16xf32>
      %swap3A_133 = arith.index_cast %scan3A_121 : i32 to index
      %swap3A_134 = arith.constant 32 : index
      %swap3A_135 = tpu.vector_load %arg14[%swap3A_133, %swap3A_134] {strides = array<i32>} : memref<512x64xf32, #tpu.memory_space<vmem>>, vector<16xf32>,
      tpu.vector_store %arg14[%swap3A_133, %swap3A_134], %broadcast_in_dim3A_132 {strides = array<i32>} : memref<512x64xf32, #tpu.memory_space<vmem>>, vector<16xf32>,
      %broadcast_in_dim3A_136 = arith.constant 0.000000e+00 : f32
      %broadcast_in_dim3A_137 = vector.broadcast %broadcast_in_dim3A_136 : f32 to vector<16xf32>
      %swap3A_138 = arith.index_cast %scan3A_121 : i32 to index
      %swap3A_139 = arith.constant 48 : index
      %swap3A_140 = tpu.vector_load %arg14[%swap3A_138, %swap3A_139] {strides = array<i32>} : memref<512x64xf32, #tpu.memory_space<vmem>>, vector<16xf32>,
      tpu.vector_store %arg14[%swap3A_138, %swap3A_139], %broadcast_in_dim3A_137 {strides = array<i32>} : memref<512x64xf32, #tpu.memory_space<vmem>>, vector<16xf32>,
      %scan3A_141 = arith.constant 0 : i32
      scf.yield %scan3A_141 : i32
    }
    %scan3A_67 = arith.constant 512 : i32
    %scan3A_68 = arith.constant 0 : i32
    %scan3A_69 = arith.constant 0 : i32
    %scan3A_70 = arith.constant 140 : i32
    %scan3A_71 = arith.addi %scan3A_69, %scan3A_70 : i32
    %scan3A_72 = arith.constant 1 : i32
    %scan3A_73 = scf.for %scan3A_121 = %scan3A_69 to %scan3A_71 step %scan3A_72 iter_args(%scan3A_122 = %scan3A_68) -> (i32)  : i32 {
      %broadcast_in_dim3A = arith.constant 0 : i32
      %broadcast_in_dim3A_123 = vector.broadcast %broadcast_in_dim3A : i32 to vector<16xi32>
      %mul3A_124 = arith.constant 16 : i32
      %mul3A_125 = arith.muli %mul3A_124, %scan3A_121 : i32
      %swap3A = arith.index_cast %mul3A_125 : i32 to index
      %swap3A_126 = tpu.vector_load %arg11[%swap3A] {strides = array<i32>} : memref<2240xi32, #tpu.memory_space<vmem>>, vector<16xi32>,
      tpu.vector_store %arg11[%swap3A], %broadcast_in_dim3A_123 {strides = array<i32>} : memref<2240xi32, #tpu.memory_space<vmem>>, vector<16xi32>,
      %scan3A_127 = arith.constant 0 : i32
      scf.yield %scan3A_127 : i32
    }
    %scan3A_74 = arith.constant 140 : i32
    %scan3A_75 = arith.constant 0 : i32
    %scan3A_76 = arith.constant 0 : i32
    %scan3A_77 = arith.constant 16 : i32
    %scan3A_78 = arith.addi %scan3A_76, %scan3A_77 : i32
    %scan3A_79 = arith.constant 1 : i32
    %scan3A_80 = scf.for %scan3A_121 = %scan3A_76 to %scan3A_78 step %scan3A_79 iter_args(%scan3A_122 = %scan3A_75) -> (i32)  : i32 {
      %mul3A_123 = arith.constant 4096 : i32
      %mul3A_124 = arith.muli %scan3A_121, %mul3A_123 : i32
      "tpu.region"() ({
        %run_scoped3A = tpu.sem_alloc : memref<!tpu.dma_semaphore, #tpu.memory_space<semaphore_mem>>
        %dma_start3A = tpu.memref_slice %arg3[%mul3A_124] : memref<65536xi32, #tpu.memory_space<hbm>> -> memref<4096xi32, #tpu.memory_space<hbm>>
        %dma_start3A_133 = tpu.memref_slice %arg3[%mul3A_124] : memref<65536xi32, #tpu.memory_space<hbm>> -> memref<4096xi32, #tpu.memory_space<hbm>>
        tpu.enqueue_dma source(%dma_start3A_133 : memref<4096xi32, #tpu.memory_space<hbm>>) target(%arg9 : memref<4096xi32, #tpu.memory_space<vmem>>) target_semaphore(%run_scoped3A : memref<!tpu.dma_semaphore, #tpu.memory_space<semaphore_mem>>)
        %dma_wait3A = tpu.memref_slice %arg3[%mul3A_124] : memref<65536xi32, #tpu.memory_space<hbm>> -> memref<4096xi32, #tpu.memory_space<hbm>>
        %dma_wait3A_134 = tpu.memref_slice %arg3[%mul3A_124] : memref<65536xi32, #tpu.memory_space<hbm>> -> memref<4096xi32, #tpu.memory_space<hbm>>
        tpu.wait_dma2 semaphore(%run_scoped3A : memref<!tpu.dma_semaphore, #tpu.memory_space<semaphore_mem>>) src(%dma_wait3A_134 : memref<4096xi32, #tpu.memory_space<hbm>>) dst(%arg9 : memref<4096xi32, #tpu.memory_space<vmem>>)
        tpu.yield
      }) : () -> ()
      %mul3A_125 = arith.constant 4096 : i32
      %mul3A_126 = arith.muli %scan3A_121, %mul3A_125 : i32
      "tpu.region"() ({
        %run_scoped3A = tpu.sem_alloc : memref<!tpu.dma_semaphore, #tpu.memory_space<semaphore_mem>>
        %dma_start3A = tpu.memref_slice %arg4[%mul3A_126] : memref<65536xi32, #tpu.memory_space<hbm>> -> memref<4096xi32, #tpu.memory_space<hbm>>
        %dma_start3A_133 = tpu.memref_slice %arg4[%mul3A_126] : memref<65536xi32, #tpu.memory_space<hbm>> -> memref<4096xi32, #tpu.memory_space<hbm>>
        tpu.enqueue_dma source(%dma_start3A_133 : memref<4096xi32, #tpu.memory_space<hbm>>) target(%arg10 : memref<4096xi32, #tpu.memory_space<vmem>>) target_semaphore(%run_scoped3A : memref<!tpu.dma_semaphore, #tpu.memory_space<semaphore_mem>>)
        %dma_wait3A = tpu.memref_slice %arg4[%mul3A_126] : memref<65536xi32, #tpu.memory_space<hbm>> -> memref<4096xi32, #tpu.memory_space<hbm>>
        %dma_wait3A_134 = tpu.memref_slice %arg4[%mul3A_126] : memref<65536xi32, #tpu.memory_space<hbm>> -> memref<4096xi32, #tpu.memory_space<hbm>>
        tpu.wait_dma2 semaphore(%run_scoped3A : memref<!tpu.dma_semaphore, #tpu.memory_space<semaphore_mem>>) src(%dma_wait3A_134 : memref<4096xi32, #tpu.memory_space<hbm>>) dst(%arg10 : memref<4096xi32, #tpu.memory_space<vmem>>)
        tpu.yield
      }) : () -> ()
      %scan3A_127 = arith.constant 0 : i32
      %scan3A_128 = arith.constant 256 : i32
      %scan3A_129 = arith.addi %scan3A_127, %scan3A_128 : i32
      %scan3A_130 = arith.constant 1 : i32
      %scan3A_131 = scf.for %scan3A_133 = %scan3A_127 to %scan3A_129 step %scan3A_130 iter_args(%scan3A_134 = %scan3A_122) -> (i32)  : i32 {
        %mul3A_135 = arith.constant 16 : i32
        %mul3A_136 = arith.muli %mul3A_135, %scan3A_133 : i32
        %get3A = arith.index_cast %mul3A_136 : i32 to index
        %get3A_137 = tpu.vector_load %arg9[%get3A] {strides = array<i32>} : memref<4096xi32, #tpu.memory_space<vmem>>, vector<16xi32>,
        %mul3A_138 = arith.constant 16 : i32
        %mul3A_139 = arith.muli %mul3A_138, %scan3A_133 : i32
        %get3A_140 = arith.index_cast %mul3A_139 : i32 to index
        %get3A_141 = tpu.vector_load %arg10[%get3A_140] {strides = array<i32>} : memref<4096xi32, #tpu.memory_space<vmem>>, vector<16xi32>,
        %gather3A = tpu.vector_load_idx %arg8[%get3A_137] : memref<512xi32, #tpu.memory_space<vmem>>[vector<16xi32>], vector<16xi32>,
        %add3A_142 = arith.addi %gather3A, %get3A_141 : vector<16xi32>
        %ge3A = vector.broadcast %add3A_44 : i32 to vector<16xi32>
        %ge3A_143 = arith.cmpi sge, %add3A_142, %ge3A : vector<16xi32>
        %lt3A_144 = vector.broadcast %add3A_54 : i32 to vector<16xi32>
        %lt3A_145 = arith.cmpi slt, %add3A_142, %lt3A_144 : vector<16xi32>
        %and3A_146 = arith.andi %ge3A_143, %lt3A_145 : vector<16xi1>
        %convert_element_type3A = arith.extui %and3A_146 : vector<16xi1> to vector<16xi32>
        %broadcast_in_dim3A = arith.constant true
        %broadcast_in_dim3A_147 = vector.broadcast %broadcast_in_dim3A : i1 to vector<16xi1>
        %masked_cumsum3A = tpu.scan <sum>, %convert_element_type3A masked %broadcast_in_dim3A_147 : vector<16xi32>, vector<16xi1> -> vector<16xi32>
        %sub3A_148 = arith.constant 1 : i32
        %sub3A_149 = vector.broadcast %sub3A_148 : i32 to vector<16xi32>
        %sub3A_150 = arith.subi %masked_cumsum3A, %sub3A_149 : vector<16xi32>
        %add3A_151 = vector.broadcast %scan3A_134 : i32 to vector<16xi32>
        %add3A_152 = arith.addi %sub3A_150, %add3A_151 : vector<16xi32>
        %mul3A_153 = arith.constant 4096 : i32
        %mul3A_154 = arith.muli %scan3A_121, %mul3A_153 : i32
        %mul3A_155 = arith.constant 16 : i32
        %mul3A_156 = arith.muli %mul3A_155, %scan3A_133 : i32
        %add3A_157 = arith.addi %mul3A_154, %mul3A_156 : i32
        %add3A_158 = vector.broadcast %add3A_157 : i32 to vector<16xi32>
        %add3A_159 = arith.addi %add3A_158, %iota3A : vector<16xi32>
        tpu.vector_store_idx %arg11[%add3A_152], %add3A_159 masked %and3A_146 : memref<2240xi32, #tpu.memory_space<vmem>>[vector<16xi32>], vector<16xi32>, vector<16xi1>
        tpu.vector_store_idx %arg12[%add3A_152], %get3A_137 masked %and3A_146 : memref<2240xi32, #tpu.memory_space<vmem>>[vector<16xi32>], vector<16xi32>, vector<16xi1>
        %reduce_max3A = arith.constant true
        %reduce_max3A_160 = vector.broadcast %reduce_max3A : i1 to vector<16xi1>
        %reduce_max3A_161 = arith.constant -2147483648 : i32
        %reduce_max3A_162 = vector.broadcast %reduce_max3A_161 : i32 to vector<16xi32>
        %reduce_max3A_163 = arith.xori %masked_cumsum3A, %reduce_max3A_162 : vector<16xi32>
        %reduce_max3A_164 = tpu.scan <max>, %reduce_max3A_163 masked %reduce_max3A_160 : vector<16xi32>, vector<16xi1> -> vector<16xi32>
        %reduce_max3A_165 = arith.xori %reduce_max3A_164, %reduce_max3A_162 : vector<16xi32>
        %reduce_max3A_166 = vector.extract %reduce_max3A_165[15] : i32 from vector<16xi32>
        %add3A_167 = arith.addi %scan3A_134, %reduce_max3A_166 : i32
        scf.yield %add3A_167 : i32
      }
      %scan3A_132 = arith.constant 256 : i32
      scf.yield %scan3A_131 : i32
    }
    %scan3A_81 = arith.constant 16 : i32
    %add3A_82 = arith.constant 512 : i32
    %add3A_83 = arith.addi %scan3A_80, %add3A_82 : i32
    %sub3A_84 = arith.constant 1 : i32
    %sub3A_85 = arith.subi %add3A_83, %sub3A_84 : i32
    %jit3A_86 = arith.constant 512 : i32
    %div3A_87 = arith.divsi %sub3A_85, %jit3A_86 : i32
    %sign3A_88 = arith.constant 0 : i32
    %sign3A_89 = arith.cmpi sgt, %sub3A_85, %sign3A_88 : i32
    %sign3A_90 = arith.extui %sign3A_89 : i1 to i32
    %sign3A_91 = arith.constant 0 : i32
    %sign3A_92 = arith.cmpi slt, %sub3A_85, %sign3A_91 : i32
    %sign3A_93 = arith.extui %sign3A_92 : i1 to i32
    %sign3A_94 = arith.subi %sign3A_90, %sign3A_93 : i32
    %sign3A_95 = arith.constant 0 : i32
    %sign3A_96 = arith.cmpi sgt, %jit3A_86, %sign3A_95 : i32
    %sign3A_97 = arith.extui %sign3A_96 : i1 to i32
    %sign3A_98 = arith.constant 0 : i32
    %sign3A_99 = arith.cmpi slt, %jit3A_86, %sign3A_98 : i32
    %sign3A_100 = arith.extui %sign3A_99 : i1 to i32
    %sign3A_101 = arith.subi %sign3A_97, %sign3A_100 : i32
    %ne3A_102 = arith.cmpi ne, %sign3A_94, %sign3A_101 : i32
    %rem3A_103 = arith.remsi %sub3A_85, %jit3A_86 : i32
    %ne3A_104 = arith.constant 0 : i32
    %ne3A_105 = arith.cmpi ne, %rem3A_103, %ne3A_104 : i32
    %and3A_106 = arith.andi %ne3A_102, %ne3A_105 : i1
    %sub3A_107 = arith.constant 1 : i32
    %sub3A_108 = arith.subi %div3A_87, %sub3A_107 : i32
    %select_n3A_109 = arith.select %and3A_106, %sub3A_108, %div3A_87 : i32
    %while3A = arith.constant 0 : i32
    %while3A_110 = arith.constant 0 : i32
    %while3A_111 = arith.subi %select_n3A_109, %while3A : i32
    %while3A_112 = arith.addi %while3A, %while3A_111 : i32
    %while3A_113 = arith.constant 1 : i32
    %while3A_114 = arith.divsi %while3A_111, %while3A_113 : i32
    %while3A_115 = arith.muli %while3A_114, %while3A_113 : i32
    %while3A_116 = arith.addi %while3A, %while3A_115 : i32
    %while3A_117 = arith.constant 1 : i32
    %while3A_118 = scf.for %while3A_121 = %while3A to %while3A_116 step %while3A_117 iter_args(%while3A_122 = %while3A_110) -> (i32)  : i32 {
      %mul3A_123 = arith.constant 512 : i32
      %mul3A_124 = arith.muli %while3A_121, %mul3A_123 : i32
      %dma_start3A = tpu.memref_slice %arg11[%mul3A_124] : memref<2240xi32, #tpu.memory_space<vmem>> -> memref<512xi32, #tpu.memory_space<vmem>>
      %dma_start3A_125 = arith.constant 0 : i32
      %dma_start3A_126 = arith.constant 0 : i32
      %dma_start3A_127 = tpu.memref_slice %arg2[%dma_start3A_125, %dma_start3A_126] : memref<65536x64xf32, #tpu.memory_space<hbm>> -> memref<65536x64xf32, #tpu.memory_space<hbm>>
      tpu.enqueue_indirect_dma source(%dma_start3A_127 : memref<65536x64xf32, #tpu.memory_space<hbm>>) target(%arg13 : memref<512x64xf32, #tpu.memory_space<vmem>>) offsets(%dma_start3A : memref<512xi32, #tpu.memory_space<vmem>>) semaphore(%arg15 : memref<!tpu.dma_semaphore, #tpu.memory_space<semaphore_mem>>)
      %dma_wait3A = tpu.memref_slice %arg11[%mul3A_124] : memref<2240xi32, #tpu.memory_space<vmem>> -> memref<512xi32, #tpu.memory_space<vmem>>
      %dma_wait3A_128 = arith.constant 0 : i32
      %dma_wait3A_129 = arith.constant 0 : i32
      %dma_wait3A_130 = tpu.memref_slice %arg2[%dma_wait3A_128, %dma_wait3A_129] : memref<65536x64xf32, #tpu.memory_space<hbm>> -> memref<65536x64xf32, #tpu.memory_space<hbm>>
      tpu.wait_indirect_dma semaphore(%arg15 : memref<!tpu.dma_semaphore, #tpu.memory_space<semaphore_mem>>) src(%dma_wait3A_130 : memref<65536x64xf32, #tpu.memory_space<hbm>>) dst(%arg13 : memref<512x64xf32, #tpu.memory_space<vmem>>)
      %mul3A_131 = arith.constant 512 : i32
      %mul3A_132 = arith.muli %while3A_121, %mul3A_131 : i32
      %sub3A_133 = arith.subi %scan3A_80, %mul3A_132 : i32
      %min3A_134 = arith.constant 512 : i32
      %min3A_135 = arith.minsi %sub3A_133, %min3A_134 : i32
      %while3A_136 = arith.constant 0 : i32
      %while3A_137 = arith.constant 0 : i32
      %while3A_138 = arith.subi %min3A_135, %while3A_136 : i32
      %while3A_139 = arith.addi %while3A_136, %while3A_138 : i32
      %while3A_140 = arith.constant 1 : i32
      %while3A_141 = arith.divsi %while3A_138, %while3A_140 : i32
      %while3A_142 = arith.muli %while3A_141, %while3A_140 : i32
      %while3A_143 = arith.addi %while3A_136, %while3A_142 : i32
      %while3A_144 = arith.constant 1 : i32
      %while3A_145 = scf.for %while3A_149 = %while3A_136 to %while3A_143 step %while3A_144 iter_args(%while3A_150 = %while3A_137) -> (i32)  : i32 {
        %broadcast_in_dim3A = arith.constant 0 : i32
        %broadcast_in_dim3A_151 = vector.broadcast %broadcast_in_dim3A : i32 to vector<16xi32>
        %mul3A_152 = arith.constant 512 : i32
        %mul3A_153 = arith.muli %while3A_121, %mul3A_152 : i32
        %add3A_154 = vector.broadcast %mul3A_153 : i32 to vector<16xi32>
        %add3A_155 = arith.addi %broadcast_in_dim3A_151, %add3A_154 : vector<16xi32>
        %add3A_156 = vector.broadcast %while3A_149 : i32 to vector<16xi32>
        %add3A_157 = arith.addi %add3A_155, %add3A_156 : vector<16xi32>
        %gather3A = tpu.vector_load_idx %arg12[%add3A_157] : memref<2240xi32, #tpu.memory_space<vmem>>[vector<16xi32>], vector<16xi32>,
        %add3A_158 = vector.broadcast %while3A_149 : i32 to vector<16xi32>
        %add3A_159 = arith.addi %broadcast_in_dim3A_151, %add3A_158 : vector<16xi32>
        %add3A_160 = arith.constant 0 : i32
        %add3A_161 = vector.broadcast %add3A_160 : i32 to vector<16xi32>
        %add3A_162 = arith.addi %iota3A, %add3A_161 : vector<16xi32>
        %gather3A_163 = tpu.vector_load_idx %arg13[%add3A_159, %add3A_162] : memref<512x64xf32, #tpu.memory_space<vmem>>[vector<16xi32>, vector<16xi32>], vector<16xf32>,
        %add3A_164 = arith.constant 0 : i32
        %add3A_165 = vector.broadcast %add3A_164 : i32 to vector<16xi32>
        %add3A_166 = arith.addi %iota3A, %add3A_165 : vector<16xi32>
        tpu.vector_store_idx %arg14[%gather3A, %add3A_166], %gather3A_163 {add = true} : memref<512x64xf32, #tpu.memory_space<vmem>>[vector<16xi32>, vector<16xi32>], vector<16xf32>,
        %add3A_167 = vector.broadcast %while3A_149 : i32 to vector<16xi32>
        %add3A_168 = arith.addi %broadcast_in_dim3A_151, %add3A_167 : vector<16xi32>
        %add3A_169 = arith.constant 16 : i32
        %add3A_170 = vector.broadcast %add3A_169 : i32 to vector<16xi32>
        %add3A_171 = arith.addi %iota3A, %add3A_170 : vector<16xi32>
        %gather3A_172 = tpu.vector_load_idx %arg13[%add3A_168, %add3A_171] : memref<512x64xf32, #tpu.memory_space<vmem>>[vector<16xi32>, vector<16xi32>], vector<16xf32>,
        %add3A_173 = arith.constant 16 : i32
        %add3A_174 = vector.broadcast %add3A_173 : i32 to vector<16xi32>
        %add3A_175 = arith.addi %iota3A, %add3A_174 : vector<16xi32>
        tpu.vector_store_idx %arg14[%gather3A, %add3A_175], %gather3A_172 {add = true} : memref<512x64xf32, #tpu.memory_space<vmem>>[vector<16xi32>, vector<16xi32>], vector<16xf32>,
        %add3A_176 = vector.broadcast %while3A_149 : i32 to vector<16xi32>
        %add3A_177 = arith.addi %broadcast_in_dim3A_151, %add3A_176 : vector<16xi32>
        %add3A_178 = arith.constant 32 : i32
        %add3A_179 = vector.broadcast %add3A_178 : i32 to vector<16xi32>
        %add3A_180 = arith.addi %iota3A, %add3A_179 : vector<16xi32>
        %gather3A_181 = tpu.vector_load_idx %arg13[%add3A_177, %add3A_180] : memref<512x64xf32, #tpu.memory_space<vmem>>[vector<16xi32>, vector<16xi32>], vector<16xf32>,
        %add3A_182 = arith.constant 32 : i32
        %add3A_183 = vector.broadcast %add3A_182 : i32 to vector<16xi32>
        %add3A_184 = arith.addi %iota3A, %add3A_183 : vector<16xi32>
        tpu.vector_store_idx %arg14[%gather3A, %add3A_184], %gather3A_181 {add = true} : memref<512x64xf32, #tpu.memory_space<vmem>>[vector<16xi32>, vector<16xi32>], vector<16xf32>,
        %add3A_185 = vector.broadcast %while3A_149 : i32 to vector<16xi32>
        %add3A_186 = arith.addi %broadcast_in_dim3A_151, %add3A_185 : vector<16xi32>
        %add3A_187 = arith.constant 48 : i32
        %add3A_188 = vector.broadcast %add3A_187 : i32 to vector<16xi32>
        %add3A_189 = arith.addi %iota3A, %add3A_188 : vector<16xi32>
        %gather3A_190 = tpu.vector_load_idx %arg13[%add3A_186, %add3A_189] : memref<512x64xf32, #tpu.memory_space<vmem>>[vector<16xi32>, vector<16xi32>], vector<16xf32>,
        %add3A_191 = arith.constant 48 : i32
        %add3A_192 = vector.broadcast %add3A_191 : i32 to vector<16xi32>
        %add3A_193 = arith.addi %iota3A, %add3A_192 : vector<16xi32>
        tpu.vector_store_idx %arg14[%gather3A, %add3A_193], %gather3A_190 {add = true} : memref<512x64xf32, #tpu.memory_space<vmem>>[vector<16xi32>, vector<16xi32>], vector<16xf32>,
        %while3A_194 = arith.constant 0 : i32
        scf.yield %while3A_194 : i32
      }
      %while3A_146 = arith.constant 1 : i32
      %while3A_147 = scf.for %while3A_149 = %while3A_143 to %while3A_139 step %while3A_146 iter_args(%while3A_150 = %while3A_145) -> (i32)  : i32 {
        %broadcast_in_dim3A = arith.constant 0 : i32
        %broadcast_in_dim3A_151 = vector.broadcast %broadcast_in_dim3A : i32 to vector<16xi32>
        %mul3A_152 = arith.constant 512 : i32
        %mul3A_153 = arith.muli %while3A_121, %mul3A_152 : i32
        %add3A_154 = vector.broadcast %mul3A_153 : i32 to vector<16xi32>
        %add3A_155 = arith.addi %broadcast_in_dim3A_151, %add3A_154 : vector<16xi32>
        %add3A_156 = vector.broadcast %while3A_149 : i32 to vector<16xi32>
        %add3A_157 = arith.addi %add3A_155, %add3A_156 : vector<16xi32>
        %gather3A = tpu.vector_load_idx %arg12[%add3A_157] : memref<2240xi32, #tpu.memory_space<vmem>>[vector<16xi32>], vector<16xi32>,
        %add3A_158 = vector.broadcast %while3A_149 : i32 to vector<16xi32>
        %add3A_159 = arith.addi %broadcast_in_dim3A_151, %add3A_158 : vector<16xi32>
        %add3A_160 = arith.constant 0 : i32
        %add3A_161 = vector.broadcast %add3A_160 : i32 to vector<16xi32>
        %add3A_162 = arith.addi %iota3A, %add3A_161 : vector<16xi32>
        %gather3A_163 = tpu.vector_load_idx %arg13[%add3A_159, %add3A_162] : memref<512x64xf32, #tpu.memory_space<vmem>>[vector<16xi32>, vector<16xi32>], vector<16xf32>,
        %add3A_164 = arith.constant 0 : i32
        %add3A_165 = vector.broadcast %add3A_164 : i32 to vector<16xi32>
        %add3A_166 = arith.addi %iota3A, %add3A_165 : vector<16xi32>
        tpu.vector_store_idx %arg14[%gather3A, %add3A_166], %gather3A_163 {add = true} : memref<512x64xf32, #tpu.memory_space<vmem>>[vector<16xi32>, vector<16xi32>], vector<16xf32>,
        %add3A_167 = vector.broadcast %while3A_149 : i32 to vector<16xi32>
        %add3A_168 = arith.addi %broadcast_in_dim3A_151, %add3A_167 : vector<16xi32>
        %add3A_169 = arith.constant 16 : i32
        %add3A_170 = vector.broadcast %add3A_169 : i32 to vector<16xi32>
        %add3A_171 = arith.addi %iota3A, %add3A_170 : vector<16xi32>
        %gather3A_172 = tpu.vector_load_idx %arg13[%add3A_168, %add3A_171] : memref<512x64xf32, #tpu.memory_space<vmem>>[vector<16xi32>, vector<16xi32>], vector<16xf32>,
        %add3A_173 = arith.constant 16 : i32
        %add3A_174 = vector.broadcast %add3A_173 : i32 to vector<16xi32>
        %add3A_175 = arith.addi %iota3A, %add3A_174 : vector<16xi32>
        tpu.vector_store_idx %arg14[%gather3A, %add3A_175], %gather3A_172 {add = true} : memref<512x64xf32, #tpu.memory_space<vmem>>[vector<16xi32>, vector<16xi32>], vector<16xf32>,
        %add3A_176 = vector.broadcast %while3A_149 : i32 to vector<16xi32>
        %add3A_177 = arith.addi %broadcast_in_dim3A_151, %add3A_176 : vector<16xi32>
        %add3A_178 = arith.constant 32 : i32
        %add3A_179 = vector.broadcast %add3A_178 : i32 to vector<16xi32>
        %add3A_180 = arith.addi %iota3A, %add3A_179 : vector<16xi32>
        %gather3A_181 = tpu.vector_load_idx %arg13[%add3A_177, %add3A_180] : memref<512x64xf32, #tpu.memory_space<vmem>>[vector<16xi32>, vector<16xi32>], vector<16xf32>,
        %add3A_182 = arith.constant 32 : i32
        %add3A_183 = vector.broadcast %add3A_182 : i32 to vector<16xi32>
        %add3A_184 = arith.addi %iota3A, %add3A_183 : vector<16xi32>
        tpu.vector_store_idx %arg14[%gather3A, %add3A_184], %gather3A_181 {add = true} : memref<512x64xf32, #tpu.memory_space<vmem>>[vector<16xi32>, vector<16xi32>], vector<16xf32>,
        %add3A_185 = vector.broadcast %while3A_149 : i32 to vector<16xi32>
        %add3A_186 = arith.addi %broadcast_in_dim3A_151, %add3A_185 : vector<16xi32>
        %add3A_187 = arith.constant 48 : i32
        %add3A_188 = vector.broadcast %add3A_187 : i32 to vector<16xi32>
        %add3A_189 = arith.addi %iota3A, %add3A_188 : vector<16xi32>
        %gather3A_190 = tpu.vector_load_idx %arg13[%add3A_186, %add3A_189] : memref<512x64xf32, #tpu.memory_space<vmem>>[vector<16xi32>, vector<16xi32>], vector<16xf32>,
        %add3A_191 = arith.constant 48 : i32
        %add3A_192 = vector.broadcast %add3A_191 : i32 to vector<16xi32>
        %add3A_193 = arith.addi %iota3A, %add3A_192 : vector<16xi32>
        tpu.vector_store_idx %arg14[%gather3A, %add3A_193], %gather3A_190 {add = true} : memref<512x64xf32, #tpu.memory_space<vmem>>[vector<16xi32>, vector<16xi32>], vector<16xf32>,
        %while3A_194 = arith.constant 0 : i32
        scf.yield %while3A_194 : i32
      }
      %while3A_148 = arith.constant 0 : i32
      scf.yield %while3A_148 : i32
    }
    %while3A_119 = arith.constant 1 : i32
    %while3A_120 = scf.for %while3A_121 = %while3A_116 to %while3A_112 step %while3A_119 iter_args(%while3A_122 = %while3A_118) -> (i32)  : i32 {
      %mul3A_123 = arith.constant 512 : i32
      %mul3A_124 = arith.muli %while3A_121, %mul3A_123 : i32
      %dma_start3A = tpu.memref_slice %arg11[%mul3A_124] : memref<2240xi32, #tpu.memory_space<vmem>> -> memref<512xi32, #tpu.memory_space<vmem>>
      %dma_start3A_125 = arith.constant 0 : i32
      %dma_start3A_126 = arith.constant 0 : i32
      %dma_start3A_127 = tpu.memref_slice %arg2[%dma_start3A_125, %dma_start3A_126] : memref<65536x64xf32, #tpu.memory_space<hbm>> -> memref<65536x64xf32, #tpu.memory_space<hbm>>
      tpu.enqueue_indirect_dma source(%dma_start3A_127 : memref<65536x64xf32, #tpu.memory_space<hbm>>) target(%arg13 : memref<512x64xf32, #tpu.memory_space<vmem>>) offsets(%dma_start3A : memref<512xi32, #tpu.memory_space<vmem>>) semaphore(%arg15 : memref<!tpu.dma_semaphore, #tpu.memory_space<semaphore_mem>>)
      %dma_wait3A = tpu.memref_slice %arg11[%mul3A_124] : memref<2240xi32, #tpu.memory_space<vmem>> -> memref<512xi32, #tpu.memory_space<vmem>>
      %dma_wait3A_128 = arith.constant 0 : i32
      %dma_wait3A_129 = arith.constant 0 : i32
      %dma_wait3A_130 = tpu.memref_slice %arg2[%dma_wait3A_128, %dma_wait3A_129] : memref<65536x64xf32, #tpu.memory_space<hbm>> -> memref<65536x64xf32, #tpu.memory_space<hbm>>
      tpu.wait_indirect_dma semaphore(%arg15 : memref<!tpu.dma_semaphore, #tpu.memory_space<semaphore_mem>>) src(%dma_wait3A_130 : memref<65536x64xf32, #tpu.memory_space<hbm>>) dst(%arg13 : memref<512x64xf32, #tpu.memory_space<vmem>>)
      %mul3A_131 = arith.constant 512 : i32
      %mul3A_132 = arith.muli %while3A_121, %mul3A_131 : i32
      %sub3A_133 = arith.subi %scan3A_80, %mul3A_132 : i32
      %min3A_134 = arith.constant 512 : i32
      %min3A_135 = arith.minsi %sub3A_133, %min3A_134 : i32
      %while3A_136 = arith.constant 0 : i32
      %while3A_137 = arith.constant 0 : i32
      %while3A_138 = arith.subi %min3A_135, %while3A_136 : i32
      %while3A_139 = arith.addi %while3A_136, %while3A_138 : i32
      %while3A_140 = arith.constant 1 : i32
      %while3A_141 = arith.divsi %while3A_138, %while3A_140 : i32
      %while3A_142 = arith.muli %while3A_141, %while3A_140 : i32
      %while3A_143 = arith.addi %while3A_136, %while3A_142 : i32
      %while3A_144 = arith.constant 1 : i32
      %while3A_145 = scf.for %while3A_149 = %while3A_136 to %while3A_143 step %while3A_144 iter_args(%while3A_150 = %while3A_137) -> (i32)  : i32 {
        %broadcast_in_dim3A = arith.constant 0 : i32
        %broadcast_in_dim3A_151 = vector.broadcast %broadcast_in_dim3A : i32 to vector<16xi32>
        %mul3A_152 = arith.constant 512 : i32
        %mul3A_153 = arith.muli %while3A_121, %mul3A_152 : i32
        %add3A_154 = vector.broadcast %mul3A_153 : i32 to vector<16xi32>
        %add3A_155 = arith.addi %broadcast_in_dim3A_151, %add3A_154 : vector<16xi32>
        %add3A_156 = vector.broadcast %while3A_149 : i32 to vector<16xi32>
        %add3A_157 = arith.addi %add3A_155, %add3A_156 : vector<16xi32>
        %gather3A = tpu.vector_load_idx %arg12[%add3A_157] : memref<2240xi32, #tpu.memory_space<vmem>>[vector<16xi32>], vector<16xi32>,
        %add3A_158 = vector.broadcast %while3A_149 : i32 to vector<16xi32>
        %add3A_159 = arith.addi %broadcast_in_dim3A_151, %add3A_158 : vector<16xi32>
        %add3A_160 = arith.constant 0 : i32
        %add3A_161 = vector.broadcast %add3A_160 : i32 to vector<16xi32>
        %add3A_162 = arith.addi %iota3A, %add3A_161 : vector<16xi32>
        %gather3A_163 = tpu.vector_load_idx %arg13[%add3A_159, %add3A_162] : memref<512x64xf32, #tpu.memory_space<vmem>>[vector<16xi32>, vector<16xi32>], vector<16xf32>,
        %add3A_164 = arith.constant 0 : i32
        %add3A_165 = vector.broadcast %add3A_164 : i32 to vector<16xi32>
        %add3A_166 = arith.addi %iota3A, %add3A_165 : vector<16xi32>
        tpu.vector_store_idx %arg14[%gather3A, %add3A_166], %gather3A_163 {add = true} : memref<512x64xf32, #tpu.memory_space<vmem>>[vector<16xi32>, vector<16xi32>], vector<16xf32>,
        %add3A_167 = vector.broadcast %while3A_149 : i32 to vector<16xi32>
        %add3A_168 = arith.addi %broadcast_in_dim3A_151, %add3A_167 : vector<16xi32>
        %add3A_169 = arith.constant 16 : i32
        %add3A_170 = vector.broadcast %add3A_169 : i32 to vector<16xi32>
        %add3A_171 = arith.addi %iota3A, %add3A_170 : vector<16xi32>
        %gather3A_172 = tpu.vector_load_idx %arg13[%add3A_168, %add3A_171] : memref<512x64xf32, #tpu.memory_space<vmem>>[vector<16xi32>, vector<16xi32>], vector<16xf32>,
        %add3A_173 = arith.constant 16 : i32
        %add3A_174 = vector.broadcast %add3A_173 : i32 to vector<16xi32>
        %add3A_175 = arith.addi %iota3A, %add3A_174 : vector<16xi32>
        tpu.vector_store_idx %arg14[%gather3A, %add3A_175], %gather3A_172 {add = true} : memref<512x64xf32, #tpu.memory_space<vmem>>[vector<16xi32>, vector<16xi32>], vector<16xf32>,
        %add3A_176 = vector.broadcast %while3A_149 : i32 to vector<16xi32>
        %add3A_177 = arith.addi %broadcast_in_dim3A_151, %add3A_176 : vector<16xi32>
        %add3A_178 = arith.constant 32 : i32
        %add3A_179 = vector.broadcast %add3A_178 : i32 to vector<16xi32>
        %add3A_180 = arith.addi %iota3A, %add3A_179 : vector<16xi32>
        %gather3A_181 = tpu.vector_load_idx %arg13[%add3A_177, %add3A_180] : memref<512x64xf32, #tpu.memory_space<vmem>>[vector<16xi32>, vector<16xi32>], vector<16xf32>,
        %add3A_182 = arith.constant 32 : i32
        %add3A_183 = vector.broadcast %add3A_182 : i32 to vector<16xi32>
        %add3A_184 = arith.addi %iota3A, %add3A_183 : vector<16xi32>
        tpu.vector_store_idx %arg14[%gather3A, %add3A_184], %gather3A_181 {add = true} : memref<512x64xf32, #tpu.memory_space<vmem>>[vector<16xi32>, vector<16xi32>], vector<16xf32>,
        %add3A_185 = vector.broadcast %while3A_149 : i32 to vector<16xi32>
        %add3A_186 = arith.addi %broadcast_in_dim3A_151, %add3A_185 : vector<16xi32>
        %add3A_187 = arith.constant 48 : i32
        %add3A_188 = vector.broadcast %add3A_187 : i32 to vector<16xi32>
        %add3A_189 = arith.addi %iota3A, %add3A_188 : vector<16xi32>
        %gather3A_190 = tpu.vector_load_idx %arg13[%add3A_186, %add3A_189] : memref<512x64xf32, #tpu.memory_space<vmem>>[vector<16xi32>, vector<16xi32>], vector<16xf32>,
        %add3A_191 = arith.constant 48 : i32
        %add3A_192 = vector.broadcast %add3A_191 : i32 to vector<16xi32>
        %add3A_193 = arith.addi %iota3A, %add3A_192 : vector<16xi32>
        tpu.vector_store_idx %arg14[%gather3A, %add3A_193], %gather3A_190 {add = true} : memref<512x64xf32, #tpu.memory_space<vmem>>[vector<16xi32>, vector<16xi32>], vector<16xf32>,
        %while3A_194 = arith.constant 0 : i32
        scf.yield %while3A_194 : i32
      }
      %while3A_146 = arith.constant 1 : i32
      %while3A_147 = scf.for %while3A_149 = %while3A_143 to %while3A_139 step %while3A_146 iter_args(%while3A_150 = %while3A_145) -> (i32)  : i32 {
        %broadcast_in_dim3A = arith.constant 0 : i32
        %broadcast_in_dim3A_151 = vector.broadcast %broadcast_in_dim3A : i32 to vector<16xi32>
        %mul3A_152 = arith.constant 512 : i32
        %mul3A_153 = arith.muli %while3A_121, %mul3A_152 : i32
        %add3A_154 = vector.broadcast %mul3A_153 : i32 to vector<16xi32>
        %add3A_155 = arith.addi %broadcast_in_dim3A_151, %add3A_154 : vector<16xi32>
        %add3A_156 = vector.broadcast %while3A_149 : i32 to vector<16xi32>
        %add3A_157 = arith.addi %add3A_155, %add3A_156 : vector<16xi32>
        %gather3A = tpu.vector_load_idx %arg12[%add3A_157] : memref<2240xi32, #tpu.memory_space<vmem>>[vector<16xi32>], vector<16xi32>,
        %add3A_158 = vector.broadcast %while3A_149 : i32 to vector<16xi32>
        %add3A_159 = arith.addi %broadcast_in_dim3A_151, %add3A_158 : vector<16xi32>
        %add3A_160 = arith.constant 0 : i32
        %add3A_161 = vector.broadcast %add3A_160 : i32 to vector<16xi32>
        %add3A_162 = arith.addi %iota3A, %add3A_161 : vector<16xi32>
        %gather3A_163 = tpu.vector_load_idx %arg13[%add3A_159, %add3A_162] : memref<512x64xf32, #tpu.memory_space<vmem>>[vector<16xi32>, vector<16xi32>], vector<16xf32>,
        %add3A_164 = arith.constant 0 : i32
        %add3A_165 = vector.broadcast %add3A_164 : i32 to vector<16xi32>
        %add3A_166 = arith.addi %iota3A, %add3A_165 : vector<16xi32>
        tpu.vector_store_idx %arg14[%gather3A, %add3A_166], %gather3A_163 {add = true} : memref<512x64xf32, #tpu.memory_space<vmem>>[vector<16xi32>, vector<16xi32>], vector<16xf32>,
        %add3A_167 = vector.broadcast %while3A_149 : i32 to vector<16xi32>
        %add3A_168 = arith.addi %broadcast_in_dim3A_151, %add3A_167 : vector<16xi32>
        %add3A_169 = arith.constant 16 : i32
        %add3A_170 = vector.broadcast %add3A_169 : i32 to vector<16xi32>
        %add3A_171 = arith.addi %iota3A, %add3A_170 : vector<16xi32>
        %gather3A_172 = tpu.vector_load_idx %arg13[%add3A_168, %add3A_171] : memref<512x64xf32, #tpu.memory_space<vmem>>[vector<16xi32>, vector<16xi32>], vector<16xf32>,
        %add3A_173 = arith.constant 16 : i32
        %add3A_174 = vector.broadcast %add3A_173 : i32 to vector<16xi32>
        %add3A_175 = arith.addi %iota3A, %add3A_174 : vector<16xi32>
        tpu.vector_store_idx %arg14[%gather3A, %add3A_175], %gather3A_172 {add = true} : memref<512x64xf32, #tpu.memory_space<vmem>>[vector<16xi32>, vector<16xi32>], vector<16xf32>,
        %add3A_176 = vector.broadcast %while3A_149 : i32 to vector<16xi32>
        %add3A_177 = arith.addi %broadcast_in_dim3A_151, %add3A_176 : vector<16xi32>
        %add3A_178 = arith.constant 32 : i32
        %add3A_179 = vector.broadcast %add3A_178 : i32 to vector<16xi32>
        %add3A_180 = arith.addi %iota3A, %add3A_179 : vector<16xi32>
        %gather3A_181 = tpu.vector_load_idx %arg13[%add3A_177, %add3A_180] : memref<512x64xf32, #tpu.memory_space<vmem>>[vector<16xi32>, vector<16xi32>], vector<16xf32>,
        %add3A_182 = arith.constant 32 : i32
        %add3A_183 = vector.broadcast %add3A_182 : i32 to vector<16xi32>
        %add3A_184 = arith.addi %iota3A, %add3A_183 : vector<16xi32>
        tpu.vector_store_idx %arg14[%gather3A, %add3A_184], %gather3A_181 {add = true} : memref<512x64xf32, #tpu.memory_space<vmem>>[vector<16xi32>, vector<16xi32>], vector<16xf32>,
        %add3A_185 = vector.broadcast %while3A_149 : i32 to vector<16xi32>
        %add3A_186 = arith.addi %broadcast_in_dim3A_151, %add3A_185 : vector<16xi32>
        %add3A_187 = arith.constant 48 : i32
        %add3A_188 = vector.broadcast %add3A_187 : i32 to vector<16xi32>
        %add3A_189 = arith.addi %iota3A, %add3A_188 : vector<16xi32>
        %gather3A_190 = tpu.vector_load_idx %arg13[%add3A_186, %add3A_189] : memref<512x64xf32, #tpu.memory_space<vmem>>[vector<16xi32>, vector<16xi32>], vector<16xf32>,
        %add3A_191 = arith.constant 48 : i32
        %add3A_192 = vector.broadcast %add3A_191 : i32 to vector<16xi32>
        %add3A_193 = arith.addi %iota3A, %add3A_192 : vector<16xi32>
        tpu.vector_store_idx %arg14[%gather3A, %add3A_193], %gather3A_190 {add = true} : memref<512x64xf32, #tpu.memory_space<vmem>>[vector<16xi32>, vector<16xi32>], vector<16xf32>,
        %while3A_194 = arith.constant 0 : i32
        scf.yield %while3A_194 : i32
      }
      %while3A_148 = arith.constant 0 : i32
      scf.yield %while3A_148 : i32
    }
    "tpu.region"() ({
      %run_scoped3A = tpu.sem_alloc : memref<!tpu.dma_semaphore, #tpu.memory_space<semaphore_mem>>
      %dma_start3A = arith.constant 0 : i32
      %dma_start3A_121 = arith.constant 0 : i32
      %dma_start3A_122 = tpu.memref_slice %arg6[%add3A, %dma_start3A, %dma_start3A_121] : memref<32x512x64xf32, #tpu.memory_space<hbm>> -> memref<1x512x64xf32, #tpu.memory_space<hbm>>
      %dma_start3A_123 = tpu.memref_squeeze %dma_start3A_122 : memref<1x512x64xf32, #tpu.memory_space<hbm>> -> memref<512x64xf32, #tpu.memory_space<hbm>>
      %dma_start3A_124 = arith.constant 0 : i32
      %dma_start3A_125 = arith.constant 0 : i32
      %dma_start3A_126 = tpu.memref_slice %arg6[%add3A, %dma_start3A_124, %dma_start3A_125] : memref<32x512x64xf32, #tpu.memory_space<hbm>> -> memref<1x512x64xf32, #tpu.memory_space<hbm>>
      %dma_start3A_127 = tpu.memref_squeeze %dma_start3A_126 : memref<1x512x64xf32, #tpu.memory_space<hbm>> -> memref<512x64xf32, #tpu.memory_space<hbm>>
      tpu.enqueue_dma source(%arg14 : memref<512x64xf32, #tpu.memory_space<vmem>>) target(%dma_start3A_127 : memref<512x64xf32, #tpu.memory_space<hbm>>) target_semaphore(%run_scoped3A : memref<!tpu.dma_semaphore, #tpu.memory_space<semaphore_mem>>)
      %dma_wait3A = arith.constant 0 : i32
      %dma_wait3A_128 = arith.constant 0 : i32
      %dma_wait3A_129 = tpu.memref_slice %arg6[%add3A, %dma_wait3A, %dma_wait3A_128] : memref<32x512x64xf32, #tpu.memory_space<hbm>> -> memref<1x512x64xf32, #tpu.memory_space<hbm>>
      %dma_wait3A_130 = tpu.memref_squeeze %dma_wait3A_129 : memref<1x512x64xf32, #tpu.memory_space<hbm>> -> memref<512x64xf32, #tpu.memory_space<hbm>>
      %dma_wait3A_131 = arith.constant 0 : i32
      %dma_wait3A_132 = arith.constant 0 : i32
      %dma_wait3A_133 = tpu.memref_slice %arg6[%add3A, %dma_wait3A_131, %dma_wait3A_132] : memref<32x512x64xf32, #tpu.memory_space<hbm>> -> memref<1x512x64xf32, #tpu.memory_space<hbm>>
      %dma_wait3A_134 = tpu.memref_squeeze %dma_wait3A_133 : memref<1x512x64xf32, #tpu.memory_space<hbm>> -> memref<512x64xf32, #tpu.memory_space<hbm>>
      tpu.wait_dma2 semaphore(%run_scoped3A : memref<!tpu.dma_semaphore, #tpu.memory_space<semaphore_mem>>) src(%arg14 : memref<512x64xf32, #tpu.memory_space<vmem>>) dst(%dma_wait3A_134 : memref<512x64xf32, #tpu.memory_space<hbm>>)
      tpu.yield
    }) : () -> ()
    return
  }
}

#map = affine_map<(d0, d1) -> (0, 0)>
#map1 = affine_map<(d0, d1) -> (0)>
module attributes {stable_mosaic.version = 14 : i64} {
  func.func @_gather_sc_body(%arg0: i32, %arg1: i32, %arg2: memref<65536x64xf32, #tpu.memory_space<hbm>>, %arg3: memref<512xi32, #tpu.memory_space<hbm>>, %arg4: memref<512x64xf32, #tpu.memory_space<hbm>>, %arg5: memref<16xi32, #tpu.memory_space<vmem>>, %arg6: memref<16x64xf32, #tpu.memory_space<vmem>>, %arg7: memref<!tpu.dma_semaphore, #tpu.memory_space<semaphore_mem>>) attributes {dimension_semantics = [#tpu.dimension_semantics<core_parallel>, #tpu.dimension_semantics<subcore_parallel>], iteration_bounds = array<i64: 2, 16>, scalar_prefetch = 0 : i64, scratch_operands = 3 : i64, tpu.core_type = #tpu.core_type<sc_vector_subcore>, window_params = [{transform_indices = #map}, {transform_indices = #map1}, {transform_indices = #map}]} {
    %mul3A = arith.constant 2 : i32
    %mul3A_0 = arith.muli %arg1, %mul3A : i32
    %add3A = arith.addi %mul3A_0, %arg0 : i32
    %mul3A_1 = arith.constant 16 : i32
    %mul3A_2 = arith.muli %add3A, %mul3A_1 : i32
    "tpu.region"() ({
      %run_scoped3A = tpu.sem_alloc : memref<!tpu.dma_semaphore, #tpu.memory_space<semaphore_mem>>
      %dma_start3A_7 = tpu.memref_slice %arg3[%mul3A_2] : memref<512xi32, #tpu.memory_space<hbm>> -> memref<16xi32, #tpu.memory_space<hbm>>
      %dma_start3A_8 = tpu.memref_slice %arg3[%mul3A_2] : memref<512xi32, #tpu.memory_space<hbm>> -> memref<16xi32, #tpu.memory_space<hbm>>
      tpu.enqueue_dma source(%dma_start3A_8 : memref<16xi32, #tpu.memory_space<hbm>>) target(%arg5 : memref<16xi32, #tpu.memory_space<vmem>>) target_semaphore(%run_scoped3A : memref<!tpu.dma_semaphore, #tpu.memory_space<semaphore_mem>>)
      %dma_wait3A_9 = tpu.memref_slice %arg3[%mul3A_2] : memref<512xi32, #tpu.memory_space<hbm>> -> memref<16xi32, #tpu.memory_space<hbm>>
      %dma_wait3A_10 = tpu.memref_slice %arg3[%mul3A_2] : memref<512xi32, #tpu.memory_space<hbm>> -> memref<16xi32, #tpu.memory_space<hbm>>
      tpu.wait_dma2 semaphore(%run_scoped3A : memref<!tpu.dma_semaphore, #tpu.memory_space<semaphore_mem>>) src(%dma_wait3A_10 : memref<16xi32, #tpu.memory_space<hbm>>) dst(%arg5 : memref<16xi32, #tpu.memory_space<vmem>>)
      tpu.yield
    }) : () -> ()
    %dma_start3A = arith.constant 0 : i32
    %dma_start3A_3 = arith.constant 0 : i32
    %dma_start3A_4 = tpu.memref_slice %arg2[%dma_start3A, %dma_start3A_3] : memref<65536x64xf32, #tpu.memory_space<hbm>> -> memref<65536x64xf32, #tpu.memory_space<hbm>>
    tpu.enqueue_indirect_dma source(%dma_start3A_4 : memref<65536x64xf32, #tpu.memory_space<hbm>>) target(%arg6 : memref<16x64xf32, #tpu.memory_space<vmem>>) offsets(%arg5 : memref<16xi32, #tpu.memory_space<vmem>>) semaphore(%arg7 : memref<!tpu.dma_semaphore, #tpu.memory_space<semaphore_mem>>)
    %dma_wait3A = arith.constant 0 : i32
    %dma_wait3A_5 = arith.constant 0 : i32
    %dma_wait3A_6 = tpu.memref_slice %arg2[%dma_wait3A, %dma_wait3A_5] : memref<65536x64xf32, #tpu.memory_space<hbm>> -> memref<65536x64xf32, #tpu.memory_space<hbm>>
    tpu.wait_indirect_dma semaphore(%arg7 : memref<!tpu.dma_semaphore, #tpu.memory_space<semaphore_mem>>) src(%dma_wait3A_6 : memref<65536x64xf32, #tpu.memory_space<hbm>>) dst(%arg6 : memref<16x64xf32, #tpu.memory_space<vmem>>)
    "tpu.region"() ({
      %run_scoped3A = tpu.sem_alloc : memref<!tpu.dma_semaphore, #tpu.memory_space<semaphore_mem>>
      %dma_start3A_7 = arith.constant 0 : i32
      %dma_start3A_8 = tpu.memref_slice %arg4[%mul3A_2, %dma_start3A_7] : memref<512x64xf32, #tpu.memory_space<hbm>> -> memref<16x64xf32, #tpu.memory_space<hbm>>
      %dma_start3A_9 = arith.constant 0 : i32
      %dma_start3A_10 = tpu.memref_slice %arg4[%mul3A_2, %dma_start3A_9] : memref<512x64xf32, #tpu.memory_space<hbm>> -> memref<16x64xf32, #tpu.memory_space<hbm>>
      tpu.enqueue_dma source(%arg6 : memref<16x64xf32, #tpu.memory_space<vmem>>) target(%dma_start3A_10 : memref<16x64xf32, #tpu.memory_space<hbm>>) target_semaphore(%run_scoped3A : memref<!tpu.dma_semaphore, #tpu.memory_space<semaphore_mem>>)
      %dma_wait3A_11 = arith.constant 0 : i32
      %dma_wait3A_12 = tpu.memref_slice %arg4[%mul3A_2, %dma_wait3A_11] : memref<512x64xf32, #tpu.memory_space<hbm>> -> memref<16x64xf32, #tpu.memory_space<hbm>>
      %dma_wait3A_13 = arith.constant 0 : i32
      %dma_wait3A_14 = tpu.memref_slice %arg4[%mul3A_2, %dma_wait3A_13] : memref<512x64xf32, #tpu.memory_space<hbm>> -> memref<16x64xf32, #tpu.memory_space<hbm>>
      tpu.wait_dma2 semaphore(%run_scoped3A : memref<!tpu.dma_semaphore, #tpu.memory_space<semaphore_mem>>) src(%arg6 : memref<16x64xf32, #tpu.memory_space<vmem>>) dst(%dma_wait3A_14 : memref<16x64xf32, #tpu.memory_space<hbm>>)
      tpu.yield
    }) : () -> ()
    return
  }
}

module attributes {stable_mosaic.version = 14 : i64} {
  func.func @_assign_body(%arg0: i32, %arg1: memref<512x64xf32, #tpu.memory_space<vmem>>, %arg2: memref<512x64xf32, #tpu.memory_space<vmem>>, %arg3: memref<1x1x512xi32, #tpu.memory_space<vmem>>, %arg4: memref<512xf32, #tpu.memory_space<vmem>>, %arg5: memref<1x1x512xi32, #tpu.memory_space<vmem>>, %arg6: memref<512x1xf32, #tpu.memory_space<vmem>>, %arg7: memref<512xf32, #tpu.memory_space<vmem>>) attributes {dimension_semantics = [#tpu.dimension_semantics<arbitrary>], iteration_bounds = array<i64: 128>, scalar_prefetch = 0 : i64, scratch_operands = 1 : i64, tpu.core_type = #tpu.core_type<tc>, window_params = [{transform_indices = @transform_0, window_bounds = array<i64: 512, 64>}, {pipeline_mode = #tpu.pipeline_mode<synchronous>, transform_indices = @transform_1, window_bounds = array<i64: 512, 64>}, {transform_indices = @transform_2, window_bounds = array<i64: 1, 1, 512>}, {pipeline_mode = #tpu.pipeline_mode<synchronous>, transform_indices = @transform_3, window_bounds = array<i64: 512>}, {transform_indices = @transform_4, window_bounds = array<i64: 1, 1, 512>}, {transform_indices = @transform_5, window_bounds = array<i64: 512, 1>}]} {
    %get3A = arith.constant 0 : index
    %get3A_0 = arith.constant 0 : index
    %get3A_1 = vector.load %arg1[%get3A, %get3A_0] : memref<512x64xf32, #tpu.memory_space<vmem>>, vector<512x64xf32>
    %get3A_2 = arith.constant 0 : index
    %get3A_3 = arith.constant 0 : index
    %get3A_4 = vector.load %arg2[%get3A_2, %get3A_3] : memref<512x64xf32, #tpu.memory_space<vmem>>, vector<512x64xf32>
    %mul3A = arith.mulf %get3A_1, %get3A_1 : vector<512x64xf32>
    %slice3A = vector.extract_strided_slice %mul3A {offsets = [0, 0], sizes = [512, 8], strides = [1, 1]} : vector<512x64xf32> to vector<512x8xf32>
    %slice3A_5 = vector.extract_strided_slice %mul3A {offsets = [0, 8], sizes = [512, 8], strides = [1, 1]} : vector<512x64xf32> to vector<512x8xf32>
    %add3A = arith.addf %slice3A, %slice3A_5 : vector<512x8xf32>
    %slice3A_6 = vector.extract_strided_slice %mul3A {offsets = [0, 16], sizes = [512, 8], strides = [1, 1]} : vector<512x64xf32> to vector<512x8xf32>
    %add3A_7 = arith.addf %add3A, %slice3A_6 : vector<512x8xf32>
    %slice3A_8 = vector.extract_strided_slice %mul3A {offsets = [0, 24], sizes = [512, 8], strides = [1, 1]} : vector<512x64xf32> to vector<512x8xf32>
    %add3A_9 = arith.addf %add3A_7, %slice3A_8 : vector<512x8xf32>
    %slice3A_10 = vector.extract_strided_slice %mul3A {offsets = [0, 32], sizes = [512, 8], strides = [1, 1]} : vector<512x64xf32> to vector<512x8xf32>
    %add3A_11 = arith.addf %add3A_9, %slice3A_10 : vector<512x8xf32>
    %slice3A_12 = vector.extract_strided_slice %mul3A {offsets = [0, 40], sizes = [512, 8], strides = [1, 1]} : vector<512x64xf32> to vector<512x8xf32>
    %add3A_13 = arith.addf %add3A_11, %slice3A_12 : vector<512x8xf32>
    %slice3A_14 = vector.extract_strided_slice %mul3A {offsets = [0, 48], sizes = [512, 8], strides = [1, 1]} : vector<512x64xf32> to vector<512x8xf32>
    %add3A_15 = arith.addf %add3A_13, %slice3A_14 : vector<512x8xf32>
    %slice3A_16 = vector.extract_strided_slice %mul3A {offsets = [0, 56], sizes = [512, 8], strides = [1, 1]} : vector<512x64xf32> to vector<512x8xf32>
    %add3A_17 = arith.addf %add3A_15, %slice3A_16 : vector<512x8xf32>
    %slice3A_18 = vector.extract_strided_slice %add3A_17 {offsets = [0, 0], sizes = [512, 4], strides = [1, 1]} : vector<512x8xf32> to vector<512x4xf32>
    %slice3A_19 = vector.extract_strided_slice %add3A_17 {offsets = [0, 4], sizes = [512, 4], strides = [1, 1]} : vector<512x8xf32> to vector<512x4xf32>
    %add3A_20 = arith.addf %slice3A_18, %slice3A_19 : vector<512x4xf32>
    %slice3A_21 = vector.extract_strided_slice %add3A_20 {offsets = [0, 0], sizes = [512, 2], strides = [1, 1]} : vector<512x4xf32> to vector<512x2xf32>
    %slice3A_22 = vector.extract_strided_slice %add3A_20 {offsets = [0, 2], sizes = [512, 2], strides = [1, 1]} : vector<512x4xf32> to vector<512x2xf32>
    %add3A_23 = arith.addf %slice3A_21, %slice3A_22 : vector<512x2xf32>
    %slice3A_24 = vector.extract_strided_slice %add3A_23 {offsets = [0, 0], sizes = [512, 1], strides = [1, 1]} : vector<512x2xf32> to vector<512x1xf32>
    %slice3A_25 = vector.extract_strided_slice %add3A_23 {offsets = [0, 1], sizes = [512, 1], strides = [1, 1]} : vector<512x2xf32> to vector<512x1xf32>
    %add3A_26 = arith.addf %slice3A_24, %slice3A_25 : vector<512x1xf32>
    %swap3A = arith.constant 0 : index
    %swap3A_27 = arith.constant 0 : index
    %swap3A_28 = vector.load %arg6[%swap3A, %swap3A_27] : memref<512x1xf32, #tpu.memory_space<vmem>>, vector<512x1xf32>
    tpu.vector_store %arg6[%swap3A, %swap3A_27], %add3A_26 {strides = array<i32>} : memref<512x1xf32, #tpu.memory_space<vmem>>, vector<512x1xf32>,
    %mul3A_29 = arith.mulf %get3A_4, %get3A_4 : vector<512x64xf32>
    %slice3A_30 = vector.extract_strided_slice %mul3A_29 {offsets = [0, 0], sizes = [512, 8], strides = [1, 1]} : vector<512x64xf32> to vector<512x8xf32>
    %slice3A_31 = vector.extract_strided_slice %mul3A_29 {offsets = [0, 8], sizes = [512, 8], strides = [1, 1]} : vector<512x64xf32> to vector<512x8xf32>
    %add3A_32 = arith.addf %slice3A_30, %slice3A_31 : vector<512x8xf32>
    %slice3A_33 = vector.extract_strided_slice %mul3A_29 {offsets = [0, 16], sizes = [512, 8], strides = [1, 1]} : vector<512x64xf32> to vector<512x8xf32>
    %add3A_34 = arith.addf %add3A_32, %slice3A_33 : vector<512x8xf32>
    %slice3A_35 = vector.extract_strided_slice %mul3A_29 {offsets = [0, 24], sizes = [512, 8], strides = [1, 1]} : vector<512x64xf32> to vector<512x8xf32>
    %add3A_36 = arith.addf %add3A_34, %slice3A_35 : vector<512x8xf32>
    %slice3A_37 = vector.extract_strided_slice %mul3A_29 {offsets = [0, 32], sizes = [512, 8], strides = [1, 1]} : vector<512x64xf32> to vector<512x8xf32>
    %add3A_38 = arith.addf %add3A_36, %slice3A_37 : vector<512x8xf32>
    %slice3A_39 = vector.extract_strided_slice %mul3A_29 {offsets = [0, 40], sizes = [512, 8], strides = [1, 1]} : vector<512x64xf32> to vector<512x8xf32>
    %add3A_40 = arith.addf %add3A_38, %slice3A_39 : vector<512x8xf32>
    %slice3A_41 = vector.extract_strided_slice %mul3A_29 {offsets = [0, 48], sizes = [512, 8], strides = [1, 1]} : vector<512x64xf32> to vector<512x8xf32>
    %add3A_42 = arith.addf %add3A_40, %slice3A_41 : vector<512x8xf32>
    %slice3A_43 = vector.extract_strided_slice %mul3A_29 {offsets = [0, 56], sizes = [512, 8], strides = [1, 1]} : vector<512x64xf32> to vector<512x8xf32>
    %add3A_44 = arith.addf %add3A_42, %slice3A_43 : vector<512x8xf32>
    %slice3A_45 = vector.extract_strided_slice %add3A_44 {offsets = [0, 0], sizes = [512, 4], strides = [1, 1]} : vector<512x8xf32> to vector<512x4xf32>
    %slice3A_46 = vector.extract_strided_slice %add3A_44 {offsets = [0, 4], sizes = [512, 4], strides = [1, 1]} : vector<512x8xf32> to vector<512x4xf32>
    %add3A_47 = arith.addf %slice3A_45, %slice3A_46 : vector<512x4xf32>
    %slice3A_48 = vector.extract_strided_slice %add3A_47 {offsets = [0, 0], sizes = [512, 2], strides = [1, 1]} : vector<512x4xf32> to vector<512x2xf32>
    %slice3A_49 = vector.extract_strided_slice %add3A_47 {offsets = [0, 2], sizes = [512, 2], strides = [1, 1]} : vector<512x4xf32> to vector<512x2xf32>
    %add3A_50 = arith.addf %slice3A_48, %slice3A_49 : vector<512x2xf32>
    %slice3A_51 = vector.extract_strided_slice %add3A_50 {offsets = [0, 0], sizes = [512, 1], strides = [1, 1]} : vector<512x2xf32> to vector<512x1xf32>
    %slice3A_52 = vector.extract_strided_slice %add3A_50 {offsets = [0, 1], sizes = [512, 1], strides = [1, 1]} : vector<512x2xf32> to vector<512x1xf32>
    %add3A_53 = arith.addf %slice3A_51, %slice3A_52 : vector<512x1xf32>
    %reshape3A = vector.shape_cast %add3A_53 : vector<512x1xf32> to vector<1x512xf32>
    %dot_general3A = arith.constant dense<0.000000e+00> : vector<512x512xf32>
    %dot_general3A_54 = tpu.matmul %get3A_1, %get3A_4, %dot_general3A {dimension_numbers = #tpu.dot_dimension_numbers<[1], [1], [0], [0], [0, 0, 1, 0], [], []>, transpose_lhs_hint = false} : vector<512x64xf32>, vector<512x64xf32>, vector<512x512xf32> -> vector<512x512xf32>
    %add3A_55 = vector.broadcast %add3A_26 : vector<512x1xf32> to vector<512x512xf32>
    %add3A_56 = vector.broadcast %reshape3A : vector<1x512xf32> to vector<512x512xf32>
    %add3A_57 = arith.addf %add3A_55, %add3A_56 : vector<512x512xf32>
    %mul3A_58 = arith.constant 2.000000e+00 : f32
    %mul3A_59 = vector.broadcast %mul3A_58 : f32 to vector<512x512xf32>
    %mul3A_60 = arith.mulf %mul3A_59, %dot_general3A_54 : vector<512x512xf32>
    %sub3A = arith.subf %add3A_57, %mul3A_60 : vector<512x512xf32>
    %reduce_min3A = arith.constant dense<0x7F800000> : vector<512xf32>
    %reduce_min3A_61 = vector.multi_reduction <minimumf>, %sub3A, %reduce_min3A [1] : vector<512x512xf32> to vector<512xf32>
    %broadcast_in_dim3A = vector.shape_cast %reduce_min3A_61 : vector<512xf32> to vector<512x1xf32>
    %iota3A = tpu.iota {dimensions = array<i32: 1>} : vector<512x512xi32>
    %eq3A = vector.broadcast %broadcast_in_dim3A : vector<512x1xf32> to vector<512x512xf32>
    %eq3A_62 = arith.cmpf oeq, %sub3A, %eq3A : vector<512x512xf32>
    %jit3A = arith.constant 512 : i32
    %broadcast_in_dim3A_63 = vector.broadcast %jit3A : i32 to vector<512x512xi32>
    %select_n3A = arith.select %eq3A_62, %iota3A, %broadcast_in_dim3A_63 : vector<512x512xi1>, vector<512x512xi32>
    %reduce_min3A_64 = arith.constant dense<2147483647> : vector<512xi32>
    %reduce_min3A_65 = vector.multi_reduction <minsi>, %select_n3A, %reduce_min3A_64 [1] : vector<512x512xi32> to vector<512xi32>
    %swap3A_66 = arith.constant 0 : index
    %swap3A_67 = arith.constant 0 : index
    %swap3A_68 = arith.constant 0 : index
    %swap3A_69 = vector.load %arg3[%swap3A_66, %swap3A_67, %swap3A_68] : memref<1x1x512xi32, #tpu.memory_space<vmem>>, vector<1x1x512xi32>
    %swap3A_70 = vector.shape_cast %swap3A_69 : vector<1x1x512xi32> to vector<512xi32>
    %swap3A_71 = vector.shape_cast %reduce_min3A_65 : vector<512xi32> to vector<1x1x512xi32>
    tpu.vector_store %arg3[%swap3A_66, %swap3A_67, %swap3A_68], %swap3A_71 {strides = array<i32>} : memref<1x1x512xi32, #tpu.memory_space<vmem>>, vector<1x1x512xi32>,
    %broadcast_in_dim3A_72 = vector.shape_cast %reduce_min3A_65 : vector<512xi32> to vector<512x1xi32>
    %eq3A_73 = vector.broadcast %broadcast_in_dim3A_72 : vector<512x1xi32> to vector<512x512xi32>
    %eq3A_74 = arith.cmpi eq, %iota3A, %eq3A_73 : vector<512x512xi32>
    %convert_element_type3A = arith.extui %eq3A_74 : vector<512x512xi1> to vector<512x512xi32>
    %convert_element_type3A_75 = arith.sitofp %convert_element_type3A : vector<512x512xi32> to vector<512x512xf32>
    %reduce_sum3A = arith.constant dense<0.000000e+00> : vector<512xf32>
    %reduce_sum3A_76 = vector.multi_reduction <add>, %convert_element_type3A_75, %reduce_sum3A [0] : vector<512x512xf32> to vector<512xf32>
    %eq3A_77 = arith.constant 0 : i32
    %eq3A_78 = arith.cmpi eq, %arg0, %eq3A_77 : i32
    %convert_element_type3A_79 = arith.extui %eq3A_78 : i1 to i32
    %cond3A = arith.constant 0 : i32
    %cond3A_80 = arith.cmpi ne, %convert_element_type3A_79, %cond3A : i32
    scf.if %cond3A_80 {
      %broadcast_in_dim3A_115 = arith.constant 0.000000e+00 : f32
      %broadcast_in_dim3A_116 = vector.broadcast %broadcast_in_dim3A_115 : f32 to vector<512xf32>
      %swap3A_117 = arith.constant 0 : index
      %swap3A_118 = vector.load %arg7[%swap3A_117] : memref<512xf32, #tpu.memory_space<vmem>>, vector<512xf32>
      tpu.vector_store %arg7[%swap3A_117], %broadcast_in_dim3A_116 {strides = array<i32>} : memref<512xf32, #tpu.memory_space<vmem>>, vector<512xf32>,
    } else {
    }
    %get3A_81 = arith.constant 0 : index
    %get3A_82 = vector.load %arg7[%get3A_81] : memref<512xf32, #tpu.memory_space<vmem>>, vector<512xf32>
    %broadcast_in_dim3A_83 = vector.shape_cast %get3A_82 : vector<512xf32> to vector<1x512xf32>
    %mul3A_84 = vector.broadcast %broadcast_in_dim3A_83 : vector<1x512xf32> to vector<512x512xf32>
    %mul3A_85 = arith.mulf %convert_element_type3A_75, %mul3A_84 : vector<512x512xf32>
    %reduce_sum3A_86 = arith.constant dense<0.000000e+00> : vector<512xf32>
    %reduce_sum3A_87 = vector.multi_reduction <add>, %mul3A_85, %reduce_sum3A_86 [1] : vector<512x512xf32> to vector<512xf32>
    %iota3A_88 = tpu.iota {dimensions = array<i32: 0>} : vector<512x512xi32>
    %iota3A_89 = tpu.iota {dimensions = array<i32: 1>} : vector<512x512xi32>
    %lt3A = arith.cmpi slt, %iota3A_89, %iota3A_88 : vector<512x512xi32>
    %convert_element_type3A_90 = arith.extui %lt3A : vector<512x512xi1> to vector<512x512xi32>
    %convert_element_type3A_91 = arith.sitofp %convert_element_type3A_90 : vector<512x512xi32> to vector<512x512xf32>
    %dot_general3A_92 = arith.constant dense<0.000000e+00> : vector<512x512xf32>
    %dot_general3A_93 = tpu.matmul %convert_element_type3A_91, %convert_element_type3A_75, %dot_general3A_92 {dimension_numbers = #tpu.dot_dimension_numbers<[1], [0], [0], [1], [0, 0, 1, 1], [], []>, transpose_lhs_hint = false} : vector<512x512xf32>, vector<512x512xf32>, vector<512x512xf32> -> vector<512x512xf32>
    %mul3A_94 = arith.mulf %dot_general3A_93, %convert_element_type3A_75 : vector<512x512xf32>
    %reduce_sum3A_95 = arith.constant dense<0.000000e+00> : vector<512xf32>
    %reduce_sum3A_96 = vector.multi_reduction <add>, %mul3A_94, %reduce_sum3A_95 [1] : vector<512x512xf32> to vector<512xf32>
    %add3A_97 = arith.addf %reduce_sum3A_87, %reduce_sum3A_96 : vector<512xf32>
    %convert_element_type3A_98 = arith.fptosi %add3A_97 : vector<512xf32> to vector<512xi32>
    %swap3A_99 = arith.constant 0 : index
    %swap3A_100 = arith.constant 0 : index
    %swap3A_101 = arith.constant 0 : index
    %swap3A_102 = vector.load %arg5[%swap3A_99, %swap3A_100, %swap3A_101] : memref<1x1x512xi32, #tpu.memory_space<vmem>>, vector<1x1x512xi32>
    %swap3A_103 = vector.shape_cast %swap3A_102 : vector<1x1x512xi32> to vector<512xi32>
    %swap3A_104 = vector.shape_cast %convert_element_type3A_98 : vector<512xi32> to vector<1x1x512xi32>
    tpu.vector_store %arg5[%swap3A_99, %swap3A_100, %swap3A_101], %swap3A_104 {strides = array<i32>} : memref<1x1x512xi32, #tpu.memory_space<vmem>>, vector<1x1x512xi32>,
    %get3A_105 = arith.constant 0 : index
    %get3A_106 = vector.load %arg7[%get3A_105] : memref<512xf32, #tpu.memory_space<vmem>>, vector<512xf32>
    %add3A_107 = arith.addf %get3A_106, %reduce_sum3A_76 : vector<512xf32>
    %swap3A_108 = arith.constant 0 : index
    %swap3A_109 = vector.load %arg7[%swap3A_108] : memref<512xf32, #tpu.memory_space<vmem>>, vector<512xf32>
    tpu.vector_store %arg7[%swap3A_108], %add3A_107 {strides = array<i32>} : memref<512xf32, #tpu.memory_space<vmem>>, vector<512xf32>,
    %eq3A_110 = arith.constant 127 : i32
    %eq3A_111 = arith.cmpi eq, %arg0, %eq3A_110 : i32
    %convert_element_type3A_112 = arith.extui %eq3A_111 : i1 to i32
    %cond3A_113 = arith.constant 0 : i32
    %cond3A_114 = arith.cmpi ne, %convert_element_type3A_112, %cond3A_113 : i32
    scf.if %cond3A_114 {
      %get3A_115 = arith.constant 0 : index
      %get3A_116 = vector.load %arg7[%get3A_115] : memref<512xf32, #tpu.memory_space<vmem>>, vector<512xf32>
      %swap3A_117 = arith.constant 0 : index
      %swap3A_118 = vector.load %arg4[%swap3A_117] : memref<512xf32, #tpu.memory_space<vmem>>, vector<512xf32>
      tpu.vector_store %arg4[%swap3A_117], %get3A_116 {strides = array<i32>} : memref<512xf32, #tpu.memory_space<vmem>>, vector<512xf32>,
    } else {
    }
    return
  }
  func.func @transform_0(%arg0: i32) -> (i32, i32) {
    %c0_i32 = arith.constant 0 : i32
    %c0_i32_0 = arith.constant 0 : i32
    return %arg0, %c0_i32 : i32, i32
  }
  func.func @transform_1(%arg0: i32) -> (i32, i32) {
    %c0_i32 = arith.constant 0 : i32
    %c0_i32_0 = arith.constant 0 : i32
    %c0_i32_1 = arith.constant 0 : i32
    return %c0_i32, %c0_i32_0 : i32, i32
  }
  func.func @transform_2(%arg0: i32) -> (i32, i32, i32) {
    %c0_i32 = arith.constant 0 : i32
    %c0_i32_0 = arith.constant 0 : i32
    %c0_i32_1 = arith.constant 0 : i32
    return %arg0, %c0_i32, %c0_i32_0 : i32, i32, i32
  }
  func.func @transform_3(%arg0: i32) -> i32 {
    %c0_i32 = arith.constant 0 : i32
    %c0_i32_0 = arith.constant 0 : i32
    return %c0_i32 : i32
  }
  func.func @transform_4(%arg0: i32) -> (i32, i32, i32) {
    %c0_i32 = arith.constant 0 : i32
    %c0_i32_0 = arith.constant 0 : i32
    %c0_i32_1 = arith.constant 0 : i32
    return %arg0, %c0_i32, %c0_i32_0 : i32, i32, i32
  }
  func.func @transform_5(%arg0: i32) -> (i32, i32) {
    %c0_i32 = arith.constant 0 : i32
    %c0_i32_0 = arith.constant 0 : i32
    return %arg0, %c0_i32 : i32, i32
  }
}

module attributes {stable_mosaic.version = 14 : i64} {
  func.func @_update_body(%arg0: i32, %arg1: memref<1x512x64xf32, #tpu.memory_space<vmem>>, %arg2: memref<512x1xf32, #tpu.memory_space<vmem>>, %arg3: memref<512x64xf32, #tpu.memory_space<vmem>>, %arg4: memref<512x64xf32, #tpu.memory_space<vmem>>, %arg5: memref<512x64xf32, #tpu.memory_space<vmem>>) attributes {dimension_semantics = [#tpu.dimension_semantics<arbitrary>], iteration_bounds = array<i64: 32>, scalar_prefetch = 0 : i64, scratch_operands = 1 : i64, tpu.core_type = #tpu.core_type<tc>, window_params = [{transform_indices = @transform_0, window_bounds = array<i64: 1, 512, 64>}, {pipeline_mode = #tpu.pipeline_mode<synchronous>, transform_indices = @transform_1, window_bounds = array<i64: 512, 1>}, {pipeline_mode = #tpu.pipeline_mode<synchronous>, transform_indices = @transform_2, window_bounds = array<i64: 512, 64>}, {pipeline_mode = #tpu.pipeline_mode<synchronous>, transform_indices = @transform_3, window_bounds = array<i64: 512, 64>}]} {
    %get3A = arith.constant 0 : index
    %get3A_0 = arith.constant 0 : index
    %get3A_1 = arith.constant 0 : index
    %get3A_2 = vector.load %arg1[%get3A, %get3A_0, %get3A_1] : memref<1x512x64xf32, #tpu.memory_space<vmem>>, vector<1x512x64xf32>
    %get3A_3 = vector.shape_cast %get3A_2 : vector<1x512x64xf32> to vector<512x64xf32>
    %eq3A = arith.constant 0 : i32
    %eq3A_4 = arith.cmpi eq, %arg0, %eq3A : i32
    %convert_element_type3A = arith.extui %eq3A_4 : i1 to i32
    %cond3A = arith.constant 0 : i32
    %cond3A_5 = arith.cmpi ne, %convert_element_type3A, %cond3A : i32
    scf.if %cond3A_5 {
      %swap3A = arith.constant 0 : index
      %swap3A_15 = arith.constant 0 : index
      %swap3A_16 = vector.load %arg5[%swap3A, %swap3A_15] : memref<512x64xf32, #tpu.memory_space<vmem>>, vector<512x64xf32>
      tpu.vector_store %arg5[%swap3A, %swap3A_15], %get3A_3 {strides = array<i32>} : memref<512x64xf32, #tpu.memory_space<vmem>>, vector<512x64xf32>,
    } else {
    }
    %gt3A = arith.constant 0 : i32
    %gt3A_6 = arith.cmpi sgt, %arg0, %gt3A : i32
    %convert_element_type3A_7 = arith.extui %gt3A_6 : i1 to i32
    %cond3A_8 = arith.constant 0 : i32
    %cond3A_9 = arith.cmpi ne, %convert_element_type3A_7, %cond3A_8 : i32
    scf.if %cond3A_9 {
      %get3A_15 = arith.constant 0 : index
      %get3A_16 = arith.constant 0 : index
      %get3A_17 = vector.load %arg5[%get3A_15, %get3A_16] : memref<512x64xf32, #tpu.memory_space<vmem>>, vector<512x64xf32>
      %add3A = arith.addf %get3A_17, %get3A_3 : vector<512x64xf32>
      %swap3A = arith.constant 0 : index
      %swap3A_18 = arith.constant 0 : index
      %swap3A_19 = vector.load %arg5[%swap3A, %swap3A_18] : memref<512x64xf32, #tpu.memory_space<vmem>>, vector<512x64xf32>
      tpu.vector_store %arg5[%swap3A, %swap3A_18], %add3A {strides = array<i32>} : memref<512x64xf32, #tpu.memory_space<vmem>>, vector<512x64xf32>,
    } else {
    }
    %eq3A_10 = arith.constant 31 : i32
    %eq3A_11 = arith.cmpi eq, %arg0, %eq3A_10 : i32
    %convert_element_type3A_12 = arith.extui %eq3A_11 : i1 to i32
    %cond3A_13 = arith.constant 0 : i32
    %cond3A_14 = arith.cmpi ne, %convert_element_type3A_12, %cond3A_13 : i32
    scf.if %cond3A_14 {
      %get3A_15 = arith.constant 0 : index
      %get3A_16 = arith.constant 0 : index
      %get3A_17 = vector.load %arg2[%get3A_15, %get3A_16] : memref<512x1xf32, #tpu.memory_space<vmem>>, vector<512x1xf32>
      %get3A_18 = arith.constant 0 : index
      %get3A_19 = arith.constant 0 : index
      %get3A_20 = vector.load %arg5[%get3A_18, %get3A_19] : memref<512x64xf32, #tpu.memory_space<vmem>>, vector<512x64xf32>
      %div3A = vector.broadcast %get3A_17 : vector<512x1xf32> to vector<512x64xf32>
      %div3A_21 = arith.divf %get3A_20, %div3A : vector<512x64xf32>
      %eq3A_22 = arith.constant 0.000000e+00 : f32
      %eq3A_23 = vector.broadcast %eq3A_22 : f32 to vector<512x1xf32>
      %eq3A_24 = arith.cmpf oeq, %get3A_17, %eq3A_23 : vector<512x1xf32>
      %get3A_25 = arith.constant 0 : index
      %get3A_26 = arith.constant 0 : index
      %get3A_27 = vector.load %arg3[%get3A_25, %get3A_26] : memref<512x64xf32, #tpu.memory_space<vmem>>, vector<512x64xf32>
      %broadcast_in_dim3A = vector.shape_cast %eq3A_24 : vector<512x1xi1> to vector<512x1xi1>
      %broadcast_in_dim3A_28 = vector.broadcast %broadcast_in_dim3A : vector<512x1xi1> to vector<512x64xi1>
      %select_n3A = arith.select %broadcast_in_dim3A_28, %get3A_27, %div3A_21 : vector<512x64xi1>, vector<512x64xf32>
      %swap3A = arith.constant 0 : index
      %swap3A_29 = arith.constant 0 : index
      %swap3A_30 = vector.load %arg4[%swap3A, %swap3A_29] : memref<512x64xf32, #tpu.memory_space<vmem>>, vector<512x64xf32>
      tpu.vector_store %arg4[%swap3A, %swap3A_29], %select_n3A {strides = array<i32>} : memref<512x64xf32, #tpu.memory_space<vmem>>, vector<512x64xf32>,
    } else {
    }
    return
  }
  func.func @transform_0(%arg0: i32) -> (i32, i32, i32) {
    %c0_i32 = arith.constant 0 : i32
    %c0_i32_0 = arith.constant 0 : i32
    %c0_i32_1 = arith.constant 0 : i32
    return %arg0, %c0_i32, %c0_i32_0 : i32, i32, i32
  }
  func.func @transform_1(%arg0: i32) -> (i32, i32) {
    %c0_i32 = arith.constant 0 : i32
    %c0_i32_0 = arith.constant 0 : i32
    %c0_i32_1 = arith.constant 0 : i32
    return %c0_i32, %c0_i32_0 : i32, i32
  }
  func.func @transform_2(%arg0: i32) -> (i32, i32) {
    %c0_i32 = arith.constant 0 : i32
    %c0_i32_0 = arith.constant 0 : i32
    %c0_i32_1 = arith.constant 0 : i32
    return %c0_i32, %c0_i32_0 : i32, i32
  }
  func.func @transform_3(%arg0: i32) -> (i32, i32) {
    %c0_i32 = arith.constant 0 : i32
    %c0_i32_0 = arith.constant 0 : i32
    %c0_i32_1 = arith.constant 0 : i32
    return %c0_i32, %c0_i32_0 : i32, i32
  }
}

module attributes {stable_mosaic.version = 14 : i64} {
  func.func @_assign_body(%arg0: i32, %arg1: memref<512x64xf32, #tpu.memory_space<vmem>>, %arg2: memref<512x64xf32, #tpu.memory_space<vmem>>, %arg3: memref<1x1x512xi32, #tpu.memory_space<vmem>>, %arg4: memref<512xf32, #tpu.memory_space<vmem>>, %arg5: memref<1x1x512xi32, #tpu.memory_space<vmem>>, %arg6: memref<512x1xf32, #tpu.memory_space<vmem>>, %arg7: memref<512xf32, #tpu.memory_space<vmem>>) attributes {dimension_semantics = [#tpu.dimension_semantics<arbitrary>], iteration_bounds = array<i64: 128>, scalar_prefetch = 0 : i64, scratch_operands = 1 : i64, tpu.core_type = #tpu.core_type<tc>, window_params = [{transform_indices = @transform_0, window_bounds = array<i64: 512, 64>}, {pipeline_mode = #tpu.pipeline_mode<synchronous>, transform_indices = @transform_1, window_bounds = array<i64: 512, 64>}, {transform_indices = @transform_2, window_bounds = array<i64: 1, 1, 512>}, {pipeline_mode = #tpu.pipeline_mode<synchronous>, transform_indices = @transform_3, window_bounds = array<i64: 512>}, {transform_indices = @transform_4, window_bounds = array<i64: 1, 1, 512>}, {transform_indices = @transform_5, window_bounds = array<i64: 512, 1>}]} {
    %get3A = arith.constant 0 : index
    %get3A_0 = arith.constant 0 : index
    %get3A_1 = vector.load %arg1[%get3A, %get3A_0] : memref<512x64xf32, #tpu.memory_space<vmem>>, vector<512x64xf32>
    %get3A_2 = arith.constant 0 : index
    %get3A_3 = arith.constant 0 : index
    %get3A_4 = vector.load %arg2[%get3A_2, %get3A_3] : memref<512x64xf32, #tpu.memory_space<vmem>>, vector<512x64xf32>
    %mul3A = arith.mulf %get3A_1, %get3A_1 : vector<512x64xf32>
    %slice3A = vector.extract_strided_slice %mul3A {offsets = [0, 0], sizes = [512, 8], strides = [1, 1]} : vector<512x64xf32> to vector<512x8xf32>
    %slice3A_5 = vector.extract_strided_slice %mul3A {offsets = [0, 8], sizes = [512, 8], strides = [1, 1]} : vector<512x64xf32> to vector<512x8xf32>
    %add3A = arith.addf %slice3A, %slice3A_5 : vector<512x8xf32>
    %slice3A_6 = vector.extract_strided_slice %mul3A {offsets = [0, 16], sizes = [512, 8], strides = [1, 1]} : vector<512x64xf32> to vector<512x8xf32>
    %add3A_7 = arith.addf %add3A, %slice3A_6 : vector<512x8xf32>
    %slice3A_8 = vector.extract_strided_slice %mul3A {offsets = [0, 24], sizes = [512, 8], strides = [1, 1]} : vector<512x64xf32> to vector<512x8xf32>
    %add3A_9 = arith.addf %add3A_7, %slice3A_8 : vector<512x8xf32>
    %slice3A_10 = vector.extract_strided_slice %mul3A {offsets = [0, 32], sizes = [512, 8], strides = [1, 1]} : vector<512x64xf32> to vector<512x8xf32>
    %add3A_11 = arith.addf %add3A_9, %slice3A_10 : vector<512x8xf32>
    %slice3A_12 = vector.extract_strided_slice %mul3A {offsets = [0, 40], sizes = [512, 8], strides = [1, 1]} : vector<512x64xf32> to vector<512x8xf32>
    %add3A_13 = arith.addf %add3A_11, %slice3A_12 : vector<512x8xf32>
    %slice3A_14 = vector.extract_strided_slice %mul3A {offsets = [0, 48], sizes = [512, 8], strides = [1, 1]} : vector<512x64xf32> to vector<512x8xf32>
    %add3A_15 = arith.addf %add3A_13, %slice3A_14 : vector<512x8xf32>
    %slice3A_16 = vector.extract_strided_slice %mul3A {offsets = [0, 56], sizes = [512, 8], strides = [1, 1]} : vector<512x64xf32> to vector<512x8xf32>
    %add3A_17 = arith.addf %add3A_15, %slice3A_16 : vector<512x8xf32>
    %slice3A_18 = vector.extract_strided_slice %add3A_17 {offsets = [0, 0], sizes = [512, 4], strides = [1, 1]} : vector<512x8xf32> to vector<512x4xf32>
    %slice3A_19 = vector.extract_strided_slice %add3A_17 {offsets = [0, 4], sizes = [512, 4], strides = [1, 1]} : vector<512x8xf32> to vector<512x4xf32>
    %add3A_20 = arith.addf %slice3A_18, %slice3A_19 : vector<512x4xf32>
    %slice3A_21 = vector.extract_strided_slice %add3A_20 {offsets = [0, 0], sizes = [512, 2], strides = [1, 1]} : vector<512x4xf32> to vector<512x2xf32>
    %slice3A_22 = vector.extract_strided_slice %add3A_20 {offsets = [0, 2], sizes = [512, 2], strides = [1, 1]} : vector<512x4xf32> to vector<512x2xf32>
    %add3A_23 = arith.addf %slice3A_21, %slice3A_22 : vector<512x2xf32>
    %slice3A_24 = vector.extract_strided_slice %add3A_23 {offsets = [0, 0], sizes = [512, 1], strides = [1, 1]} : vector<512x2xf32> to vector<512x1xf32>
    %slice3A_25 = vector.extract_strided_slice %add3A_23 {offsets = [0, 1], sizes = [512, 1], strides = [1, 1]} : vector<512x2xf32> to vector<512x1xf32>
    %add3A_26 = arith.addf %slice3A_24, %slice3A_25 : vector<512x1xf32>
    %swap3A = arith.constant 0 : index
    %swap3A_27 = arith.constant 0 : index
    %swap3A_28 = vector.load %arg6[%swap3A, %swap3A_27] : memref<512x1xf32, #tpu.memory_space<vmem>>, vector<512x1xf32>
    tpu.vector_store %arg6[%swap3A, %swap3A_27], %add3A_26 {strides = array<i32>} : memref<512x1xf32, #tpu.memory_space<vmem>>, vector<512x1xf32>,
    %mul3A_29 = arith.mulf %get3A_4, %get3A_4 : vector<512x64xf32>
    %slice3A_30 = vector.extract_strided_slice %mul3A_29 {offsets = [0, 0], sizes = [512, 8], strides = [1, 1]} : vector<512x64xf32> to vector<512x8xf32>
    %slice3A_31 = vector.extract_strided_slice %mul3A_29 {offsets = [0, 8], sizes = [512, 8], strides = [1, 1]} : vector<512x64xf32> to vector<512x8xf32>
    %add3A_32 = arith.addf %slice3A_30, %slice3A_31 : vector<512x8xf32>
    %slice3A_33 = vector.extract_strided_slice %mul3A_29 {offsets = [0, 16], sizes = [512, 8], strides = [1, 1]} : vector<512x64xf32> to vector<512x8xf32>
    %add3A_34 = arith.addf %add3A_32, %slice3A_33 : vector<512x8xf32>
    %slice3A_35 = vector.extract_strided_slice %mul3A_29 {offsets = [0, 24], sizes = [512, 8], strides = [1, 1]} : vector<512x64xf32> to vector<512x8xf32>
    %add3A_36 = arith.addf %add3A_34, %slice3A_35 : vector<512x8xf32>
    %slice3A_37 = vector.extract_strided_slice %mul3A_29 {offsets = [0, 32], sizes = [512, 8], strides = [1, 1]} : vector<512x64xf32> to vector<512x8xf32>
    %add3A_38 = arith.addf %add3A_36, %slice3A_37 : vector<512x8xf32>
    %slice3A_39 = vector.extract_strided_slice %mul3A_29 {offsets = [0, 40], sizes = [512, 8], strides = [1, 1]} : vector<512x64xf32> to vector<512x8xf32>
    %add3A_40 = arith.addf %add3A_38, %slice3A_39 : vector<512x8xf32>
    %slice3A_41 = vector.extract_strided_slice %mul3A_29 {offsets = [0, 48], sizes = [512, 8], strides = [1, 1]} : vector<512x64xf32> to vector<512x8xf32>
    %add3A_42 = arith.addf %add3A_40, %slice3A_41 : vector<512x8xf32>
    %slice3A_43 = vector.extract_strided_slice %mul3A_29 {offsets = [0, 56], sizes = [512, 8], strides = [1, 1]} : vector<512x64xf32> to vector<512x8xf32>
    %add3A_44 = arith.addf %add3A_42, %slice3A_43 : vector<512x8xf32>
    %slice3A_45 = vector.extract_strided_slice %add3A_44 {offsets = [0, 0], sizes = [512, 4], strides = [1, 1]} : vector<512x8xf32> to vector<512x4xf32>
    %slice3A_46 = vector.extract_strided_slice %add3A_44 {offsets = [0, 4], sizes = [512, 4], strides = [1, 1]} : vector<512x8xf32> to vector<512x4xf32>
    %add3A_47 = arith.addf %slice3A_45, %slice3A_46 : vector<512x4xf32>
    %slice3A_48 = vector.extract_strided_slice %add3A_47 {offsets = [0, 0], sizes = [512, 2], strides = [1, 1]} : vector<512x4xf32> to vector<512x2xf32>
    %slice3A_49 = vector.extract_strided_slice %add3A_47 {offsets = [0, 2], sizes = [512, 2], strides = [1, 1]} : vector<512x4xf32> to vector<512x2xf32>
    %add3A_50 = arith.addf %slice3A_48, %slice3A_49 : vector<512x2xf32>
    %slice3A_51 = vector.extract_strided_slice %add3A_50 {offsets = [0, 0], sizes = [512, 1], strides = [1, 1]} : vector<512x2xf32> to vector<512x1xf32>
    %slice3A_52 = vector.extract_strided_slice %add3A_50 {offsets = [0, 1], sizes = [512, 1], strides = [1, 1]} : vector<512x2xf32> to vector<512x1xf32>
    %add3A_53 = arith.addf %slice3A_51, %slice3A_52 : vector<512x1xf32>
    %reshape3A = vector.shape_cast %add3A_53 : vector<512x1xf32> to vector<1x512xf32>
    %dot_general3A = arith.constant dense<0.000000e+00> : vector<512x512xf32>
    %dot_general3A_54 = tpu.matmul %get3A_1, %get3A_4, %dot_general3A {dimension_numbers = #tpu.dot_dimension_numbers<[1], [1], [0], [0], [0, 0, 1, 0], [], []>, transpose_lhs_hint = false} : vector<512x64xf32>, vector<512x64xf32>, vector<512x512xf32> -> vector<512x512xf32>
    %add3A_55 = vector.broadcast %add3A_26 : vector<512x1xf32> to vector<512x512xf32>
    %add3A_56 = vector.broadcast %reshape3A : vector<1x512xf32> to vector<512x512xf32>
    %add3A_57 = arith.addf %add3A_55, %add3A_56 : vector<512x512xf32>
    %mul3A_58 = arith.constant 2.000000e+00 : f32
    %mul3A_59 = vector.broadcast %mul3A_58 : f32 to vector<512x512xf32>
    %mul3A_60 = arith.mulf %mul3A_59, %dot_general3A_54 : vector<512x512xf32>
    %sub3A = arith.subf %add3A_57, %mul3A_60 : vector<512x512xf32>
    %reduce_min3A = arith.constant dense<0x7F800000> : vector<512xf32>
    %reduce_min3A_61 = vector.multi_reduction <minimumf>, %sub3A, %reduce_min3A [1] : vector<512x512xf32> to vector<512xf32>
    %broadcast_in_dim3A = vector.shape_cast %reduce_min3A_61 : vector<512xf32> to vector<512x1xf32>
    %iota3A = tpu.iota {dimensions = array<i32: 1>} : vector<512x512xi32>
    %eq3A = vector.broadcast %broadcast_in_dim3A : vector<512x1xf32> to vector<512x512xf32>
    %eq3A_62 = arith.cmpf oeq, %sub3A, %eq3A : vector<512x512xf32>
    %jit3A = arith.constant 512 : i32
    %broadcast_in_dim3A_63 = vector.broadcast %jit3A : i32 to vector<512x512xi32>
    %select_n3A = arith.select %eq3A_62, %iota3A, %broadcast_in_dim3A_63 : vector<512x512xi1>, vector<512x512xi32>
    %reduce_min3A_64 = arith.constant dense<2147483647> : vector<512xi32>
    %reduce_min3A_65 = vector.multi_reduction <minsi>, %select_n3A, %reduce_min3A_64 [1] : vector<512x512xi32> to vector<512xi32>
    %swap3A_66 = arith.constant 0 : index
    %swap3A_67 = arith.constant 0 : index
    %swap3A_68 = arith.constant 0 : index
    %swap3A_69 = vector.load %arg3[%swap3A_66, %swap3A_67, %swap3A_68] : memref<1x1x512xi32, #tpu.memory_space<vmem>>, vector<1x1x512xi32>
    %swap3A_70 = vector.shape_cast %swap3A_69 : vector<1x1x512xi32> to vector<512xi32>
    %swap3A_71 = vector.shape_cast %reduce_min3A_65 : vector<512xi32> to vector<1x1x512xi32>
    tpu.vector_store %arg3[%swap3A_66, %swap3A_67, %swap3A_68], %swap3A_71 {strides = array<i32>} : memref<1x1x512xi32, #tpu.memory_space<vmem>>, vector<1x1x512xi32>,
    %broadcast_in_dim3A_72 = vector.shape_cast %reduce_min3A_65 : vector<512xi32> to vector<512x1xi32>
    %eq3A_73 = vector.broadcast %broadcast_in_dim3A_72 : vector<512x1xi32> to vector<512x512xi32>
    %eq3A_74 = arith.cmpi eq, %iota3A, %eq3A_73 : vector<512x512xi32>
    %convert_element_type3A = arith.extui %eq3A_74 : vector<512x512xi1> to vector<512x512xi32>
    %convert_element_type3A_75 = arith.sitofp %convert_element_type3A : vector<512x512xi32> to vector<512x512xf32>
    %reduce_sum3A = arith.constant dense<0.000000e+00> : vector<512xf32>
    %reduce_sum3A_76 = vector.multi_reduction <add>, %convert_element_type3A_75, %reduce_sum3A [0] : vector<512x512xf32> to vector<512xf32>
    %eq3A_77 = arith.constant 0 : i32
    %eq3A_78 = arith.cmpi eq, %arg0, %eq3A_77 : i32
    %convert_element_type3A_79 = arith.extui %eq3A_78 : i1 to i32
    %cond3A = arith.constant 0 : i32
    %cond3A_80 = arith.cmpi ne, %convert_element_type3A_79, %cond3A : i32
    scf.if %cond3A_80 {
      %broadcast_in_dim3A_115 = arith.constant 0.000000e+00 : f32
      %broadcast_in_dim3A_116 = vector.broadcast %broadcast_in_dim3A_115 : f32 to vector<512xf32>
      %swap3A_117 = arith.constant 0 : index
      %swap3A_118 = vector.load %arg7[%swap3A_117] : memref<512xf32, #tpu.memory_space<vmem>>, vector<512xf32>
      tpu.vector_store %arg7[%swap3A_117], %broadcast_in_dim3A_116 {strides = array<i32>} : memref<512xf32, #tpu.memory_space<vmem>>, vector<512xf32>,
    } else {
    }
    %get3A_81 = arith.constant 0 : index
    %get3A_82 = vector.load %arg7[%get3A_81] : memref<512xf32, #tpu.memory_space<vmem>>, vector<512xf32>
    %broadcast_in_dim3A_83 = vector.shape_cast %get3A_82 : vector<512xf32> to vector<1x512xf32>
    %mul3A_84 = vector.broadcast %broadcast_in_dim3A_83 : vector<1x512xf32> to vector<512x512xf32>
    %mul3A_85 = arith.mulf %convert_element_type3A_75, %mul3A_84 : vector<512x512xf32>
    %reduce_sum3A_86 = arith.constant dense<0.000000e+00> : vector<512xf32>
    %reduce_sum3A_87 = vector.multi_reduction <add>, %mul3A_85, %reduce_sum3A_86 [1] : vector<512x512xf32> to vector<512xf32>
    %iota3A_88 = tpu.iota {dimensions = array<i32: 0>} : vector<512x512xi32>
    %iota3A_89 = tpu.iota {dimensions = array<i32: 1>} : vector<512x512xi32>
    %lt3A = arith.cmpi slt, %iota3A_89, %iota3A_88 : vector<512x512xi32>
    %convert_element_type3A_90 = arith.extui %lt3A : vector<512x512xi1> to vector<512x512xi32>
    %convert_element_type3A_91 = arith.sitofp %convert_element_type3A_90 : vector<512x512xi32> to vector<512x512xf32>
    %dot_general3A_92 = arith.constant dense<0.000000e+00> : vector<512x512xf32>
    %dot_general3A_93 = tpu.matmul %convert_element_type3A_91, %convert_element_type3A_75, %dot_general3A_92 {dimension_numbers = #tpu.dot_dimension_numbers<[1], [0], [0], [1], [0, 0, 1, 1], [], []>, transpose_lhs_hint = false} : vector<512x512xf32>, vector<512x512xf32>, vector<512x512xf32> -> vector<512x512xf32>
    %mul3A_94 = arith.mulf %dot_general3A_93, %convert_element_type3A_75 : vector<512x512xf32>
    %reduce_sum3A_95 = arith.constant dense<0.000000e+00> : vector<512xf32>
    %reduce_sum3A_96 = vector.multi_reduction <add>, %mul3A_94, %reduce_sum3A_95 [1] : vector<512x512xf32> to vector<512xf32>
    %add3A_97 = arith.addf %reduce_sum3A_87, %reduce_sum3A_96 : vector<512xf32>
    %convert_element_type3A_98 = arith.fptosi %add3A_97 : vector<512xf32> to vector<512xi32>
    %swap3A_99 = arith.constant 0 : index
    %swap3A_100 = arith.constant 0 : index
    %swap3A_101 = arith.constant 0 : index
    %swap3A_102 = vector.load %arg5[%swap3A_99, %swap3A_100, %swap3A_101] : memref<1x1x512xi32, #tpu.memory_space<vmem>>, vector<1x1x512xi32>
    %swap3A_103 = vector.shape_cast %swap3A_102 : vector<1x1x512xi32> to vector<512xi32>
    %swap3A_104 = vector.shape_cast %convert_element_type3A_98 : vector<512xi32> to vector<1x1x512xi32>
    tpu.vector_store %arg5[%swap3A_99, %swap3A_100, %swap3A_101], %swap3A_104 {strides = array<i32>} : memref<1x1x512xi32, #tpu.memory_space<vmem>>, vector<1x1x512xi32>,
    %get3A_105 = arith.constant 0 : index
    %get3A_106 = vector.load %arg7[%get3A_105] : memref<512xf32, #tpu.memory_space<vmem>>, vector<512xf32>
    %add3A_107 = arith.addf %get3A_106, %reduce_sum3A_76 : vector<512xf32>
    %swap3A_108 = arith.constant 0 : index
    %swap3A_109 = vector.load %arg7[%swap3A_108] : memref<512xf32, #tpu.memory_space<vmem>>, vector<512xf32>
    tpu.vector_store %arg7[%swap3A_108], %add3A_107 {strides = array<i32>} : memref<512xf32, #tpu.memory_space<vmem>>, vector<512xf32>,
    %eq3A_110 = arith.constant 127 : i32
    %eq3A_111 = arith.cmpi eq, %arg0, %eq3A_110 : i32
    %convert_element_type3A_112 = arith.extui %eq3A_111 : i1 to i32
    %cond3A_113 = arith.constant 0 : i32
    %cond3A_114 = arith.cmpi ne, %convert_element_type3A_112, %cond3A_113 : i32
    scf.if %cond3A_114 {
      %get3A_115 = arith.constant 0 : index
      %get3A_116 = vector.load %arg7[%get3A_115] : memref<512xf32, #tpu.memory_space<vmem>>, vector<512xf32>
      %swap3A_117 = arith.constant 0 : index
      %swap3A_118 = vector.load %arg4[%swap3A_117] : memref<512xf32, #tpu.memory_space<vmem>>, vector<512xf32>
      tpu.vector_store %arg4[%swap3A_117], %get3A_116 {strides = array<i32>} : memref<512xf32, #tpu.memory_space<vmem>>, vector<512xf32>,
    } else {
    }
    return
  }
  func.func @transform_0(%arg0: i32) -> (i32, i32) {
    %c0_i32 = arith.constant 0 : i32
    %c0_i32_0 = arith.constant 0 : i32
    return %arg0, %c0_i32 : i32, i32
  }
  func.func @transform_1(%arg0: i32) -> (i32, i32) {
    %c0_i32 = arith.constant 0 : i32
    %c0_i32_0 = arith.constant 0 : i32
    %c0_i32_1 = arith.constant 0 : i32
    return %c0_i32, %c0_i32_0 : i32, i32
  }
  func.func @transform_2(%arg0: i32) -> (i32, i32, i32) {
    %c0_i32 = arith.constant 0 : i32
    %c0_i32_0 = arith.constant 0 : i32
    %c0_i32_1 = arith.constant 0 : i32
    return %arg0, %c0_i32, %c0_i32_0 : i32, i32, i32
  }
  func.func @transform_3(%arg0: i32) -> i32 {
    %c0_i32 = arith.constant 0 : i32
    %c0_i32_0 = arith.constant 0 : i32
    return %c0_i32 : i32
  }
  func.func @transform_4(%arg0: i32) -> (i32, i32, i32) {
    %c0_i32 = arith.constant 0 : i32
    %c0_i32_0 = arith.constant 0 : i32
    %c0_i32_1 = arith.constant 0 : i32
    return %arg0, %c0_i32, %c0_i32_0 : i32, i32, i32
  }
  func.func @transform_5(%arg0: i32) -> (i32, i32) {
    %c0_i32 = arith.constant 0 : i32
    %c0_i32_0 = arith.constant 0 : i32
    return %arg0, %c0_i32 : i32, i32
  }
}

</mosaic_0001>

<sc_bundles>
// kernel: kernel.15.cloned.1.call-start
scs
__scs_entry_jumppad:
0x0: {  	(pc) =	sbr.rel $0x88, $3  }
0x1: {  	(tag) =	ssettag $0x0;
	lr =	simm.s32 $0x1  }
0x2: {  	[smem:$0x3FA0] =	sst lr;
	_ =	strace $0xD0000000  }
0x3: {  	_ = 	snop  }
0x4: {  	_ = 	snop  }
0x5: {  	_ = 	snop  }
0x6: {  	_ = 	snop  }
0x7: {  	_ = 	snop  }
__scs_overlays_trampoline_lowered:
0x8: {  	[smem:$0x3FAF] =	sst s0  }
0x9: {  	[smem:$0x3FB0] =	sst s1  }
0xa: {  	[smem:$0x3FB1] =	sst s2  }
0xb: {  	[smem:$0x3FB2] =	sst s3  }
0xc: {  	[smem:$0x3FB3] =	sst s4  }
0xd: {  	[smem:$0x3FB4] =	sst s5  }
0xe: {  	[smem:$0x3FB5] =	sst s6  }
0xf: {  	[smem:$0x3FB6] =	sst s7  }
0x10: {  	[smem:$0x3FB7] =	sst s8  }
0x11: {  	[smem:$0x3FB8] =	sst s9;
	s0 =	simm.s32 @!p0 $0x0  }
0x12: {  	s1 =	sld [smem:$0x3F9E];
	s0 =	simm.s32 @p0 $0x1  }
0x13: {  	[smem:$0x3FB9] =	sst s0;
	s0 =	simm.s32 @!p1 $0x0  }
0x14: {  	s2 =	sld [smem:$0x3F9D];
	s0 =	simm.s32 @p1 $0x1  }
0x15: {  	[smem:$0x3FBA] =	sst s0;
	s0 =	simm.s32 @!p2 $0x0  }
0x16: {  	s3 =	sld [smem:$0x3FDB];
	s0 =	simm.s32 @p2 $0x1  }
0x17: {  	s4 =	simm.s32 $0x1BF5;
	[smem:$0x3FBC] =	sst s0  }
0x18: {  	s0 =	sld [smem:$0x3F9F];
	_ =	swait.ge [sflag:s4], $0x0  }
0x19: {  	s7 =	sld [smem:$0x3FA0]  }
0x1a: {  	s8 =	sadd.s32 $0xFFFFE003, lr  }
0x1b: {  	s9 =	sadd.s32 $0xFFFFFEF7, lr;
	s5 =	simm.s32 $0xFFFFFFFF;
	p2 =	slt.u32 s8, $0xFFFFF086  }
0x1c: {  	p1 =	slt.u32 s9, $0xF7A;
	s5 =	simm.s32 @!p2 $0x0  }
0x1d: {  	s5 =	simm.s32 @p1 $0x1;
	p0 =	seq.s32 s7, s2  }
0x1e: {  	s7 =	smul.u32 @!p0 $0xF7A, s2;
	p2 =	seq.s32 @!p0 s5, $0x0  }
0x1f: {  	s9 =	smul.u32 $0xF7A, s1;
	s8 =	simm.s32 @!p0 $0x1BF5;
	p2 =	por !p2, p0  }
0x20: {  	[sflag:s8] =	ssyncset.s32 @!p0 $0xFFFFF086;
	s6 =	sadd.s32 @!p0 s3, s7;
	s7 =	simm.s32 @!p0 $0x108  }
0x21: {  	s3 =	sadd.s32 s3, s9;
	s6 =	sadd.s32 @!p0 $0x88, s6;
	s7 =	simm.s32 @p2 $0x1082  }
0x22: {  	[simem:s7], [sflag:s8] =	dma.local @!p0 [hbm:s6], $0xF7A  }
0x23: {  	s9 =	sor.u32 $0xD0000000, s2;
	s6 =	simm.s32 $0x108;
	_ =	swait.ge @!p0 [sflag:s8], $0x0  }
0x24: {  	s3 =	sadd.s32 $0x88, s3;
	s6 =	simm.s32 @!p1 $0x1082;
	[sflag:s4] =	ssyncset.s32 $0xFFFFF086  }
0x25: {  	[simem:s6], [sflag:s4] =	dma.local [hbm:s3], $0xF7A  }
0x26: {  	[smem:$0x3FA0] =	sst s1;
	(tag) =	ssettag s2;
	_ =	strace s9  }
0x27: {  	s1 =	sld [smem:$0x3FB0]  }
0x28: {  	s2 =	sld [smem:$0x3FB1]  }
0x29: {  	s4 =	sld [smem:$0x3FB3]  }
0x2a: {  	p0 =	seq.s32 s5, $0x0;
	s5 =	sld [smem:$0x3FB4]  }
0x2b: {  	s6 =	sld [smem:$0x3FB5]  }
0x2c: {  	s7 =	sld [smem:$0x3FB6]  }
0x2d: {  	s3 =	simm.s32 $0x108;
	s8 =	sld [smem:$0x3FB7]  }
0x2e: {  	s3 =	simm.s32 @!p0 $0x1082;
	s9 =	sld [smem:$0x3FB8]  }
0x2f: {  	lr =	sadd.s32 s0, s3;
	s0 =	sld [smem:$0x3FAF]  }
0x30: {  	s3 =	sld [smem:$0x3FB2]  }
0x31: {  	[smem:$0x3FBB] =	sst s10  }
0x32: {  	s10 =	sld [smem:$0x3FB9];
	_ =	sdelay $0x3  }
0x33: {  	p0 =	seq.s32 s10, $0x1;
	s10 =	sld [smem:$0x3FBB];
	_ =	sdelay $0x3  }
0x34: {  	[smem:$0x3FBB] =	sst s10  }
0x35: {  	s10 =	sld [smem:$0x3FBA];
	_ =	sdelay $0x3  }
0x36: {  	p1 =	seq.s32 s10, $0x1;
	s10 =	sld [smem:$0x3FBB];
	_ =	sdelay $0x3  }
0x37: {  	[smem:$0x3FBB] =	sst s10  }
0x38: {  	s10 =	sld [smem:$0x3FBC]  }
0x39: {  	_ = 	snop;
	(pc) =	sbr.ind lr, $3  }
0x3a: {  	_ = 	snop  }
0x3b: {  	_ = 	snop  }
0x3c: {  	p2 =	seq.s32 s10, $0x1;
	s10 =	sld [smem:$0x3FBB]  }
0x3d: {  	_ =	shalt  }
0x3e: {  	_ =	shalt  }
0x3f: {  	_ =	shalt  }
0x40: {  	_ =	shalt  }
0x41: {  	_ =	shalt  }
0x42: {  	_ =	shalt  }
0x43: {  	_ =	shalt  }
0x44: {  	_ =	shalt  }
0x45: {  	_ =	shalt  }
0x46: {  	_ =	shalt  }
0x47: {  	_ =	shalt  }
0x48: {  	_ =	shalt  }
0x49: {  	_ =	shalt  }
0x4a: {  	_ =	shalt  }
0x4b: {  	_ =	shalt  }
0x4c: {  	_ =	shalt  }
0x4d: {  	_ =	shalt  }
0x4e: {  	_ =	shalt  }
0x4f: {  	_ =	shalt  }
0x50: {  	_ =	shalt  }
0x51: {  	_ =	shalt  }
0x52: {  	_ =	shalt  }
0x53: {  	_ =	shalt  }
0x54: {  	_ =	shalt  }
0x55: {  	_ =	shalt  }
0x56: {  	_ =	shalt  }
0x57: {  	_ =	shalt  }
0x58: {  	_ =	shalt  }
0x59: {  	_ =	shalt  }
0x5a: {  	_ =	shalt  }
0x5b: {  	_ =	shalt  }
0x5c: {  	_ =	shalt  }
0x5d: {  	_ =	shalt  }
0x5e: {  	_ =	shalt  }
0x5f: {  	_ =	shalt  }
0x60: {  	_ =	shalt  }
0x61: {  	_ =	shalt  }
0x62: {  	_ =	shalt  }
0x63: {  	_ =	shalt  }
0x64: {  	_ =	shalt  }
0x65: {  	_ =	shalt  }
0x66: {  	_ =	shalt  }
0x67: {  	_ =	shalt  }
0x68: {  	_ =	shalt  }
0x69: {  	_ =	shalt  }
0x6a: {  	_ =	shalt  }
0x6b: {  	_ =	shalt  }
0x6c: {  	_ =	shalt  }
0x6d: {  	_ =	shalt  }
0x6e: {  	_ =	shalt  }
0x6f: {  	_ =	shalt  }
0x70: {  	_ =	shalt  }
0x71: {  	_ =	shalt  }
0x72: {  	_ =	shalt  }
0x73: {  	_ =	shalt  }
0x74: {  	_ =	shalt  }
0x75: {  	_ =	shalt  }
0x76: {  	_ =	shalt  }
0x77: {  	_ =	shalt  }
0x78: {  	_ =	shalt  }
0x79: {  	_ =	shalt  }
0x7a: {  	_ =	shalt  }
0x7b: {  	_ =	shalt  }
0x7c: {  	_ =	shalt  }
0x7d: {  	_ =	shalt  }
0x7e: {  	_ =	shalt  }
0x7f: {  	_ =	shalt  }
0x80: {  	_ =	shalt  }
0x81: {  	_ =	shalt  }
0x82: {  	_ =	shalt  }
0x83: {  	_ =	shalt  }
0x84: {  	_ =	shalt  }
0x85: {  	_ =	shalt  }
0x86: {  	_ =	shalt  }
0x87: {  	_ =	shalt  }
.Lfunc_end0:
.L_simem_size_0:
called_computation_lowered:
.L_overlay_start_0:
0x88: {  	s2 =	sld [smem:$0x3FD9]  }
0x89: {  	s3 =	sld [smem:$0x3FFE];
	_ =	sdelay $0x1  }
0x8a: {  	s1 =	srdreg.scid  }
0x8b: {  	s0 =	sand.u32 $0x1, s1  }
0x8c: {  	s14 =	sshll.u32 s0, $0xA;
	s2 =	sadd.s32 s3, s2  }
0x8d: {  	s2 =	sadd.s32 s2, s14  }
0x8e: {  	[smem:$0x3FC7] =	sst s2  }
0x8f: {  	_ = 	snop  }
0x90: {  	s2 =	sld [smem:$0x3FD0];
	_ =	sdelay $0x2  }
0x91: {  	s15 =	simm.s32 $0xA;
	s4 =	simm.s32 $0x10  }
0x92: {  	[smem:s4], [sflag:s15] =	dma.local [hbm:s2], $0x1  }
0x93: {  	_ =	swait.eq [sflag:s15], $0x1  }
0x94: {  	[sflag:s15] =	ssyncset.done $0x0  }
0x95: {  	[sflag:s15] =	ssyncadd.s32 $0xFFFFFFFF  }
0x96: {  	s16 =	sld [smem:$0x12];
	(tm) =	ssettm $0x1  }
0x97: {  	s17 =	sld [smem:$0x3FFB];
	_ =	sdelay $0x3  }
0x98: {  	_ =	strace s17  }
0x99: {  	s3 =	sld [smem:$0x3FFC];
	_ =	sdelay $0x3  }
0x9a: {  	_ =	strace s3  }
0x9b: {  	s3 =	sld [smem:$0x3FFD];
	_ =	sdelay $0x3  }
0x9c: {  	_ =	strace s3  }
0x9d: {  	_ =	strace $0x8FFFFFFF  }
0x9e: {  	s18 =	sld [smem:$0x3FDB];
	_ =	sdelay $0x1  }
0x9f: {  	s19 =	simm.s32 $_scs_section_size  }
0xa0: {  	s5 =	simm.s32 $_size__tile_overlayer_lowered;
	s6 =	simm.s32 $_tile_overlayer_lowered  }
0xa1: {  	s22 =	simm.s32 $0x1BFF;
	s21 =	sshll.u32 s6, $0x1;
	s3 =	sadd.s32 s19, s18  }
0xa2: {  	s7 =	simm.s32 $0x0;
	s20 =	sshll.u32 s5, $0x1;
	s5 =	sadd.s32 s21, s3  }
0xa3: {  	[timem:s7], [sflag:s22] =	dma.local [hbm:s5], s20  }
0xa4: {  	_ =	swait.ge [sflag:s22], s20  }
0xa5: {  	s4 =	ssub.s32 $0x0, s20;
	[sflag:s22] =	ssyncset.done $0x0  }
0xa6: {  	[sflag:s22] =	ssyncadd.s32 s4;
	_ =	sdelay $0x1  }
0xa7: {  	s23 =	simm.s32 $0x1B8B  }
0xa8: {  	_ =	swait.ge [sflag:s23], $0x1  }
0xa9: {  	[sflag:s23] =	ssyncset.done $0x0  }
0xaa: {  	s25 =	simm.s32 $0x1B8E;
	s24 =	sld [smem:$0x3FFE];
	[sflag:s23] =	ssyncadd.s32 $0xFFFFFFFF  }
0xab: {  	s26 =	simm.s32 $execute0_lowered;
	[smem:$0x3FD2] =	sst s25  }
0xac: {  	s5 =	sshll.u32 s26, $0x1;
	_ =	strace $0x80000046;
	[dreg:$0x1] =	wrdreg $0xFFFFFFFF  }
0xad: {  	s28 =	simm.s32 $_size_execute0_lowered;
	s3 =	sadd.s32 s3, s5;
	[dreg:$0x0] =	wrdreg $0x0  }
0xae: {  	s5 =	sshll.u32 s28, $0x1;
	[dreg:$0x2] =	wrdreg s3  }
0xaf: {  	[dreg:$0x3] =	wrdreg s5  }
0xb0: {  	[dreg:$0x4] =	wrdreg $0xC0  }
0xb1: {  	_ =	task [dreg:s7], $0x5FFFF  }
0xb2: {  	[dreg:$0x1] =	wrdreg $0xFFFFFFFF  }
0xb3: {  	[dreg:$0x0] =	wrdreg $0x60  }
0xb4: {  	[dreg:$0x2] =	wrdreg s24  }
0xb5: {  	[dreg:$0x3] =	wrdreg s16  }
0xb6: {  	[dreg:$0x4] =	wrdreg $0x9  }
0xb7: {  	_ =	task.clear_ibuf [dreg:s7], $0x5FFFF;
	_ =	strace $0x90000046  }
0xb8: {  	s29 =	simm.s32 $0x9;
	_ =	strace $0x80000048  }
0xb9: {  	_ =	swait.ge [sflag:s29], $0x1  }
0xba: {  	[sflag:s29] =	ssyncadd.s32 $0xFFFFFFFF  }
0xbb: {  	_ =	strace $0x90000048  }
0xbc: {  	_ =	sfence  }
0xbd: {  	s30 =	sld [smem:$0x0];
	_ =	sdelay $0x2  }
0xbe: {  	s31 =	sshll.u32 s1, $0xD;
	s1 =	sshrl.u32 s1, $0x2  }
0xbf: {  	s3 =	sand.u32 $0x4000, s31;
	s1 =	sadd.s32 s1, s30  }
0xc0: {  	s0 =	sor.u32 s3, s0;
	s1 =	sshll.u32 s1, $0x11  }
0xc1: {  	s0 =	sor.u32 s1, s0  }
0xc2: {  	s0 =	sadd.s32 $0x8F2B, s0  }
0xc3: {  	[sflag:s0] =	ssyncadd.remote.s32 $0x1  }
0xc4: {  	_ =	sfence.sel $0xFFFF  }
0xc5: {  	[dreg:$0x0] =	wrdreg $0xFFFFFFFF;
	(pc) =	sbr.abs _section_cstart, $3  }
0xc6: {  	[dreg:$0x1] =	wrdreg $0xFFFFFFFF  }
0xc7: {  	_ =	task.clear_ibuf [dreg:s7], $0x2FFFF;
	_ =	strace $0x9FFFFFFF  }
0xc8: {  	(tm) =	ssettm $0x7FFFFFFF  }
0xc9: {  	_ =	shalt  }
tec
execute0_lowered:
.L_overlay_start_1:
0x0: {  	(tag) =	ssettag $0x1  }
0x1: {  	s1 =	srdreg.scid  }
0x2: {  	s8 =	rddreg [dreg:$0x0];
	s0 =	stileid.u32  }
0x3: {  	s3 =	rddreg [dreg:$0x1];
	s2 =	simm.s32 $0x0;
	s6 =	sand.u32 $0x1, s1  }
0x4: {  	s4 =	sshll.u32 s0, $0x7;
	s1 =	rddreg [dreg:$0x2];
	s5 =	sshll.u32 s6, $0x6  }
0x5: {  	s7 =	simm.s32 $0x1;
	[smem:$0x7FF] =	sst s2;
	s9 =	sor.u32 s5, s4  }
0x6: {  	_ =	strace $0x80000047;
	s10 =	ssub.s32 $0x2, s6;
	s4 =	sshrl.u32 s9, $0x3  }
0x7: {  	s6 =	simm.s32 $0x40;
	s4 =	sadd.s32 s3, s4;
	s3 =	simm.s32 $0x2  }
0x8: {  	[tilespmem:s2], [sflag:$0x2] =	stream.linear.gather [hbm4b:s4+s2], $0x40, $0x38;
	[tilespmem:$0x1040] =	vst v63  }
0x9: {  	s5 =	sadd.s32 $0x100000, s8;
	s11 =	sshrl.u32 s10, $0x1;
	_ =	swait.ge [sflag:s3], $0x40  }
0xa: {  	s9 =	sshll.u32 s9, $0x3;
	s31 =	ssub.s32 s10, s11;
	[sflag:s3] =	ssyncset.done $0x0  }
0xb: {  	s8 =	sadd.s32 s9, s8;
	s9 =	smax.u32 s31, $0x1;
	[sflag:s3] =	ssyncadd.s32 $0xFFFFFFC0  }
0xc: {  	[tilespmem:s6], [sflag:$0x1] =	stream.indirect.gather [hbm4b:s5+s6], $0x40, s2, s6, $0xb8;
	[tilespmem:$0x1040] =	vst v63  }
0xd: {  	p0 =	sne.s32 s9, $0x1;
	_ =	swait.ge [sflag:s7], $0x1000  }
.Ltmp0:
0xe: {  	[sflag:s7] =	ssyncset.done $0x0;
	(pc) =	sbr.rel @!p0 .LBB2_2-.Ltmp0, $4  }
0xf: {  	s8 =	sadd.s32 $0x180000, s8;
	[sflag:s7] =	ssyncadd.s32 $0xFFFFF000  }
0x10: {  	[hbm4b:s8+s2] =	stream.linear.scatter [tilespmem:s6], [sflag:$0x2], $0x1000, $0x38;
	[tilespmem:$0x1040] =	vst v63  }
0x11: {  	_ =	swait.ge [sflag:s3], $0x1000  }
0x12: {  	s9 =	sadd.s32 $0xFFFFFFFF, s9;
	[sflag:s3] =	ssyncset.done $0x0  }
.LBB2_1:
0x13: {  	p0 =	sne.s32 s9, $0x1;
	s9 =	sadd.s32 $0xFFFFFFFF, s9;
	[sflag:s3] =	ssyncadd.s32 $0xFFFFF000  }
0x14: {  	[tilespmem:s2], [sflag:$0x2] =	stream.linear.gather [hbm4b:s4+s2], $0x40, $0x38;
	[tilespmem:$0x1040] =	vst v63  }
0x15: {  	_ =	swait.ge [sflag:s3], $0x40  }
0x16: {  	[sflag:s3] =	ssyncset.done $0x0  }
0x17: {  	[sflag:s3] =	ssyncadd.s32 $0xFFFFFFC0  }
0x18: {  	[tilespmem:s6], [sflag:$0x1] =	stream.indirect.gather [hbm4b:s5+s6], $0x40, s2, s6, $0xb8;
	[tilespmem:$0x1040] =	vst v63  }
0x19: {  	_ =	swait.ge [sflag:s7], $0x1000  }
.Ltmp1:
0x1a: {  	[sflag:s7] =	ssyncset.done $0x0;
	(pc) =	sbr.rel @p0 .LBB2_1-.Ltmp1, $4  }
0x1b: {  	[sflag:s7] =	ssyncadd.s32 $0xFFFFF000  }
0x1c: {  	[hbm4b:s8+s2] =	stream.linear.scatter [tilespmem:s6], [sflag:$0x2], $0x1000, $0x38;
	[tilespmem:$0x1040] =	vst v63  }
0x1d: {  	_ =	swait.ge [sflag:s3], $0x1000  }
0x1e: {  	[sflag:s3] =	ssyncset.done $0x0  }
.LBB2_2:
0x1f: {  	[sflag:s3] =	ssyncadd.s32 $0xFFFFF000  }
0x20: {  	_ =	sfence.sel $0x180000  }
0x21: {  	[bflag:$0x0] =	sbarrier.arrive $0xFFFF  }
0x22: {  	p0 =	sne.s32 s0, $0x0;
	_ =	strace $0x90000047  }
0x23: {  	s0 =	sadd.s32 @!p0 $0x100000, s1;
	[bflag:$0x2] =	sbarrier.arrive $0xFFFF  }
0x24: {  	[sflag:s0] =	ssyncadd.tile.s32 @!p0 $0x1;
	_ =	shalt  }
.Lfunc_end2:
_tile_overlayer_lowered:
.L_overlay_start_2:
0x25: {  	(tag) =	ssettag $0x2  }
0x26: {  	s0 =	rddreg [dreg:$0x0];
	s2 =	stileid.u32  }
0x27: {  	s1 =	rddreg [dreg:$0x1];
	p0 =	sne.s32 s2, $0x0  }
0x28: {  	s3 =	rddreg [dreg:$0x2];
	[bflag:$0x3] =	sbarrier.arrive $0xFFFF;
	s2 =	simm.s32 @!p0 $0x1C02  }
0x29: {  	[timem:s3], [sflag:s2] =	dma.local @!p0 [hbm:s0], s1  }
0x2a: {  	s0 =	simm.s32 @!p0 $0x2  }
0x2b: {  	_ =	swait.ge @!p0 [sflag:s0], s1  }
0x2c: {  	s1 =	ssub.s32 @!p0 $0x0, s1;
	[sflag:s0] =	ssyncset.done @!p0 $0x0  }
0x2d: {  	[sflag:s0] =	ssyncadd.s32 @!p0 s1  }
0x2e: {  	[bflag:$0x3] =	sbarrier.arrive $0xFFFF  }
0x2f: {  	_ =	shalt  }

// kernel: kernel.18.cloned.1.call-start
scs
__scs_entry_jumppad:
0x0: {  	(pc) =	sbr.rel $0x88, $3  }
0x1: {  	(tag) =	ssettag $0x0;
	lr =	simm.s32 $0x1  }
0x2: {  	[smem:$0x3FA0] =	sst lr;
	_ =	strace $0xD0000000  }
0x3: {  	_ = 	snop  }
0x4: {  	_ = 	snop  }
0x5: {  	_ = 	snop  }
0x6: {  	_ = 	snop  }
0x7: {  	_ = 	snop  }
__scs_overlays_trampoline_lowered:
0x8: {  	[smem:$0x3FAF] =	sst s0  }
0x9: {  	[smem:$0x3FB0] =	sst s1  }
0xa: {  	[smem:$0x3FB1] =	sst s2  }
0xb: {  	[smem:$0x3FB2] =	sst s3  }
0xc: {  	[smem:$0x3FB3] =	sst s4  }
0xd: {  	[smem:$0x3FB4] =	sst s5  }
0xe: {  	[smem:$0x3FB5] =	sst s6  }
0xf: {  	[smem:$0x3FB6] =	sst s7  }
0x10: {  	[smem:$0x3FB7] =	sst s8  }
0x11: {  	[smem:$0x3FB8] =	sst s9;
	s0 =	simm.s32 @!p0 $0x0  }
0x12: {  	s1 =	sld [smem:$0x3F9E];
	s0 =	simm.s32 @p0 $0x1  }
0x13: {  	[smem:$0x3FB9] =	sst s0;
	s0 =	simm.s32 @!p1 $0x0  }
0x14: {  	s2 =	sld [smem:$0x3F9D];
	s0 =	simm.s32 @p1 $0x1  }
0x15: {  	[smem:$0x3FBA] =	sst s0;
	s0 =	simm.s32 @!p2 $0x0  }
0x16: {  	s3 =	sld [smem:$0x3FDB];
	s0 =	simm.s32 @p2 $0x1  }
0x17: {  	s4 =	simm.s32 $0x1BF5;
	[smem:$0x3FBC] =	sst s0  }
0x18: {  	s0 =	sld [smem:$0x3F9F];
	_ =	swait.ge [sflag:s4], $0x0  }
0x19: {  	s7 =	sld [smem:$0x3FA0]  }
0x1a: {  	s8 =	sadd.s32 $0xFFFFE003, lr  }
0x1b: {  	s9 =	sadd.s32 $0xFFFFFEF7, lr;
	s5 =	simm.s32 $0xFFFFFFFF;
	p2 =	slt.u32 s8, $0xFFFFF086  }
0x1c: {  	p1 =	slt.u32 s9, $0xF7A;
	s5 =	simm.s32 @!p2 $0x0  }
0x1d: {  	s5 =	simm.s32 @p1 $0x1;
	p0 =	seq.s32 s7, s2  }
0x1e: {  	s7 =	smul.u32 @!p0 $0xF7A, s2;
	p2 =	seq.s32 @!p0 s5, $0x0  }
0x1f: {  	s9 =	smul.u32 $0xF7A, s1;
	s8 =	simm.s32 @!p0 $0x1BF5;
	p2 =	por !p2, p0  }
0x20: {  	[sflag:s8] =	ssyncset.s32 @!p0 $0xFFFFF086;
	s6 =	sadd.s32 @!p0 s3, s7;
	s7 =	simm.s32 @!p0 $0x108  }
0x21: {  	s3 =	sadd.s32 s3, s9;
	s6 =	sadd.s32 @!p0 $0x88, s6;
	s7 =	simm.s32 @p2 $0x1082  }
0x22: {  	[simem:s7], [sflag:s8] =	dma.local @!p0 [hbm:s6], $0xF7A  }
0x23: {  	s9 =	sor.u32 $0xD0000000, s2;
	s6 =	simm.s32 $0x108;
	_ =	swait.ge @!p0 [sflag:s8], $0x0  }
0x24: {  	s3 =	sadd.s32 $0x88, s3;
	s6 =	simm.s32 @!p1 $0x1082;
	[sflag:s4] =	ssyncset.s32 $0xFFFFF086  }
0x25: {  	[simem:s6], [sflag:s4] =	dma.local [hbm:s3], $0xF7A  }
0x26: {  	[smem:$0x3FA0] =	sst s1;
	(tag) =	ssettag s2;
	_ =	strace s9  }
0x27: {  	s1 =	sld [smem:$0x3FB0]  }
0x28: {  	s2 =	sld [smem:$0x3FB1]  }
0x29: {  	s4 =	sld [smem:$0x3FB3]  }
0x2a: {  	p0 =	seq.s32 s5, $0x0;
	s5 =	sld [smem:$0x3FB4]  }
0x2b: {  	s6 =	sld [smem:$0x3FB5]  }
0x2c: {  	s7 =	sld [smem:$0x3FB6]  }
0x2d: {  	s3 =	simm.s32 $0x108;
	s8 =	sld [smem:$0x3FB7]  }
0x2e: {  	s3 =	simm.s32 @!p0 $0x1082;
	s9 =	sld [smem:$0x3FB8]  }
0x2f: {  	lr =	sadd.s32 s0, s3;
	s0 =	sld [smem:$0x3FAF]  }
0x30: {  	s3 =	sld [smem:$0x3FB2]  }
0x31: {  	[smem:$0x3FBB] =	sst s10  }
0x32: {  	s10 =	sld [smem:$0x3FB9];
	_ =	sdelay $0x3  }
0x33: {  	p0 =	seq.s32 s10, $0x1;
	s10 =	sld [smem:$0x3FBB];
	_ =	sdelay $0x3  }
0x34: {  	[smem:$0x3FBB] =	sst s10  }
0x35: {  	s10 =	sld [smem:$0x3FBA];
	_ =	sdelay $0x3  }
0x36: {  	p1 =	seq.s32 s10, $0x1;
	s10 =	sld [smem:$0x3FBB];
	_ =	sdelay $0x3  }
0x37: {  	[smem:$0x3FBB] =	sst s10  }
0x38: {  	s10 =	sld [smem:$0x3FBC]  }
0x39: {  	_ = 	snop;
	(pc) =	sbr.ind lr, $3  }
0x3a: {  	_ = 	snop  }
0x3b: {  	_ = 	snop  }
0x3c: {  	p2 =	seq.s32 s10, $0x1;
	s10 =	sld [smem:$0x3FBB]  }
0x3d: {  	_ =	shalt  }
0x3e: {  	_ =	shalt  }
0x3f: {  	_ =	shalt  }
0x40: {  	_ =	shalt  }
0x41: {  	_ =	shalt  }
0x42: {  	_ =	shalt  }
0x43: {  	_ =	shalt  }
0x44: {  	_ =	shalt  }
0x45: {  	_ =	shalt  }
0x46: {  	_ =	shalt  }
0x47: {  	_ =	shalt  }
0x48: {  	_ =	shalt  }
0x49: {  	_ =	shalt  }
0x4a: {  	_ =	shalt  }
0x4b: {  	_ =	shalt  }
0x4c: {  	_ =	shalt  }
0x4d: {  	_ =	shalt  }
0x4e: {  	_ =	shalt  }
0x4f: {  	_ =	shalt  }
0x50: {  	_ =	shalt  }
0x51: {  	_ =	shalt  }
0x52: {  	_ =	shalt  }
0x53: {  	_ =	shalt  }
0x54: {  	_ =	shalt  }
0x55: {  	_ =	shalt  }
0x56: {  	_ =	shalt  }
0x57: {  	_ =	shalt  }
0x58: {  	_ =	shalt  }
0x59: {  	_ =	shalt  }
0x5a: {  	_ =	shalt  }
0x5b: {  	_ =	shalt  }
0x5c: {  	_ =	shalt  }
0x5d: {  	_ =	shalt  }
0x5e: {  	_ =	shalt  }
0x5f: {  	_ =	shalt  }
0x60: {  	_ =	shalt  }
0x61: {  	_ =	shalt  }
0x62: {  	_ =	shalt  }
0x63: {  	_ =	shalt  }
0x64: {  	_ =	shalt  }
0x65: {  	_ =	shalt  }
0x66: {  	_ =	shalt  }
0x67: {  	_ =	shalt  }
0x68: {  	_ =	shalt  }
0x69: {  	_ =	shalt  }
0x6a: {  	_ =	shalt  }
0x6b: {  	_ =	shalt  }
0x6c: {  	_ =	shalt  }
0x6d: {  	_ =	shalt  }
0x6e: {  	_ =	shalt  }
0x6f: {  	_ =	shalt  }
0x70: {  	_ =	shalt  }
0x71: {  	_ =	shalt  }
0x72: {  	_ =	shalt  }
0x73: {  	_ =	shalt  }
0x74: {  	_ =	shalt  }
0x75: {  	_ =	shalt  }
0x76: {  	_ =	shalt  }
0x77: {  	_ =	shalt  }
0x78: {  	_ =	shalt  }
0x79: {  	_ =	shalt  }
0x7a: {  	_ =	shalt  }
0x7b: {  	_ =	shalt  }
0x7c: {  	_ =	shalt  }
0x7d: {  	_ =	shalt  }
0x7e: {  	_ =	shalt  }
0x7f: {  	_ =	shalt  }
0x80: {  	_ =	shalt  }
0x81: {  	_ =	shalt  }
0x82: {  	_ =	shalt  }
0x83: {  	_ =	shalt  }
0x84: {  	_ =	shalt  }
0x85: {  	_ =	shalt  }
0x86: {  	_ =	shalt  }
0x87: {  	_ =	shalt  }
.Lfunc_end0:
.L_simem_size_0:
called_computation.1_lowered:
.L_overlay_start_0:
0x88: {  	s2 =	sld [smem:$0x3FD9]  }
0x89: {  	s3 =	sld [smem:$0x3FFE];
	_ =	sdelay $0x1  }
0x8a: {  	s1 =	srdreg.scid  }
0x8b: {  	s0 =	sand.u32 $0x1, s1  }
0x8c: {  	s14 =	sshll.u32 s0, $0xA;
	s2 =	sadd.s32 s3, s2  }
0x8d: {  	s2 =	sadd.s32 s2, s14  }
0x8e: {  	[smem:$0x3FC7] =	sst s2  }
0x8f: {  	_ = 	snop  }
0x90: {  	s2 =	sld [smem:$0x3FD0];
	_ =	sdelay $0x2  }
0x91: {  	s15 =	simm.s32 $0xA;
	s4 =	simm.s32 $0x10  }
0x92: {  	[smem:s4], [sflag:s15] =	dma.local [hbm:s2], $0x1  }
0x93: {  	_ =	swait.eq [sflag:s15], $0x1  }
0x94: {  	[sflag:s15] =	ssyncset.done $0x0  }
0x95: {  	s16 =	sld [smem:$0x11];
	[sflag:s15] =	ssyncadd.s32 $0xFFFFFFFF  }
0x96: {  	s17 =	sld [smem:$0x13];
	(tm) =	ssettm $0x1  }
0x97: {  	s18 =	sld [smem:$0x3FFB];
	_ =	sdelay $0x3  }
0x98: {  	_ =	strace s18  }
0x99: {  	s4 =	sld [smem:$0x3FFC];
	_ =	sdelay $0x3  }
0x9a: {  	_ =	strace s4  }
0x9b: {  	s4 =	sld [smem:$0x3FFD];
	_ =	sdelay $0x3  }
0x9c: {  	_ =	strace s4  }
0x9d: {  	_ =	strace $0x8FFFFFFF  }
0x9e: {  	s19 =	sld [smem:$0x3FDB];
	_ =	sdelay $0x1  }
0x9f: {  	s5 =	simm.s32 $_scs_section_size  }
0xa0: {  	s6 =	simm.s32 $_size__tile_overlayer_lowered;
	s7 =	simm.s32 $_tile_overlayer_lowered  }
0xa1: {  	s22 =	simm.s32 $0x1BFF;
	s21 =	sshll.u32 s7, $0x1;
	s4 =	sadd.s32 s5, s19  }
0xa2: {  	s8 =	simm.s32 $0x0;
	s20 =	sshll.u32 s6, $0x1;
	s6 =	sadd.s32 s21, s4  }
0xa3: {  	[timem:s8], [sflag:s22] =	dma.local [hbm:s6], s20  }
0xa4: {  	_ =	swait.ge [sflag:s22], s20  }
0xa5: {  	s5 =	ssub.s32 $0x0, s20;
	[sflag:s22] =	ssyncset.done $0x0  }
0xa6: {  	[sflag:s22] =	ssyncadd.s32 s5;
	_ =	sdelay $0x1  }
0xa7: {  	s23 =	simm.s32 $0x1B8B  }
0xa8: {  	_ =	swait.ge [sflag:s23], $0x1  }
0xa9: {  	[sflag:s23] =	ssyncset.done $0x0  }
0xaa: {  	s25 =	simm.s32 $0x1B8E;
	s24 =	sld [smem:$0x3FFE];
	[sflag:s23] =	ssyncadd.s32 $0xFFFFFFFF  }
0xab: {  	s26 =	simm.s32 $execute0_lowered;
	[smem:$0x3FD2] =	sst s25  }
0xac: {  	s6 =	sshll.u32 s26, $0x1;
	_ =	strace $0x80000049;
	[dreg:$0x1] =	wrdreg $0xFFFFFFFF  }
0xad: {  	s28 =	simm.s32 $_size_execute0_lowered;
	s4 =	sadd.s32 s4, s6;
	[dreg:$0x0] =	wrdreg $0x0  }
0xae: {  	s6 =	sshll.u32 s28, $0x1;
	[dreg:$0x2] =	wrdreg s4  }
0xaf: {  	[dreg:$0x3] =	wrdreg s6  }
0xb0: {  	[dreg:$0x4] =	wrdreg $0xC0  }
0xb1: {  	_ =	task [dreg:s8], $0x5FFFF  }
0xb2: {  	[dreg:$0x1] =	wrdreg $0xFFFFFFFF  }
0xb3: {  	[dreg:$0x0] =	wrdreg $0x60  }
0xb4: {  	[dreg:$0x2] =	wrdreg s24  }
0xb5: {  	[dreg:$0x3] =	wrdreg s16  }
0xb6: {  	[dreg:$0x4] =	wrdreg s17  }
0xb7: {  	[dreg:$0x5] =	wrdreg $0x9  }
0xb8: {  	_ =	task.clear_ibuf [dreg:s8], $0x6FFFF;
	_ =	strace $0x90000049  }
0xb9: {  	s29 =	simm.s32 $0x9;
	_ =	strace $0x8000004B  }
0xba: {  	_ =	swait.ge [sflag:s29], $0x1  }
0xbb: {  	[sflag:s29] =	ssyncadd.s32 $0xFFFFFFFF  }
0xbc: {  	_ =	strace $0x9000004B  }
0xbd: {  	_ =	sfence  }
0xbe: {  	s30 =	sld [smem:$0x0];
	_ =	sdelay $0x2  }
0xbf: {  	s31 =	sshll.u32 s1, $0xD;
	s1 =	sshrl.u32 s1, $0x2  }
0xc0: {  	s3 =	sand.u32 $0x4000, s31;
	s1 =	sadd.s32 s1, s30  }
0xc1: {  	s0 =	sor.u32 s3, s0;
	s1 =	sshll.u32 s1, $0x11  }
0xc2: {  	s0 =	sor.u32 s1, s0  }
0xc3: {  	s0 =	sadd.s32 $0x8F2B, s0  }
0xc4: {  	[sflag:s0] =	ssyncadd.remote.s32 $0x1  }
0xc5: {  	_ =	sfence.sel $0xFFFF  }
0xc6: {  	[dreg:$0x0] =	wrdreg $0xFFFFFFFF;
	(pc) =	sbr.abs _section_cstart, $3  }
0xc7: {  	[dreg:$0x1] =	wrdreg $0xFFFFFFFF  }
0xc8: {  	_ =	task.clear_ibuf [dreg:s8], $0x2FFFF;
	_ =	strace $0x9FFFFFFF  }
0xc9: {  	(tm) =	ssettm $0x7FFFFFFF  }
tec
execute0_lowered:
.L_overlay_start_1:
0x0: {  	(tag) =	ssettag $0x1  }
0x1: {  	s7 =	rddreg [dreg:$0x0]  }
0x2: {  	s2 =	rddreg [dreg:$0x1]  }
0x3: {  	s3 =	rddreg [dreg:$0x2]  }
0x4: {  	s0 =	rddreg [dreg:$0x3]  }
0x5: {  	s5 =	srdreg.scid;
	s1 =	stileid.u32  }
0x6: {  	s4 =	simm.s32 $0x0;
	s14 =	simm.s32 $0x2CC0;
	s15 =	simm.s32 $0x1  }
0x7: {  	s16 =	simm.s32 $0x3580;
	s17 =	simm.s32 $0xB580;
	s18 =	simm.s32 $0x0  }
0x8: {  	s8 =	sand.u32 $0x1, s5;
	s29 =	sshll.u32 s1, $0x1;
	[smem:$0x7FF] =	sst s4  }
0x9: {  	s5 =	sadd.s32 $0x100000, s7;
	s6 =	sadd.s32 $0x180000, s7;
	s12 =	sshll.u32 s1, $0xC  }
0xa: {  	s9 =	sor.u32 s8, s29;
	_ =	strace $0x8000004A;
	s8 =	ssub.s32 $0x2, s8  }
0xb: {  	s12 =	sand.u32 $0x8000, s12;
	s10 =	sand.u32 $0xF, s9;
	s9 =	sshll.u32 s9, $0xC  }
0xc: {  	s30 =	sshrl.u32 s8, $0x1;
	s11 =	smin.u32 s10, $0x7;
	s13 =	smax.u32 s10, $0x7  }
0xd: {  	p0 =	seq.s32 s10, $0xF;
	p1 =	slt.u32 s10, $0x7;
	s11 =	smul.u32 $0x8C0, s11  }
0xe: {  	s7 =	sadd.s32 s9, s7;
	s8 =	ssub.s32 s8, s30;
	s13 =	smul.u32 $0x780, s13  }
.Ltmp0:
0xf: {  	s11 =	sor.u32 s11, s12;
	s12 =	simm.s32 $0x6C0;
	(pc) =	sbr.rel .LBB2_1-.Ltmp0, $4  }
0x10: {  	s9 =	simm.s32 $0x2;
	s11 =	sadd.s32 s13, s11;
	s12 =	simm.s32 @!p0 $0x780  }
0x11: {  	v2 =	vimm.f32 $0.0e+00;
	v4 =	vlaneseq.u32;
	s10 =	simm.s32 $0x400;
	s11 =	sadd.s32 $0xFFFFCB80, s11;
	s12 =	simm.s32 @p1 $0x8C0  }
0x12: {  	v3 =	vimm.s32 $0x0;
	v5 =	vor.u32 $0x10, v4;
	v6 =	vor.u32 $0x20, v4;
	s7 =	sadd.s32 $0x182000, s7;
	s8 =	smax.u32 s8, $0x1;
	s31 =	sadd.s32 s12, s11  }
0x13: {  	v7 =	vor.u32 $0x30, v4;
	s13 =	simm.s32 $0x2400;
	v0 =	vmov s11;
	s11 =	simm.s32 $0x1400;
	s12 =	simm.s32 $0x200;
	v1 =	vmov s31  }
.LBB2_17:
0x14: {  	s18 =	sadd.s32 $0x1, s18  }
0x15: {  	p0 =	sne.s32 s18, s8  }
.Ltmp1:
0x16: {  	_ = 	snop;
	(pc) =	sbr.rel @!p0 .LBB2_18-.Ltmp1, $4  }
0x17: {  	[hbm4b:s7+s4] =	stream.linear.scatter [tilespmem:s17], [sflag:$0x2], $0x8000, $0x38;
	[tilespmem:$0x13580] =	vst v63  }
0x18: {  	_ =	swait.ge [sflag:s9], $0x8000  }
0x19: {  	[sflag:s9] =	ssyncset.done $0x0  }
0x1a: {  	[sflag:s9] =	ssyncadd.s32 $0xFFFF8000  }
.LBB2_1:
0x1b: {  	[tilespmem:s4], [sflag:$0x2] =	stream.linear.gather [hbm4b:s3+s4], $0x200, $0x38;
	[tilespmem:$0x13580] =	vst v63  }
0x1c: {  	_ =	swait.ge [sflag:s9], $0x200  }
0x1d: {  	[sflag:s9] =	ssyncset.done $0x0  }
0x1e: {  	s21 =	simm.s32 $0x0;
	[sflag:s9] =	ssyncadd.s32 $0xFFFFFE00  }
0x1f: {  	v8 =	vld [tilespmem:s21+$0x0];
	_ =	sdelay $0x2  }
0x20: {  	s19 =	simm.s32 $0x10  }
0x21: {  	v9 =	vld [tilespmem:s19+$0x0]  }
0x22: {  	v8 =	vtrunc.f32 v8  }
0x23: {  	v8 =	vcvt.f32.s32 v8;
	_ =	sdelay $0x1  }
0x24: {  	(xrf0) =	vadd.scan.msk.s32 $0xffff, v8  }
0x25: {  	v9 =	vtrunc.f32 v9  }
0x26: {  	s20 =	simm.s32 $0x20;
	v9 =	vcvt.f32.s32 v9  }
0x27: {  	v11 =	vld [tilespmem:s20+$0x0]  }
0x28: {  	(xrf0) =	vadd.scan.msk.s32 $0xffff, v9  }
0x29: {  	s22 =	simm.s32 $0x30  }
0x2a: {  	v14 =	vld [tilespmem:s22+$0x0];
	v10, _, _ =	vpop (xrf0)  }
0x2b: {  	v13 =	vxor.u32 $0x80000000, v10  }
0x2c: {  	v11 =	vtrunc.f32 v11  }
0x2d: {  	v12 =	vcvt.f32.s32 v11  }
0x2e: {  	(xrf0) =	vmax.scan.msk.u32 $0xffff, v13;
	v13, _, _ =	vpop (xrf0)  }
0x2f: {  	v11 =	vtrunc.f32 v14;
	(xrf0) =	vadd.scan.msk.s32 $0xffff, v12;
	v14 =	vxor.u32 $0x80000000, v13  }
0x30: {  	(xrf0) =	vmax.scan.msk.u32 $0xffff, v14;
	_ =	sdelay $0x3  }
0x31: {  	v17, _, _ =	vpop (xrf0)  }
0x32: {  	s23 =	simm.s32 $0x40;
	v14, _, _ =	vpop (xrf0);
	(v2sf) =	vpush v17, $0xF  }
0x33: {  	v15 =	vld [tilespmem:s23+$0x0];
	v11 =	vcvt.f32.s32 v11;
	v18, _, _ =	vpop (xrf0)  }
0x34: {  	(v2sf) =	vpush v18, $0xF  }
0x35: {  	(xrf0) =	vadd.scan.msk.s32 $0xffff, v11  }
0x36: {  	v16 =	vxor.u32 $0x80000000, v14  }
0x37: {  	(xrf0) =	vmax.scan.msk.u32 $0xffff, v16  }
0x38: {  	s24 =	simm.s32 $0x50;
	v15 =	vtrunc.f32 v15  }
0x39: {  	v15 =	vcvt.f32.s32 v15;
	v17 =	vld [tilespmem:s24+$0x0];
	_ =	sdelay $0x1  }
0x3a: {  	(xrf0) =	vadd.scan.msk.s32 $0xffff, v15;
	v16, _, _ =	vpop (xrf0)  }
0x3b: {  	v19 =	vxor.u32 $0x80000000, v16  }
0x3c: {  	s26 =	simm.s32 $0x180;
	s25 =	simm.s32 $0x0;
	(xrf0) =	vmax.scan.msk.u32 $0xffff, v19;
	v18, _, _ =	vpop (xrf0)  }
.LBB2_2:
0x3d: {  	s28 =	sshra.s32 s26, $0x2;
	p0 =	sne.s32 s26, $0x7C0;
	s26 =	sadd.s32 $0x40, s26;
	v19 =	vtrunc.f32 v17;
	(v2sf) =	vpush v18, $0xF;
	v18 =	vsub.s32 s25, v8;
	v8 =	vmovc v9;
	v9 =	vmovc v12  }
.Ltmp2:
0x3e: {  	v12 =	vmovc v11;
	v11 =	vmovc v15;
	v17 =	vld [tilespmem:s28+$0x0];
	v18 =	vadd.s32 v10, v18;
	v15 =	vcvt.f32.s32 v19;
	v10 =	vmov v13;
	(pc) =	sbr.rel @p0 .LBB2_2-.Ltmp2, $4  }
0x3f: {  	v13 =	vmov v14;
	v14 =	vmov v16;
	[tilespmem:s21+$0x200] =	vst v18;
	s21 =	smov.u32 s19;
	s19 =	smov.u32 s20;
	s20 =	smov.u32 s22  }
0x40: {  	s22 =	smov.u32 s23;
	s23 =	smov.u32 s24;
	(xrf0) =	vadd.scan.msk.s32 $0xffff, v15;
	v16, _, _ =	vpop (xrf0);
	s29 =	spop (v2sf)  }
0x41: {  	s24 =	smov.u32 s28;
	v19 =	vxor.u32 $0x80000000, v16;
	s25 =	sadd.s32 s29, s25  }
0x42: {  	(xrf0) =	vmax.scan.msk.u32 $0xffff, v19;
	v18, _, _ =	vpop (xrf0);
	s25 =	sadd.s32 $0x80000000, s25  }
0x43: {  	v17 =	vtrunc.f32 v17  }
0x44: {  	v17 =	vcvt.f32.s32 v17;
	_ =	sdelay $0x1  }
0x45: {  	(xrf0) =	vadd.scan.msk.s32 $0xffff, v17  }
0x46: {  	v19, _, _ =	vpop (xrf0)  }
0x47: {  	v20 =	vxor.u32 $0x80000000, v19  }
0x48: {  	(xrf0) =	vmax.scan.msk.u32 $0xffff, v20;
	_ =	sdelay $0x1  }
0x49: {  	v56, _, _ =	vpop (xrf0)  }
0x4a: {  	(v2sf) =	vpush v18, $0xF;
	v57, _, _ =	vpop (xrf0)  }
0x4b: {  	v21 =	vxor.u32 $0x80000000, v57  }
0x4c: {  	(v2sf) =	vpush v56, $0xF;
	(xrf0) =	vmax.scan.msk.u32 $0xffff, v21  }
0x4d: {  	v58, _, _ =	vpop (xrf0)  }
0x4e: {  	(v2sf) =	vpush v58, $0xF;
	_ =	sdelay $0x3  }
0x4f: {  	v59, _, _ =	vpop (xrf0)  }
0x50: {  	(v2sf) =	vpush v59, $0xF;
	_ =	sdelay $0x1  }
0x51: {  	s26 =	spop (v2sf)  }
0x52: {  	s26 =	sadd.s32 s26, s25  }
0x53: {  	s26 =	sadd.s32 $0x80000000, s26;
	s28 =	spop (v2sf)  }
0x54: {  	s28 =	sadd.s32 s28, s26  }
0x55: {  	s28 =	sadd.s32 $0x80000000, s28;
	s29 =	spop (v2sf)  }
0x56: {  	s29 =	sadd.s32 s29, s28  }
0x57: {  	v8 =	vsub.s32 s25, v8;
	s25 =	sadd.s32 $0x80000000, s29;
	s30 =	spop (v2sf)  }
0x58: {  	v8 =	vadd.s32 v10, v8;
	v9 =	vsub.s32 s26, v9;
	s31 =	sadd.s32 s30, s25  }
0x59: {  	[tilespmem:s21+$0x200] =	vst v8;
	v8 =	vadd.s32 v13, v9;
	v60 =	vsub.s32 s28, v12;
	s28 =	sadd.s32 $0x80000000, s31;
	s29 =	spop (v2sf)  }
0x5a: {  	[tilespmem:s19+$0x200] =	vst v8;
	v8 =	vadd.s32 v14, v60;
	v61 =	vsub.s32 s25, v11;
	s30 =	sadd.s32 s29, s28  }
0x5b: {  	[tilespmem:s20+$0x200] =	vst v8;
	v8 =	vadd.s32 v16, v61;
	v62 =	vsub.s32 s28, v15;
	s19 =	sadd.s32 $0x80000000, s30  }
0x5c: {  	[tilespmem:s22+$0x200] =	vst v8;
	v8 =	vadd.s32 v19, v62;
	v63 =	vsub.s32 s19, v17  }
0x5d: {  	[tilespmem:s23+$0x200] =	vst v8;
	v8 =	vadd.s32 v57, v63  }
0x5e: {  	s20 =	simm.s32 $0x100;
	s19 =	simm.s32 $0x0;
	[tilespmem:s24+$0x200] =	vst v8;
	s31 =	spop (v2sf)  }
.LBB2_4:
0x5f: {  	p0 =	sne.s32 s20, $0x1FF00;
	[tilespmem:s19+$0xB5B0] =	vst v2;
	s21 =	smov.u32 s20;
	s20 =	sadd.s32 $0x100, s20  }
.Ltmp3:
0x60: {  	[tilespmem:s19+$0xB5A0] =	vst v2;
	(pc) =	sbr.rel @p0 .LBB2_4-.Ltmp3, $3  }
0x61: {  	[tilespmem:s19+$0xB580] =	vst v2  }
0x62: {  	[tilespmem:s19+$0xB590] =	vst v2;
	_ =	sdelay $0x1  }
0x63: {  	s19 =	sshra.s32 s21, $0x2  }
0x64: {  	[tilespmem:s19+$0xB5B0] =	vst v2  }
0x65: {  	[tilespmem:s19+$0xB5A0] =	vst v2  }
0x66: {  	[tilespmem:s19+$0xB580] =	vst v2  }
0x67: {  	[tilespmem:s19+$0xB590] =	vst v2;
	s19 =	simm.s32 $0x40;
	s21 =	simm.s32 $0x0  }
.LBB2_6:
0x68: {  	p0 =	sne.s32 s19, $0x22C0;
	[tilespmem:s21+$0x2400] =	vst v3;
	s20 =	smov.u32 s19;
	s19 =	sadd.s32 $0x40, s19  }
.Ltmp4:
0x69: {  	(pc) =	sbr.rel @p0 .LBB2_6-.Ltmp4, $2  }
0x6a: {  	_ =	sdelay $0x2  }
0x6b: {  	s21 =	sshra.s32 s20, $0x2  }
0x6c: {  	s20 =	simm.s32 $0x0  }
0x6d: {  	[tilespmem:s21+$0x2400] =	vst v3;
	s21 =	simm.s32 $0x0;
	s19 =	simm.s32 $0x0;
	s22 =	simm.s32 $0x0  }
.LBB2_8:
0x6e: {  	s23 =	sshll.u32 s22, $0x9  }
0x6f: {  	s24 =	sadd.s32 s2, s23  }
0x70: {  	[tilespmem:s10], [sflag:$0x2] =	stream.linear.gather [hbm4b:s24+s20], $0x1000, $0x38;
	[tilespmem:$0x13580] =	vst v63  }
0x71: {  	_ =	swait.ge [sflag:s9], $0x1000  }
0x72: {  	[sflag:s9] =	ssyncset.done $0x0  }
0x73: {  	s23 =	sadd.s32 s6, s23;
	[sflag:s9] =	ssyncadd.s32 $0xFFFFF000  }
0x74: {  	[tilespmem:s11], [sflag:$0x2] =	stream.linear.gather [hbm4b:s23+s20], $0x1000, $0x38;
	[tilespmem:$0x13580] =	vst v63  }
0x75: {  	_ =	swait.ge [sflag:s9], $0x1000  }
0x76: {  	[sflag:s9] =	ssyncset.done $0x0  }
0x77: {  	s31 =	simm.s32 $0x0;
	[sflag:s9] =	ssyncadd.s32 $0xFFFFF000  }
0x78: {  	v8 =	vld [tilespmem:s31+$0x400];
	_ =	sdelay $0x6  }
0x79: {  	v10 =	vld [tilespmem:s31+$0x1400]  }
0x7a: {  	v9 =	vld.idx.msk [tilespmem:v8+s12+$0x0], $0xffff;
	_ =	sdelay $0x4  }
0x7b: {  	v9 =	vadd.s32 v10, v9  }
0x7c: {  	vm0 =	vge.s32 v9, v0;
	vm1 =	vlt.s32 v9, v1  }
0x7d: {  	vm0 =	vmand vm0, vm1  }
0x7e: {  	v61 =	vsel vm0, $0x1, v3  }
0x7f: {  	(xrf0) =	vadd.scan.msk.s32 $0xffff, v61;
	_ =	sdelay $0x2  }
0x80: {  	v62 =	vmov s19  }
0x81: {  	v9 =	vadd.s32 $0xFFFFFFFF, v62  }
0x82: {  	v9 =	vbroadcast v9, $0x0  }
0x83: {  	v63, _, _ =	vpop (xrf0)  }
0x84: {  	v9 =	vadd.s32 v9, v63;
	v10 =	vxor.u32 $0x80000000, v63  }
0x85: {  	(xrf0) =	vmax.scan.msk.u32 $0xffff, v10;
	_ =	sdelay $0x2  }
0x86: {  	v11 =	vor.u32 s21, v4  }
0x87: {  	[tilespmem:v9+s13+$0x0] =	vst.idx.msk vm0, v11  }
0x88: {  	s25 =	simm.s32 $0x10;
	s24 =	simm.s32 $0x80;
	s23 =	smov.u32 s21;
	[tilespmem:v9+s14+$0x0] =	vst.idx.msk vm0, v8  }
.LBB2_9:
0x89: {  	p0 =	sne.s32 s24, $0x3FC0;
	v8 =	vld [tilespmem:s25+$0x400];
	v9, _, _ =	vpop (xrf0)  }
0x8a: {  	(v2sf) =	vpush v9, $0xF;
	_ =	sdelay $0x6  }
0x8b: {  	v9 =	vld.idx.msk [tilespmem:v8+s12+$0x0], $0xffff  }
0x8c: {  	v10 =	vld [tilespmem:s25+$0x1400];
	_ =	sdelay $0x4  }
0x8d: {  	v9 =	vadd.s32 v10, v9  }
0x8e: {  	vm0 =	vge.s32 v9, v0;
	vm1 =	vlt.s32 v9, v1  }
0x8f: {  	vm0 =	vmand vm0, vm1;
	s25 =	spop (v2sf)  }
0x90: {  	v9 =	vsel vm0, $0x1, v3;
	s19 =	sadd.s32 s25, s19  }
0x91: {  	(xrf0) =	vadd.scan.msk.s32 $0xffff, v9;
	s19 =	sadd.s32 $0x80000000, s19  }
0x92: {  	v9 =	vmov s19  }
0x93: {  	v9 =	vadd.s32 $0xFFFFFFFF, v9  }
0x94: {  	v9 =	vbroadcast v9, $0x0;
	_ =	sdelay $0x2  }
0x95: {  	v10, _, _ =	vpop (xrf0)  }
0x96: {  	v9 =	vadd.s32 v9, v10;
	v10 =	vxor.u32 $0x80000000, v10  }
0x97: {  	(xrf0) =	vmax.scan.msk.u32 $0xffff, v10  }
.Ltmp5:
0x98: {  	(pc) =	sbr.rel @p0 .LBB2_9-.Ltmp5, $4  }
0x99: {  	s23 =	sadd.s32 $0x10, s23  }
0x9a: {  	v10 =	vor.u32 s23, v4  }
0x9b: {  	[tilespmem:v9+s13+$0x0] =	vst.idx.msk vm0, v10  }
0x9c: {  	s25 =	sshra.s32 s24, $0x2;
	s24 =	sadd.s32 $0x40, s24;
	[tilespmem:v9+s14+$0x0] =	vst.idx.msk vm0, v8  }
0x9d: {  	v8 =	vld [tilespmem:s25+$0x400];
	_ =	sdelay $0x6  }
0x9e: {  	v10 =	vld [tilespmem:s25+$0x1400]  }
0x9f: {  	v9 =	vld.idx.msk [tilespmem:v8+s12+$0x0], $0xffff;
	_ =	sdelay $0x4  }
0xa0: {  	v9 =	vadd.s32 v10, v9  }
0xa1: {  	vm0 =	vge.s32 v9, v0;
	vm1 =	vlt.s32 v9, v1  }
0xa2: {  	vm0 =	vmand vm0, vm1  }
0xa3: {  	v58 =	vsel vm0, $0x1, v3  }
0xa4: {  	(xrf0) =	vadd.scan.msk.s32 $0xffff, v58;
	_ =	sdelay $0x2  }
0xa5: {  	v59, _, _ =	vpop (xrf0)  }
0xa6: {  	(v2sf) =	vpush v59, $0xF;
	_ =	sdelay $0x1  }
0xa7: {  	v60, _, _ =	vpop (xrf0)  }
0xa8: {  	v61 =	vxor.u32 $0x80000000, v60  }
0xa9: {  	(xrf0) =	vmax.scan.msk.u32 $0xffff, v61;
	_ =	sdelay $0x5  }
0xaa: {  	v10, _, _ =	vpop (xrf0)  }
0xab: {  	(v2sf) =	vpush v10, $0xF;
	_ =	sdelay $0x3  }
0xac: {  	s24 =	spop (v2sf)  }
0xad: {  	s19 =	sadd.s32 s24, s19  }
0xae: {  	s19 =	sadd.s32 $0x80000000, s19  }
0xaf: {  	v62 =	vmov s19  }
0xb0: {  	v10 =	vadd.s32 $0xFFFFFFFF, v62  }
0xb1: {  	v10 =	vbroadcast v10, $0x0;
	_ =	sdelay $0x1  }
0xb2: {  	s22 =	sadd.s32 $0x1, s22;
	v9 =	vadd.s32 v10, v60  }
0xb3: {  	p0 =	sne.s32 s22, $0x10  }
.Ltmp6:
0xb4: {  	_ = 	snop;
	(pc) =	sbr.rel @p0 .LBB2_8-.Ltmp6, $4  }
0xb5: {  	s23 =	sadd.s32 $0x10, s23  }
0xb6: {  	v63 =	vor.u32 s23, v4;
	s31 =	spop (v2sf)  }
0xb7: {  	[tilespmem:v9+s13+$0x0] =	vst.idx.msk vm0, v63;
	s19 =	sadd.s32 s31, s19  }
0xb8: {  	s21 =	sadd.s32 $0x1000, s21;
	[tilespmem:v9+s14+$0x0] =	vst.idx.msk vm0, v8;
	s19 =	sadd.s32 $0x80000000, s19  }
0xb9: {  	s20 =	sadd.s32 $0x1FF, s19  }
0xba: {  	s21 =	sand.u32 $0x1FF, s20  }
0xbb: {  	s22 =	sshra.s32 s20, $0x1F;
	p0 =	slt.s32 s20, $0x1;
	p1 =	sne.s32 s21, $0x0  }
0xbc: {  	s31 =	sshrl.u32 s22, $0x17;
	p0 =	por !p0, !p1  }
0xbd: {  	s21 =	simm.s32 $0x1;
	s20 =	sadd.s32 s31, s20;
	p0 =	por !p0, !p0  }
0xbe: {  	s20 =	sshra.s32 s20, $0x9;
	s21 =	simm.s32 @!p0 $0x0  }
0xbf: {  	s20 =	ssub.s32 s20, s21  }
0xc0: {  	p0 =	slt.s32 s20, $0x1  }
.Ltmp7:
0xc1: {  	_ = 	snop;
	(pc) =	sbr.rel @!p0 .LBB2_12-.Ltmp7, $4  }
.Ltmp8:
0xc2: {  	_ = 	snop;
	(pc) =	sbr.rel @p0 .LBB2_17-.Ltmp8, $4  }
0xc3: {  	_ = 	snop  }
0xc4: {  	_ = 	snop  }
0xc5: {  	s22 =	smov.u32 s19;
	s21 =	simm.s32 $0x0  }
0xc6: {  	_ = 	snop  }
.LBB2_15:
0xc7: {  	v8 =	vor.u32 v7, v8;
	_ =	sdelay $0x4  }
0xc8: {  	[tilespmem:v8+s17+$0x0] =	vst.idx.add.f32.msk $0xffff, v9  }
.LBB2_16:
0xc9: {  	s21 =	sadd.s32 $0x1, s21  }
0xca: {  	p0 =	sne.s32 s21, s20  }
.Ltmp9:
0xcb: {  	_ = 	snop;
	(pc) =	sbr.rel @!p0 .LBB2_17-.Ltmp9, $2  }
0xcc: {  	_ =	sdelay $0x2  }
0xcd: {  	s22 =	sadd.s32 $0xFFFFFE00, s22  }
.LBB2_12:
0xce: {  	s23 =	sshll.u32 s21, $0x9  }
0xcf: {  	s31 =	ssub.s32 s19, s23  }
0xd0: {  	p0 =	slt.s32 s31, $0x1  }
.Ltmp10:
0xd1: {  	s24 =	sadd.s32 $0x2400, s23;
	(pc) =	sbr.rel @p0 .LBB2_16-.Ltmp10, $4  }
0xd2: {  	[tilespmem:s16], [sflag:$0x1] =	stream.indirect.gather [hbm4b:s5+s12], $0x40, s24, s12, $0xb8;
	[tilespmem:$0x13580] =	vst v63  }
0xd3: {  	_ =	swait.ge [sflag:s15], $0x8000  }
0xd4: {  	[sflag:s15] =	ssyncset.done $0x0  }
0xd5: {  	[sflag:s15] =	ssyncadd.s32 $0xFFFF8000  }
0xd6: {  	s24 =	sadd.s32 $0x0, s23  }
0xd7: {  	v8 =	vmov s24;
	_ =	sdelay $0x4  }
0xd8: {  	s31 =	simm.s32 $0x0;
	v8 =	vld.idx.msk [tilespmem:v8+s14+$0x0], $0xffff  }
0xd9: {  	v9 =	vor.u32 s31, v4;
	_ =	sdelay $0x3  }
0xda: {  	v8 =	vshll.u32 v8, $0x6  }
0xdb: {  	v9 =	vld.idx.msk [tilespmem:v9+s16+$0x0], $0xffff;
	v10 =	vor.u32 v4, v8  }
0xdc: {  	v11 =	vor.u32 s31, v5;
	_ =	sdelay $0x3  }
0xdd: {  	[tilespmem:v10+s17+$0x0] =	vst.idx.add.f32.msk $0xffff, v9  }
0xde: {  	v10 =	vor.u32 v5, v8;
	v9 =	vld.idx.msk [tilespmem:v11+s16+$0x0], $0xffff  }
0xdf: {  	v11 =	vor.u32 s31, v6;
	_ =	sdelay $0x2  }
0xe0: {  	p0 =	sgt.s32 s22, $0x1;
	s24 =	smov.u32 s22  }
0xe1: {  	s24 =	simm.s32 @!p0 $0x1;
	[tilespmem:v10+s17+$0x0] =	vst.idx.add.f32.msk $0xffff, v9  }
0xe2: {  	s24 =	smin.u32 s24, $0x200;
	v10 =	vor.u32 v6, v8;
	v9 =	vld.idx.msk [tilespmem:v11+s16+$0x0], $0xffff  }
0xe3: {  	p0 =	sne.s32 s24, $0x1;
	v11 =	vor.u32 s31, v7  }
.Ltmp11:
0xe4: {  	_ = 	snop;
	(pc) =	sbr.rel @!p0 .LBB2_15-.Ltmp11, $3  }
0xe5: {  	_ =	sdelay $0x1  }
0xe6: {  	[tilespmem:v10+s17+$0x0] =	vst.idx.add.f32.msk $0xffff, v9  }
0xe7: {  	s25 =	simm.s32 $0x1;
	v9 =	vld.idx.msk [tilespmem:v11+s16+$0x0], $0xffff  }
.LBB2_14:
0xe8: {  	s26 =	sadd.s32 s23, s25;
	v8 =	vor.u32 v7, v8;
	s28 =	smov.u32 s25;
	s25 =	sadd.s32 $0x1, s25  }
0xe9: {  	v10 =	vmov s26;
	s26 =	sshll.u32 s28, $0x6;
	p0 =	sne.s32 s24, s25  }
0xea: {  	v11 =	vor.u32 s26, v4;
	_ =	sdelay $0x2  }
0xeb: {  	[tilespmem:v8+s17+$0x0] =	vst.idx.add.f32.msk $0xffff, v9  }
0xec: {  	v8 =	vld.idx.msk [tilespmem:v10+s14+$0x0], $0xffff  }
0xed: {  	v9 =	vld.idx.msk [tilespmem:v11+s16+$0x0], $0xffff;
	_ =	sdelay $0x4  }
0xee: {  	v8 =	vshll.u32 v8, $0x6  }
0xef: {  	v10 =	vor.u32 v4, v8  }
0xf0: {  	v11 =	vor.u32 s26, v5;
	_ =	sdelay $0x3  }
0xf1: {  	[tilespmem:v10+s17+$0x0] =	vst.idx.add.f32.msk $0xffff, v9  }
0xf2: {  	v9 =	vld.idx.msk [tilespmem:v11+s16+$0x0], $0xffff  }
0xf3: {  	v10 =	vor.u32 v5, v8  }
0xf4: {  	v11 =	vor.u32 s26, v6;
	_ =	sdelay $0x3  }
0xf5: {  	[tilespmem:v10+s17+$0x0] =	vst.idx.add.f32.msk $0xffff, v9  }
0xf6: {  	v9 =	vld.idx.msk [tilespmem:v11+s16+$0x0], $0xffff  }
0xf7: {  	v10 =	vor.u32 v6, v8  }
0xf8: {  	v11 =	vor.u32 s26, v7  }
.Ltmp12:
0xf9: {  	(pc) =	sbr.rel @p0 .LBB2_14-.Ltmp12, $3  }
0xfa: {  	_ =	sdelay $0x1  }
0xfb: {  	[tilespmem:v10+s17+$0x0] =	vst.idx.add.f32.msk $0xffff, v9  }
0xfc: {  	v9 =	vld.idx.msk [tilespmem:v11+s16+$0x0], $0xffff  }
.Ltmp13:
0xfd: {  	_ = 	snop;
	(pc) =	sbr.rel .LBB2_15-.Ltmp13, $1  }
0xfe: {  	_ =	sdelay $0x3  }
.LBB2_18:
0xff: {  	_ =	sfence.sel $0x180000  }
0x100: {  	[bflag:$0x0] =	sbarrier.arrive $0xFFFF  }
0x101: {  	p0 =	sne.s32 s1, $0x0;
	_ =	strace $0x9000004A  }
0x102: {  	s0 =	sadd.s32 @!p0 $0x100000, s0;
	[bflag:$0x2] =	sbarrier.arrive $0xFFFF  }
0x103: {  	[sflag:s0] =	ssyncadd.tile.s32 @!p0 $0x1;
	_ =	shalt  }
.Lfunc_end2:
_tile_overlayer_lowered:
.L_overlay_start_2:
0x104: {  	(tag) =	ssettag $0x2  }
0x105: {  	s0 =	rddreg [dreg:$0x0];
	s2 =	stileid.u32  }
0x106: {  	s1 =	rddreg [dreg:$0x1];
	p0 =	sne.s32 s2, $0x0  }
0x107: {  	s3 =	rddreg [dreg:$0x2];
	[bflag:$0x3] =	sbarrier.arrive $0xFFFF;
	s2 =	simm.s32 @!p0 $0x1C02  }
0x108: {  	[timem:s3], [sflag:s2] =	dma.local @!p0 [hbm:s0], s1  }
0x109: {  	s0 =	simm.s32 @!p0 $0x2  }
0x10a: {  	_ =	swait.ge @!p0 [sflag:s0], s1  }
0x10b: {  	s1 =	ssub.s32 @!p0 $0x0, s1;
	[sflag:s0] =	ssyncset.done @!p0 $0x0  }
0x10c: {  	[sflag:s0] =	ssyncadd.s32 @!p0 s1  }
0x10d: {  	[bflag:$0x3] =	sbarrier.arrive $0xFFFF  }
0x10e: {  	_ =	shalt  }

// kernel: kernel.21.cloned.1.call-start
scs
__scs_entry_jumppad:
0x0: {  	(pc) =	sbr.rel $0x88, $3  }
0x1: {  	(tag) =	ssettag $0x0;
	lr =	simm.s32 $0x1  }
0x2: {  	[smem:$0x3FA0] =	sst lr;
	_ =	strace $0xD0000000  }
0x3: {  	_ = 	snop  }
0x4: {  	_ = 	snop  }
0x5: {  	_ = 	snop  }
0x6: {  	_ = 	snop  }
0x7: {  	_ = 	snop  }
__scs_overlays_trampoline_lowered:
0x8: {  	[smem:$0x3FAF] =	sst s0  }
0x9: {  	[smem:$0x3FB0] =	sst s1  }
0xa: {  	[smem:$0x3FB1] =	sst s2  }
0xb: {  	[smem:$0x3FB2] =	sst s3  }
0xc: {  	[smem:$0x3FB3] =	sst s4  }
0xd: {  	[smem:$0x3FB4] =	sst s5  }
0xe: {  	[smem:$0x3FB5] =	sst s6  }
0xf: {  	[smem:$0x3FB6] =	sst s7  }
0x10: {  	[smem:$0x3FB7] =	sst s8  }
0x11: {  	[smem:$0x3FB8] =	sst s9;
	s0 =	simm.s32 @!p0 $0x0  }
0x12: {  	s1 =	sld [smem:$0x3F9E];
	s0 =	simm.s32 @p0 $0x1  }
0x13: {  	[smem:$0x3FB9] =	sst s0;
	s0 =	simm.s32 @!p1 $0x0  }
0x14: {  	s2 =	sld [smem:$0x3F9D];
	s0 =	simm.s32 @p1 $0x1  }
0x15: {  	[smem:$0x3FBA] =	sst s0;
	s0 =	simm.s32 @!p2 $0x0  }
0x16: {  	s3 =	sld [smem:$0x3FDB];
	s0 =	simm.s32 @p2 $0x1  }
0x17: {  	s4 =	simm.s32 $0x1BF5;
	[smem:$0x3FBC] =	sst s0  }
0x18: {  	s0 =	sld [smem:$0x3F9F];
	_ =	swait.ge [sflag:s4], $0x0  }
0x19: {  	s7 =	sld [smem:$0x3FA0]  }
0x1a: {  	s8 =	sadd.s32 $0xFFFFE003, lr  }
0x1b: {  	s9 =	sadd.s32 $0xFFFFFEF7, lr;
	s5 =	simm.s32 $0xFFFFFFFF;
	p2 =	slt.u32 s8, $0xFFFFF086  }
0x1c: {  	p1 =	slt.u32 s9, $0xF7A;
	s5 =	simm.s32 @!p2 $0x0  }
0x1d: {  	s5 =	simm.s32 @p1 $0x1;
	p0 =	seq.s32 s7, s2  }
0x1e: {  	s7 =	smul.u32 @!p0 $0xF7A, s2;
	p2 =	seq.s32 @!p0 s5, $0x0  }
0x1f: {  	s9 =	smul.u32 $0xF7A, s1;
	s8 =	simm.s32 @!p0 $0x1BF5;
	p2 =	por !p2, p0  }
0x20: {  	[sflag:s8] =	ssyncset.s32 @!p0 $0xFFFFF086;
	s6 =	sadd.s32 @!p0 s3, s7;
	s7 =	simm.s32 @!p0 $0x108  }
0x21: {  	s3 =	sadd.s32 s3, s9;
	s6 =	sadd.s32 @!p0 $0x88, s6;
	s7 =	simm.s32 @p2 $0x1082  }
0x22: {  	[simem:s7], [sflag:s8] =	dma.local @!p0 [hbm:s6], $0xF7A  }
0x23: {  	s9 =	sor.u32 $0xD0000000, s2;
	s6 =	simm.s32 $0x108;
	_ =	swait.ge @!p0 [sflag:s8], $0x0  }
0x24: {  	s3 =	sadd.s32 $0x88, s3;
	s6 =	simm.s32 @!p1 $0x1082;
	[sflag:s4] =	ssyncset.s32 $0xFFFFF086  }
0x25: {  	[simem:s6], [sflag:s4] =	dma.local [hbm:s3], $0xF7A  }
0x26: {  	[smem:$0x3FA0] =	sst s1;
	(tag) =	ssettag s2;
	_ =	strace s9  }
0x27: {  	s1 =	sld [smem:$0x3FB0]  }
0x28: {  	s2 =	sld [smem:$0x3FB1]  }
0x29: {  	s4 =	sld [smem:$0x3FB3]  }
0x2a: {  	p0 =	seq.s32 s5, $0x0;
	s5 =	sld [smem:$0x3FB4]  }
0x2b: {  	s6 =	sld [smem:$0x3FB5]  }
0x2c: {  	s7 =	sld [smem:$0x3FB6]  }
0x2d: {  	s3 =	simm.s32 $0x108;
	s8 =	sld [smem:$0x3FB7]  }
0x2e: {  	s3 =	simm.s32 @!p0 $0x1082;
	s9 =	sld [smem:$0x3FB8]  }
0x2f: {  	lr =	sadd.s32 s0, s3;
	s0 =	sld [smem:$0x3FAF]  }
0x30: {  	s3 =	sld [smem:$0x3FB2]  }
0x31: {  	[smem:$0x3FBB] =	sst s10  }
0x32: {  	s10 =	sld [smem:$0x3FB9];
	_ =	sdelay $0x3  }
0x33: {  	p0 =	seq.s32 s10, $0x1;
	s10 =	sld [smem:$0x3FBB];
	_ =	sdelay $0x3  }
0x34: {  	[smem:$0x3FBB] =	sst s10  }
0x35: {  	s10 =	sld [smem:$0x3FBA];
	_ =	sdelay $0x3  }
0x36: {  	p1 =	seq.s32 s10, $0x1;
	s10 =	sld [smem:$0x3FBB];
	_ =	sdelay $0x3  }
0x37: {  	[smem:$0x3FBB] =	sst s10  }
0x38: {  	s10 =	sld [smem:$0x3FBC]  }
0x39: {  	_ = 	snop;
	(pc) =	sbr.ind lr, $3  }
0x3a: {  	_ = 	snop  }
0x3b: {  	_ = 	snop  }
0x3c: {  	p2 =	seq.s32 s10, $0x1;
	s10 =	sld [smem:$0x3FBB]  }
0x3d: {  	_ =	shalt  }
0x3e: {  	_ =	shalt  }
0x3f: {  	_ =	shalt  }
0x40: {  	_ =	shalt  }
0x41: {  	_ =	shalt  }
0x42: {  	_ =	shalt  }
0x43: {  	_ =	shalt  }
0x44: {  	_ =	shalt  }
0x45: {  	_ =	shalt  }
0x46: {  	_ =	shalt  }
0x47: {  	_ =	shalt  }
0x48: {  	_ =	shalt  }
0x49: {  	_ =	shalt  }
0x4a: {  	_ =	shalt  }
0x4b: {  	_ =	shalt  }
0x4c: {  	_ =	shalt  }
0x4d: {  	_ =	shalt  }
0x4e: {  	_ =	shalt  }
0x4f: {  	_ =	shalt  }
0x50: {  	_ =	shalt  }
0x51: {  	_ =	shalt  }
0x52: {  	_ =	shalt  }
0x53: {  	_ =	shalt  }
0x54: {  	_ =	shalt  }
0x55: {  	_ =	shalt  }
0x56: {  	_ =	shalt  }
0x57: {  	_ =	shalt  }
0x58: {  	_ =	shalt  }
0x59: {  	_ =	shalt  }
0x5a: {  	_ =	shalt  }
0x5b: {  	_ =	shalt  }
0x5c: {  	_ =	shalt  }
0x5d: {  	_ =	shalt  }
0x5e: {  	_ =	shalt  }
0x5f: {  	_ =	shalt  }
0x60: {  	_ =	shalt  }
0x61: {  	_ =	shalt  }
0x62: {  	_ =	shalt  }
0x63: {  	_ =	shalt  }
0x64: {  	_ =	shalt  }
0x65: {  	_ =	shalt  }
0x66: {  	_ =	shalt  }
0x67: {  	_ =	shalt  }
0x68: {  	_ =	shalt  }
0x69: {  	_ =	shalt  }
0x6a: {  	_ =	shalt  }
0x6b: {  	_ =	shalt  }
0x6c: {  	_ =	shalt  }
0x6d: {  	_ =	shalt  }
0x6e: {  	_ =	shalt  }
0x6f: {  	_ =	shalt  }
0x70: {  	_ =	shalt  }
0x71: {  	_ =	shalt  }
0x72: {  	_ =	shalt  }
0x73: {  	_ =	shalt  }
0x74: {  	_ =	shalt  }
0x75: {  	_ =	shalt  }
0x76: {  	_ =	shalt  }
0x77: {  	_ =	shalt  }
0x78: {  	_ =	shalt  }
0x79: {  	_ =	shalt  }
0x7a: {  	_ =	shalt  }
0x7b: {  	_ =	shalt  }
0x7c: {  	_ =	shalt  }
0x7d: {  	_ =	shalt  }
0x7e: {  	_ =	shalt  }
0x7f: {  	_ =	shalt  }
0x80: {  	_ =	shalt  }
0x81: {  	_ =	shalt  }
0x82: {  	_ =	shalt  }
0x83: {  	_ =	shalt  }
0x84: {  	_ =	shalt  }
0x85: {  	_ =	shalt  }
0x86: {  	_ =	shalt  }
0x87: {  	_ =	shalt  }
.Lfunc_end0:
.L_simem_size_0:
called_computation.2_lowered:
.L_overlay_start_0:
0x88: {  	s2 =	sld [smem:$0x3FD9]  }
0x89: {  	s3 =	sld [smem:$0x3FFE];
	_ =	sdelay $0x1  }
0x8a: {  	s1 =	srdreg.scid  }
0x8b: {  	s0 =	sand.u32 $0x1, s1  }
0x8c: {  	s14 =	sshll.u32 s0, $0xA;
	s2 =	sadd.s32 s3, s2  }
0x8d: {  	s2 =	sadd.s32 s2, s14  }
0x8e: {  	[smem:$0x3FC7] =	sst s2  }
0x8f: {  	_ = 	snop  }
0x90: {  	s2 =	sld [smem:$0x3FD0];
	_ =	sdelay $0x2  }
0x91: {  	s15 =	simm.s32 $0xA;
	s4 =	simm.s32 $0x10  }
0x92: {  	[smem:s4], [sflag:s15] =	dma.local [hbm:s2], $0x1  }
0x93: {  	_ =	swait.eq [sflag:s15], $0x1  }
0x94: {  	[sflag:s15] =	ssyncset.done $0x0  }
0x95: {  	s16 =	sld [smem:$0x11];
	[sflag:s15] =	ssyncadd.s32 $0xFFFFFFFF  }
0x96: {  	s17 =	sld [smem:$0x13];
	(tm) =	ssettm $0x1  }
0x97: {  	s18 =	sld [smem:$0x3FFB];
	_ =	sdelay $0x3  }
0x98: {  	_ =	strace s18  }
0x99: {  	s4 =	sld [smem:$0x3FFC];
	_ =	sdelay $0x3  }
0x9a: {  	_ =	strace s4  }
0x9b: {  	s4 =	sld [smem:$0x3FFD];
	_ =	sdelay $0x3  }
0x9c: {  	_ =	strace s4  }
0x9d: {  	_ =	strace $0x8FFFFFFF  }
0x9e: {  	s19 =	sld [smem:$0x3FDB];
	_ =	sdelay $0x1  }
0x9f: {  	s5 =	simm.s32 $_scs_section_size  }
0xa0: {  	s6 =	simm.s32 $_size__tile_overlayer_lowered;
	s7 =	simm.s32 $_tile_overlayer_lowered  }
0xa1: {  	s22 =	simm.s32 $0x1BFF;
	s21 =	sshll.u32 s7, $0x1;
	s4 =	sadd.s32 s5, s19  }
0xa2: {  	s8 =	simm.s32 $0x0;
	s20 =	sshll.u32 s6, $0x1;
	s6 =	sadd.s32 s21, s4  }
0xa3: {  	[timem:s8], [sflag:s22] =	dma.local [hbm:s6], s20  }
0xa4: {  	_ =	swait.ge [sflag:s22], s20  }
0xa5: {  	s5 =	ssub.s32 $0x0, s20;
	[sflag:s22] =	ssyncset.done $0x0  }
0xa6: {  	[sflag:s22] =	ssyncadd.s32 s5;
	_ =	sdelay $0x1  }
0xa7: {  	s23 =	simm.s32 $0x1B8B  }
0xa8: {  	_ =	swait.ge [sflag:s23], $0x1  }
0xa9: {  	[sflag:s23] =	ssyncset.done $0x0  }
0xaa: {  	s25 =	simm.s32 $0x1B8E;
	s24 =	sld [smem:$0x3FFE];
	[sflag:s23] =	ssyncadd.s32 $0xFFFFFFFF  }
0xab: {  	s26 =	simm.s32 $execute0_lowered;
	[smem:$0x3FD2] =	sst s25  }
0xac: {  	s6 =	sshll.u32 s26, $0x1;
	_ =	strace $0x8000004C;
	[dreg:$0x1] =	wrdreg $0xFFFFFFFF  }
0xad: {  	s28 =	simm.s32 $_size_execute0_lowered;
	s4 =	sadd.s32 s4, s6;
	[dreg:$0x0] =	wrdreg $0x0  }
0xae: {  	s6 =	sshll.u32 s28, $0x1;
	[dreg:$0x2] =	wrdreg s4  }
0xaf: {  	[dreg:$0x3] =	wrdreg s6  }
0xb0: {  	[dreg:$0x4] =	wrdreg $0xC0  }
0xb1: {  	_ =	task [dreg:s8], $0x5FFFF  }
0xb2: {  	[dreg:$0x1] =	wrdreg $0xFFFFFFFF  }
0xb3: {  	[dreg:$0x0] =	wrdreg $0x60  }
0xb4: {  	[dreg:$0x2] =	wrdreg s24  }
0xb5: {  	[dreg:$0x3] =	wrdreg s16  }
0xb6: {  	[dreg:$0x4] =	wrdreg s17  }
0xb7: {  	[dreg:$0x5] =	wrdreg $0x9  }
0xb8: {  	_ =	task.clear_ibuf [dreg:s8], $0x6FFFF;
	_ =	strace $0x9000004C  }
0xb9: {  	s29 =	simm.s32 $0x9;
	_ =	strace $0x8000004E  }
0xba: {  	_ =	swait.ge [sflag:s29], $0x1  }
0xbb: {  	[sflag:s29] =	ssyncadd.s32 $0xFFFFFFFF  }
0xbc: {  	_ =	strace $0x9000004E  }
0xbd: {  	_ =	sfence  }
0xbe: {  	s30 =	sld [smem:$0x0];
	_ =	sdelay $0x2  }
0xbf: {  	s31 =	sshll.u32 s1, $0xD;
	s1 =	sshrl.u32 s1, $0x2  }
0xc0: {  	s3 =	sand.u32 $0x4000, s31;
	s1 =	sadd.s32 s1, s30  }
0xc1: {  	s0 =	sor.u32 s3, s0;
	s1 =	sshll.u32 s1, $0x11  }
0xc2: {  	s0 =	sor.u32 s1, s0  }
0xc3: {  	s0 =	sadd.s32 $0x8F2B, s0  }
0xc4: {  	[sflag:s0] =	ssyncadd.remote.s32 $0x1  }
0xc5: {  	_ =	sfence.sel $0xFFFF  }
0xc6: {  	[dreg:$0x0] =	wrdreg $0xFFFFFFFF;
	(pc) =	sbr.abs _section_cstart, $3  }
0xc7: {  	[dreg:$0x1] =	wrdreg $0xFFFFFFFF  }
0xc8: {  	_ =	task.clear_ibuf [dreg:s8], $0x2FFFF;
	_ =	strace $0x9FFFFFFF  }
0xc9: {  	(tm) =	ssettm $0x7FFFFFFF  }
tec
execute0_lowered:
.L_overlay_start_1:
0x0: {  	(tag) =	ssettag $0x1  }
0x1: {  	s7 =	rddreg [dreg:$0x0]  }
0x2: {  	s2 =	rddreg [dreg:$0x1]  }
0x3: {  	s3 =	rddreg [dreg:$0x2]  }
0x4: {  	s0 =	rddreg [dreg:$0x3]  }
0x5: {  	s5 =	srdreg.scid;
	s1 =	stileid.u32  }
0x6: {  	s4 =	simm.s32 $0x0;
	s14 =	simm.s32 $0x2CC0;
	s15 =	simm.s32 $0x1  }
0x7: {  	s16 =	simm.s32 $0x3580;
	s17 =	simm.s32 $0xB580;
	s18 =	simm.s32 $0x0  }
0x8: {  	s8 =	sand.u32 $0x1, s5;
	s29 =	sshll.u32 s1, $0x1;
	[smem:$0x7FF] =	sst s4  }
0x9: {  	s5 =	sadd.s32 $0x100000, s7;
	s6 =	sadd.s32 $0x180000, s7;
	s12 =	sshll.u32 s1, $0xC  }
0xa: {  	s9 =	sor.u32 s8, s29;
	_ =	strace $0x8000004D;
	s8 =	ssub.s32 $0x2, s8  }
0xb: {  	s12 =	sand.u32 $0x8000, s12;
	s10 =	sand.u32 $0xF, s9;
	s9 =	sshll.u32 s9, $0xC  }
0xc: {  	s30 =	sshrl.u32 s8, $0x1;
	s11 =	smin.u32 s10, $0x7;
	s13 =	smax.u32 s10, $0x7  }
0xd: {  	p0 =	seq.s32 s10, $0xF;
	p1 =	slt.u32 s10, $0x7;
	s11 =	smul.u32 $0x8C0, s11  }
0xe: {  	s7 =	sadd.s32 s9, s7;
	s8 =	ssub.s32 s8, s30;
	s13 =	smul.u32 $0x780, s13  }
.Ltmp0:
0xf: {  	s11 =	sor.u32 s11, s12;
	s12 =	simm.s32 $0x6C0;
	(pc) =	sbr.rel .LBB2_1-.Ltmp0, $4  }
0x10: {  	s9 =	simm.s32 $0x2;
	s11 =	sadd.s32 s13, s11;
	s12 =	simm.s32 @!p0 $0x780  }
0x11: {  	v2 =	vimm.f32 $0.0e+00;
	v4 =	vlaneseq.u32;
	s10 =	simm.s32 $0x400;
	s11 =	sadd.s32 $0xFFFFCB80, s11;
	s12 =	simm.s32 @p1 $0x8C0  }
0x12: {  	v3 =	vimm.s32 $0x0;
	v5 =	vor.u32 $0x10, v4;
	v6 =	vor.u32 $0x20, v4;
	s7 =	sadd.s32 $0x182000, s7;
	s8 =	smax.u32 s8, $0x1;
	s31 =	sadd.s32 s12, s11  }
0x13: {  	v7 =	vor.u32 $0x30, v4;
	s13 =	simm.s32 $0x2400;
	v0 =	vmov s11;
	s11 =	simm.s32 $0x1400;
	s12 =	simm.s32 $0x200;
	v1 =	vmov s31  }
.LBB2_17:
0x14: {  	s18 =	sadd.s32 $0x1, s18  }
0x15: {  	p0 =	sne.s32 s18, s8  }
.Ltmp1:
0x16: {  	_ = 	snop;
	(pc) =	sbr.rel @!p0 .LBB2_18-.Ltmp1, $4  }
0x17: {  	[hbm4b:s7+s4] =	stream.linear.scatter [tilespmem:s17], [sflag:$0x2], $0x8000, $0x38;
	[tilespmem:$0x13580] =	vst v63  }
0x18: {  	_ =	swait.ge [sflag:s9], $0x8000  }
0x19: {  	[sflag:s9] =	ssyncset.done $0x0  }
0x1a: {  	[sflag:s9] =	ssyncadd.s32 $0xFFFF8000  }
.LBB2_1:
0x1b: {  	[tilespmem:s4], [sflag:$0x2] =	stream.linear.gather [hbm4b:s3+s4], $0x200, $0x38;
	[tilespmem:$0x13580] =	vst v63  }
0x1c: {  	_ =	swait.ge [sflag:s9], $0x200  }
0x1d: {  	[sflag:s9] =	ssyncset.done $0x0  }
0x1e: {  	s21 =	simm.s32 $0x0;
	[sflag:s9] =	ssyncadd.s32 $0xFFFFFE00  }
0x1f: {  	v8 =	vld [tilespmem:s21+$0x0];
	_ =	sdelay $0x2  }
0x20: {  	s19 =	simm.s32 $0x10  }
0x21: {  	v9 =	vld [tilespmem:s19+$0x0]  }
0x22: {  	v8 =	vtrunc.f32 v8  }
0x23: {  	v8 =	vcvt.f32.s32 v8;
	_ =	sdelay $0x1  }
0x24: {  	(xrf0) =	vadd.scan.msk.s32 $0xffff, v8  }
0x25: {  	v9 =	vtrunc.f32 v9  }
0x26: {  	s20 =	simm.s32 $0x20;
	v9 =	vcvt.f32.s32 v9  }
0x27: {  	v11 =	vld [tilespmem:s20+$0x0]  }
0x28: {  	(xrf0) =	vadd.scan.msk.s32 $0xffff, v9  }
0x29: {  	s22 =	simm.s32 $0x30  }
0x2a: {  	v14 =	vld [tilespmem:s22+$0x0];
	v10, _, _ =	vpop (xrf0)  }
0x2b: {  	v13 =	vxor.u32 $0x80000000, v10  }
0x2c: {  	v11 =	vtrunc.f32 v11  }
0x2d: {  	v12 =	vcvt.f32.s32 v11  }
0x2e: {  	(xrf0) =	vmax.scan.msk.u32 $0xffff, v13;
	v13, _, _ =	vpop (xrf0)  }
0x2f: {  	v11 =	vtrunc.f32 v14;
	(xrf0) =	vadd.scan.msk.s32 $0xffff, v12;
	v14 =	vxor.u32 $0x80000000, v13  }
0x30: {  	(xrf0) =	vmax.scan.msk.u32 $0xffff, v14;
	_ =	sdelay $0x3  }
0x31: {  	v17, _, _ =	vpop (xrf0)  }
0x32: {  	s23 =	simm.s32 $0x40;
	v14, _, _ =	vpop (xrf0);
	(v2sf) =	vpush v17, $0xF  }
0x33: {  	v15 =	vld [tilespmem:s23+$0x0];
	v11 =	vcvt.f32.s32 v11;
	v18, _, _ =	vpop (xrf0)  }
0x34: {  	(v2sf) =	vpush v18, $0xF  }
0x35: {  	(xrf0) =	vadd.scan.msk.s32 $0xffff, v11  }
0x36: {  	v16 =	vxor.u32 $0x80000000, v14  }
0x37: {  	(xrf0) =	vmax.scan.msk.u32 $0xffff, v16  }
0x38: {  	s24 =	simm.s32 $0x50;
	v15 =	vtrunc.f32 v15  }
0x39: {  	v15 =	vcvt.f32.s32 v15;
	v17 =	vld [tilespmem:s24+$0x0];
	_ =	sdelay $0x1  }
0x3a: {  	(xrf0) =	vadd.scan.msk.s32 $0xffff, v15;
	v16, _, _ =	vpop (xrf0)  }
0x3b: {  	v19 =	vxor.u32 $0x80000000, v16  }
0x3c: {  	s26 =	simm.s32 $0x180;
	s25 =	simm.s32 $0x0;
	(xrf0) =	vmax.scan.msk.u32 $0xffff, v19;
	v18, _, _ =	vpop (xrf0)  }
.LBB2_2:
0x3d: {  	s28 =	sshra.s32 s26, $0x2;
	p0 =	sne.s32 s26, $0x7C0;
	s26 =	sadd.s32 $0x40, s26;
	v19 =	vtrunc.f32 v17;
	(v2sf) =	vpush v18, $0xF;
	v18 =	vsub.s32 s25, v8;
	v8 =	vmovc v9;
	v9 =	vmovc v12  }
.Ltmp2:
0x3e: {  	v12 =	vmovc v11;
	v11 =	vmovc v15;
	v17 =	vld [tilespmem:s28+$0x0];
	v18 =	vadd.s32 v10, v18;
	v15 =	vcvt.f32.s32 v19;
	v10 =	vmov v13;
	(pc) =	sbr.rel @p0 .LBB2_2-.Ltmp2, $4  }
0x3f: {  	v13 =	vmov v14;
	v14 =	vmov v16;
	[tilespmem:s21+$0x200] =	vst v18;
	s21 =	smov.u32 s19;
	s19 =	smov.u32 s20;
	s20 =	smov.u32 s22  }
0x40: {  	s22 =	smov.u32 s23;
	s23 =	smov.u32 s24;
	(xrf0) =	vadd.scan.msk.s32 $0xffff, v15;
	v16, _, _ =	vpop (xrf0);
	s29 =	spop (v2sf)  }
0x41: {  	s24 =	smov.u32 s28;
	v19 =	vxor.u32 $0x80000000, v16;
	s25 =	sadd.s32 s29, s25  }
0x42: {  	(xrf0) =	vmax.scan.msk.u32 $0xffff, v19;
	v18, _, _ =	vpop (xrf0);
	s25 =	sadd.s32 $0x80000000, s25  }
0x43: {  	v17 =	vtrunc.f32 v17  }
0x44: {  	v17 =	vcvt.f32.s32 v17;
	_ =	sdelay $0x1  }
0x45: {  	(xrf0) =	vadd.scan.msk.s32 $0xffff, v17  }
0x46: {  	v19, _, _ =	vpop (xrf0)  }
0x47: {  	v20 =	vxor.u32 $0x80000000, v19  }
0x48: {  	(xrf0) =	vmax.scan.msk.u32 $0xffff, v20;
	_ =	sdelay $0x1  }
0x49: {  	v56, _, _ =	vpop (xrf0)  }
0x4a: {  	(v2sf) =	vpush v18, $0xF;
	v57, _, _ =	vpop (xrf0)  }
0x4b: {  	v21 =	vxor.u32 $0x80000000, v57  }
0x4c: {  	(v2sf) =	vpush v56, $0xF;
	(xrf0) =	vmax.scan.msk.u32 $0xffff, v21  }
0x4d: {  	v58, _, _ =	vpop (xrf0)  }
0x4e: {  	(v2sf) =	vpush v58, $0xF;
	_ =	sdelay $0x3  }
0x4f: {  	v59, _, _ =	vpop (xrf0)  }
0x50: {  	(v2sf) =	vpush v59, $0xF;
	_ =	sdelay $0x1  }
0x51: {  	s26 =	spop (v2sf)  }
0x52: {  	s26 =	sadd.s32 s26, s25  }
0x53: {  	s26 =	sadd.s32 $0x80000000, s26;
	s28 =	spop (v2sf)  }
0x54: {  	s28 =	sadd.s32 s28, s26  }
0x55: {  	s28 =	sadd.s32 $0x80000000, s28;
	s29 =	spop (v2sf)  }
0x56: {  	s29 =	sadd.s32 s29, s28  }
0x57: {  	v8 =	vsub.s32 s25, v8;
	s25 =	sadd.s32 $0x80000000, s29;
	s30 =	spop (v2sf)  }
0x58: {  	v8 =	vadd.s32 v10, v8;
	v9 =	vsub.s32 s26, v9;
	s31 =	sadd.s32 s30, s25  }
0x59: {  	[tilespmem:s21+$0x200] =	vst v8;
	v8 =	vadd.s32 v13, v9;
	v60 =	vsub.s32 s28, v12;
	s28 =	sadd.s32 $0x80000000, s31;
	s29 =	spop (v2sf)  }
0x5a: {  	[tilespmem:s19+$0x200] =	vst v8;
	v8 =	vadd.s32 v14, v60;
	v61 =	vsub.s32 s25, v11;
	s30 =	sadd.s32 s29, s28  }
0x5b: {  	[tilespmem:s20+$0x200] =	vst v8;
	v8 =	vadd.s32 v16, v61;
	v62 =	vsub.s32 s28, v15;
	s19 =	sadd.s32 $0x80000000, s30  }
0x5c: {  	[tilespmem:s22+$0x200] =	vst v8;
	v8 =	vadd.s32 v19, v62;
	v63 =	vsub.s32 s19, v17  }
0x5d: {  	[tilespmem:s23+$0x200] =	vst v8;
	v8 =	vadd.s32 v57, v63  }
0x5e: {  	s20 =	simm.s32 $0x100;
	s19 =	simm.s32 $0x0;
	[tilespmem:s24+$0x200] =	vst v8;
	s31 =	spop (v2sf)  }
.LBB2_4:
0x5f: {  	p0 =	sne.s32 s20, $0x1FF00;
	[tilespmem:s19+$0xB5B0] =	vst v2;
	s21 =	smov.u32 s20;
	s20 =	sadd.s32 $0x100, s20  }
.Ltmp3:
0x60: {  	[tilespmem:s19+$0xB5A0] =	vst v2;
	(pc) =	sbr.rel @p0 .LBB2_4-.Ltmp3, $3  }
0x61: {  	[tilespmem:s19+$0xB580] =	vst v2  }
0x62: {  	[tilespmem:s19+$0xB590] =	vst v2;
	_ =	sdelay $0x1  }
0x63: {  	s19 =	sshra.s32 s21, $0x2  }
0x64: {  	[tilespmem:s19+$0xB5B0] =	vst v2  }
0x65: {  	[tilespmem:s19+$0xB5A0] =	vst v2  }
0x66: {  	[tilespmem:s19+$0xB580] =	vst v2  }
0x67: {  	[tilespmem:s19+$0xB590] =	vst v2;
	s19 =	simm.s32 $0x40;
	s21 =	simm.s32 $0x0  }
.LBB2_6:
0x68: {  	p0 =	sne.s32 s19, $0x22C0;
	[tilespmem:s21+$0x2400] =	vst v3;
	s20 =	smov.u32 s19;
	s19 =	sadd.s32 $0x40, s19  }
.Ltmp4:
0x69: {  	(pc) =	sbr.rel @p0 .LBB2_6-.Ltmp4, $2  }
0x6a: {  	_ =	sdelay $0x2  }
0x6b: {  	s21 =	sshra.s32 s20, $0x2  }
0x6c: {  	s20 =	simm.s32 $0x0  }
0x6d: {  	[tilespmem:s21+$0x2400] =	vst v3;
	s21 =	simm.s32 $0x0;
	s19 =	simm.s32 $0x0;
	s22 =	simm.s32 $0x0  }
.LBB2_8:
0x6e: {  	s23 =	sshll.u32 s22, $0x9  }
0x6f: {  	s24 =	sadd.s32 s2, s23  }
0x70: {  	[tilespmem:s10], [sflag:$0x2] =	stream.linear.gather [hbm4b:s24+s20], $0x1000, $0x38;
	[tilespmem:$0x13580] =	vst v63  }
0x71: {  	_ =	swait.ge [sflag:s9], $0x1000  }
0x72: {  	[sflag:s9] =	ssyncset.done $0x0  }
0x73: {  	s23 =	sadd.s32 s6, s23;
	[sflag:s9] =	ssyncadd.s32 $0xFFFFF000  }
0x74: {  	[tilespmem:s11], [sflag:$0x2] =	stream.linear.gather [hbm4b:s23+s20], $0x1000, $0x38;
	[tilespmem:$0x13580] =	vst v63  }
0x75: {  	_ =	swait.ge [sflag:s9], $0x1000  }
0x76: {  	[sflag:s9] =	ssyncset.done $0x0  }
0x77: {  	s31 =	simm.s32 $0x0;
	[sflag:s9] =	ssyncadd.s32 $0xFFFFF000  }
0x78: {  	v8 =	vld [tilespmem:s31+$0x400];
	_ =	sdelay $0x6  }
0x79: {  	v10 =	vld [tilespmem:s31+$0x1400]  }
0x7a: {  	v9 =	vld.idx.msk [tilespmem:v8+s12+$0x0], $0xffff;
	_ =	sdelay $0x4  }
0x7b: {  	v9 =	vadd.s32 v10, v9  }
0x7c: {  	vm0 =	vge.s32 v9, v0;
	vm1 =	vlt.s32 v9, v1  }
0x7d: {  	vm0 =	vmand vm0, vm1  }
0x7e: {  	v61 =	vsel vm0, $0x1, v3  }
0x7f: {  	(xrf0) =	vadd.scan.msk.s32 $0xffff, v61;
	_ =	sdelay $0x2  }
0x80: {  	v62 =	vmov s19  }
0x81: {  	v9 =	vadd.s32 $0xFFFFFFFF, v62  }
0x82: {  	v9 =	vbroadcast v9, $0x0  }
0x83: {  	v63, _, _ =	vpop (xrf0)  }
0x84: {  	v9 =	vadd.s32 v9, v63;
	v10 =	vxor.u32 $0x80000000, v63  }
0x85: {  	(xrf0) =	vmax.scan.msk.u32 $0xffff, v10;
	_ =	sdelay $0x2  }
0x86: {  	v11 =	vor.u32 s21, v4  }
0x87: {  	[tilespmem:v9+s13+$0x0] =	vst.idx.msk vm0, v11  }
0x88: {  	s25 =	simm.s32 $0x10;
	s24 =	simm.s32 $0x80;
	s23 =	smov.u32 s21;
	[tilespmem:v9+s14+$0x0] =	vst.idx.msk vm0, v8  }
.LBB2_9:
0x89: {  	p0 =	sne.s32 s24, $0x3FC0;
	v8 =	vld [tilespmem:s25+$0x400];
	v9, _, _ =	vpop (xrf0)  }
0x8a: {  	(v2sf) =	vpush v9, $0xF;
	_ =	sdelay $0x6  }
0x8b: {  	v9 =	vld.idx.msk [tilespmem:v8+s12+$0x0], $0xffff  }
0x8c: {  	v10 =	vld [tilespmem:s25+$0x1400];
	_ =	sdelay $0x4  }
0x8d: {  	v9 =	vadd.s32 v10, v9  }
0x8e: {  	vm0 =	vge.s32 v9, v0;
	vm1 =	vlt.s32 v9, v1  }
0x8f: {  	vm0 =	vmand vm0, vm1;
	s25 =	spop (v2sf)  }
0x90: {  	v9 =	vsel vm0, $0x1, v3;
	s19 =	sadd.s32 s25, s19  }
0x91: {  	(xrf0) =	vadd.scan.msk.s32 $0xffff, v9;
	s19 =	sadd.s32 $0x80000000, s19  }
0x92: {  	v9 =	vmov s19  }
0x93: {  	v9 =	vadd.s32 $0xFFFFFFFF, v9  }
0x94: {  	v9 =	vbroadcast v9, $0x0;
	_ =	sdelay $0x2  }
0x95: {  	v10, _, _ =	vpop (xrf0)  }
0x96: {  	v9 =	vadd.s32 v9, v10;
	v10 =	vxor.u32 $0x80000000, v10  }
0x97: {  	(xrf0) =	vmax.scan.msk.u32 $0xffff, v10  }
.Ltmp5:
0x98: {  	(pc) =	sbr.rel @p0 .LBB2_9-.Ltmp5, $4  }
0x99: {  	s23 =	sadd.s32 $0x10, s23  }
0x9a: {  	v10 =	vor.u32 s23, v4  }
0x9b: {  	[tilespmem:v9+s13+$0x0] =	vst.idx.msk vm0, v10  }
0x9c: {  	s25 =	sshra.s32 s24, $0x2;
	s24 =	sadd.s32 $0x40, s24;
	[tilespmem:v9+s14+$0x0] =	vst.idx.msk vm0, v8  }
0x9d: {  	v8 =	vld [tilespmem:s25+$0x400];
	_ =	sdelay $0x6  }
0x9e: {  	v10 =	vld [tilespmem:s25+$0x1400]  }
0x9f: {  	v9 =	vld.idx.msk [tilespmem:v8+s12+$0x0], $0xffff;
	_ =	sdelay $0x4  }
0xa0: {  	v9 =	vadd.s32 v10, v9  }
0xa1: {  	vm0 =	vge.s32 v9, v0;
	vm1 =	vlt.s32 v9, v1  }
0xa2: {  	vm0 =	vmand vm0, vm1  }
0xa3: {  	v58 =	vsel vm0, $0x1, v3  }
0xa4: {  	(xrf0) =	vadd.scan.msk.s32 $0xffff, v58;
	_ =	sdelay $0x2  }
0xa5: {  	v59, _, _ =	vpop (xrf0)  }
0xa6: {  	(v2sf) =	vpush v59, $0xF;
	_ =	sdelay $0x1  }
0xa7: {  	v60, _, _ =	vpop (xrf0)  }
0xa8: {  	v61 =	vxor.u32 $0x80000000, v60  }
0xa9: {  	(xrf0) =	vmax.scan.msk.u32 $0xffff, v61;
	_ =	sdelay $0x5  }
0xaa: {  	v10, _, _ =	vpop (xrf0)  }
0xab: {  	(v2sf) =	vpush v10, $0xF;
	_ =	sdelay $0x3  }
0xac: {  	s24 =	spop (v2sf)  }
0xad: {  	s19 =	sadd.s32 s24, s19  }
0xae: {  	s19 =	sadd.s32 $0x80000000, s19  }
0xaf: {  	v62 =	vmov s19  }
0xb0: {  	v10 =	vadd.s32 $0xFFFFFFFF, v62  }
0xb1: {  	v10 =	vbroadcast v10, $0x0;
	_ =	sdelay $0x1  }
0xb2: {  	s22 =	sadd.s32 $0x1, s22;
	v9 =	vadd.s32 v10, v60  }
0xb3: {  	p0 =	sne.s32 s22, $0x10  }
.Ltmp6:
0xb4: {  	_ = 	snop;
	(pc) =	sbr.rel @p0 .LBB2_8-.Ltmp6, $4  }
0xb5: {  	s23 =	sadd.s32 $0x10, s23  }
0xb6: {  	v63 =	vor.u32 s23, v4;
	s31 =	spop (v2sf)  }
0xb7: {  	[tilespmem:v9+s13+$0x0] =	vst.idx.msk vm0, v63;
	s19 =	sadd.s32 s31, s19  }
0xb8: {  	s21 =	sadd.s32 $0x1000, s21;
	[tilespmem:v9+s14+$0x0] =	vst.idx.msk vm0, v8;
	s19 =	sadd.s32 $0x80000000, s19  }
0xb9: {  	s20 =	sadd.s32 $0x1FF, s19  }
0xba: {  	s21 =	sand.u32 $0x1FF, s20  }
0xbb: {  	s22 =	sshra.s32 s20, $0x1F;
	p0 =	slt.s32 s20, $0x1;
	p1 =	sne.s32 s21, $0x0  }
0xbc: {  	s31 =	sshrl.u32 s22, $0x17;
	p0 =	por !p0, !p1  }
0xbd: {  	s21 =	simm.s32 $0x1;
	s20 =	sadd.s32 s31, s20;
	p0 =	por !p0, !p0  }
0xbe: {  	s20 =	sshra.s32 s20, $0x9;
	s21 =	simm.s32 @!p0 $0x0  }
0xbf: {  	s20 =	ssub.s32 s20, s21  }
0xc0: {  	p0 =	slt.s32 s20, $0x1  }
.Ltmp7:
0xc1: {  	_ = 	snop;
	(pc) =	sbr.rel @!p0 .LBB2_12-.Ltmp7, $4  }
.Ltmp8:
0xc2: {  	_ = 	snop;
	(pc) =	sbr.rel @p0 .LBB2_17-.Ltmp8, $4  }
0xc3: {  	_ = 	snop  }
0xc4: {  	_ = 	snop  }
0xc5: {  	s22 =	smov.u32 s19;
	s21 =	simm.s32 $0x0  }
0xc6: {  	_ = 	snop  }
.LBB2_15:
0xc7: {  	v8 =	vor.u32 v7, v8;
	_ =	sdelay $0x4  }
0xc8: {  	[tilespmem:v8+s17+$0x0] =	vst.idx.add.f32.msk $0xffff, v9  }
.LBB2_16:
0xc9: {  	s21 =	sadd.s32 $0x1, s21  }
0xca: {  	p0 =	sne.s32 s21, s20  }
.Ltmp9:
0xcb: {  	_ = 	snop;
	(pc) =	sbr.rel @!p0 .LBB2_17-.Ltmp9, $2  }
0xcc: {  	_ =	sdelay $0x2  }
0xcd: {  	s22 =	sadd.s32 $0xFFFFFE00, s22  }
.LBB2_12:
0xce: {  	s23 =	sshll.u32 s21, $0x9  }
0xcf: {  	s31 =	ssub.s32 s19, s23  }
0xd0: {  	p0 =	slt.s32 s31, $0x1  }
.Ltmp10:
0xd1: {  	s24 =	sadd.s32 $0x2400, s23;
	(pc) =	sbr.rel @p0 .LBB2_16-.Ltmp10, $4  }
0xd2: {  	[tilespmem:s16], [sflag:$0x1] =	stream.indirect.gather [hbm4b:s5+s12], $0x40, s24, s12, $0xb8;
	[tilespmem:$0x13580] =	vst v63  }
0xd3: {  	_ =	swait.ge [sflag:s15], $0x8000  }
0xd4: {  	[sflag:s15] =	ssyncset.done $0x0  }
0xd5: {  	[sflag:s15] =	ssyncadd.s32 $0xFFFF8000  }
0xd6: {  	s24 =	sadd.s32 $0x0, s23  }
0xd7: {  	v8 =	vmov s24;
	_ =	sdelay $0x4  }
0xd8: {  	s31 =	simm.s32 $0x0;
	v8 =	vld.idx.msk [tilespmem:v8+s14+$0x0], $0xffff  }
0xd9: {  	v9 =	vor.u32 s31, v4;
	_ =	sdelay $0x3  }
0xda: {  	v8 =	vshll.u32 v8, $0x6  }
0xdb: {  	v9 =	vld.idx.msk [tilespmem:v9+s16+$0x0], $0xffff;
	v10 =	vor.u32 v4, v8  }
0xdc: {  	v11 =	vor.u32 s31, v5;
	_ =	sdelay $0x3  }
0xdd: {  	[tilespmem:v10+s17+$0x0] =	vst.idx.add.f32.msk $0xffff, v9  }
0xde: {  	v10 =	vor.u32 v5, v8;
	v9 =	vld.idx.msk [tilespmem:v11+s16+$0x0], $0xffff  }
0xdf: {  	v11 =	vor.u32 s31, v6;
	_ =	sdelay $0x2  }
0xe0: {  	p0 =	sgt.s32 s22, $0x1;
	s24 =	smov.u32 s22  }
0xe1: {  	s24 =	simm.s32 @!p0 $0x1;
	[tilespmem:v10+s17+$0x0] =	vst.idx.add.f32.msk $0xffff, v9  }
0xe2: {  	s24 =	smin.u32 s24, $0x200;
	v10 =	vor.u32 v6, v8;
	v9 =	vld.idx.msk [tilespmem:v11+s16+$0x0], $0xffff  }
0xe3: {  	p0 =	sne.s32 s24, $0x1;
	v11 =	vor.u32 s31, v7  }
.Ltmp11:
0xe4: {  	_ = 	snop;
	(pc) =	sbr.rel @!p0 .LBB2_15-.Ltmp11, $3  }
0xe5: {  	_ =	sdelay $0x1  }
0xe6: {  	[tilespmem:v10+s17+$0x0] =	vst.idx.add.f32.msk $0xffff, v9  }
0xe7: {  	s25 =	simm.s32 $0x1;
	v9 =	vld.idx.msk [tilespmem:v11+s16+$0x0], $0xffff  }
.LBB2_14:
0xe8: {  	s26 =	sadd.s32 s23, s25;
	v8 =	vor.u32 v7, v8;
	s28 =	smov.u32 s25;
	s25 =	sadd.s32 $0x1, s25  }
0xe9: {  	v10 =	vmov s26;
	s26 =	sshll.u32 s28, $0x6;
	p0 =	sne.s32 s24, s25  }
0xea: {  	v11 =	vor.u32 s26, v4;
	_ =	sdelay $0x2  }
0xeb: {  	[tilespmem:v8+s17+$0x0] =	vst.idx.add.f32.msk $0xffff, v9  }
0xec: {  	v8 =	vld.idx.msk [tilespmem:v10+s14+$0x0], $0xffff  }
0xed: {  	v9 =	vld.idx.msk [tilespmem:v11+s16+$0x0], $0xffff;
	_ =	sdelay $0x4  }
0xee: {  	v8 =	vshll.u32 v8, $0x6  }
0xef: {  	v10 =	vor.u32 v4, v8  }
0xf0: {  	v11 =	vor.u32 s26, v5;
	_ =	sdelay $0x3  }
0xf1: {  	[tilespmem:v10+s17+$0x0] =	vst.idx.add.f32.msk $0xffff, v9  }
0xf2: {  	v9 =	vld.idx.msk [tilespmem:v11+s16+$0x0], $0xffff  }
0xf3: {  	v10 =	vor.u32 v5, v8  }
0xf4: {  	v11 =	vor.u32 s26, v6;
	_ =	sdelay $0x3  }
0xf5: {  	[tilespmem:v10+s17+$0x0] =	vst.idx.add.f32.msk $0xffff, v9  }
0xf6: {  	v9 =	vld.idx.msk [tilespmem:v11+s16+$0x0], $0xffff  }
0xf7: {  	v10 =	vor.u32 v6, v8  }
0xf8: {  	v11 =	vor.u32 s26, v7  }
.Ltmp12:
0xf9: {  	(pc) =	sbr.rel @p0 .LBB2_14-.Ltmp12, $3  }
0xfa: {  	_ =	sdelay $0x1  }
0xfb: {  	[tilespmem:v10+s17+$0x0] =	vst.idx.add.f32.msk $0xffff, v9  }
0xfc: {  	v9 =	vld.idx.msk [tilespmem:v11+s16+$0x0], $0xffff  }
.Ltmp13:
0xfd: {  	_ = 	snop;
	(pc) =	sbr.rel .LBB2_15-.Ltmp13, $1  }
0xfe: {  	_ =	sdelay $0x3  }
.LBB2_18:
0xff: {  	_ =	sfence.sel $0x180000  }
0x100: {  	[bflag:$0x0] =	sbarrier.arrive $0xFFFF  }
0x101: {  	p0 =	sne.s32 s1, $0x0;
	_ =	strace $0x9000004D  }
0x102: {  	s0 =	sadd.s32 @!p0 $0x100000, s0;
	[bflag:$0x2] =	sbarrier.arrive $0xFFFF  }
0x103: {  	[sflag:s0] =	ssyncadd.tile.s32 @!p0 $0x1;
	_ =	shalt  }
.Lfunc_end2:
_tile_overlayer_lowered:
.L_overlay_start_2:
0x104: {  	(tag) =	ssettag $0x2  }
0x105: {  	s0 =	rddreg [dreg:$0x0];
	s2 =	stileid.u32  }
0x106: {  	s1 =	rddreg [dreg:$0x1];
	p0 =	sne.s32 s2, $0x0  }
0x107: {  	s3 =	rddreg [dreg:$0x2];
	[bflag:$0x3] =	sbarrier.arrive $0xFFFF;
	s2 =	simm.s32 @!p0 $0x1C02  }
0x108: {  	[timem:s3], [sflag:s2] =	dma.local @!p0 [hbm:s0], s1  }
0x109: {  	s0 =	simm.s32 @!p0 $0x2  }
0x10a: {  	_ =	swait.ge @!p0 [sflag:s0], s1  }
0x10b: {  	s1 =	ssub.s32 @!p0 $0x0, s1;
	[sflag:s0] =	ssyncset.done @!p0 $0x0  }
0x10c: {  	[sflag:s0] =	ssyncadd.s32 @!p0 s1  }
0x10d: {  	[bflag:$0x3] =	sbarrier.arrive $0xFFFF  }
0x10e: {  	_ =	shalt  }

// kernel: kernel.24.cloned.1.call-start
scs
__scs_entry_jumppad:
0x0: {  	(pc) =	sbr.rel $0x88, $3  }
0x1: {  	(tag) =	ssettag $0x0;
	lr =	simm.s32 $0x1  }
0x2: {  	[smem:$0x3FA0] =	sst lr;
	_ =	strace $0xD0000000  }
0x3: {  	_ = 	snop  }
0x4: {  	_ = 	snop  }
0x5: {  	_ = 	snop  }
0x6: {  	_ = 	snop  }
0x7: {  	_ = 	snop  }
__scs_overlays_trampoline_lowered:
0x8: {  	[smem:$0x3FAF] =	sst s0  }
0x9: {  	[smem:$0x3FB0] =	sst s1  }
0xa: {  	[smem:$0x3FB1] =	sst s2  }
0xb: {  	[smem:$0x3FB2] =	sst s3  }
0xc: {  	[smem:$0x3FB3] =	sst s4  }
0xd: {  	[smem:$0x3FB4] =	sst s5  }
0xe: {  	[smem:$0x3FB5] =	sst s6  }
0xf: {  	[smem:$0x3FB6] =	sst s7  }
0x10: {  	[smem:$0x3FB7] =	sst s8  }
0x11: {  	[smem:$0x3FB8] =	sst s9;
	s0 =	simm.s32 @!p0 $0x0  }
0x12: {  	s1 =	sld [smem:$0x3F9E];
	s0 =	simm.s32 @p0 $0x1  }
0x13: {  	[smem:$0x3FB9] =	sst s0;
	s0 =	simm.s32 @!p1 $0x0  }
0x14: {  	s2 =	sld [smem:$0x3F9D];
	s0 =	simm.s32 @p1 $0x1  }
0x15: {  	[smem:$0x3FBA] =	sst s0;
	s0 =	simm.s32 @!p2 $0x0  }
0x16: {  	s3 =	sld [smem:$0x3FDB];
	s0 =	simm.s32 @p2 $0x1  }
0x17: {  	s4 =	simm.s32 $0x1BF5;
	[smem:$0x3FBC] =	sst s0  }
0x18: {  	s0 =	sld [smem:$0x3F9F];
	_ =	swait.ge [sflag:s4], $0x0  }
0x19: {  	s7 =	sld [smem:$0x3FA0]  }
0x1a: {  	s8 =	sadd.s32 $0xFFFFE003, lr  }
0x1b: {  	s9 =	sadd.s32 $0xFFFFFEF7, lr;
	s5 =	simm.s32 $0xFFFFFFFF;
	p2 =	slt.u32 s8, $0xFFFFF086  }
0x1c: {  	p1 =	slt.u32 s9, $0xF7A;
	s5 =	simm.s32 @!p2 $0x0  }
0x1d: {  	s5 =	simm.s32 @p1 $0x1;
	p0 =	seq.s32 s7, s2  }
0x1e: {  	s7 =	smul.u32 @!p0 $0xF7A, s2;
	p2 =	seq.s32 @!p0 s5, $0x0  }
0x1f: {  	s9 =	smul.u32 $0xF7A, s1;
	s8 =	simm.s32 @!p0 $0x1BF5;
	p2 =	por !p2, p0  }
0x20: {  	[sflag:s8] =	ssyncset.s32 @!p0 $0xFFFFF086;
	s6 =	sadd.s32 @!p0 s3, s7;
	s7 =	simm.s32 @!p0 $0x108  }
0x21: {  	s3 =	sadd.s32 s3, s9;
	s6 =	sadd.s32 @!p0 $0x88, s6;
	s7 =	simm.s32 @p2 $0x1082  }
0x22: {  	[simem:s7], [sflag:s8] =	dma.local @!p0 [hbm:s6], $0xF7A  }
0x23: {  	s9 =	sor.u32 $0xD0000000, s2;
	s6 =	simm.s32 $0x108;
	_ =	swait.ge @!p0 [sflag:s8], $0x0  }
0x24: {  	s3 =	sadd.s32 $0x88, s3;
	s6 =	simm.s32 @!p1 $0x1082;
	[sflag:s4] =	ssyncset.s32 $0xFFFFF086  }
0x25: {  	[simem:s6], [sflag:s4] =	dma.local [hbm:s3], $0xF7A  }
0x26: {  	[smem:$0x3FA0] =	sst s1;
	(tag) =	ssettag s2;
	_ =	strace s9  }
0x27: {  	s1 =	sld [smem:$0x3FB0]  }
0x28: {  	s2 =	sld [smem:$0x3FB1]  }
0x29: {  	s4 =	sld [smem:$0x3FB3]  }
0x2a: {  	p0 =	seq.s32 s5, $0x0;
	s5 =	sld [smem:$0x3FB4]  }
0x2b: {  	s6 =	sld [smem:$0x3FB5]  }
0x2c: {  	s7 =	sld [smem:$0x3FB6]  }
0x2d: {  	s3 =	simm.s32 $0x108;
	s8 =	sld [smem:$0x3FB7]  }
0x2e: {  	s3 =	simm.s32 @!p0 $0x1082;
	s9 =	sld [smem:$0x3FB8]  }
0x2f: {  	lr =	sadd.s32 s0, s3;
	s0 =	sld [smem:$0x3FAF]  }
0x30: {  	s3 =	sld [smem:$0x3FB2]  }
0x31: {  	[smem:$0x3FBB] =	sst s10  }
0x32: {  	s10 =	sld [smem:$0x3FB9];
	_ =	sdelay $0x3  }
0x33: {  	p0 =	seq.s32 s10, $0x1;
	s10 =	sld [smem:$0x3FBB];
	_ =	sdelay $0x3  }
0x34: {  	[smem:$0x3FBB] =	sst s10  }
0x35: {  	s10 =	sld [smem:$0x3FBA];
	_ =	sdelay $0x3  }
0x36: {  	p1 =	seq.s32 s10, $0x1;
	s10 =	sld [smem:$0x3FBB];
	_ =	sdelay $0x3  }
0x37: {  	[smem:$0x3FBB] =	sst s10  }
0x38: {  	s10 =	sld [smem:$0x3FBC]  }
0x39: {  	_ = 	snop;
	(pc) =	sbr.ind lr, $3  }
0x3a: {  	_ = 	snop  }
0x3b: {  	_ = 	snop  }
0x3c: {  	p2 =	seq.s32 s10, $0x1;
	s10 =	sld [smem:$0x3FBB]  }
0x3d: {  	_ =	shalt  }
0x3e: {  	_ =	shalt  }
0x3f: {  	_ =	shalt  }
0x40: {  	_ =	shalt  }
0x41: {  	_ =	shalt  }
0x42: {  	_ =	shalt  }
0x43: {  	_ =	shalt  }
0x44: {  	_ =	shalt  }
0x45: {  	_ =	shalt  }
0x46: {  	_ =	shalt  }
0x47: {  	_ =	shalt  }
0x48: {  	_ =	shalt  }
0x49: {  	_ =	shalt  }
0x4a: {  	_ =	shalt  }
0x4b: {  	_ =	shalt  }
0x4c: {  	_ =	shalt  }
0x4d: {  	_ =	shalt  }
0x4e: {  	_ =	shalt  }
0x4f: {  	_ =	shalt  }
0x50: {  	_ =	shalt  }
0x51: {  	_ =	shalt  }
0x52: {  	_ =	shalt  }
0x53: {  	_ =	shalt  }
0x54: {  	_ =	shalt  }
0x55: {  	_ =	shalt  }
0x56: {  	_ =	shalt  }
0x57: {  	_ =	shalt  }
0x58: {  	_ =	shalt  }
0x59: {  	_ =	shalt  }
0x5a: {  	_ =	shalt  }
0x5b: {  	_ =	shalt  }
0x5c: {  	_ =	shalt  }
0x5d: {  	_ =	shalt  }
0x5e: {  	_ =	shalt  }
0x5f: {  	_ =	shalt  }
0x60: {  	_ =	shalt  }
0x61: {  	_ =	shalt  }
0x62: {  	_ =	shalt  }
0x63: {  	_ =	shalt  }
0x64: {  	_ =	shalt  }
0x65: {  	_ =	shalt  }
0x66: {  	_ =	shalt  }
0x67: {  	_ =	shalt  }
0x68: {  	_ =	shalt  }
0x69: {  	_ =	shalt  }
0x6a: {  	_ =	shalt  }
0x6b: {  	_ =	shalt  }
0x6c: {  	_ =	shalt  }
0x6d: {  	_ =	shalt  }
0x6e: {  	_ =	shalt  }
0x6f: {  	_ =	shalt  }
0x70: {  	_ =	shalt  }
0x71: {  	_ =	shalt  }
0x72: {  	_ =	shalt  }
0x73: {  	_ =	shalt  }
0x74: {  	_ =	shalt  }
0x75: {  	_ =	shalt  }
0x76: {  	_ =	shalt  }
0x77: {  	_ =	shalt  }
0x78: {  	_ =	shalt  }
0x79: {  	_ =	shalt  }
0x7a: {  	_ =	shalt  }
0x7b: {  	_ =	shalt  }
0x7c: {  	_ =	shalt  }
0x7d: {  	_ =	shalt  }
0x7e: {  	_ =	shalt  }
0x7f: {  	_ =	shalt  }
0x80: {  	_ =	shalt  }
0x81: {  	_ =	shalt  }
0x82: {  	_ =	shalt  }
0x83: {  	_ =	shalt  }
0x84: {  	_ =	shalt  }
0x85: {  	_ =	shalt  }
0x86: {  	_ =	shalt  }
0x87: {  	_ =	shalt  }
.Lfunc_end0:
.L_simem_size_0:
called_computation.3_lowered:
.L_overlay_start_0:
0x88: {  	s2 =	sld [smem:$0x3FD9]  }
0x89: {  	s3 =	sld [smem:$0x3FFE];
	_ =	sdelay $0x1  }
0x8a: {  	s1 =	srdreg.scid  }
0x8b: {  	s0 =	sand.u32 $0x1, s1  }
0x8c: {  	s14 =	sshll.u32 s0, $0xA;
	s2 =	sadd.s32 s3, s2  }
0x8d: {  	s2 =	sadd.s32 s2, s14  }
0x8e: {  	[smem:$0x3FC7] =	sst s2  }
0x8f: {  	_ = 	snop  }
0x90: {  	s2 =	sld [smem:$0x3FD0];
	_ =	sdelay $0x2  }
0x91: {  	s15 =	simm.s32 $0xA;
	s4 =	simm.s32 $0x10  }
0x92: {  	[smem:s4], [sflag:s15] =	dma.local [hbm:s2], $0x1  }
0x93: {  	_ =	swait.eq [sflag:s15], $0x1  }
0x94: {  	[sflag:s15] =	ssyncset.done $0x0  }
0x95: {  	s16 =	sld [smem:$0x11];
	[sflag:s15] =	ssyncadd.s32 $0xFFFFFFFF  }
0x96: {  	s17 =	sld [smem:$0x13];
	(tm) =	ssettm $0x1  }
0x97: {  	s18 =	sld [smem:$0x3FFB];
	_ =	sdelay $0x3  }
0x98: {  	_ =	strace s18  }
0x99: {  	s4 =	sld [smem:$0x3FFC];
	_ =	sdelay $0x3  }
0x9a: {  	_ =	strace s4  }
0x9b: {  	s4 =	sld [smem:$0x3FFD];
	_ =	sdelay $0x3  }
0x9c: {  	_ =	strace s4  }
0x9d: {  	_ =	strace $0x8FFFFFFF  }
0x9e: {  	s19 =	sld [smem:$0x3FDB];
	_ =	sdelay $0x1  }
0x9f: {  	s5 =	simm.s32 $_scs_section_size  }
0xa0: {  	s6 =	simm.s32 $_size__tile_overlayer_lowered;
	s7 =	simm.s32 $_tile_overlayer_lowered  }
0xa1: {  	s22 =	simm.s32 $0x1BFF;
	s21 =	sshll.u32 s7, $0x1;
	s4 =	sadd.s32 s5, s19  }
0xa2: {  	s8 =	simm.s32 $0x0;
	s20 =	sshll.u32 s6, $0x1;
	s6 =	sadd.s32 s21, s4  }
0xa3: {  	[timem:s8], [sflag:s22] =	dma.local [hbm:s6], s20  }
0xa4: {  	_ =	swait.ge [sflag:s22], s20  }
0xa5: {  	s5 =	ssub.s32 $0x0, s20;
	[sflag:s22] =	ssyncset.done $0x0  }
0xa6: {  	[sflag:s22] =	ssyncadd.s32 s5;
	_ =	sdelay $0x1  }
0xa7: {  	s23 =	simm.s32 $0x1B8B  }
0xa8: {  	_ =	swait.ge [sflag:s23], $0x1  }
0xa9: {  	[sflag:s23] =	ssyncset.done $0x0  }
0xaa: {  	s25 =	simm.s32 $0x1B8E;
	s24 =	sld [smem:$0x3FFE];
	[sflag:s23] =	ssyncadd.s32 $0xFFFFFFFF  }
0xab: {  	s26 =	simm.s32 $execute0_lowered;
	[smem:$0x3FD2] =	sst s25  }
0xac: {  	s6 =	sshll.u32 s26, $0x1;
	_ =	strace $0x8000004F;
	[dreg:$0x1] =	wrdreg $0xFFFFFFFF  }
0xad: {  	s28 =	simm.s32 $_size_execute0_lowered;
	s4 =	sadd.s32 s4, s6;
	[dreg:$0x0] =	wrdreg $0x0  }
0xae: {  	s6 =	sshll.u32 s28, $0x1;
	[dreg:$0x2] =	wrdreg s4  }
0xaf: {  	[dreg:$0x3] =	wrdreg s6  }
0xb0: {  	[dreg:$0x4] =	wrdreg $0xC0  }
0xb1: {  	_ =	task [dreg:s8], $0x5FFFF  }
0xb2: {  	[dreg:$0x1] =	wrdreg $0xFFFFFFFF  }
0xb3: {  	[dreg:$0x0] =	wrdreg $0x60  }
0xb4: {  	[dreg:$0x2] =	wrdreg s24  }
0xb5: {  	[dreg:$0x3] =	wrdreg s16  }
0xb6: {  	[dreg:$0x4] =	wrdreg s17  }
0xb7: {  	[dreg:$0x5] =	wrdreg $0x9  }
0xb8: {  	_ =	task.clear_ibuf [dreg:s8], $0x6FFFF;
	_ =	strace $0x9000004F  }
0xb9: {  	s29 =	simm.s32 $0x9;
	_ =	strace $0x80000051  }
0xba: {  	_ =	swait.ge [sflag:s29], $0x1  }
0xbb: {  	[sflag:s29] =	ssyncadd.s32 $0xFFFFFFFF  }
0xbc: {  	_ =	strace $0x90000051  }
0xbd: {  	_ =	sfence  }
0xbe: {  	s30 =	sld [smem:$0x0];
	_ =	sdelay $0x2  }
0xbf: {  	s31 =	sshll.u32 s1, $0xD;
	s1 =	sshrl.u32 s1, $0x2  }
0xc0: {  	s3 =	sand.u32 $0x4000, s31;
	s1 =	sadd.s32 s1, s30  }
0xc1: {  	s0 =	sor.u32 s3, s0;
	s1 =	sshll.u32 s1, $0x11  }
0xc2: {  	s0 =	sor.u32 s1, s0  }
0xc3: {  	s0 =	sadd.s32 $0x8F2B, s0  }
0xc4: {  	[sflag:s0] =	ssyncadd.remote.s32 $0x1  }
0xc5: {  	_ =	sfence.sel $0xFFFF  }
0xc6: {  	[dreg:$0x0] =	wrdreg $0xFFFFFFFF;
	(pc) =	sbr.abs _section_cstart, $3  }
0xc7: {  	[dreg:$0x1] =	wrdreg $0xFFFFFFFF  }
0xc8: {  	_ =	task.clear_ibuf [dreg:s8], $0x2FFFF;
	_ =	strace $0x9FFFFFFF  }
0xc9: {  	(tm) =	ssettm $0x7FFFFFFF  }
tec
execute0_lowered:
.L_overlay_start_1:
0x0: {  	(tag) =	ssettag $0x1  }
0x1: {  	s1 =	rddreg [dreg:$0x0]  }
0x2: {  	s3 =	rddreg [dreg:$0x1]  }
0x3: {  	s4 =	rddreg [dreg:$0x2]  }
0x4: {  	s0 =	rddreg [dreg:$0x3];
	s6 =	srdreg.scid  }
0x5: {  	s2 =	stileid.u32;
	s5 =	simm.s32 $0x0;
	s13 =	simm.s32 $0x2400  }
0x6: {  	s14 =	simm.s32 $0x2CC0;
	s15 =	simm.s32 $0x1;
	s16 =	simm.s32 $0x3580  }
0x7: {  	s17 =	simm.s32 $0xB580;
	s18 =	simm.s32 $0x0;
	s7 =	sand.u32 $0x1, s6  }
0x8: {  	s30 =	sshll.u32 s2, $0x1;
	[smem:$0x7FF] =	sst s5;
	s6 =	sadd.s32 $0x100000, s1  }
0x9: {  	s11 =	sshll.u32 s2, $0xC;
	s8 =	sor.u32 s7, s30;
	_ =	strace $0x80000050  }
0xa: {  	s7 =	ssub.s32 $0x2, s7;
	s11 =	sand.u32 $0x8000, s11;
	s9 =	sand.u32 $0xF, s8  }
0xb: {  	s8 =	sshll.u32 s8, $0xC;
	s31 =	sshrl.u32 s7, $0x1;
	s10 =	smin.u32 s9, $0x7  }
0xc: {  	s12 =	smax.u32 s9, $0x7;
	p0 =	seq.s32 s9, $0xF;
	s10 =	smul.u32 $0x8C0, s10  }
0xd: {  	p1 =	slt.u32 s9, $0x7;
	s8 =	sadd.s32 s8, s1;
	s12 =	smul.u32 $0x780, s12  }
.Ltmp0:
0xe: {  	s10 =	sor.u32 s10, s11;
	s11 =	simm.s32 $0x6C0;
	(pc) =	sbr.rel .LBB2_1-.Ltmp0, $4  }
0xf: {  	s9 =	ssub.s32 s7, s31;
	s10 =	sadd.s32 s12, s10;
	s11 =	simm.s32 @!p0 $0x780  }
0x10: {  	v2 =	vimm.f32 $0.0e+00;
	v4 =	vlaneseq.u32;
	s7 =	sadd.s32 $0x2000, s8;
	s10 =	sadd.s32 $0xFFFFCB80, s10;
	s11 =	simm.s32 @p1 $0x8C0  }
0x11: {  	v3 =	vimm.s32 $0x0;
	v5 =	vor.u32 $0x10, v4;
	v6 =	vor.u32 $0x20, v4;
	s8 =	smax.u32 s9, $0x1;
	s9 =	simm.s32 $0x2;
	s11 =	sadd.s32 s11, s10  }
0x12: {  	v7 =	vor.u32 $0x30, v4;
	s12 =	simm.s32 $0x200;
	v0 =	vmov s10;
	s10 =	simm.s32 $0x400;
	v1 =	vmov s11;
	s11 =	simm.s32 $0x1400  }
.LBB2_17:
0x13: {  	s18 =	sadd.s32 $0x1, s18  }
0x14: {  	p0 =	sne.s32 s18, s8  }
.Ltmp1:
0x15: {  	_ = 	snop;
	(pc) =	sbr.rel @!p0 .LBB2_18-.Ltmp1, $4  }
0x16: {  	[hbm4b:s7+s5] =	stream.linear.scatter [tilespmem:s17], [sflag:$0x2], $0x8000, $0x38;
	[tilespmem:$0x13580] =	vst v63  }
0x17: {  	_ =	swait.ge [sflag:s9], $0x8000  }
0x18: {  	[sflag:s9] =	ssyncset.done $0x0  }
0x19: {  	[sflag:s9] =	ssyncadd.s32 $0xFFFF8000  }
.LBB2_1:
0x1a: {  	[tilespmem:s5], [sflag:$0x2] =	stream.linear.gather [hbm4b:s4+s5], $0x200, $0x38;
	[tilespmem:$0x13580] =	vst v63  }
0x1b: {  	_ =	swait.ge [sflag:s9], $0x200  }
0x1c: {  	[sflag:s9] =	ssyncset.done $0x0  }
0x1d: {  	s21 =	simm.s32 $0x0;
	[sflag:s9] =	ssyncadd.s32 $0xFFFFFE00  }
0x1e: {  	v8 =	vld [tilespmem:s21+$0x0];
	_ =	sdelay $0x2  }
0x1f: {  	s19 =	simm.s32 $0x10  }
0x20: {  	v9 =	vld [tilespmem:s19+$0x0]  }
0x21: {  	v8 =	vtrunc.f32 v8  }
0x22: {  	v8 =	vcvt.f32.s32 v8;
	_ =	sdelay $0x1  }
0x23: {  	(xrf0) =	vadd.scan.msk.s32 $0xffff, v8  }
0x24: {  	v9 =	vtrunc.f32 v9  }
0x25: {  	s20 =	simm.s32 $0x20;
	v9 =	vcvt.f32.s32 v9  }
0x26: {  	v11 =	vld [tilespmem:s20+$0x0]  }
0x27: {  	(xrf0) =	vadd.scan.msk.s32 $0xffff, v9  }
0x28: {  	s22 =	simm.s32 $0x30  }
0x29: {  	v14 =	vld [tilespmem:s22+$0x0];
	v10, _, _ =	vpop (xrf0)  }
0x2a: {  	v13 =	vxor.u32 $0x80000000, v10  }
0x2b: {  	v11 =	vtrunc.f32 v11  }
0x2c: {  	v12 =	vcvt.f32.s32 v11  }
0x2d: {  	(xrf0) =	vmax.scan.msk.u32 $0xffff, v13;
	v13, _, _ =	vpop (xrf0)  }
0x2e: {  	v11 =	vtrunc.f32 v14;
	(xrf0) =	vadd.scan.msk.s32 $0xffff, v12;
	v14 =	vxor.u32 $0x80000000, v13  }
0x2f: {  	(xrf0) =	vmax.scan.msk.u32 $0xffff, v14;
	_ =	sdelay $0x3  }
0x30: {  	v17, _, _ =	vpop (xrf0)  }
0x31: {  	s23 =	simm.s32 $0x40;
	v14, _, _ =	vpop (xrf0);
	(v2sf) =	vpush v17, $0xF  }
0x32: {  	v15 =	vld [tilespmem:s23+$0x0];
	v11 =	vcvt.f32.s32 v11;
	v18, _, _ =	vpop (xrf0)  }
0x33: {  	(v2sf) =	vpush v18, $0xF  }
0x34: {  	(xrf0) =	vadd.scan.msk.s32 $0xffff, v11  }
0x35: {  	v16 =	vxor.u32 $0x80000000, v14  }
0x36: {  	(xrf0) =	vmax.scan.msk.u32 $0xffff, v16  }
0x37: {  	s24 =	simm.s32 $0x50;
	v15 =	vtrunc.f32 v15  }
0x38: {  	v15 =	vcvt.f32.s32 v15;
	v17 =	vld [tilespmem:s24+$0x0];
	_ =	sdelay $0x1  }
0x39: {  	(xrf0) =	vadd.scan.msk.s32 $0xffff, v15;
	v16, _, _ =	vpop (xrf0)  }
0x3a: {  	v19 =	vxor.u32 $0x80000000, v16  }
0x3b: {  	s26 =	simm.s32 $0x180;
	s25 =	simm.s32 $0x0;
	(xrf0) =	vmax.scan.msk.u32 $0xffff, v19;
	v18, _, _ =	vpop (xrf0)  }
.LBB2_2:
0x3c: {  	s28 =	sshra.s32 s26, $0x2;
	p0 =	sne.s32 s26, $0x7C0;
	s26 =	sadd.s32 $0x40, s26;
	v19 =	vtrunc.f32 v17;
	(v2sf) =	vpush v18, $0xF;
	v18 =	vsub.s32 s25, v8;
	v8 =	vmovc v9;
	v9 =	vmovc v12  }
.Ltmp2:
0x3d: {  	v12 =	vmovc v11;
	v11 =	vmovc v15;
	v17 =	vld [tilespmem:s28+$0x0];
	v18 =	vadd.s32 v10, v18;
	v15 =	vcvt.f32.s32 v19;
	v10 =	vmov v13;
	(pc) =	sbr.rel @p0 .LBB2_2-.Ltmp2, $4  }
0x3e: {  	v13 =	vmov v14;
	v14 =	vmov v16;
	[tilespmem:s21+$0x200] =	vst v18;
	s21 =	smov.u32 s19;
	s19 =	smov.u32 s20;
	s20 =	smov.u32 s22  }
0x3f: {  	s22 =	smov.u32 s23;
	s23 =	smov.u32 s24;
	(xrf0) =	vadd.scan.msk.s32 $0xffff, v15;
	v16, _, _ =	vpop (xrf0);
	s29 =	spop (v2sf)  }
0x40: {  	s24 =	smov.u32 s28;
	v19 =	vxor.u32 $0x80000000, v16;
	s25 =	sadd.s32 s29, s25  }
0x41: {  	(xrf0) =	vmax.scan.msk.u32 $0xffff, v19;
	v18, _, _ =	vpop (xrf0);
	s25 =	sadd.s32 $0x80000000, s25  }
0x42: {  	v17 =	vtrunc.f32 v17  }
0x43: {  	v17 =	vcvt.f32.s32 v17;
	_ =	sdelay $0x1  }
0x44: {  	(xrf0) =	vadd.scan.msk.s32 $0xffff, v17  }
0x45: {  	v19, _, _ =	vpop (xrf0)  }
0x46: {  	v20 =	vxor.u32 $0x80000000, v19  }
0x47: {  	(xrf0) =	vmax.scan.msk.u32 $0xffff, v20;
	_ =	sdelay $0x1  }
0x48: {  	v56, _, _ =	vpop (xrf0)  }
0x49: {  	(v2sf) =	vpush v18, $0xF;
	v57, _, _ =	vpop (xrf0)  }
0x4a: {  	v21 =	vxor.u32 $0x80000000, v57  }
0x4b: {  	(v2sf) =	vpush v56, $0xF;
	(xrf0) =	vmax.scan.msk.u32 $0xffff, v21  }
0x4c: {  	v58, _, _ =	vpop (xrf0)  }
0x4d: {  	(v2sf) =	vpush v58, $0xF;
	_ =	sdelay $0x3  }
0x4e: {  	v59, _, _ =	vpop (xrf0)  }
0x4f: {  	(v2sf) =	vpush v59, $0xF;
	_ =	sdelay $0x1  }
0x50: {  	s26 =	spop (v2sf)  }
0x51: {  	s26 =	sadd.s32 s26, s25  }
0x52: {  	s26 =	sadd.s32 $0x80000000, s26;
	s28 =	spop (v2sf)  }
0x53: {  	s28 =	sadd.s32 s28, s26  }
0x54: {  	s28 =	sadd.s32 $0x80000000, s28;
	s29 =	spop (v2sf)  }
0x55: {  	s29 =	sadd.s32 s29, s28  }
0x56: {  	v8 =	vsub.s32 s25, v8;
	s25 =	sadd.s32 $0x80000000, s29;
	s30 =	spop (v2sf)  }
0x57: {  	v8 =	vadd.s32 v10, v8;
	v9 =	vsub.s32 s26, v9;
	s31 =	sadd.s32 s30, s25  }
0x58: {  	[tilespmem:s21+$0x200] =	vst v8;
	v8 =	vadd.s32 v13, v9;
	v60 =	vsub.s32 s28, v12;
	s28 =	sadd.s32 $0x80000000, s31;
	s29 =	spop (v2sf)  }
0x59: {  	[tilespmem:s19+$0x200] =	vst v8;
	v8 =	vadd.s32 v14, v60;
	v61 =	vsub.s32 s25, v11;
	s30 =	sadd.s32 s29, s28  }
0x5a: {  	[tilespmem:s20+$0x200] =	vst v8;
	v8 =	vadd.s32 v16, v61;
	v62 =	vsub.s32 s28, v15;
	s19 =	sadd.s32 $0x80000000, s30  }
0x5b: {  	[tilespmem:s22+$0x200] =	vst v8;
	v8 =	vadd.s32 v19, v62;
	v63 =	vsub.s32 s19, v17  }
0x5c: {  	[tilespmem:s23+$0x200] =	vst v8;
	v8 =	vadd.s32 v57, v63  }
0x5d: {  	s20 =	simm.s32 $0x100;
	s19 =	simm.s32 $0x0;
	[tilespmem:s24+$0x200] =	vst v8;
	s31 =	spop (v2sf)  }
.LBB2_4:
0x5e: {  	p0 =	sne.s32 s20, $0x1FF00;
	[tilespmem:s19+$0xB5B0] =	vst v2;
	s21 =	smov.u32 s20;
	s20 =	sadd.s32 $0x100, s20  }
.Ltmp3:
0x5f: {  	[tilespmem:s19+$0xB5A0] =	vst v2;
	(pc) =	sbr.rel @p0 .LBB2_4-.Ltmp3, $3  }
0x60: {  	[tilespmem:s19+$0xB580] =	vst v2  }
0x61: {  	[tilespmem:s19+$0xB590] =	vst v2;
	_ =	sdelay $0x1  }
0x62: {  	s19 =	sshra.s32 s21, $0x2  }
0x63: {  	[tilespmem:s19+$0xB5B0] =	vst v2  }
0x64: {  	[tilespmem:s19+$0xB5A0] =	vst v2  }
0x65: {  	[tilespmem:s19+$0xB580] =	vst v2  }
0x66: {  	[tilespmem:s19+$0xB590] =	vst v2;
	s19 =	simm.s32 $0x40;
	s21 =	simm.s32 $0x0  }
.LBB2_6:
0x67: {  	p0 =	sne.s32 s19, $0x22C0;
	[tilespmem:s21+$0x2400] =	vst v3;
	s20 =	smov.u32 s19;
	s19 =	sadd.s32 $0x40, s19  }
.Ltmp4:
0x68: {  	(pc) =	sbr.rel @p0 .LBB2_6-.Ltmp4, $2  }
0x69: {  	_ =	sdelay $0x2  }
0x6a: {  	s21 =	sshra.s32 s20, $0x2  }
0x6b: {  	s20 =	simm.s32 $0x0  }
0x6c: {  	[tilespmem:s21+$0x2400] =	vst v3;
	s21 =	simm.s32 $0x0;
	s19 =	simm.s32 $0x0;
	s22 =	simm.s32 $0x0  }
.LBB2_8:
0x6d: {  	s23 =	sshll.u32 s22, $0x9  }
0x6e: {  	s24 =	sadd.s32 s3, s23  }
0x6f: {  	[tilespmem:s10], [sflag:$0x2] =	stream.linear.gather [hbm4b:s24+s20], $0x1000, $0x38;
	[tilespmem:$0x13580] =	vst v63  }
0x70: {  	_ =	swait.ge [sflag:s9], $0x1000  }
0x71: {  	[sflag:s9] =	ssyncset.done $0x0  }
0x72: {  	s23 =	sadd.s32 s1, s23;
	[sflag:s9] =	ssyncadd.s32 $0xFFFFF000  }
0x73: {  	[tilespmem:s11], [sflag:$0x2] =	stream.linear.gather [hbm4b:s23+s20], $0x1000, $0x38;
	[tilespmem:$0x13580] =	vst v63  }
0x74: {  	_ =	swait.ge [sflag:s9], $0x1000  }
0x75: {  	[sflag:s9] =	ssyncset.done $0x0  }
0x76: {  	s31 =	simm.s32 $0x0;
	[sflag:s9] =	ssyncadd.s32 $0xFFFFF000  }
0x77: {  	v8 =	vld [tilespmem:s31+$0x400];
	_ =	sdelay $0x6  }
0x78: {  	v10 =	vld [tilespmem:s31+$0x1400]  }
0x79: {  	v9 =	vld.idx.msk [tilespmem:v8+s12+$0x0], $0xffff;
	_ =	sdelay $0x4  }
0x7a: {  	v9 =	vadd.s32 v10, v9  }
0x7b: {  	vm0 =	vge.s32 v9, v0;
	vm1 =	vlt.s32 v9, v1  }
0x7c: {  	vm0 =	vmand vm0, vm1  }
0x7d: {  	v61 =	vsel vm0, $0x1, v3  }
0x7e: {  	(xrf0) =	vadd.scan.msk.s32 $0xffff, v61;
	_ =	sdelay $0x2  }
0x7f: {  	v62 =	vmov s19  }
0x80: {  	v9 =	vadd.s32 $0xFFFFFFFF, v62  }
0x81: {  	v9 =	vbroadcast v9, $0x0  }
0x82: {  	v63, _, _ =	vpop (xrf0)  }
0x83: {  	v9 =	vadd.s32 v9, v63;
	v10 =	vxor.u32 $0x80000000, v63  }
0x84: {  	(xrf0) =	vmax.scan.msk.u32 $0xffff, v10;
	_ =	sdelay $0x2  }
0x85: {  	v11 =	vor.u32 s21, v4  }
0x86: {  	[tilespmem:v9+s13+$0x0] =	vst.idx.msk vm0, v11  }
0x87: {  	s25 =	simm.s32 $0x10;
	s24 =	simm.s32 $0x80;
	s23 =	smov.u32 s21;
	[tilespmem:v9+s14+$0x0] =	vst.idx.msk vm0, v8  }
.LBB2_9:
0x88: {  	p0 =	sne.s32 s24, $0x3FC0;
	v8 =	vld [tilespmem:s25+$0x400];
	v9, _, _ =	vpop (xrf0)  }
0x89: {  	(v2sf) =	vpush v9, $0xF;
	_ =	sdelay $0x6  }
0x8a: {  	v9 =	vld.idx.msk [tilespmem:v8+s12+$0x0], $0xffff  }
0x8b: {  	v10 =	vld [tilespmem:s25+$0x1400];
	_ =	sdelay $0x4  }
0x8c: {  	v9 =	vadd.s32 v10, v9  }
0x8d: {  	vm0 =	vge.s32 v9, v0;
	vm1 =	vlt.s32 v9, v1  }
0x8e: {  	vm0 =	vmand vm0, vm1;
	s25 =	spop (v2sf)  }
0x8f: {  	v9 =	vsel vm0, $0x1, v3;
	s19 =	sadd.s32 s25, s19  }
0x90: {  	(xrf0) =	vadd.scan.msk.s32 $0xffff, v9;
	s19 =	sadd.s32 $0x80000000, s19  }
0x91: {  	v9 =	vmov s19  }
0x92: {  	v9 =	vadd.s32 $0xFFFFFFFF, v9  }
0x93: {  	v9 =	vbroadcast v9, $0x0;
	_ =	sdelay $0x2  }
0x94: {  	v10, _, _ =	vpop (xrf0)  }
0x95: {  	v9 =	vadd.s32 v9, v10;
	v10 =	vxor.u32 $0x80000000, v10  }
0x96: {  	(xrf0) =	vmax.scan.msk.u32 $0xffff, v10  }
.Ltmp5:
0x97: {  	(pc) =	sbr.rel @p0 .LBB2_9-.Ltmp5, $4  }
0x98: {  	s23 =	sadd.s32 $0x10, s23  }
0x99: {  	v10 =	vor.u32 s23, v4  }
0x9a: {  	[tilespmem:v9+s13+$0x0] =	vst.idx.msk vm0, v10  }
0x9b: {  	s25 =	sshra.s32 s24, $0x2;
	s24 =	sadd.s32 $0x40, s24;
	[tilespmem:v9+s14+$0x0] =	vst.idx.msk vm0, v8  }
0x9c: {  	v8 =	vld [tilespmem:s25+$0x400];
	_ =	sdelay $0x6  }
0x9d: {  	v10 =	vld [tilespmem:s25+$0x1400]  }
0x9e: {  	v9 =	vld.idx.msk [tilespmem:v8+s12+$0x0], $0xffff;
	_ =	sdelay $0x4  }
0x9f: {  	v9 =	vadd.s32 v10, v9  }
0xa0: {  	vm0 =	vge.s32 v9, v0;
	vm1 =	vlt.s32 v9, v1  }
0xa1: {  	vm0 =	vmand vm0, vm1  }
0xa2: {  	v58 =	vsel vm0, $0x1, v3  }
0xa3: {  	(xrf0) =	vadd.scan.msk.s32 $0xffff, v58;
	_ =	sdelay $0x2  }
0xa4: {  	v59, _, _ =	vpop (xrf0)  }
0xa5: {  	(v2sf) =	vpush v59, $0xF;
	_ =	sdelay $0x1  }
0xa6: {  	v60, _, _ =	vpop (xrf0)  }
0xa7: {  	v61 =	vxor.u32 $0x80000000, v60  }
0xa8: {  	(xrf0) =	vmax.scan.msk.u32 $0xffff, v61;
	_ =	sdelay $0x5  }
0xa9: {  	v10, _, _ =	vpop (xrf0)  }
0xaa: {  	(v2sf) =	vpush v10, $0xF;
	_ =	sdelay $0x3  }
0xab: {  	s24 =	spop (v2sf)  }
0xac: {  	s19 =	sadd.s32 s24, s19  }
0xad: {  	s19 =	sadd.s32 $0x80000000, s19  }
0xae: {  	v62 =	vmov s19  }
0xaf: {  	v10 =	vadd.s32 $0xFFFFFFFF, v62  }
0xb0: {  	v10 =	vbroadcast v10, $0x0;
	_ =	sdelay $0x1  }
0xb1: {  	s22 =	sadd.s32 $0x1, s22;
	v9 =	vadd.s32 v10, v60  }
0xb2: {  	p0 =	sne.s32 s22, $0x10  }
.Ltmp6:
0xb3: {  	_ = 	snop;
	(pc) =	sbr.rel @p0 .LBB2_8-.Ltmp6, $4  }
0xb4: {  	s23 =	sadd.s32 $0x10, s23  }
0xb5: {  	v63 =	vor.u32 s23, v4;
	s31 =	spop (v2sf)  }
0xb6: {  	[tilespmem:v9+s13+$0x0] =	vst.idx.msk vm0, v63;
	s19 =	sadd.s32 s31, s19  }
0xb7: {  	s21 =	sadd.s32 $0x1000, s21;
	[tilespmem:v9+s14+$0x0] =	vst.idx.msk vm0, v8;
	s19 =	sadd.s32 $0x80000000, s19  }
0xb8: {  	s20 =	sadd.s32 $0x1FF, s19  }
0xb9: {  	s21 =	sand.u32 $0x1FF, s20  }
0xba: {  	s22 =	sshra.s32 s20, $0x1F;
	p0 =	slt.s32 s20, $0x1;
	p1 =	sne.s32 s21, $0x0  }
0xbb: {  	s31 =	sshrl.u32 s22, $0x17;
	p0 =	por !p0, !p1  }
0xbc: {  	s21 =	simm.s32 $0x1;
	s20 =	sadd.s32 s31, s20;
	p0 =	por !p0, !p0  }
0xbd: {  	s20 =	sshra.s32 s20, $0x9;
	s21 =	simm.s32 @!p0 $0x0  }
0xbe: {  	s20 =	ssub.s32 s20, s21  }
0xbf: {  	p0 =	slt.s32 s20, $0x1  }
.Ltmp7:
0xc0: {  	_ = 	snop;
	(pc) =	sbr.rel @!p0 .LBB2_12-.Ltmp7, $4  }
.Ltmp8:
0xc1: {  	_ = 	snop;
	(pc) =	sbr.rel @p0 .LBB2_17-.Ltmp8, $4  }
0xc2: {  	_ = 	snop  }
0xc3: {  	_ = 	snop  }
0xc4: {  	s22 =	smov.u32 s19;
	s21 =	simm.s32 $0x0  }
0xc5: {  	_ = 	snop  }
.LBB2_15:
0xc6: {  	v8 =	vor.u32 v7, v8;
	_ =	sdelay $0x4  }
0xc7: {  	[tilespmem:v8+s17+$0x0] =	vst.idx.add.f32.msk $0xffff, v9  }
.LBB2_16:
0xc8: {  	s21 =	sadd.s32 $0x1, s21  }
0xc9: {  	p0 =	sne.s32 s21, s20  }
.Ltmp9:
0xca: {  	_ = 	snop;
	(pc) =	sbr.rel @!p0 .LBB2_17-.Ltmp9, $2  }
0xcb: {  	_ =	sdelay $0x2  }
0xcc: {  	s22 =	sadd.s32 $0xFFFFFE00, s22  }
.LBB2_12:
0xcd: {  	s23 =	sshll.u32 s21, $0x9  }
0xce: {  	s31 =	ssub.s32 s19, s23  }
0xcf: {  	p0 =	slt.s32 s31, $0x1  }
.Ltmp10:
0xd0: {  	s24 =	sadd.s32 $0x2400, s23;
	(pc) =	sbr.rel @p0 .LBB2_16-.Ltmp10, $4  }
0xd1: {  	[tilespmem:s16], [sflag:$0x1] =	stream.indirect.gather [hbm4b:s6+s12], $0x40, s24, s12, $0xb8;
	[tilespmem:$0x13580] =	vst v63  }
0xd2: {  	_ =	swait.ge [sflag:s15], $0x8000  }
0xd3: {  	[sflag:s15] =	ssyncset.done $0x0  }
0xd4: {  	[sflag:s15] =	ssyncadd.s32 $0xFFFF8000  }
0xd5: {  	s24 =	sadd.s32 $0x0, s23  }
0xd6: {  	v8 =	vmov s24;
	_ =	sdelay $0x4  }
0xd7: {  	s31 =	simm.s32 $0x0;
	v8 =	vld.idx.msk [tilespmem:v8+s14+$0x0], $0xffff  }
0xd8: {  	v9 =	vor.u32 s31, v4;
	_ =	sdelay $0x3  }
0xd9: {  	v8 =	vshll.u32 v8, $0x6  }
0xda: {  	v9 =	vld.idx.msk [tilespmem:v9+s16+$0x0], $0xffff;
	v10 =	vor.u32 v4, v8  }
0xdb: {  	v11 =	vor.u32 s31, v5;
	_ =	sdelay $0x3  }
0xdc: {  	[tilespmem:v10+s17+$0x0] =	vst.idx.add.f32.msk $0xffff, v9  }
0xdd: {  	v10 =	vor.u32 v5, v8;
	v9 =	vld.idx.msk [tilespmem:v11+s16+$0x0], $0xffff  }
0xde: {  	v11 =	vor.u32 s31, v6;
	_ =	sdelay $0x2  }
0xdf: {  	p0 =	sgt.s32 s22, $0x1;
	s24 =	smov.u32 s22  }
0xe0: {  	s24 =	simm.s32 @!p0 $0x1;
	[tilespmem:v10+s17+$0x0] =	vst.idx.add.f32.msk $0xffff, v9  }
0xe1: {  	s24 =	smin.u32 s24, $0x200;
	v10 =	vor.u32 v6, v8;
	v9 =	vld.idx.msk [tilespmem:v11+s16+$0x0], $0xffff  }
0xe2: {  	p0 =	sne.s32 s24, $0x1;
	v11 =	vor.u32 s31, v7  }
.Ltmp11:
0xe3: {  	_ = 	snop;
	(pc) =	sbr.rel @!p0 .LBB2_15-.Ltmp11, $3  }
0xe4: {  	_ =	sdelay $0x1  }
0xe5: {  	[tilespmem:v10+s17+$0x0] =	vst.idx.add.f32.msk $0xffff, v9  }
0xe6: {  	s25 =	simm.s32 $0x1;
	v9 =	vld.idx.msk [tilespmem:v11+s16+$0x0], $0xffff  }
.LBB2_14:
0xe7: {  	s26 =	sadd.s32 s23, s25;
	v8 =	vor.u32 v7, v8;
	s28 =	smov.u32 s25;
	s25 =	sadd.s32 $0x1, s25  }
0xe8: {  	v10 =	vmov s26;
	s26 =	sshll.u32 s28, $0x6;
	p0 =	sne.s32 s24, s25  }
0xe9: {  	v11 =	vor.u32 s26, v4;
	_ =	sdelay $0x2  }
0xea: {  	[tilespmem:v8+s17+$0x0] =	vst.idx.add.f32.msk $0xffff, v9  }
0xeb: {  	v8 =	vld.idx.msk [tilespmem:v10+s14+$0x0], $0xffff  }
0xec: {  	v9 =	vld.idx.msk [tilespmem:v11+s16+$0x0], $0xffff;
	_ =	sdelay $0x4  }
0xed: {  	v8 =	vshll.u32 v8, $0x6  }
0xee: {  	v10 =	vor.u32 v4, v8  }
0xef: {  	v11 =	vor.u32 s26, v5;
	_ =	sdelay $0x3  }
0xf0: {  	[tilespmem:v10+s17+$0x0] =	vst.idx.add.f32.msk $0xffff, v9  }
0xf1: {  	v9 =	vld.idx.msk [tilespmem:v11+s16+$0x0], $0xffff  }
0xf2: {  	v10 =	vor.u32 v5, v8  }
0xf3: {  	v11 =	vor.u32 s26, v6;
	_ =	sdelay $0x3  }
0xf4: {  	[tilespmem:v10+s17+$0x0] =	vst.idx.add.f32.msk $0xffff, v9  }
0xf5: {  	v9 =	vld.idx.msk [tilespmem:v11+s16+$0x0], $0xffff  }
0xf6: {  	v10 =	vor.u32 v6, v8  }
0xf7: {  	v11 =	vor.u32 s26, v7  }
.Ltmp12:
0xf8: {  	(pc) =	sbr.rel @p0 .LBB2_14-.Ltmp12, $3  }
0xf9: {  	_ =	sdelay $0x1  }
0xfa: {  	[tilespmem:v10+s17+$0x0] =	vst.idx.add.f32.msk $0xffff, v9  }
0xfb: {  	v9 =	vld.idx.msk [tilespmem:v11+s16+$0x0], $0xffff  }
.Ltmp13:
0xfc: {  	_ = 	snop;
	(pc) =	sbr.rel .LBB2_15-.Ltmp13, $1  }
0xfd: {  	_ =	sdelay $0x3  }
.LBB2_18:
0xfe: {  	_ =	sfence.sel $0x180000  }
0xff: {  	[bflag:$0x0] =	sbarrier.arrive $0xFFFF  }
0x100: {  	p0 =	sne.s32 s2, $0x0;
	_ =	strace $0x90000050  }
0x101: {  	s0 =	sadd.s32 @!p0 $0x100000, s0;
	[bflag:$0x2] =	sbarrier.arrive $0xFFFF  }
0x102: {  	[sflag:s0] =	ssyncadd.tile.s32 @!p0 $0x1;
	_ =	shalt  }
.Lfunc_end2:
_tile_overlayer_lowered:
.L_overlay_start_2:
0x103: {  	(tag) =	ssettag $0x2  }
0x104: {  	s0 =	rddreg [dreg:$0x0];
	s2 =	stileid.u32  }
0x105: {  	s1 =	rddreg [dreg:$0x1];
	p0 =	sne.s32 s2, $0x0  }
0x106: {  	s3 =	rddreg [dreg:$0x2];
	[bflag:$0x3] =	sbarrier.arrive $0xFFFF;
	s2 =	simm.s32 @!p0 $0x1C02  }
0x107: {  	[timem:s3], [sflag:s2] =	dma.local @!p0 [hbm:s0], s1  }
0x108: {  	s0 =	simm.s32 @!p0 $0x2  }
0x109: {  	_ =	swait.ge @!p0 [sflag:s0], s1  }
0x10a: {  	s1 =	ssub.s32 @!p0 $0x0, s1;
	[sflag:s0] =	ssyncset.done @!p0 $0x0  }
0x10b: {  	[sflag:s0] =	ssyncadd.s32 @!p0 s1  }
0x10c: {  	[bflag:$0x3] =	sbarrier.arrive $0xFFFF  }
0x10d: {  	_ =	shalt  }

// kernel: kernel.27.cloned.1.call-start
scs
__scs_entry_jumppad:
0x0: {  	(pc) =	sbr.rel $0x88, $3  }
0x1: {  	(tag) =	ssettag $0x0;
	lr =	simm.s32 $0x1  }
0x2: {  	[smem:$0x3FA0] =	sst lr;
	_ =	strace $0xD0000000  }
0x3: {  	_ = 	snop  }
0x4: {  	_ = 	snop  }
0x5: {  	_ = 	snop  }
0x6: {  	_ = 	snop  }
0x7: {  	_ = 	snop  }
__scs_overlays_trampoline_lowered:
0x8: {  	[smem:$0x3FAF] =	sst s0  }
0x9: {  	[smem:$0x3FB0] =	sst s1  }
0xa: {  	[smem:$0x3FB1] =	sst s2  }
0xb: {  	[smem:$0x3FB2] =	sst s3  }
0xc: {  	[smem:$0x3FB3] =	sst s4  }
0xd: {  	[smem:$0x3FB4] =	sst s5  }
0xe: {  	[smem:$0x3FB5] =	sst s6  }
0xf: {  	[smem:$0x3FB6] =	sst s7  }
0x10: {  	[smem:$0x3FB7] =	sst s8  }
0x11: {  	[smem:$0x3FB8] =	sst s9;
	s0 =	simm.s32 @!p0 $0x0  }
0x12: {  	s1 =	sld [smem:$0x3F9E];
	s0 =	simm.s32 @p0 $0x1  }
0x13: {  	[smem:$0x3FB9] =	sst s0;
	s0 =	simm.s32 @!p1 $0x0  }
0x14: {  	s2 =	sld [smem:$0x3F9D];
	s0 =	simm.s32 @p1 $0x1  }
0x15: {  	[smem:$0x3FBA] =	sst s0;
	s0 =	simm.s32 @!p2 $0x0  }
0x16: {  	s3 =	sld [smem:$0x3FDB];
	s0 =	simm.s32 @p2 $0x1  }
0x17: {  	s4 =	simm.s32 $0x1BF5;
	[smem:$0x3FBC] =	sst s0  }
0x18: {  	s0 =	sld [smem:$0x3F9F];
	_ =	swait.ge [sflag:s4], $0x0  }
0x19: {  	s7 =	sld [smem:$0x3FA0]  }
0x1a: {  	s8 =	sadd.s32 $0xFFFFE003, lr  }
0x1b: {  	s9 =	sadd.s32 $0xFFFFFEF7, lr;
	s5 =	simm.s32 $0xFFFFFFFF;
	p2 =	slt.u32 s8, $0xFFFFF086  }
0x1c: {  	p1 =	slt.u32 s9, $0xF7A;
	s5 =	simm.s32 @!p2 $0x0  }
0x1d: {  	s5 =	simm.s32 @p1 $0x1;
	p0 =	seq.s32 s7, s2  }
0x1e: {  	s7 =	smul.u32 @!p0 $0xF7A, s2;
	p2 =	seq.s32 @!p0 s5, $0x0  }
0x1f: {  	s9 =	smul.u32 $0xF7A, s1;
	s8 =	simm.s32 @!p0 $0x1BF5;
	p2 =	por !p2, p0  }
0x20: {  	[sflag:s8] =	ssyncset.s32 @!p0 $0xFFFFF086;
	s6 =	sadd.s32 @!p0 s3, s7;
	s7 =	simm.s32 @!p0 $0x108  }
0x21: {  	s3 =	sadd.s32 s3, s9;
	s6 =	sadd.s32 @!p0 $0x88, s6;
	s7 =	simm.s32 @p2 $0x1082  }
0x22: {  	[simem:s7], [sflag:s8] =	dma.local @!p0 [hbm:s6], $0xF7A  }
0x23: {  	s9 =	sor.u32 $0xD0000000, s2;
	s6 =	simm.s32 $0x108;
	_ =	swait.ge @!p0 [sflag:s8], $0x0  }
0x24: {  	s3 =	sadd.s32 $0x88, s3;
	s6 =	simm.s32 @!p1 $0x1082;
	[sflag:s4] =	ssyncset.s32 $0xFFFFF086  }
0x25: {  	[simem:s6], [sflag:s4] =	dma.local [hbm:s3], $0xF7A  }
0x26: {  	[smem:$0x3FA0] =	sst s1;
	(tag) =	ssettag s2;
	_ =	strace s9  }
0x27: {  	s1 =	sld [smem:$0x3FB0]  }
0x28: {  	s2 =	sld [smem:$0x3FB1]  }
0x29: {  	s4 =	sld [smem:$0x3FB3]  }
0x2a: {  	p0 =	seq.s32 s5, $0x0;
	s5 =	sld [smem:$0x3FB4]  }
0x2b: {  	s6 =	sld [smem:$0x3FB5]  }
0x2c: {  	s7 =	sld [smem:$0x3FB6]  }
0x2d: {  	s3 =	simm.s32 $0x108;
	s8 =	sld [smem:$0x3FB7]  }
0x2e: {  	s3 =	simm.s32 @!p0 $0x1082;
	s9 =	sld [smem:$0x3FB8]  }
0x2f: {  	lr =	sadd.s32 s0, s3;
	s0 =	sld [smem:$0x3FAF]  }
0x30: {  	s3 =	sld [smem:$0x3FB2]  }
0x31: {  	[smem:$0x3FBB] =	sst s10  }
0x32: {  	s10 =	sld [smem:$0x3FB9];
	_ =	sdelay $0x3  }
0x33: {  	p0 =	seq.s32 s10, $0x1;
	s10 =	sld [smem:$0x3FBB];
	_ =	sdelay $0x3  }
0x34: {  	[smem:$0x3FBB] =	sst s10  }
0x35: {  	s10 =	sld [smem:$0x3FBA];
	_ =	sdelay $0x3  }
0x36: {  	p1 =	seq.s32 s10, $0x1;
	s10 =	sld [smem:$0x3FBB];
	_ =	sdelay $0x3  }
0x37: {  	[smem:$0x3FBB] =	sst s10  }
0x38: {  	s10 =	sld [smem:$0x3FBC]  }
0x39: {  	_ = 	snop;
	(pc) =	sbr.ind lr, $3  }
0x3a: {  	_ = 	snop  }
0x3b: {  	_ = 	snop  }
0x3c: {  	p2 =	seq.s32 s10, $0x1;
	s10 =	sld [smem:$0x3FBB]  }
0x3d: {  	_ =	shalt  }
0x3e: {  	_ =	shalt  }
0x3f: {  	_ =	shalt  }
0x40: {  	_ =	shalt  }
0x41: {  	_ =	shalt  }
0x42: {  	_ =	shalt  }
0x43: {  	_ =	shalt  }
0x44: {  	_ =	shalt  }
0x45: {  	_ =	shalt  }
0x46: {  	_ =	shalt  }
0x47: {  	_ =	shalt  }
0x48: {  	_ =	shalt  }
0x49: {  	_ =	shalt  }
0x4a: {  	_ =	shalt  }
0x4b: {  	_ =	shalt  }
0x4c: {  	_ =	shalt  }
0x4d: {  	_ =	shalt  }
0x4e: {  	_ =	shalt  }
0x4f: {  	_ =	shalt  }
0x50: {  	_ =	shalt  }
0x51: {  	_ =	shalt  }
0x52: {  	_ =	shalt  }
0x53: {  	_ =	shalt  }
0x54: {  	_ =	shalt  }
0x55: {  	_ =	shalt  }
0x56: {  	_ =	shalt  }
0x57: {  	_ =	shalt  }
0x58: {  	_ =	shalt  }
0x59: {  	_ =	shalt  }
0x5a: {  	_ =	shalt  }
0x5b: {  	_ =	shalt  }
0x5c: {  	_ =	shalt  }
0x5d: {  	_ =	shalt  }
0x5e: {  	_ =	shalt  }
0x5f: {  	_ =	shalt  }
0x60: {  	_ =	shalt  }
0x61: {  	_ =	shalt  }
0x62: {  	_ =	shalt  }
0x63: {  	_ =	shalt  }
0x64: {  	_ =	shalt  }
0x65: {  	_ =	shalt  }
0x66: {  	_ =	shalt  }
0x67: {  	_ =	shalt  }
0x68: {  	_ =	shalt  }
0x69: {  	_ =	shalt  }
0x6a: {  	_ =	shalt  }
0x6b: {  	_ =	shalt  }
0x6c: {  	_ =	shalt  }
0x6d: {  	_ =	shalt  }
0x6e: {  	_ =	shalt  }
0x6f: {  	_ =	shalt  }
0x70: {  	_ =	shalt  }
0x71: {  	_ =	shalt  }
0x72: {  	_ =	shalt  }
0x73: {  	_ =	shalt  }
0x74: {  	_ =	shalt  }
0x75: {  	_ =	shalt  }
0x76: {  	_ =	shalt  }
0x77: {  	_ =	shalt  }
0x78: {  	_ =	shalt  }
0x79: {  	_ =	shalt  }
0x7a: {  	_ =	shalt  }
0x7b: {  	_ =	shalt  }
0x7c: {  	_ =	shalt  }
0x7d: {  	_ =	shalt  }
0x7e: {  	_ =	shalt  }
0x7f: {  	_ =	shalt  }
0x80: {  	_ =	shalt  }
0x81: {  	_ =	shalt  }
0x82: {  	_ =	shalt  }
0x83: {  	_ =	shalt  }
0x84: {  	_ =	shalt  }
0x85: {  	_ =	shalt  }
0x86: {  	_ =	shalt  }
0x87: {  	_ =	shalt  }
.Lfunc_end0:
.L_simem_size_0:
called_computation.4_lowered:
.L_overlay_start_0:
0x88: {  	s2 =	sld [smem:$0x3FD9]  }
0x89: {  	s3 =	sld [smem:$0x3FFE];
	_ =	sdelay $0x1  }
0x8a: {  	s1 =	srdreg.scid  }
0x8b: {  	s0 =	sand.u32 $0x1, s1  }
0x8c: {  	s14 =	sshll.u32 s0, $0xA;
	s2 =	sadd.s32 s3, s2  }
0x8d: {  	s2 =	sadd.s32 s2, s14  }
0x8e: {  	[smem:$0x3FC7] =	sst s2  }
0x8f: {  	_ = 	snop  }
0x90: {  	s2 =	sld [smem:$0x3FD0];
	_ =	sdelay $0x2  }
0x91: {  	s15 =	simm.s32 $0xA;
	s4 =	simm.s32 $0x10  }
0x92: {  	[smem:s4], [sflag:s15] =	dma.local [hbm:s2], $0x1  }
0x93: {  	_ =	swait.eq [sflag:s15], $0x1  }
0x94: {  	[sflag:s15] =	ssyncset.done $0x0  }
0x95: {  	s16 =	sld [smem:$0x12];
	[sflag:s15] =	ssyncadd.s32 $0xFFFFFFFF  }
0x96: {  	s17 =	sld [smem:$0x13];
	(tm) =	ssettm $0x1  }
0x97: {  	s18 =	sld [smem:$0x3FFB];
	_ =	sdelay $0x3  }
0x98: {  	_ =	strace s18  }
0x99: {  	s4 =	sld [smem:$0x3FFC];
	_ =	sdelay $0x3  }
0x9a: {  	_ =	strace s4  }
0x9b: {  	s4 =	sld [smem:$0x3FFD];
	_ =	sdelay $0x3  }
0x9c: {  	_ =	strace s4  }
0x9d: {  	_ =	strace $0x8FFFFFFF  }
0x9e: {  	s19 =	sld [smem:$0x3FDB];
	_ =	sdelay $0x1  }
0x9f: {  	s5 =	simm.s32 $_scs_section_size  }
0xa0: {  	s6 =	simm.s32 $_size__tile_overlayer_lowered;
	s7 =	simm.s32 $_tile_overlayer_lowered  }
0xa1: {  	s22 =	simm.s32 $0x1BFF;
	s21 =	sshll.u32 s7, $0x1;
	s4 =	sadd.s32 s5, s19  }
0xa2: {  	s8 =	simm.s32 $0x0;
	s20 =	sshll.u32 s6, $0x1;
	s6 =	sadd.s32 s21, s4  }
0xa3: {  	[timem:s8], [sflag:s22] =	dma.local [hbm:s6], s20  }
0xa4: {  	_ =	swait.ge [sflag:s22], s20  }
0xa5: {  	s5 =	ssub.s32 $0x0, s20;
	[sflag:s22] =	ssyncset.done $0x0  }
0xa6: {  	[sflag:s22] =	ssyncadd.s32 s5;
	_ =	sdelay $0x1  }
0xa7: {  	s23 =	simm.s32 $0x1B8B  }
0xa8: {  	_ =	swait.ge [sflag:s23], $0x1  }
0xa9: {  	[sflag:s23] =	ssyncset.done $0x0  }
0xaa: {  	s25 =	simm.s32 $0x1B8E;
	s24 =	sld [smem:$0x3FFE];
	[sflag:s23] =	ssyncadd.s32 $0xFFFFFFFF  }
0xab: {  	s26 =	simm.s32 $execute0_lowered;
	[smem:$0x3FD2] =	sst s25  }
0xac: {  	s6 =	sshll.u32 s26, $0x1;
	_ =	strace $0x80000052;
	[dreg:$0x1] =	wrdreg $0xFFFFFFFF  }
0xad: {  	s28 =	simm.s32 $_size_execute0_lowered;
	s4 =	sadd.s32 s4, s6;
	[dreg:$0x0] =	wrdreg $0x0  }
0xae: {  	s6 =	sshll.u32 s28, $0x1;
	[dreg:$0x2] =	wrdreg s4  }
0xaf: {  	[dreg:$0x3] =	wrdreg s6  }
0xb0: {  	[dreg:$0x4] =	wrdreg $0xC0  }
0xb1: {  	_ =	task [dreg:s8], $0x5FFFF  }
0xb2: {  	[dreg:$0x1] =	wrdreg $0xFFFFFFFF  }
0xb3: {  	[dreg:$0x0] =	wrdreg $0x60  }
0xb4: {  	[dreg:$0x2] =	wrdreg s24  }
0xb5: {  	[dreg:$0x3] =	wrdreg s17  }
0xb6: {  	[dreg:$0x4] =	wrdreg s16  }
0xb7: {  	[dreg:$0x5] =	wrdreg $0x9  }
0xb8: {  	_ =	task.clear_ibuf [dreg:s8], $0x6FFFF;
	_ =	strace $0x90000052  }
0xb9: {  	s29 =	simm.s32 $0x9;
	_ =	strace $0x80000054  }
0xba: {  	_ =	swait.ge [sflag:s29], $0x1  }
0xbb: {  	[sflag:s29] =	ssyncadd.s32 $0xFFFFFFFF  }
0xbc: {  	_ =	strace $0x90000054  }
0xbd: {  	_ =	sfence  }
0xbe: {  	s30 =	sld [smem:$0x0];
	_ =	sdelay $0x2  }
0xbf: {  	s31 =	sshll.u32 s1, $0xD;
	s1 =	sshrl.u32 s1, $0x2  }
0xc0: {  	s3 =	sand.u32 $0x4000, s31;
	s1 =	sadd.s32 s1, s30  }
0xc1: {  	s0 =	sor.u32 s3, s0;
	s1 =	sshll.u32 s1, $0x11  }
0xc2: {  	s0 =	sor.u32 s1, s0  }
0xc3: {  	s0 =	sadd.s32 $0x8F2B, s0  }
0xc4: {  	[sflag:s0] =	ssyncadd.remote.s32 $0x1  }
0xc5: {  	_ =	sfence.sel $0xFFFF  }
0xc6: {  	[dreg:$0x0] =	wrdreg $0xFFFFFFFF;
	(pc) =	sbr.abs _section_cstart, $3  }
0xc7: {  	[dreg:$0x1] =	wrdreg $0xFFFFFFFF  }
0xc8: {  	_ =	task.clear_ibuf [dreg:s8], $0x2FFFF;
	_ =	strace $0x9FFFFFFF  }
0xc9: {  	(tm) =	ssettm $0x7FFFFFFF  }
tec
execute0_lowered:
.L_overlay_start_1:
0x0: {  	(tag) =	ssettag $0x1  }
0x1: {  	s5 =	rddreg [dreg:$0x0]  }
0x2: {  	s1 =	srdreg.scid;
	s3 =	rddreg [dreg:$0x1]  }
0x3: {  	s0 =	stileid.u32;
	s8 =	rddreg [dreg:$0x2];
	s6 =	sand.u32 $0x1, s1  }
0x4: {  	s2 =	simm.s32 $0x0;
	s4 =	sshll.u32 s0, $0x5;
	s7 =	sshll.u32 s6, $0x4  }
0x5: {  	[smem:$0x7FF] =	sst s2;
	s9 =	sor.u32 s7, s4  }
0x6: {  	s1 =	rddreg [dreg:$0x3];
	_ =	strace $0x80000053;
	s4 =	sshrl.u32 s9, $0x3  }
0x7: {  	s10 =	ssub.s32 $0x2, s6;
	s4 =	sadd.s32 s3, s4;
	s3 =	simm.s32 $0x2  }
0x8: {  	[tilespmem:s2], [sflag:$0x2] =	stream.linear.gather [hbm4b:s4+s2], $0x10, $0x38;
	[tilespmem:$0x410] =	vst v63  }
0x9: {  	s5 =	sadd.s32 $0x100000, s5;
	s11 =	sshrl.u32 s10, $0x1;
	_ =	swait.ge [sflag:s3], $0x10  }
0xa: {  	s6 =	simm.s32 $0x10;
	s10 =	ssub.s32 s10, s11;
	[sflag:s3] =	ssyncset.done $0x0  }
0xb: {  	s7 =	simm.s32 $0x1;
	s31 =	smax.u32 s10, $0x1;
	[sflag:s3] =	ssyncadd.s32 $0xFFFFFFF0  }
0xc: {  	[tilespmem:s6], [sflag:$0x1] =	stream.indirect.gather [hbm4b:s5+s6], $0x40, s2, s6, $0xb8;
	[tilespmem:$0x410] =	vst v63  }
0xd: {  	p0 =	sne.s32 s31, $0x1;
	_ =	swait.ge [sflag:s7], $0x400  }
.Ltmp0:
0xe: {  	s9 =	sshll.u32 s9, $0x3;
	[sflag:s7] =	ssyncset.done $0x0;
	(pc) =	sbr.rel @!p0 .LBB2_2-.Ltmp0, $4  }
0xf: {  	s8 =	sadd.s32 s8, s9;
	[sflag:s7] =	ssyncadd.s32 $0xFFFFFC00  }
0x10: {  	[hbm4b:s8+s2] =	stream.linear.scatter [tilespmem:s6], [sflag:$0x2], $0x400, $0x38;
	[tilespmem:$0x410] =	vst v63  }
0x11: {  	_ =	swait.ge [sflag:s3], $0x400  }
0x12: {  	s9 =	sadd.s32 $0xFFFFFFFF, s31;
	[sflag:s3] =	ssyncset.done $0x0  }
.LBB2_1:
0x13: {  	p0 =	sne.s32 s9, $0x1;
	s9 =	sadd.s32 $0xFFFFFFFF, s9;
	[sflag:s3] =	ssyncadd.s32 $0xFFFFFC00  }
0x14: {  	[tilespmem:s2], [sflag:$0x2] =	stream.linear.gather [hbm4b:s4+s2], $0x10, $0x38;
	[tilespmem:$0x410] =	vst v63  }
0x15: {  	_ =	swait.ge [sflag:s3], $0x10  }
0x16: {  	[sflag:s3] =	ssyncset.done $0x0  }
0x17: {  	[sflag:s3] =	ssyncadd.s32 $0xFFFFFFF0  }
0x18: {  	[tilespmem:s6], [sflag:$0x1] =	stream.indirect.gather [hbm4b:s5+s6], $0x40, s2, s6, $0xb8;
	[tilespmem:$0x410] =	vst v63  }
0x19: {  	_ =	swait.ge [sflag:s7], $0x400  }
.Ltmp1:
0x1a: {  	[sflag:s7] =	ssyncset.done $0x0;
	(pc) =	sbr.rel @p0 .LBB2_1-.Ltmp1, $4  }
0x1b: {  	[sflag:s7] =	ssyncadd.s32 $0xFFFFFC00  }
0x1c: {  	[hbm4b:s8+s2] =	stream.linear.scatter [tilespmem:s6], [sflag:$0x2], $0x400, $0x38;
	[tilespmem:$0x410] =	vst v63  }
0x1d: {  	_ =	swait.ge [sflag:s3], $0x400  }
0x1e: {  	[sflag:s3] =	ssyncset.done $0x0  }
.LBB2_2:
0x1f: {  	[sflag:s3] =	ssyncadd.s32 $0xFFFFFC00  }
0x20: {  	_ =	sfence.sel $0x180000  }
0x21: {  	[bflag:$0x0] =	sbarrier.arrive $0xFFFF  }
0x22: {  	p0 =	sne.s32 s0, $0x0;
	_ =	strace $0x90000053  }
0x23: {  	s0 =	sadd.s32 @!p0 $0x100000, s1;
	[bflag:$0x2] =	sbarrier.arrive $0xFFFF  }
0x24: {  	[sflag:s0] =	ssyncadd.tile.s32 @!p0 $0x1;
	_ =	shalt  }
.Lfunc_end2:
_tile_overlayer_lowered:
.L_overlay_start_2:
0x25: {  	(tag) =	ssettag $0x2  }
0x26: {  	s0 =	rddreg [dreg:$0x0];
	s2 =	stileid.u32  }
0x27: {  	s1 =	rddreg [dreg:$0x1];
	p0 =	sne.s32 s2, $0x0  }
0x28: {  	s3 =	rddreg [dreg:$0x2];
	[bflag:$0x3] =	sbarrier.arrive $0xFFFF;
	s2 =	simm.s32 @!p0 $0x1C02  }
0x29: {  	[timem:s3], [sflag:s2] =	dma.local @!p0 [hbm:s0], s1  }
0x2a: {  	s0 =	simm.s32 @!p0 $0x2  }
0x2b: {  	_ =	swait.ge @!p0 [sflag:s0], s1  }
0x2c: {  	s1 =	ssub.s32 @!p0 $0x0, s1;
	[sflag:s0] =	ssyncset.done @!p0 $0x0  }
0x2d: {  	[sflag:s0] =	ssyncadd.s32 @!p0 s1  }
0x2e: {  	[bflag:$0x3] =	sbarrier.arrive $0xFFFF  }
0x2f: {  	_ =	shalt  }

</sc_bundles>
